<compile_context>
chip_gen: v7x
topology: tpu7x:2x2x1
jax: 0.10.2.dev20260603
libtpu: 0.0.44.dev20260713+nightly
codegen_flags: <defaults>
</compile_context>

<pallas_src>
import functools

import jax
import jax.numpy as jnp
from jax import lax
from jax.experimental import pallas as pl
from jax.experimental.pallas import tpu as pltpu
from jax.experimental.pallas import tpu_sc as plsc

_N = 10000
_E = 160000
_D = 256
_D2 = 512
_C = 128
_CHUNK = 128
_NCH = _E // _CHUNK
_NS = 16
_ROWS_A = 632
_ROWS_B = _N - 15 * _ROWS_A


def _sc_mesh():
    return plsc.VectorSubcoreMesh(core_axis_name="c", subcore_axis_name="s")


def _for_tile_rows(s, fn):

    @pl.when(s < 15)
    def _():
        fn(pl.multiple_of(s * _ROWS_A, 8), _ROWS_A)

    @pl.when(s == 15)
    def _():
        fn(15 * _ROWS_A, _ROWS_B)


def _deg_call(dst, ones128, zeros):
    @functools.partial(
        pl.kernel,
        mesh=_sc_mesh(),
        out_type=jax.ShapeDtypeStruct((2, _N, _C), jnp.float32),
        scratch_types=[
            pltpu.VMEM((1, _CHUNK), jnp.int32),
            pltpu.VMEM((_CHUNK, _C), jnp.float32),
            pltpu.VMEM_SHARED((_N, _C), jnp.float32),
        ],
    )
    def deg_k(dst_hbm, ones_hbm, zeros_hbm, out_hbm, dstb, ones_v, deg_sh):
        c = lax.axis_index("c")
        s = lax.axis_index("s")
        wid = s * 2 + c

        def init(off, rows):
            pltpu.sync_copy(zeros_hbm.at[pl.ds(off, rows), :],
                            deg_sh.at[pl.ds(off, rows), :])

        _for_tile_rows(s, init)
        pltpu.sync_copy(ones_hbm, ones_v)
        plsc.subcore_barrier()

        def body(j, carry):
            g = j * 32 + wid

            @pl.when(g < _NCH)
            def _():
                pltpu.sync_copy(dst_hbm.at[pl.ds(g * _CHUNK, _CHUNK)],
                                dstb.at[0])
                pltpu.sync_copy(ones_v, deg_sh.at[dstb.at[0]], add=True)

            return carry

        lax.fori_loop(0, (_NCH + 31) // 32, body, 0)
        plsc.subcore_barrier()

        def writeout(off, rows):
            pltpu.sync_copy(deg_sh.at[pl.ds(off, rows), :],
                            out_hbm.at[c, pl.ds(off, rows), :])

        _for_tile_rows(s, writeout)

    return deg_k(dst, ones128, zeros)


def _agg_call(hs_blocked, src, dst, zeros, K):
    @functools.partial(
        pl.kernel,
        mesh=_sc_mesh(),
        out_type=jax.ShapeDtypeStruct((K, _N, _C), jnp.float32),
        scratch_types=[
            pltpu.VMEM((2, _CHUNK), jnp.int32),
            pltpu.VMEM((2, _CHUNK), jnp.int32),
            pltpu.VMEM((2, _CHUNK, _C), jnp.float32),
            pltpu.VMEM_SHARED((_N, _C), jnp.float32),
            pltpu.SemaphoreType.DMA,
            pltpu.SemaphoreType.DMA,
        ],
    )
    def agg_k(hs_hbm, src_hbm, dst_hbm, zeros_hbm, out_hbm,
              srcb, dstb, rows, agg_sh, sem0, sem1):
        c = lax.axis_index("c")
        s = lax.axis_index("s")
        nj = (_NCH + _NS - 1) // _NS
        for k in range(K):
            @pl.when(c == (k % 2))
            def _(k=k):
                sems = (sem0, sem1)

                def init(off, rows_n):
                    pltpu.sync_copy(zeros_hbm.at[pl.ds(off, rows_n), :],
                                    agg_sh.at[pl.ds(off, rows_n), :])

                _for_tile_rows(s, init)
                plsc.subcore_barrier()

                def load_and_gather(j, b):
                    g = j * _NS + s

                    @pl.when(g < _NCH)
                    def _():
                        pltpu.sync_copy(src_hbm.at[pl.ds(g * _CHUNK, _CHUNK)],
                                        srcb.at[b])
                        pltpu.sync_copy(dst_hbm.at[pl.ds(g * _CHUNK, _CHUNK)],
                                        dstb.at[b])
                        pltpu.async_copy(hs_hbm.at[k].at[srcb.at[b]],
                                         rows.at[b], sems[b])

                def drain_and_scatter(j, b):
                    g = j * _NS + s

                    @pl.when(g < _NCH)
                    def _():
                        pltpu.make_async_copy(hs_hbm.at[k].at[srcb.at[b]],
                                              rows.at[b], sems[b]).wait()
                        pltpu.sync_copy(rows.at[b], agg_sh.at[dstb.at[b]],
                                        add=True)

                load_and_gather(0, 0)

                def body(j, carry):
                    load_and_gather(2 * j + 1, 1)
                    drain_and_scatter(2 * j, 0)
                    load_and_gather(2 * j + 2, 0)
                    drain_and_scatter(2 * j + 1, 1)
                    return carry

                lax.fori_loop(0, nj // 2, body, 0)
                if nj % 2:
                    drain_and_scatter(nj - 1, 0)
                plsc.subcore_barrier()

                def writeout(off, rows_n):
                    pltpu.sync_copy(agg_sh.at[pl.ds(off, rows_n), :],
                                    out_hbm.at[k, pl.ds(off, rows_n), :])

                _for_tile_rows(s, writeout)

    return agg_k(hs_blocked, src, dst, zeros)


def _mm_scale_call(xb, w_r, degp, K_in, C_in, KO, R=1000):
    nt = _N // R

    def body(x_ref, w_ref, degp_ref, o_ref):
        acc = jnp.dot(x_ref[0], w_ref[0], preferred_element_type=jnp.float32)
        for k in range(1, K_in):
            acc = acc + jnp.dot(x_ref[k], w_ref[k],
                                preferred_element_type=jnp.float32)
        deg = degp_ref[0, :, 0:1] + degp_ref[1, :, 0:1] + 1.0
        o_ref[0] = acc * lax.rsqrt(deg)

    return pl.pallas_call(
        body,
        grid=(nt, KO),
        in_specs=[
            pl.BlockSpec((K_in, R, C_in), lambda i, j: (0, i, 0)),
            pl.BlockSpec((K_in, C_in, _C), lambda i, j: (0, 0, j)),
            pl.BlockSpec((2, R, _C), lambda i, j: (0, i, 0)),
        ],
        out_specs=pl.BlockSpec((1, R, _C), lambda i, j: (j, i, 0)),
        out_shape=jax.ShapeDtypeStruct((KO, _N, _C), jnp.float32),
    )(xb, w_r, degp)


def _combine_call(agg, hs, degp, b, g, beta, K, blocked_out, R=1000):
    nt = _N // R

    def body(agg_ref, hs_ref, degp_ref, b_ref, g_ref, beta_ref, o_ref):
        deg = degp_ref[0, :, 0:1] + degp_ref[1, :, 0:1] + 1.0
        dis = lax.rsqrt(deg)
        t = (agg_ref[...] + hs_ref[...]) * dis[None] + b_ref[...]
        t = jnp.maximum(t, 0.0)
        mu = jnp.mean(t, axis=(0, 2), keepdims=True)
        d = t - mu
        var = jnp.mean(d * d, axis=(0, 2), keepdims=True)
        t = d * lax.rsqrt(var + 1e-5) * g_ref[...] + beta_ref[...]
        if blocked_out:
            o_ref[...] = t
        else:
            o_ref[...] = jnp.concatenate([t[k] for k in range(K)], axis=-1)

    blk = pl.BlockSpec((K, R, _C), lambda i: (0, i, 0))
    vec = pl.BlockSpec((K, 1, _C), lambda i: (0, 0, 0))
    if blocked_out:
        out_spec = pl.BlockSpec((K, R, _C), lambda i: (0, i, 0))
        out_shape = jax.ShapeDtypeStruct((K, _N, _C), jnp.float32)
    else:
        out_spec = pl.BlockSpec((R, K * _C), lambda i: (i, 0))
        out_shape = jax.ShapeDtypeStruct((_N, K * _C), jnp.float32)
    return pl.pallas_call(
        body,
        grid=(nt,),
        in_specs=[blk, blk, pl.BlockSpec((2, R, _C), lambda i: (0, i, 0)),
                  vec, vec, vec],
        out_specs=out_spec,
        out_shape=out_shape,
    )(agg, hs, degp, b, g, beta)


def kernel(x, edge_index, W1, b1, g1, beta1, W2, b2, g2, beta2):
    src = edge_index[0]
    dst = edge_index[1]
    zeros = jnp.zeros((_N, _C), jnp.float32)
    ones128 = jnp.ones((_CHUNK, _C), jnp.float32)

    degp = _deg_call(dst, ones128, zeros)

    hs1 = _mm_scale_call(x.reshape(1, _N, _D), W1.reshape(1, _D, _D2), degp,
                         K_in=1, C_in=_D, KO=_D2 // _C)
    agg1 = _agg_call(hs1, src, dst, zeros, K=_D2 // _C)
    y1 = _combine_call(agg1, hs1, degp,
                       b1.reshape(_D2 // _C, 1, _C),
                       g1.reshape(_D2 // _C, 1, _C),
                       beta1.reshape(_D2 // _C, 1, _C),
                       K=_D2 // _C, blocked_out=True)

    hs2 = _mm_scale_call(y1, W2.reshape(_D2 // _C, _C, _D), degp,
                         K_in=_D2 // _C, C_in=_C, KO=_D // _C)
    agg2 = _agg_call(hs2, src, dst, zeros, K=_D // _C)
    out = _combine_call(agg2, hs2, degp,
                        b2.reshape(_D // _C, 1, _C),
                        g2.reshape(_D // _C, 1, _C),
                        beta2.reshape(_D // _C, 1, _C),
                        K=_D // _C, blocked_out=False)
    return out

# --- scband reference (transcript-rebuilt; emitter-appended) ---
"""Pipeline reference for scband-gnnlayer-65867618451712 (READ-ONLY COPY).

The authoritative reference and input builder live on the scoring server;
editing this copy changes nothing except your own understanding.
"""

import jax, jax.numpy as jnp
import numpy as np

N = 10000
E = 160000
D = 256
D2 = 512


def layer_norm(x, g, b, eps=1e-5):
    mu = jnp.mean(x, axis=-1, keepdims=True)
    var = jnp.var(x, axis=-1, keepdims=True)
    return (x - mu) / jnp.sqrt(var + eps) * g + b


def gcn_conv(x, edge_index, W, b, num_nodes):
    # PyG-style GCNConv: add self-loops, symmetric degree normalization, scatter-add aggregation
    loop = jnp.arange(num_nodes, dtype=edge_index.dtype)
    src = jnp.concatenate([edge_index[0], loop])
    dst = jnp.concatenate([edge_index[1], loop])
    h = x @ W
    deg = jnp.zeros((num_nodes,), dtype=h.dtype).at[dst].add(1.0)
    dis = jnp.where(deg > 0, deg ** -0.5, 0.0)
    norm = dis[src] * dis[dst]
    msg = h[src] * norm[:, None]
    out = jnp.zeros((num_nodes, h.shape[1]), dtype=h.dtype).at[dst].add(msg)
    return out + b


def setup_inputs(seed: int = 0):
    key = jax.random.key(seed)
    ks = jax.random.split(key, 10)
    x = jax.random.normal(ks[0], (N, D), dtype=jnp.float32)
    edge_index = jax.random.randint(ks[1], (2, E), 0, N, dtype=jnp.int32)
    W1 = jax.random.normal(ks[2], (D, D2), dtype=jnp.float32) * (1.0 / np.sqrt(D))
    b1 = jnp.zeros((D2,), dtype=jnp.float32)
    g1 = jnp.ones((D2,), dtype=jnp.float32)
    beta1 = jnp.zeros((D2,), dtype=jnp.float32)
    W2 = jax.random.normal(ks[3], (D2, D), dtype=jnp.float32) * (1.0 / np.sqrt(D2))
    b2 = jnp.zeros((D,), dtype=jnp.float32)
    g2 = jnp.ones((D,), dtype=jnp.float32)
    beta2 = jnp.zeros((D,), dtype=jnp.float32)
    return {"x": x, "edge_index": edge_index, "W1": W1, "b1": b1, "g1": g1, "beta1": beta1, "W2": W2, "b2": b2, "g2": g2, "beta2": beta2}


def reference(x, edge_index, W1, b1, g1, beta1, W2, b2, g2, beta2):
    # dropout is identity in eval mode
    h = gcn_conv(x, edge_index, W1, b1, N)
    h = jax.nn.relu(h)
    h = layer_norm(h, g1, beta1)
    h = gcn_conv(h, edge_index, W2, b2, N)
    h = jax.nn.relu(h)
    h = layer_norm(h, g2, beta2)
    return h

if __name__ == "__main__":
    import jax
    _d = setup_inputs()
    print(jax.jit(kernel)(*tuple(_d.values())))

</pallas_src>

<mosaic_0001>
#map = affine_map<(d0, d1) -> (0, 0, 0)>
#map1 = affine_map<(d0, d1) -> (0)>
#map2 = affine_map<(d0, d1) -> (0, 0)>
module attributes {stable_mosaic.version = 14 : i64} {
  func.func @agg_k(%arg0: i32, %arg1: i32, %arg2: memref<2x10000x128xf32, #tpu.memory_space<hbm>>, %arg3: memref<160000xi32, #tpu.memory_space<hbm>>, %arg4: memref<160000xi32, #tpu.memory_space<hbm>>, %arg5: memref<10000x128xf32, #tpu.memory_space<hbm>>, %arg6: memref<2x10000x128xf32, #tpu.memory_space<hbm>>, %arg7: memref<2x128xi32, #tpu.memory_space<vmem>>, %arg8: memref<2x128xi32, #tpu.memory_space<vmem>>, %arg9: memref<2x128x128xf32, #tpu.memory_space<vmem>>, %arg10: memref<10000x128xf32, #tpu.memory_space<vmem_shared>>, %arg11: memref<!tpu.dma_semaphore, #tpu.memory_space<semaphore_mem>>, %arg12: memref<!tpu.dma_semaphore, #tpu.memory_space<semaphore_mem>>) attributes {dimension_semantics = [#tpu.dimension_semantics<core_parallel>, #tpu.dimension_semantics<subcore_parallel>], iteration_bounds = array<i64: 2, 16>, scalar_prefetch = 0 : i64, scratch_operands = 6 : i64, tpu.core_type = #tpu.core_type<sc_vector_subcore>, window_params = [{transform_indices = #map}, {transform_indices = #map1}, {transform_indices = #map1}, {transform_indices = #map2}, {transform_indices = #map}]} {
    %eq3A = arith.constant 0 : i32
    %eq3A_0 = arith.cmpi eq, %arg0, %eq3A : i32
    %convert_element_type3A = arith.extui %eq3A_0 : i1 to i32
    %cond3A = arith.constant 0 : i32
    %cond3A_1 = arith.cmpi ne, %convert_element_type3A, %cond3A : i32
    scf.if %cond3A_1 {
      %lt3A = arith.constant 15 : i32
      %lt3A_7 = arith.cmpi slt, %arg1, %lt3A : i32
      %convert_element_type3A_8 = arith.extui %lt3A_7 : i1 to i32
      %cond3A_9 = arith.constant 0 : i32
      %cond3A_10 = arith.cmpi ne, %convert_element_type3A_8, %cond3A_9 : i32
      scf.if %cond3A_10 {
        %mul3A = arith.constant 632 : i32
        %mul3A_45 = arith.muli %arg1, %mul3A : i32
        %multiple_of3A = tpu.assume_multiple %mul3A_45, 8 : i32
        "tpu.region"() ({
          %run_scoped3A = tpu.sem_alloc : memref<!tpu.dma_semaphore, #tpu.memory_space<semaphore_mem>>
          %dma_start3A = arith.constant 0 : i32
          %dma_start3A_46 = tpu.memref_slice %arg10[%multiple_of3A, %dma_start3A] : memref<10000x128xf32, #tpu.memory_space<vmem_shared>> -> memref<632x128xf32, #tpu.memory_space<vmem_shared>>
          %dma_start3A_47 = arith.constant 0 : i32
          %dma_start3A_48 = tpu.memref_slice %arg5[%multiple_of3A, %dma_start3A_47] : memref<10000x128xf32, #tpu.memory_space<hbm>> -> memref<632x128xf32, #tpu.memory_space<hbm>>
          tpu.enqueue_dma source(%dma_start3A_48 : memref<632x128xf32, #tpu.memory_space<hbm>>) target(%dma_start3A_46 : memref<632x128xf32, #tpu.memory_space<vmem_shared>>) target_semaphore(%run_scoped3A : memref<!tpu.dma_semaphore, #tpu.memory_space<semaphore_mem>>)
          %dma_wait3A = arith.constant 0 : i32
          %dma_wait3A_49 = tpu.memref_slice %arg10[%multiple_of3A, %dma_wait3A] : memref<10000x128xf32, #tpu.memory_space<vmem_shared>> -> memref<632x128xf32, #tpu.memory_space<vmem_shared>>
          %dma_wait3A_50 = arith.constant 0 : i32
          %dma_wait3A_51 = tpu.memref_slice %arg5[%multiple_of3A, %dma_wait3A_50] : memref<10000x128xf32, #tpu.memory_space<hbm>> -> memref<632x128xf32, #tpu.memory_space<hbm>>
          tpu.wait_dma2 semaphore(%run_scoped3A : memref<!tpu.dma_semaphore, #tpu.memory_space<semaphore_mem>>) src(%dma_wait3A_51 : memref<632x128xf32, #tpu.memory_space<hbm>>) dst(%dma_wait3A_49 : memref<632x128xf32, #tpu.memory_space<vmem_shared>>)
          tpu.yield
        }) : () -> ()
      } else {
      }
      %eq3A_11 = arith.constant 15 : i32
      %eq3A_12 = arith.cmpi eq, %arg1, %eq3A_11 : i32
      %convert_element_type3A_13 = arith.extui %eq3A_12 : i1 to i32
      %cond3A_14 = arith.constant 0 : i32
      %cond3A_15 = arith.cmpi ne, %convert_element_type3A_13, %cond3A_14 : i32
      scf.if %cond3A_15 {
        "tpu.region"() ({
          %run_scoped3A = tpu.sem_alloc : memref<!tpu.dma_semaphore, #tpu.memory_space<semaphore_mem>>
          %dma_start3A = arith.constant 9480 : i32
          %dma_start3A_45 = arith.constant 0 : i32
          %dma_start3A_46 = tpu.memref_slice %arg10[%dma_start3A, %dma_start3A_45] : memref<10000x128xf32, #tpu.memory_space<vmem_shared>> -> memref<520x128xf32, #tpu.memory_space<vmem_shared>>
          %dma_start3A_47 = arith.constant 9480 : i32
          %dma_start3A_48 = arith.constant 0 : i32
          %dma_start3A_49 = tpu.memref_slice %arg5[%dma_start3A_47, %dma_start3A_48] : memref<10000x128xf32, #tpu.memory_space<hbm>> -> memref<520x128xf32, #tpu.memory_space<hbm>>
          tpu.enqueue_dma source(%dma_start3A_49 : memref<520x128xf32, #tpu.memory_space<hbm>>) target(%dma_start3A_46 : memref<520x128xf32, #tpu.memory_space<vmem_shared>>) target_semaphore(%run_scoped3A : memref<!tpu.dma_semaphore, #tpu.memory_space<semaphore_mem>>)
          %dma_wait3A = arith.constant 9480 : i32
          %dma_wait3A_50 = arith.constant 0 : i32
          %dma_wait3A_51 = tpu.memref_slice %arg10[%dma_wait3A, %dma_wait3A_50] : memref<10000x128xf32, #tpu.memory_space<vmem_shared>> -> memref<520x128xf32, #tpu.memory_space<vmem_shared>>
          %dma_wait3A_52 = arith.constant 9480 : i32
          %dma_wait3A_53 = arith.constant 0 : i32
          %dma_wait3A_54 = tpu.memref_slice %arg5[%dma_wait3A_52, %dma_wait3A_53] : memref<10000x128xf32, #tpu.memory_space<hbm>> -> memref<520x128xf32, #tpu.memory_space<hbm>>
          tpu.wait_dma2 semaphore(%run_scoped3A : memref<!tpu.dma_semaphore, #tpu.memory_space<semaphore_mem>>) src(%dma_wait3A_54 : memref<520x128xf32, #tpu.memory_space<hbm>>) dst(%dma_wait3A_51 : memref<520x128xf32, #tpu.memory_space<vmem_shared>>)
          tpu.yield
        }) : () -> ()
      } else {
      }
      %barrier3A = arith.constant 0 : index
      tpu.barrier barrier_id(%barrier3A)
      %add3A = arith.constant 0 : i32
      %add3A_16 = arith.addi %add3A, %arg1 : i32
      %lt3A_17 = arith.constant 1250 : i32
      %lt3A_18 = arith.cmpi slt, %add3A_16, %lt3A_17 : i32
      %convert_element_type3A_19 = arith.extui %lt3A_18 : i1 to i32
      %cond3A_20 = arith.constant 0 : i32
      %cond3A_21 = arith.cmpi ne, %convert_element_type3A_19, %cond3A_20 : i32
      scf.if %cond3A_21 {
        %mul3A = arith.constant 128 : i32
        %mul3A_45 = arith.muli %add3A_16, %mul3A : i32
        %run_scoped3A = arith.constant 0 : i32
        "tpu.region"() ({
          %run_scoped3A_65 = tpu.sem_alloc : memref<!tpu.dma_semaphore, #tpu.memory_space<semaphore_mem>>
          %dma_start3A_66 = arith.constant 0 : i32
          %dma_start3A_67 = tpu.memref_slice %arg7[%run_scoped3A, %dma_start3A_66] : memref<2x128xi32, #tpu.memory_space<vmem>> -> memref<1x128xi32, #tpu.memory_space<vmem>>
          %dma_start3A_68 = tpu.memref_squeeze %dma_start3A_67 : memref<1x128xi32, #tpu.memory_space<vmem>> -> memref<128xi32, #tpu.memory_space<vmem>>
          %dma_start3A_69 = tpu.memref_slice %arg3[%mul3A_45] : memref<160000xi32, #tpu.memory_space<hbm>> -> memref<128xi32, #tpu.memory_space<hbm>>
          %dma_start3A_70 = arith.constant 0 : i32
          %dma_start3A_71 = tpu.memref_slice %arg7[%run_scoped3A, %dma_start3A_70] : memref<2x128xi32, #tpu.memory_space<vmem>> -> memref<1x128xi32, #tpu.memory_space<vmem>>
          %dma_start3A_72 = tpu.memref_squeeze %dma_start3A_71 : memref<1x128xi32, #tpu.memory_space<vmem>> -> memref<128xi32, #tpu.memory_space<vmem>>
          %dma_start3A_73 = tpu.memref_slice %arg3[%mul3A_45] : memref<160000xi32, #tpu.memory_space<hbm>> -> memref<128xi32, #tpu.memory_space<hbm>>
          tpu.enqueue_dma source(%dma_start3A_73 : memref<128xi32, #tpu.memory_space<hbm>>) target(%dma_start3A_72 : memref<128xi32, #tpu.memory_space<vmem>>) target_semaphore(%run_scoped3A_65 : memref<!tpu.dma_semaphore, #tpu.memory_space<semaphore_mem>>)
          %dma_wait3A = arith.constant 0 : i32
          %dma_wait3A_74 = tpu.memref_slice %arg7[%run_scoped3A, %dma_wait3A] : memref<2x128xi32, #tpu.memory_space<vmem>> -> memref<1x128xi32, #tpu.memory_space<vmem>>
          %dma_wait3A_75 = tpu.memref_squeeze %dma_wait3A_74 : memref<1x128xi32, #tpu.memory_space<vmem>> -> memref<128xi32, #tpu.memory_space<vmem>>
          %dma_wait3A_76 = tpu.memref_slice %arg3[%mul3A_45] : memref<160000xi32, #tpu.memory_space<hbm>> -> memref<128xi32, #tpu.memory_space<hbm>>
          %dma_wait3A_77 = arith.constant 0 : i32
          %dma_wait3A_78 = tpu.memref_slice %arg7[%run_scoped3A, %dma_wait3A_77] : memref<2x128xi32, #tpu.memory_space<vmem>> -> memref<1x128xi32, #tpu.memory_space<vmem>>
          %dma_wait3A_79 = tpu.memref_squeeze %dma_wait3A_78 : memref<1x128xi32, #tpu.memory_space<vmem>> -> memref<128xi32, #tpu.memory_space<vmem>>
          %dma_wait3A_80 = tpu.memref_slice %arg3[%mul3A_45] : memref<160000xi32, #tpu.memory_space<hbm>> -> memref<128xi32, #tpu.memory_space<hbm>>
          tpu.wait_dma2 semaphore(%run_scoped3A_65 : memref<!tpu.dma_semaphore, #tpu.memory_space<semaphore_mem>>) src(%dma_wait3A_80 : memref<128xi32, #tpu.memory_space<hbm>>) dst(%dma_wait3A_79 : memref<128xi32, #tpu.memory_space<vmem>>)
          tpu.yield
        }) : () -> ()
        %mul3A_46 = arith.constant 128 : i32
        %mul3A_47 = arith.muli %add3A_16, %mul3A_46 : i32
        %run_scoped3A_48 = arith.constant 0 : i32
        "tpu.region"() ({
          %run_scoped3A_65 = tpu.sem_alloc : memref<!tpu.dma_semaphore, #tpu.memory_space<semaphore_mem>>
          %dma_start3A_66 = arith.constant 0 : i32
          %dma_start3A_67 = tpu.memref_slice %arg8[%run_scoped3A_48, %dma_start3A_66] : memref<2x128xi32, #tpu.memory_space<vmem>> -> memref<1x128xi32, #tpu.memory_space<vmem>>
          %dma_start3A_68 = tpu.memref_squeeze %dma_start3A_67 : memref<1x128xi32, #tpu.memory_space<vmem>> -> memref<128xi32, #tpu.memory_space<vmem>>
          %dma_start3A_69 = tpu.memref_slice %arg4[%mul3A_47] : memref<160000xi32, #tpu.memory_space<hbm>> -> memref<128xi32, #tpu.memory_space<hbm>>
          %dma_start3A_70 = arith.constant 0 : i32
          %dma_start3A_71 = tpu.memref_slice %arg8[%run_scoped3A_48, %dma_start3A_70] : memref<2x128xi32, #tpu.memory_space<vmem>> -> memref<1x128xi32, #tpu.memory_space<vmem>>
          %dma_start3A_72 = tpu.memref_squeeze %dma_start3A_71 : memref<1x128xi32, #tpu.memory_space<vmem>> -> memref<128xi32, #tpu.memory_space<vmem>>
          %dma_start3A_73 = tpu.memref_slice %arg4[%mul3A_47] : memref<160000xi32, #tpu.memory_space<hbm>> -> memref<128xi32, #tpu.memory_space<hbm>>
          tpu.enqueue_dma source(%dma_start3A_73 : memref<128xi32, #tpu.memory_space<hbm>>) target(%dma_start3A_72 : memref<128xi32, #tpu.memory_space<vmem>>) target_semaphore(%run_scoped3A_65 : memref<!tpu.dma_semaphore, #tpu.memory_space<semaphore_mem>>)
          %dma_wait3A = arith.constant 0 : i32
          %dma_wait3A_74 = tpu.memref_slice %arg8[%run_scoped3A_48, %dma_wait3A] : memref<2x128xi32, #tpu.memory_space<vmem>> -> memref<1x128xi32, #tpu.memory_space<vmem>>
          %dma_wait3A_75 = tpu.memref_squeeze %dma_wait3A_74 : memref<1x128xi32, #tpu.memory_space<vmem>> -> memref<128xi32, #tpu.memory_space<vmem>>
          %dma_wait3A_76 = tpu.memref_slice %arg4[%mul3A_47] : memref<160000xi32, #tpu.memory_space<hbm>> -> memref<128xi32, #tpu.memory_space<hbm>>
          %dma_wait3A_77 = arith.constant 0 : i32
          %dma_wait3A_78 = tpu.memref_slice %arg8[%run_scoped3A_48, %dma_wait3A_77] : memref<2x128xi32, #tpu.memory_space<vmem>> -> memref<1x128xi32, #tpu.memory_space<vmem>>
          %dma_wait3A_79 = tpu.memref_squeeze %dma_wait3A_78 : memref<1x128xi32, #tpu.memory_space<vmem>> -> memref<128xi32, #tpu.memory_space<vmem>>
          %dma_wait3A_80 = tpu.memref_slice %arg4[%mul3A_47] : memref<160000xi32, #tpu.memory_space<hbm>> -> memref<128xi32, #tpu.memory_space<hbm>>
          tpu.wait_dma2 semaphore(%run_scoped3A_65 : memref<!tpu.dma_semaphore, #tpu.memory_space<semaphore_mem>>) src(%dma_wait3A_80 : memref<128xi32, #tpu.memory_space<hbm>>) dst(%dma_wait3A_79 : memref<128xi32, #tpu.memory_space<vmem>>)
          tpu.yield
        }) : () -> ()
        %dma_start3A = arith.constant 0 : i32
        %dma_start3A_49 = arith.constant 0 : i32
        %dma_start3A_50 = arith.constant 0 : i32
        %dma_start3A_51 = arith.constant 0 : i32
        %dma_start3A_52 = arith.constant 0 : i32
        %dma_start3A_53 = tpu.memref_slice %arg9[%dma_start3A_50, %dma_start3A_51, %dma_start3A_52] : memref<2x128x128xf32, #tpu.memory_space<vmem>> -> memref<1x128x128xf32, #tpu.memory_space<vmem>>
        %dma_start3A_54 = tpu.memref_squeeze %dma_start3A_53 : memref<1x128x128xf32, #tpu.memory_space<vmem>> -> memref<128x128xf32, #tpu.memory_space<vmem>>
        %dma_start3A_55 = arith.constant 0 : i32
        %dma_start3A_56 = tpu.memref_slice %arg7[%dma_start3A_49, %dma_start3A_55] : memref<2x128xi32, #tpu.memory_space<vmem>> -> memref<1x128xi32, #tpu.memory_space<vmem>>
        %dma_start3A_57 = tpu.memref_squeeze %dma_start3A_56 : memref<1x128xi32, #tpu.memory_space<vmem>> -> memref<128xi32, #tpu.memory_space<vmem>>
        %dma_start3A_58 = arith.constant 0 : i32
        %dma_start3A_59 = arith.constant 0 : i32
        %dma_start3A_60 = tpu.memref_slice %arg2[%dma_start3A, %dma_start3A_58, %dma_start3A_59] : memref<2x10000x128xf32, #tpu.memory_space<hbm>> -> memref<1x10000x128xf32, #tpu.memory_space<hbm>>
        %dma_start3A_61 = tpu.memref_squeeze %dma_start3A_60 : memref<1x10000x128xf32, #tpu.memory_space<hbm>> -> memref<10000x128xf32, #tpu.memory_space<hbm>>
        %dma_start3A_62 = arith.constant 0 : i32
        %dma_start3A_63 = arith.constant 0 : i32
        %dma_start3A_64 = tpu.memref_slice %dma_start3A_61[%dma_start3A_62, %dma_start3A_63] : memref<10000x128xf32, #tpu.memory_space<hbm>> -> memref<10000x128xf32, #tpu.memory_space<hbm>>
        tpu.enqueue_indirect_dma source(%dma_start3A_64 : memref<10000x128xf32, #tpu.memory_space<hbm>>) target(%dma_start3A_54 : memref<128x128xf32, #tpu.memory_space<vmem>>) offsets(%dma_start3A_57 : memref<128xi32, #tpu.memory_space<vmem>>) semaphore(%arg11 : memref<!tpu.dma_semaphore, #tpu.memory_space<semaphore_mem>>)
      } else {
      }
      %scan3A = arith.constant 0 : i32
      %scan3A_22 = arith.constant 0 : i32
      %scan3A_23 = arith.constant 39 : i32
      %scan3A_24 = arith.addi %scan3A_22, %scan3A_23 : i32
      %scan3A_25 = arith.constant 1 : i32
      scf.for %scan3A_45 = %scan3A_22 to %scan3A_24 step %scan3A_25  : i32 {
        %mul3A = arith.constant 2 : i32
        %mul3A_46 = arith.muli %mul3A, %scan3A_45 : i32
        %add3A_47 = arith.constant 1 : i32
        %add3A_48 = arith.addi %mul3A_46, %add3A_47 : i32
        %mul3A_49 = arith.constant 16 : i32
        %mul3A_50 = arith.muli %add3A_48, %mul3A_49 : i32
        %add3A_51 = arith.addi %mul3A_50, %arg1 : i32
        %lt3A_52 = arith.constant 1250 : i32
        %lt3A_53 = arith.cmpi slt, %add3A_51, %lt3A_52 : i32
        %convert_element_type3A_54 = arith.extui %lt3A_53 : i1 to i32
        %cond3A_55 = arith.constant 0 : i32
        %cond3A_56 = arith.cmpi ne, %convert_element_type3A_54, %cond3A_55 : i32
        scf.if %cond3A_56 {
          %mul3A_91 = arith.constant 128 : i32
          %mul3A_92 = arith.muli %add3A_51, %mul3A_91 : i32
          %run_scoped3A = arith.constant 1 : i32
          "tpu.region"() ({
            %run_scoped3A_112 = tpu.sem_alloc : memref<!tpu.dma_semaphore, #tpu.memory_space<semaphore_mem>>
            %dma_start3A_113 = arith.constant 0 : i32
            %dma_start3A_114 = tpu.memref_slice %arg7[%run_scoped3A, %dma_start3A_113] : memref<2x128xi32, #tpu.memory_space<vmem>> -> memref<1x128xi32, #tpu.memory_space<vmem>>
            %dma_start3A_115 = tpu.memref_squeeze %dma_start3A_114 : memref<1x128xi32, #tpu.memory_space<vmem>> -> memref<128xi32, #tpu.memory_space<vmem>>
            %dma_start3A_116 = tpu.memref_slice %arg3[%mul3A_92] : memref<160000xi32, #tpu.memory_space<hbm>> -> memref<128xi32, #tpu.memory_space<hbm>>
            %dma_start3A_117 = arith.constant 0 : i32
            %dma_start3A_118 = tpu.memref_slice %arg7[%run_scoped3A, %dma_start3A_117] : memref<2x128xi32, #tpu.memory_space<vmem>> -> memref<1x128xi32, #tpu.memory_space<vmem>>
            %dma_start3A_119 = tpu.memref_squeeze %dma_start3A_118 : memref<1x128xi32, #tpu.memory_space<vmem>> -> memref<128xi32, #tpu.memory_space<vmem>>
            %dma_start3A_120 = tpu.memref_slice %arg3[%mul3A_92] : memref<160000xi32, #tpu.memory_space<hbm>> -> memref<128xi32, #tpu.memory_space<hbm>>
            tpu.enqueue_dma source(%dma_start3A_120 : memref<128xi32, #tpu.memory_space<hbm>>) target(%dma_start3A_119 : memref<128xi32, #tpu.memory_space<vmem>>) target_semaphore(%run_scoped3A_112 : memref<!tpu.dma_semaphore, #tpu.memory_space<semaphore_mem>>)
            %dma_wait3A = arith.constant 0 : i32
            %dma_wait3A_121 = tpu.memref_slice %arg7[%run_scoped3A, %dma_wait3A] : memref<2x128xi32, #tpu.memory_space<vmem>> -> memref<1x128xi32, #tpu.memory_space<vmem>>
            %dma_wait3A_122 = tpu.memref_squeeze %dma_wait3A_121 : memref<1x128xi32, #tpu.memory_space<vmem>> -> memref<128xi32, #tpu.memory_space<vmem>>
            %dma_wait3A_123 = tpu.memref_slice %arg3[%mul3A_92] : memref<160000xi32, #tpu.memory_space<hbm>> -> memref<128xi32, #tpu.memory_space<hbm>>
            %dma_wait3A_124 = arith.constant 0 : i32
            %dma_wait3A_125 = tpu.memref_slice %arg7[%run_scoped3A, %dma_wait3A_124] : memref<2x128xi32, #tpu.memory_space<vmem>> -> memref<1x128xi32, #tpu.memory_space<vmem>>
            %dma_wait3A_126 = tpu.memref_squeeze %dma_wait3A_125 : memref<1x128xi32, #tpu.memory_space<vmem>> -> memref<128xi32, #tpu.memory_space<vmem>>
            %dma_wait3A_127 = tpu.memref_slice %arg3[%mul3A_92] : memref<160000xi32, #tpu.memory_space<hbm>> -> memref<128xi32, #tpu.memory_space<hbm>>
            tpu.wait_dma2 semaphore(%run_scoped3A_112 : memref<!tpu.dma_semaphore, #tpu.memory_space<semaphore_mem>>) src(%dma_wait3A_127 : memref<128xi32, #tpu.memory_space<hbm>>) dst(%dma_wait3A_126 : memref<128xi32, #tpu.memory_space<vmem>>)
            tpu.yield
          }) : () -> ()
          %mul3A_93 = arith.constant 128 : i32
          %mul3A_94 = arith.muli %add3A_51, %mul3A_93 : i32
          %run_scoped3A_95 = arith.constant 1 : i32
          "tpu.region"() ({
            %run_scoped3A_112 = tpu.sem_alloc : memref<!tpu.dma_semaphore, #tpu.memory_space<semaphore_mem>>
            %dma_start3A_113 = arith.constant 0 : i32
            %dma_start3A_114 = tpu.memref_slice %arg8[%run_scoped3A_95, %dma_start3A_113] : memref<2x128xi32, #tpu.memory_space<vmem>> -> memref<1x128xi32, #tpu.memory_space<vmem>>
            %dma_start3A_115 = tpu.memref_squeeze %dma_start3A_114 : memref<1x128xi32, #tpu.memory_space<vmem>> -> memref<128xi32, #tpu.memory_space<vmem>>
            %dma_start3A_116 = tpu.memref_slice %arg4[%mul3A_94] : memref<160000xi32, #tpu.memory_space<hbm>> -> memref<128xi32, #tpu.memory_space<hbm>>
            %dma_start3A_117 = arith.constant 0 : i32
            %dma_start3A_118 = tpu.memref_slice %arg8[%run_scoped3A_95, %dma_start3A_117] : memref<2x128xi32, #tpu.memory_space<vmem>> -> memref<1x128xi32, #tpu.memory_space<vmem>>
            %dma_start3A_119 = tpu.memref_squeeze %dma_start3A_118 : memref<1x128xi32, #tpu.memory_space<vmem>> -> memref<128xi32, #tpu.memory_space<vmem>>
            %dma_start3A_120 = tpu.memref_slice %arg4[%mul3A_94] : memref<160000xi32, #tpu.memory_space<hbm>> -> memref<128xi32, #tpu.memory_space<hbm>>
            tpu.enqueue_dma source(%dma_start3A_120 : memref<128xi32, #tpu.memory_space<hbm>>) target(%dma_start3A_119 : memref<128xi32, #tpu.memory_space<vmem>>) target_semaphore(%run_scoped3A_112 : memref<!tpu.dma_semaphore, #tpu.memory_space<semaphore_mem>>)
            %dma_wait3A = arith.constant 0 : i32
            %dma_wait3A_121 = tpu.memref_slice %arg8[%run_scoped3A_95, %dma_wait3A] : memref<2x128xi32, #tpu.memory_space<vmem>> -> memref<1x128xi32, #tpu.memory_space<vmem>>
            %dma_wait3A_122 = tpu.memref_squeeze %dma_wait3A_121 : memref<1x128xi32, #tpu.memory_space<vmem>> -> memref<128xi32, #tpu.memory_space<vmem>>
            %dma_wait3A_123 = tpu.memref_slice %arg4[%mul3A_94] : memref<160000xi32, #tpu.memory_space<hbm>> -> memref<128xi32, #tpu.memory_space<hbm>>
            %dma_wait3A_124 = arith.constant 0 : i32
            %dma_wait3A_125 = tpu.memref_slice %arg8[%run_scoped3A_95, %dma_wait3A_124] : memref<2x128xi32, #tpu.memory_space<vmem>> -> memref<1x128xi32, #tpu.memory_space<vmem>>
            %dma_wait3A_126 = tpu.memref_squeeze %dma_wait3A_125 : memref<1x128xi32, #tpu.memory_space<vmem>> -> memref<128xi32, #tpu.memory_space<vmem>>
            %dma_wait3A_127 = tpu.memref_slice %arg4[%mul3A_94] : memref<160000xi32, #tpu.memory_space<hbm>> -> memref<128xi32, #tpu.memory_space<hbm>>
            tpu.wait_dma2 semaphore(%run_scoped3A_112 : memref<!tpu.dma_semaphore, #tpu.memory_space<semaphore_mem>>) src(%dma_wait3A_127 : memref<128xi32, #tpu.memory_space<hbm>>) dst(%dma_wait3A_126 : memref<128xi32, #tpu.memory_space<vmem>>)
            tpu.yield
          }) : () -> ()
          %dma_start3A = arith.constant 0 : i32
          %dma_start3A_96 = arith.constant 1 : i32
          %dma_start3A_97 = arith.constant 1 : i32
          %dma_start3A_98 = arith.constant 0 : i32
          %dma_start3A_99 = arith.constant 0 : i32
          %dma_start3A_100 = tpu.memref_slice %arg9[%dma_start3A_97, %dma_start3A_98, %dma_start3A_99] : memref<2x128x128xf32, #tpu.memory_space<vmem>> -> memref<1x128x128xf32, #tpu.memory_space<vmem>>
          %dma_start3A_101 = tpu.memref_squeeze %dma_start3A_100 : memref<1x128x128xf32, #tpu.memory_space<vmem>> -> memref<128x128xf32, #tpu.memory_space<vmem>>
          %dma_start3A_102 = arith.constant 0 : i32
          %dma_start3A_103 = tpu.memref_slice %arg7[%dma_start3A_96, %dma_start3A_102] : memref<2x128xi32, #tpu.memory_space<vmem>> -> memref<1x128xi32, #tpu.memory_space<vmem>>
          %dma_start3A_104 = tpu.memref_squeeze %dma_start3A_103 : memref<1x128xi32, #tpu.memory_space<vmem>> -> memref<128xi32, #tpu.memory_space<vmem>>
          %dma_start3A_105 = arith.constant 0 : i32
          %dma_start3A_106 = arith.constant 0 : i32
          %dma_start3A_107 = tpu.memref_slice %arg2[%dma_start3A, %dma_start3A_105, %dma_start3A_106] : memref<2x10000x128xf32, #tpu.memory_space<hbm>> -> memref<1x10000x128xf32, #tpu.memory_space<hbm>>
          %dma_start3A_108 = tpu.memref_squeeze %dma_start3A_107 : memref<1x10000x128xf32, #tpu.memory_space<hbm>> -> memref<10000x128xf32, #tpu.memory_space<hbm>>
          %dma_start3A_109 = arith.constant 0 : i32
          %dma_start3A_110 = arith.constant 0 : i32
          %dma_start3A_111 = tpu.memref_slice %dma_start3A_108[%dma_start3A_109, %dma_start3A_110] : memref<10000x128xf32, #tpu.memory_space<hbm>> -> memref<10000x128xf32, #tpu.memory_space<hbm>>
          tpu.enqueue_indirect_dma source(%dma_start3A_111 : memref<10000x128xf32, #tpu.memory_space<hbm>>) target(%dma_start3A_101 : memref<128x128xf32, #tpu.memory_space<vmem>>) offsets(%dma_start3A_104 : memref<128xi32, #tpu.memory_space<vmem>>) semaphore(%arg12 : memref<!tpu.dma_semaphore, #tpu.memory_space<semaphore_mem>>)
        } else {
        }
        %mul3A_57 = arith.constant 2 : i32
        %mul3A_58 = arith.muli %mul3A_57, %scan3A_45 : i32
        %mul3A_59 = arith.constant 16 : i32
        %mul3A_60 = arith.muli %mul3A_58, %mul3A_59 : i32
        %add3A_61 = arith.addi %mul3A_60, %arg1 : i32
        %lt3A_62 = arith.constant 1250 : i32
        %lt3A_63 = arith.cmpi slt, %add3A_61, %lt3A_62 : i32
        %convert_element_type3A_64 = arith.extui %lt3A_63 : i1 to i32
        %cond3A_65 = arith.constant 0 : i32
        %cond3A_66 = arith.cmpi ne, %convert_element_type3A_64, %cond3A_65 : i32
        scf.if %cond3A_66 {
          %dma_wait3A = arith.constant 0 : i32
          %dma_wait3A_91 = arith.constant 0 : i32
          %dma_wait3A_92 = arith.constant 0 : i32
          %dma_wait3A_93 = arith.constant 0 : i32
          %dma_wait3A_94 = arith.constant 0 : i32
          %dma_wait3A_95 = tpu.memref_slice %arg9[%dma_wait3A_92, %dma_wait3A_93, %dma_wait3A_94] : memref<2x128x128xf32, #tpu.memory_space<vmem>> -> memref<1x128x128xf32, #tpu.memory_space<vmem>>
          %dma_wait3A_96 = tpu.memref_squeeze %dma_wait3A_95 : memref<1x128x128xf32, #tpu.memory_space<vmem>> -> memref<128x128xf32, #tpu.memory_space<vmem>>
          %dma_wait3A_97 = arith.constant 0 : i32
          %dma_wait3A_98 = tpu.memref_slice %arg7[%dma_wait3A_91, %dma_wait3A_97] : memref<2x128xi32, #tpu.memory_space<vmem>> -> memref<1x128xi32, #tpu.memory_space<vmem>>
          %dma_wait3A_99 = tpu.memref_squeeze %dma_wait3A_98 : memref<1x128xi32, #tpu.memory_space<vmem>> -> memref<128xi32, #tpu.memory_space<vmem>>
          %dma_wait3A_100 = arith.constant 0 : i32
          %dma_wait3A_101 = arith.constant 0 : i32
          %dma_wait3A_102 = tpu.memref_slice %arg2[%dma_wait3A, %dma_wait3A_100, %dma_wait3A_101] : memref<2x10000x128xf32, #tpu.memory_space<hbm>> -> memref<1x10000x128xf32, #tpu.memory_space<hbm>>
          %dma_wait3A_103 = tpu.memref_squeeze %dma_wait3A_102 : memref<1x10000x128xf32, #tpu.memory_space<hbm>> -> memref<10000x128xf32, #tpu.memory_space<hbm>>
          %dma_wait3A_104 = arith.constant 0 : i32
          %dma_wait3A_105 = arith.constant 0 : i32
          %dma_wait3A_106 = tpu.memref_slice %dma_wait3A_103[%dma_wait3A_104, %dma_wait3A_105] : memref<10000x128xf32, #tpu.memory_space<hbm>> -> memref<10000x128xf32, #tpu.memory_space<hbm>>
          tpu.wait_indirect_dma semaphore(%arg11 : memref<!tpu.dma_semaphore, #tpu.memory_space<semaphore_mem>>) src(%dma_wait3A_106 : memref<10000x128xf32, #tpu.memory_space<hbm>>) dst(%dma_wait3A_96 : memref<128x128xf32, #tpu.memory_space<vmem>>)
          %run_scoped3A = arith.constant 0 : i32
          %run_scoped3A_107 = arith.constant 0 : i32
          "tpu.region"() ({
            %run_scoped3A_108 = tpu.sem_alloc : memref<!tpu.dma_semaphore, #tpu.memory_space<semaphore_mem>>
            %dma_start3A = arith.constant 0 : i32
            %dma_start3A_109 = arith.constant 0 : i32
            %dma_start3A_110 = tpu.memref_slice %arg9[%run_scoped3A, %dma_start3A, %dma_start3A_109] : memref<2x128x128xf32, #tpu.memory_space<vmem>> -> memref<1x128x128xf32, #tpu.memory_space<vmem>>
            %dma_start3A_111 = tpu.memref_squeeze %dma_start3A_110 : memref<1x128x128xf32, #tpu.memory_space<vmem>> -> memref<128x128xf32, #tpu.memory_space<vmem>>
            %dma_start3A_112 = arith.constant 0 : i32
            %dma_start3A_113 = tpu.memref_slice %arg8[%run_scoped3A_107, %dma_start3A_112] : memref<2x128xi32, #tpu.memory_space<vmem>> -> memref<1x128xi32, #tpu.memory_space<vmem>>
            %dma_start3A_114 = tpu.memref_squeeze %dma_start3A_113 : memref<1x128xi32, #tpu.memory_space<vmem>> -> memref<128xi32, #tpu.memory_space<vmem>>
            %dma_start3A_115 = arith.constant 0 : i32
            %dma_start3A_116 = arith.constant 0 : i32
            %dma_start3A_117 = tpu.memref_slice %arg10[%dma_start3A_115, %dma_start3A_116] : memref<10000x128xf32, #tpu.memory_space<vmem_shared>> -> memref<10000x128xf32, #tpu.memory_space<vmem_shared>>
            tpu.enqueue_indirect_dma source(%dma_start3A_111 : memref<128x128xf32, #tpu.memory_space<vmem>>) target(%dma_start3A_117 : memref<10000x128xf32, #tpu.memory_space<vmem_shared>>) offsets(%dma_start3A_114 : memref<128xi32, #tpu.memory_space<vmem>>) semaphore(%run_scoped3A_108 : memref<!tpu.dma_semaphore, #tpu.memory_space<semaphore_mem>>) {add = true}
            %dma_wait3A_118 = arith.constant 0 : i32
            %dma_wait3A_119 = arith.constant 0 : i32
            %dma_wait3A_120 = tpu.memref_slice %arg9[%run_scoped3A, %dma_wait3A_118, %dma_wait3A_119] : memref<2x128x128xf32, #tpu.memory_space<vmem>> -> memref<1x128x128xf32, #tpu.memory_space<vmem>>
            %dma_wait3A_121 = tpu.memref_squeeze %dma_wait3A_120 : memref<1x128x128xf32, #tpu.memory_space<vmem>> -> memref<128x128xf32, #tpu.memory_space<vmem>>
            %dma_wait3A_122 = arith.constant 0 : i32
            %dma_wait3A_123 = tpu.memref_slice %arg8[%run_scoped3A_107, %dma_wait3A_122] : memref<2x128xi32, #tpu.memory_space<vmem>> -> memref<1x128xi32, #tpu.memory_space<vmem>>
            %dma_wait3A_124 = tpu.memref_squeeze %dma_wait3A_123 : memref<1x128xi32, #tpu.memory_space<vmem>> -> memref<128xi32, #tpu.memory_space<vmem>>
            %dma_wait3A_125 = arith.constant 0 : i32
            %dma_wait3A_126 = arith.constant 0 : i32
            %dma_wait3A_127 = tpu.memref_slice %arg10[%dma_wait3A_125, %dma_wait3A_126] : memref<10000x128xf32, #tpu.memory_space<vmem_shared>> -> memref<10000x128xf32, #tpu.memory_space<vmem_shared>>
            tpu.wait_indirect_dma semaphore(%run_scoped3A_108 : memref<!tpu.dma_semaphore, #tpu.memory_space<semaphore_mem>>) src(%dma_wait3A_121 : memref<128x128xf32, #tpu.memory_space<vmem>>) dst(%dma_wait3A_127 : memref<10000x128xf32, #tpu.memory_space<vmem_shared>>)
            tpu.yield
          }) : () -> ()
        } else {
        }
        %mul3A_67 = arith.constant 2 : i32
        %mul3A_68 = arith.muli %mul3A_67, %scan3A_45 : i32
        %add3A_69 = arith.constant 2 : i32
        %add3A_70 = arith.addi %mul3A_68, %add3A_69 : i32
        %mul3A_71 = arith.constant 16 : i32
        %mul3A_72 = arith.muli %add3A_70, %mul3A_71 : i32
        %add3A_73 = arith.addi %mul3A_72, %arg1 : i32
        %lt3A_74 = arith.constant 1250 : i32
        %lt3A_75 = arith.cmpi slt, %add3A_73, %lt3A_74 : i32
        %convert_element_type3A_76 = arith.extui %lt3A_75 : i1 to i32
        %cond3A_77 = arith.constant 0 : i32
        %cond3A_78 = arith.cmpi ne, %convert_element_type3A_76, %cond3A_77 : i32
        scf.if %cond3A_78 {
          %mul3A_91 = arith.constant 128 : i32
          %mul3A_92 = arith.muli %add3A_73, %mul3A_91 : i32
          %run_scoped3A = arith.constant 0 : i32
          "tpu.region"() ({
            %run_scoped3A_112 = tpu.sem_alloc : memref<!tpu.dma_semaphore, #tpu.memory_space<semaphore_mem>>
            %dma_start3A_113 = arith.constant 0 : i32
            %dma_start3A_114 = tpu.memref_slice %arg7[%run_scoped3A, %dma_start3A_113] : memref<2x128xi32, #tpu.memory_space<vmem>> -> memref<1x128xi32, #tpu.memory_space<vmem>>
            %dma_start3A_115 = tpu.memref_squeeze %dma_start3A_114 : memref<1x128xi32, #tpu.memory_space<vmem>> -> memref<128xi32, #tpu.memory_space<vmem>>
            %dma_start3A_116 = tpu.memref_slice %arg3[%mul3A_92] : memref<160000xi32, #tpu.memory_space<hbm>> -> memref<128xi32, #tpu.memory_space<hbm>>
            %dma_start3A_117 = arith.constant 0 : i32
            %dma_start3A_118 = tpu.memref_slice %arg7[%run_scoped3A, %dma_start3A_117] : memref<2x128xi32, #tpu.memory_space<vmem>> -> memref<1x128xi32, #tpu.memory_space<vmem>>
            %dma_start3A_119 = tpu.memref_squeeze %dma_start3A_118 : memref<1x128xi32, #tpu.memory_space<vmem>> -> memref<128xi32, #tpu.memory_space<vmem>>
            %dma_start3A_120 = tpu.memref_slice %arg3[%mul3A_92] : memref<160000xi32, #tpu.memory_space<hbm>> -> memref<128xi32, #tpu.memory_space<hbm>>
            tpu.enqueue_dma source(%dma_start3A_120 : memref<128xi32, #tpu.memory_space<hbm>>) target(%dma_start3A_119 : memref<128xi32, #tpu.memory_space<vmem>>) target_semaphore(%run_scoped3A_112 : memref<!tpu.dma_semaphore, #tpu.memory_space<semaphore_mem>>)
            %dma_wait3A = arith.constant 0 : i32
            %dma_wait3A_121 = tpu.memref_slice %arg7[%run_scoped3A, %dma_wait3A] : memref<2x128xi32, #tpu.memory_space<vmem>> -> memref<1x128xi32, #tpu.memory_space<vmem>>
            %dma_wait3A_122 = tpu.memref_squeeze %dma_wait3A_121 : memref<1x128xi32, #tpu.memory_space<vmem>> -> memref<128xi32, #tpu.memory_space<vmem>>
            %dma_wait3A_123 = tpu.memref_slice %arg3[%mul3A_92] : memref<160000xi32, #tpu.memory_space<hbm>> -> memref<128xi32, #tpu.memory_space<hbm>>
            %dma_wait3A_124 = arith.constant 0 : i32
            %dma_wait3A_125 = tpu.memref_slice %arg7[%run_scoped3A, %dma_wait3A_124] : memref<2x128xi32, #tpu.memory_space<vmem>> -> memref<1x128xi32, #tpu.memory_space<vmem>>
            %dma_wait3A_126 = tpu.memref_squeeze %dma_wait3A_125 : memref<1x128xi32, #tpu.memory_space<vmem>> -> memref<128xi32, #tpu.memory_space<vmem>>
            %dma_wait3A_127 = tpu.memref_slice %arg3[%mul3A_92] : memref<160000xi32, #tpu.memory_space<hbm>> -> memref<128xi32, #tpu.memory_space<hbm>>
            tpu.wait_dma2 semaphore(%run_scoped3A_112 : memref<!tpu.dma_semaphore, #tpu.memory_space<semaphore_mem>>) src(%dma_wait3A_127 : memref<128xi32, #tpu.memory_space<hbm>>) dst(%dma_wait3A_126 : memref<128xi32, #tpu.memory_space<vmem>>)
            tpu.yield
          }) : () -> ()
          %mul3A_93 = arith.constant 128 : i32
          %mul3A_94 = arith.muli %add3A_73, %mul3A_93 : i32
          %run_scoped3A_95 = arith.constant 0 : i32
          "tpu.region"() ({
            %run_scoped3A_112 = tpu.sem_alloc : memref<!tpu.dma_semaphore, #tpu.memory_space<semaphore_mem>>
            %dma_start3A_113 = arith.constant 0 : i32
            %dma_start3A_114 = tpu.memref_slice %arg8[%run_scoped3A_95, %dma_start3A_113] : memref<2x128xi32, #tpu.memory_space<vmem>> -> memref<1x128xi32, #tpu.memory_space<vmem>>
            %dma_start3A_115 = tpu.memref_squeeze %dma_start3A_114 : memref<1x128xi32, #tpu.memory_space<vmem>> -> memref<128xi32, #tpu.memory_space<vmem>>
            %dma_start3A_116 = tpu.memref_slice %arg4[%mul3A_94] : memref<160000xi32, #tpu.memory_space<hbm>> -> memref<128xi32, #tpu.memory_space<hbm>>
            %dma_start3A_117 = arith.constant 0 : i32
            %dma_start3A_118 = tpu.memref_slice %arg8[%run_scoped3A_95, %dma_start3A_117] : memref<2x128xi32, #tpu.memory_space<vmem>> -> memref<1x128xi32, #tpu.memory_space<vmem>>
            %dma_start3A_119 = tpu.memref_squeeze %dma_start3A_118 : memref<1x128xi32, #tpu.memory_space<vmem>> -> memref<128xi32, #tpu.memory_space<vmem>>
            %dma_start3A_120 = tpu.memref_slice %arg4[%mul3A_94] : memref<160000xi32, #tpu.memory_space<hbm>> -> memref<128xi32, #tpu.memory_space<hbm>>
            tpu.enqueue_dma source(%dma_start3A_120 : memref<128xi32, #tpu.memory_space<hbm>>) target(%dma_start3A_119 : memref<128xi32, #tpu.memory_space<vmem>>) target_semaphore(%run_scoped3A_112 : memref<!tpu.dma_semaphore, #tpu.memory_space<semaphore_mem>>)
            %dma_wait3A = arith.constant 0 : i32
            %dma_wait3A_121 = tpu.memref_slice %arg8[%run_scoped3A_95, %dma_wait3A] : memref<2x128xi32, #tpu.memory_space<vmem>> -> memref<1x128xi32, #tpu.memory_space<vmem>>
            %dma_wait3A_122 = tpu.memref_squeeze %dma_wait3A_121 : memref<1x128xi32, #tpu.memory_space<vmem>> -> memref<128xi32, #tpu.memory_space<vmem>>
            %dma_wait3A_123 = tpu.memref_slice %arg4[%mul3A_94] : memref<160000xi32, #tpu.memory_space<hbm>> -> memref<128xi32, #tpu.memory_space<hbm>>
            %dma_wait3A_124 = arith.constant 0 : i32
            %dma_wait3A_125 = tpu.memref_slice %arg8[%run_scoped3A_95, %dma_wait3A_124] : memref<2x128xi32, #tpu.memory_space<vmem>> -> memref<1x128xi32, #tpu.memory_space<vmem>>
            %dma_wait3A_126 = tpu.memref_squeeze %dma_wait3A_125 : memref<1x128xi32, #tpu.memory_space<vmem>> -> memref<128xi32, #tpu.memory_space<vmem>>
            %dma_wait3A_127 = tpu.memref_slice %arg4[%mul3A_94] : memref<160000xi32, #tpu.memory_space<hbm>> -> memref<128xi32, #tpu.memory_space<hbm>>
            tpu.wait_dma2 semaphore(%run_scoped3A_112 : memref<!tpu.dma_semaphore, #tpu.memory_space<semaphore_mem>>) src(%dma_wait3A_127 : memref<128xi32, #tpu.memory_space<hbm>>) dst(%dma_wait3A_126 : memref<128xi32, #tpu.memory_space<vmem>>)
            tpu.yield
          }) : () -> ()
          %dma_start3A = arith.constant 0 : i32
          %dma_start3A_96 = arith.constant 0 : i32
          %dma_start3A_97 = arith.constant 0 : i32
          %dma_start3A_98 = arith.constant 0 : i32
          %dma_start3A_99 = arith.constant 0 : i32
          %dma_start3A_100 = tpu.memref_slice %arg9[%dma_start3A_97, %dma_start3A_98, %dma_start3A_99] : memref<2x128x128xf32, #tpu.memory_space<vmem>> -> memref<1x128x128xf32, #tpu.memory_space<vmem>>
          %dma_start3A_101 = tpu.memref_squeeze %dma_start3A_100 : memref<1x128x128xf32, #tpu.memory_space<vmem>> -> memref<128x128xf32, #tpu.memory_space<vmem>>
          %dma_start3A_102 = arith.constant 0 : i32
          %dma_start3A_103 = tpu.memref_slice %arg7[%dma_start3A_96, %dma_start3A_102] : memref<2x128xi32, #tpu.memory_space<vmem>> -> memref<1x128xi32, #tpu.memory_space<vmem>>
          %dma_start3A_104 = tpu.memref_squeeze %dma_start3A_103 : memref<1x128xi32, #tpu.memory_space<vmem>> -> memref<128xi32, #tpu.memory_space<vmem>>
          %dma_start3A_105 = arith.constant 0 : i32
          %dma_start3A_106 = arith.constant 0 : i32
          %dma_start3A_107 = tpu.memref_slice %arg2[%dma_start3A, %dma_start3A_105, %dma_start3A_106] : memref<2x10000x128xf32, #tpu.memory_space<hbm>> -> memref<1x10000x128xf32, #tpu.memory_space<hbm>>
          %dma_start3A_108 = tpu.memref_squeeze %dma_start3A_107 : memref<1x10000x128xf32, #tpu.memory_space<hbm>> -> memref<10000x128xf32, #tpu.memory_space<hbm>>
          %dma_start3A_109 = arith.constant 0 : i32
          %dma_start3A_110 = arith.constant 0 : i32
          %dma_start3A_111 = tpu.memref_slice %dma_start3A_108[%dma_start3A_109, %dma_start3A_110] : memref<10000x128xf32, #tpu.memory_space<hbm>> -> memref<10000x128xf32, #tpu.memory_space<hbm>>
          tpu.enqueue_indirect_dma source(%dma_start3A_111 : memref<10000x128xf32, #tpu.memory_space<hbm>>) target(%dma_start3A_101 : memref<128x128xf32, #tpu.memory_space<vmem>>) offsets(%dma_start3A_104 : memref<128xi32, #tpu.memory_space<vmem>>) semaphore(%arg11 : memref<!tpu.dma_semaphore, #tpu.memory_space<semaphore_mem>>)
        } else {
        }
        %mul3A_79 = arith.constant 2 : i32
        %mul3A_80 = arith.muli %mul3A_79, %scan3A_45 : i32
        %add3A_81 = arith.constant 1 : i32
        %add3A_82 = arith.addi %mul3A_80, %add3A_81 : i32
        %mul3A_83 = arith.constant 16 : i32
        %mul3A_84 = arith.muli %add3A_82, %mul3A_83 : i32
        %add3A_85 = arith.addi %mul3A_84, %arg1 : i32
        %lt3A_86 = arith.constant 1250 : i32
        %lt3A_87 = arith.cmpi slt, %add3A_85, %lt3A_86 : i32
        %convert_element_type3A_88 = arith.extui %lt3A_87 : i1 to i32
        %cond3A_89 = arith.constant 0 : i32
        %cond3A_90 = arith.cmpi ne, %convert_element_type3A_88, %cond3A_89 : i32
        scf.if %cond3A_90 {
          %dma_wait3A = arith.constant 0 : i32
          %dma_wait3A_91 = arith.constant 1 : i32
          %dma_wait3A_92 = arith.constant 1 : i32
          %dma_wait3A_93 = arith.constant 0 : i32
          %dma_wait3A_94 = arith.constant 0 : i32
          %dma_wait3A_95 = tpu.memref_slice %arg9[%dma_wait3A_92, %dma_wait3A_93, %dma_wait3A_94] : memref<2x128x128xf32, #tpu.memory_space<vmem>> -> memref<1x128x128xf32, #tpu.memory_space<vmem>>
          %dma_wait3A_96 = tpu.memref_squeeze %dma_wait3A_95 : memref<1x128x128xf32, #tpu.memory_space<vmem>> -> memref<128x128xf32, #tpu.memory_space<vmem>>
          %dma_wait3A_97 = arith.constant 0 : i32
          %dma_wait3A_98 = tpu.memref_slice %arg7[%dma_wait3A_91, %dma_wait3A_97] : memref<2x128xi32, #tpu.memory_space<vmem>> -> memref<1x128xi32, #tpu.memory_space<vmem>>
          %dma_wait3A_99 = tpu.memref_squeeze %dma_wait3A_98 : memref<1x128xi32, #tpu.memory_space<vmem>> -> memref<128xi32, #tpu.memory_space<vmem>>
          %dma_wait3A_100 = arith.constant 0 : i32
          %dma_wait3A_101 = arith.constant 0 : i32
          %dma_wait3A_102 = tpu.memref_slice %arg2[%dma_wait3A, %dma_wait3A_100, %dma_wait3A_101] : memref<2x10000x128xf32, #tpu.memory_space<hbm>> -> memref<1x10000x128xf32, #tpu.memory_space<hbm>>
          %dma_wait3A_103 = tpu.memref_squeeze %dma_wait3A_102 : memref<1x10000x128xf32, #tpu.memory_space<hbm>> -> memref<10000x128xf32, #tpu.memory_space<hbm>>
          %dma_wait3A_104 = arith.constant 0 : i32
          %dma_wait3A_105 = arith.constant 0 : i32
          %dma_wait3A_106 = tpu.memref_slice %dma_wait3A_103[%dma_wait3A_104, %dma_wait3A_105] : memref<10000x128xf32, #tpu.memory_space<hbm>> -> memref<10000x128xf32, #tpu.memory_space<hbm>>
          tpu.wait_indirect_dma semaphore(%arg12 : memref<!tpu.dma_semaphore, #tpu.memory_space<semaphore_mem>>) src(%dma_wait3A_106 : memref<10000x128xf32, #tpu.memory_space<hbm>>) dst(%dma_wait3A_96 : memref<128x128xf32, #tpu.memory_space<vmem>>)
          %run_scoped3A = arith.constant 1 : i32
          %run_scoped3A_107 = arith.constant 1 : i32
          "tpu.region"() ({
            %run_scoped3A_108 = tpu.sem_alloc : memref<!tpu.dma_semaphore, #tpu.memory_space<semaphore_mem>>
            %dma_start3A = arith.constant 0 : i32
            %dma_start3A_109 = arith.constant 0 : i32
            %dma_start3A_110 = tpu.memref_slice %arg9[%run_scoped3A, %dma_start3A, %dma_start3A_109] : memref<2x128x128xf32, #tpu.memory_space<vmem>> -> memref<1x128x128xf32, #tpu.memory_space<vmem>>
            %dma_start3A_111 = tpu.memref_squeeze %dma_start3A_110 : memref<1x128x128xf32, #tpu.memory_space<vmem>> -> memref<128x128xf32, #tpu.memory_space<vmem>>
            %dma_start3A_112 = arith.constant 0 : i32
            %dma_start3A_113 = tpu.memref_slice %arg8[%run_scoped3A_107, %dma_start3A_112] : memref<2x128xi32, #tpu.memory_space<vmem>> -> memref<1x128xi32, #tpu.memory_space<vmem>>
            %dma_start3A_114 = tpu.memref_squeeze %dma_start3A_113 : memref<1x128xi32, #tpu.memory_space<vmem>> -> memref<128xi32, #tpu.memory_space<vmem>>
            %dma_start3A_115 = arith.constant 0 : i32
            %dma_start3A_116 = arith.constant 0 : i32
            %dma_start3A_117 = tpu.memref_slice %arg10[%dma_start3A_115, %dma_start3A_116] : memref<10000x128xf32, #tpu.memory_space<vmem_shared>> -> memref<10000x128xf32, #tpu.memory_space<vmem_shared>>
            tpu.enqueue_indirect_dma source(%dma_start3A_111 : memref<128x128xf32, #tpu.memory_space<vmem>>) target(%dma_start3A_117 : memref<10000x128xf32, #tpu.memory_space<vmem_shared>>) offsets(%dma_start3A_114 : memref<128xi32, #tpu.memory_space<vmem>>) semaphore(%run_scoped3A_108 : memref<!tpu.dma_semaphore, #tpu.memory_space<semaphore_mem>>) {add = true}
            %dma_wait3A_118 = arith.constant 0 : i32
            %dma_wait3A_119 = arith.constant 0 : i32
            %dma_wait3A_120 = tpu.memref_slice %arg9[%run_scoped3A, %dma_wait3A_118, %dma_wait3A_119] : memref<2x128x128xf32, #tpu.memory_space<vmem>> -> memref<1x128x128xf32, #tpu.memory_space<vmem>>
            %dma_wait3A_121 = tpu.memref_squeeze %dma_wait3A_120 : memref<1x128x128xf32, #tpu.memory_space<vmem>> -> memref<128x128xf32, #tpu.memory_space<vmem>>
            %dma_wait3A_122 = arith.constant 0 : i32
            %dma_wait3A_123 = tpu.memref_slice %arg8[%run_scoped3A_107, %dma_wait3A_122] : memref<2x128xi32, #tpu.memory_space<vmem>> -> memref<1x128xi32, #tpu.memory_space<vmem>>
            %dma_wait3A_124 = tpu.memref_squeeze %dma_wait3A_123 : memref<1x128xi32, #tpu.memory_space<vmem>> -> memref<128xi32, #tpu.memory_space<vmem>>
            %dma_wait3A_125 = arith.constant 0 : i32
            %dma_wait3A_126 = arith.constant 0 : i32
            %dma_wait3A_127 = tpu.memref_slice %arg10[%dma_wait3A_125, %dma_wait3A_126] : memref<10000x128xf32, #tpu.memory_space<vmem_shared>> -> memref<10000x128xf32, #tpu.memory_space<vmem_shared>>
            tpu.wait_indirect_dma semaphore(%run_scoped3A_108 : memref<!tpu.dma_semaphore, #tpu.memory_space<semaphore_mem>>) src(%dma_wait3A_121 : memref<128x128xf32, #tpu.memory_space<vmem>>) dst(%dma_wait3A_127 : memref<10000x128xf32, #tpu.memory_space<vmem_shared>>)
            tpu.yield
          }) : () -> ()
        } else {
        }
      }
      %scan3A_26 = arith.constant 39 : i32
      %add3A_27 = arith.constant 1248 : i32
      %add3A_28 = arith.addi %add3A_27, %arg1 : i32
      %lt3A_29 = arith.constant 1250 : i32
      %lt3A_30 = arith.cmpi slt, %add3A_28, %lt3A_29 : i32
      %convert_element_type3A_31 = arith.extui %lt3A_30 : i1 to i32
      %cond3A_32 = arith.constant 0 : i32
      %cond3A_33 = arith.cmpi ne, %convert_element_type3A_31, %cond3A_32 : i32
      scf.if %cond3A_33 {
        %dma_wait3A = arith.constant 0 : i32
        %dma_wait3A_45 = arith.constant 0 : i32
        %dma_wait3A_46 = arith.constant 0 : i32
        %dma_wait3A_47 = arith.constant 0 : i32
        %dma_wait3A_48 = arith.constant 0 : i32
        %dma_wait3A_49 = tpu.memref_slice %arg9[%dma_wait3A_46, %dma_wait3A_47, %dma_wait3A_48] : memref<2x128x128xf32, #tpu.memory_space<vmem>> -> memref<1x128x128xf32, #tpu.memory_space<vmem>>
        %dma_wait3A_50 = tpu.memref_squeeze %dma_wait3A_49 : memref<1x128x128xf32, #tpu.memory_space<vmem>> -> memref<128x128xf32, #tpu.memory_space<vmem>>
        %dma_wait3A_51 = arith.constant 0 : i32
        %dma_wait3A_52 = tpu.memref_slice %arg7[%dma_wait3A_45, %dma_wait3A_51] : memref<2x128xi32, #tpu.memory_space<vmem>> -> memref<1x128xi32, #tpu.memory_space<vmem>>
        %dma_wait3A_53 = tpu.memref_squeeze %dma_wait3A_52 : memref<1x128xi32, #tpu.memory_space<vmem>> -> memref<128xi32, #tpu.memory_space<vmem>>
        %dma_wait3A_54 = arith.constant 0 : i32
        %dma_wait3A_55 = arith.constant 0 : i32
        %dma_wait3A_56 = tpu.memref_slice %arg2[%dma_wait3A, %dma_wait3A_54, %dma_wait3A_55] : memref<2x10000x128xf32, #tpu.memory_space<hbm>> -> memref<1x10000x128xf32, #tpu.memory_space<hbm>>
        %dma_wait3A_57 = tpu.memref_squeeze %dma_wait3A_56 : memref<1x10000x128xf32, #tpu.memory_space<hbm>> -> memref<10000x128xf32, #tpu.memory_space<hbm>>
        %dma_wait3A_58 = arith.constant 0 : i32
        %dma_wait3A_59 = arith.constant 0 : i32
        %dma_wait3A_60 = tpu.memref_slice %dma_wait3A_57[%dma_wait3A_58, %dma_wait3A_59] : memref<10000x128xf32, #tpu.memory_space<hbm>> -> memref<10000x128xf32, #tpu.memory_space<hbm>>
        tpu.wait_indirect_dma semaphore(%arg11 : memref<!tpu.dma_semaphore, #tpu.memory_space<semaphore_mem>>) src(%dma_wait3A_60 : memref<10000x128xf32, #tpu.memory_space<hbm>>) dst(%dma_wait3A_50 : memref<128x128xf32, #tpu.memory_space<vmem>>)
        %run_scoped3A = arith.constant 0 : i32
        %run_scoped3A_61 = arith.constant 0 : i32
        "tpu.region"() ({
          %run_scoped3A_62 = tpu.sem_alloc : memref<!tpu.dma_semaphore, #tpu.memory_space<semaphore_mem>>
          %dma_start3A = arith.constant 0 : i32
          %dma_start3A_63 = arith.constant 0 : i32
          %dma_start3A_64 = tpu.memref_slice %arg9[%run_scoped3A, %dma_start3A, %dma_start3A_63] : memref<2x128x128xf32, #tpu.memory_space<vmem>> -> memref<1x128x128xf32, #tpu.memory_space<vmem>>
          %dma_start3A_65 = tpu.memref_squeeze %dma_start3A_64 : memref<1x128x128xf32, #tpu.memory_space<vmem>> -> memref<128x128xf32, #tpu.memory_space<vmem>>
          %dma_start3A_66 = arith.constant 0 : i32
          %dma_start3A_67 = tpu.memref_slice %arg8[%run_scoped3A_61, %dma_start3A_66] : memref<2x128xi32, #tpu.memory_space<vmem>> -> memref<1x128xi32, #tpu.memory_space<vmem>>
          %dma_start3A_68 = tpu.memref_squeeze %dma_start3A_67 : memref<1x128xi32, #tpu.memory_space<vmem>> -> memref<128xi32, #tpu.memory_space<vmem>>
          %dma_start3A_69 = arith.constant 0 : i32
          %dma_start3A_70 = arith.constant 0 : i32
          %dma_start3A_71 = tpu.memref_slice %arg10[%dma_start3A_69, %dma_start3A_70] : memref<10000x128xf32, #tpu.memory_space<vmem_shared>> -> memref<10000x128xf32, #tpu.memory_space<vmem_shared>>
          tpu.enqueue_indirect_dma source(%dma_start3A_65 : memref<128x128xf32, #tpu.memory_space<vmem>>) target(%dma_start3A_71 : memref<10000x128xf32, #tpu.memory_space<vmem_shared>>) offsets(%dma_start3A_68 : memref<128xi32, #tpu.memory_space<vmem>>) semaphore(%run_scoped3A_62 : memref<!tpu.dma_semaphore, #tpu.memory_space<semaphore_mem>>) {add = true}
          %dma_wait3A_72 = arith.constant 0 : i32
          %dma_wait3A_73 = arith.constant 0 : i32
          %dma_wait3A_74 = tpu.memref_slice %arg9[%run_scoped3A, %dma_wait3A_72, %dma_wait3A_73] : memref<2x128x128xf32, #tpu.memory_space<vmem>> -> memref<1x128x128xf32, #tpu.memory_space<vmem>>
          %dma_wait3A_75 = tpu.memref_squeeze %dma_wait3A_74 : memref<1x128x128xf32, #tpu.memory_space<vmem>> -> memref<128x128xf32, #tpu.memory_space<vmem>>
          %dma_wait3A_76 = arith.constant 0 : i32
          %dma_wait3A_77 = tpu.memref_slice %arg8[%run_scoped3A_61, %dma_wait3A_76] : memref<2x128xi32, #tpu.memory_space<vmem>> -> memref<1x128xi32, #tpu.memory_space<vmem>>
          %dma_wait3A_78 = tpu.memref_squeeze %dma_wait3A_77 : memref<1x128xi32, #tpu.memory_space<vmem>> -> memref<128xi32, #tpu.memory_space<vmem>>
          %dma_wait3A_79 = arith.constant 0 : i32
          %dma_wait3A_80 = arith.constant 0 : i32
          %dma_wait3A_81 = tpu.memref_slice %arg10[%dma_wait3A_79, %dma_wait3A_80] : memref<10000x128xf32, #tpu.memory_space<vmem_shared>> -> memref<10000x128xf32, #tpu.memory_space<vmem_shared>>
          tpu.wait_indirect_dma semaphore(%run_scoped3A_62 : memref<!tpu.dma_semaphore, #tpu.memory_space<semaphore_mem>>) src(%dma_wait3A_75 : memref<128x128xf32, #tpu.memory_space<vmem>>) dst(%dma_wait3A_81 : memref<10000x128xf32, #tpu.memory_space<vmem_shared>>)
          tpu.yield
        }) : () -> ()
      } else {
      }
      %barrier3A_34 = arith.constant 0 : index
      tpu.barrier barrier_id(%barrier3A_34)
      %lt3A_35 = arith.constant 15 : i32
      %lt3A_36 = arith.cmpi slt, %arg1, %lt3A_35 : i32
      %convert_element_type3A_37 = arith.extui %lt3A_36 : i1 to i32
      %cond3A_38 = arith.constant 0 : i32
      %cond3A_39 = arith.cmpi ne, %convert_element_type3A_37, %cond3A_38 : i32
      scf.if %cond3A_39 {
        %mul3A = arith.constant 632 : i32
        %mul3A_45 = arith.muli %arg1, %mul3A : i32
        %multiple_of3A = tpu.assume_multiple %mul3A_45, 8 : i32
        %run_scoped3A = arith.constant 0 : i32
        "tpu.region"() ({
          %run_scoped3A_46 = tpu.sem_alloc : memref<!tpu.dma_semaphore, #tpu.memory_space<semaphore_mem>>
          %dma_start3A = arith.constant 0 : i32
          %dma_start3A_47 = tpu.memref_slice %arg6[%run_scoped3A, %multiple_of3A, %dma_start3A] : memref<2x10000x128xf32, #tpu.memory_space<hbm>> -> memref<1x632x128xf32, #tpu.memory_space<hbm>>
          %dma_start3A_48 = tpu.memref_squeeze %dma_start3A_47 : memref<1x632x128xf32, #tpu.memory_space<hbm>> -> memref<632x128xf32, #tpu.memory_space<hbm>>
          %dma_start3A_49 = arith.constant 0 : i32
          %dma_start3A_50 = tpu.memref_slice %arg10[%multiple_of3A, %dma_start3A_49] : memref<10000x128xf32, #tpu.memory_space<vmem_shared>> -> memref<632x128xf32, #tpu.memory_space<vmem_shared>>
          tpu.enqueue_dma source(%dma_start3A_50 : memref<632x128xf32, #tpu.memory_space<vmem_shared>>) target(%dma_start3A_48 : memref<632x128xf32, #tpu.memory_space<hbm>>) target_semaphore(%run_scoped3A_46 : memref<!tpu.dma_semaphore, #tpu.memory_space<semaphore_mem>>)
          %dma_wait3A = arith.constant 0 : i32
          %dma_wait3A_51 = tpu.memref_slice %arg6[%run_scoped3A, %multiple_of3A, %dma_wait3A] : memref<2x10000x128xf32, #tpu.memory_space<hbm>> -> memref<1x632x128xf32, #tpu.memory_space<hbm>>
          %dma_wait3A_52 = tpu.memref_squeeze %dma_wait3A_51 : memref<1x632x128xf32, #tpu.memory_space<hbm>> -> memref<632x128xf32, #tpu.memory_space<hbm>>
          %dma_wait3A_53 = arith.constant 0 : i32
          %dma_wait3A_54 = tpu.memref_slice %arg10[%multiple_of3A, %dma_wait3A_53] : memref<10000x128xf32, #tpu.memory_space<vmem_shared>> -> memref<632x128xf32, #tpu.memory_space<vmem_shared>>
          tpu.wait_dma2 semaphore(%run_scoped3A_46 : memref<!tpu.dma_semaphore, #tpu.memory_space<semaphore_mem>>) src(%dma_wait3A_54 : memref<632x128xf32, #tpu.memory_space<vmem_shared>>) dst(%dma_wait3A_52 : memref<632x128xf32, #tpu.memory_space<hbm>>)
          tpu.yield
        }) : () -> ()
      } else {
      }
      %eq3A_40 = arith.constant 15 : i32
      %eq3A_41 = arith.cmpi eq, %arg1, %eq3A_40 : i32
      %convert_element_type3A_42 = arith.extui %eq3A_41 : i1 to i32
      %cond3A_43 = arith.constant 0 : i32
      %cond3A_44 = arith.cmpi ne, %convert_element_type3A_42, %cond3A_43 : i32
      scf.if %cond3A_44 {
        %run_scoped3A = arith.constant 0 : i32
        "tpu.region"() ({
          %run_scoped3A_45 = tpu.sem_alloc : memref<!tpu.dma_semaphore, #tpu.memory_space<semaphore_mem>>
          %dma_start3A = arith.constant 9480 : i32
          %dma_start3A_46 = arith.constant 0 : i32
          %dma_start3A_47 = tpu.memref_slice %arg6[%run_scoped3A, %dma_start3A, %dma_start3A_46] : memref<2x10000x128xf32, #tpu.memory_space<hbm>> -> memref<1x520x128xf32, #tpu.memory_space<hbm>>
          %dma_start3A_48 = tpu.memref_squeeze %dma_start3A_47 : memref<1x520x128xf32, #tpu.memory_space<hbm>> -> memref<520x128xf32, #tpu.memory_space<hbm>>
          %dma_start3A_49 = arith.constant 9480 : i32
          %dma_start3A_50 = arith.constant 0 : i32
          %dma_start3A_51 = tpu.memref_slice %arg10[%dma_start3A_49, %dma_start3A_50] : memref<10000x128xf32, #tpu.memory_space<vmem_shared>> -> memref<520x128xf32, #tpu.memory_space<vmem_shared>>
          tpu.enqueue_dma source(%dma_start3A_51 : memref<520x128xf32, #tpu.memory_space<vmem_shared>>) target(%dma_start3A_48 : memref<520x128xf32, #tpu.memory_space<hbm>>) target_semaphore(%run_scoped3A_45 : memref<!tpu.dma_semaphore, #tpu.memory_space<semaphore_mem>>)
          %dma_wait3A = arith.constant 9480 : i32
          %dma_wait3A_52 = arith.constant 0 : i32
          %dma_wait3A_53 = tpu.memref_slice %arg6[%run_scoped3A, %dma_wait3A, %dma_wait3A_52] : memref<2x10000x128xf32, #tpu.memory_space<hbm>> -> memref<1x520x128xf32, #tpu.memory_space<hbm>>
          %dma_wait3A_54 = tpu.memref_squeeze %dma_wait3A_53 : memref<1x520x128xf32, #tpu.memory_space<hbm>> -> memref<520x128xf32, #tpu.memory_space<hbm>>
          %dma_wait3A_55 = arith.constant 9480 : i32
          %dma_wait3A_56 = arith.constant 0 : i32
          %dma_wait3A_57 = tpu.memref_slice %arg10[%dma_wait3A_55, %dma_wait3A_56] : memref<10000x128xf32, #tpu.memory_space<vmem_shared>> -> memref<520x128xf32, #tpu.memory_space<vmem_shared>>
          tpu.wait_dma2 semaphore(%run_scoped3A_45 : memref<!tpu.dma_semaphore, #tpu.memory_space<semaphore_mem>>) src(%dma_wait3A_57 : memref<520x128xf32, #tpu.memory_space<vmem_shared>>) dst(%dma_wait3A_54 : memref<520x128xf32, #tpu.memory_space<hbm>>)
          tpu.yield
        }) : () -> ()
      } else {
      }
    } else {
    }
    %eq3A_2 = arith.constant 1 : i32
    %eq3A_3 = arith.cmpi eq, %arg0, %eq3A_2 : i32
    %convert_element_type3A_4 = arith.extui %eq3A_3 : i1 to i32
    %cond3A_5 = arith.constant 0 : i32
    %cond3A_6 = arith.cmpi ne, %convert_element_type3A_4, %cond3A_5 : i32
    scf.if %cond3A_6 {
      %lt3A = arith.constant 15 : i32
      %lt3A_7 = arith.cmpi slt, %arg1, %lt3A : i32
      %convert_element_type3A_8 = arith.extui %lt3A_7 : i1 to i32
      %cond3A_9 = arith.constant 0 : i32
      %cond3A_10 = arith.cmpi ne, %convert_element_type3A_8, %cond3A_9 : i32
      scf.if %cond3A_10 {
        %mul3A = arith.constant 632 : i32
        %mul3A_45 = arith.muli %arg1, %mul3A : i32
        %multiple_of3A = tpu.assume_multiple %mul3A_45, 8 : i32
        "tpu.region"() ({
          %run_scoped3A = tpu.sem_alloc : memref<!tpu.dma_semaphore, #tpu.memory_space<semaphore_mem>>
          %dma_start3A = arith.constant 0 : i32
          %dma_start3A_46 = tpu.memref_slice %arg10[%multiple_of3A, %dma_start3A] : memref<10000x128xf32, #tpu.memory_space<vmem_shared>> -> memref<632x128xf32, #tpu.memory_space<vmem_shared>>
          %dma_start3A_47 = arith.constant 0 : i32
          %dma_start3A_48 = tpu.memref_slice %arg5[%multiple_of3A, %dma_start3A_47] : memref<10000x128xf32, #tpu.memory_space<hbm>> -> memref<632x128xf32, #tpu.memory_space<hbm>>
          tpu.enqueue_dma source(%dma_start3A_48 : memref<632x128xf32, #tpu.memory_space<hbm>>) target(%dma_start3A_46 : memref<632x128xf32, #tpu.memory_space<vmem_shared>>) target_semaphore(%run_scoped3A : memref<!tpu.dma_semaphore, #tpu.memory_space<semaphore_mem>>)
          %dma_wait3A = arith.constant 0 : i32
          %dma_wait3A_49 = tpu.memref_slice %arg10[%multiple_of3A, %dma_wait3A] : memref<10000x128xf32, #tpu.memory_space<vmem_shared>> -> memref<632x128xf32, #tpu.memory_space<vmem_shared>>
          %dma_wait3A_50 = arith.constant 0 : i32
          %dma_wait3A_51 = tpu.memref_slice %arg5[%multiple_of3A, %dma_wait3A_50] : memref<10000x128xf32, #tpu.memory_space<hbm>> -> memref<632x128xf32, #tpu.memory_space<hbm>>
          tpu.wait_dma2 semaphore(%run_scoped3A : memref<!tpu.dma_semaphore, #tpu.memory_space<semaphore_mem>>) src(%dma_wait3A_51 : memref<632x128xf32, #tpu.memory_space<hbm>>) dst(%dma_wait3A_49 : memref<632x128xf32, #tpu.memory_space<vmem_shared>>)
          tpu.yield
        }) : () -> ()
      } else {
      }
      %eq3A_11 = arith.constant 15 : i32
      %eq3A_12 = arith.cmpi eq, %arg1, %eq3A_11 : i32
      %convert_element_type3A_13 = arith.extui %eq3A_12 : i1 to i32
      %cond3A_14 = arith.constant 0 : i32
      %cond3A_15 = arith.cmpi ne, %convert_element_type3A_13, %cond3A_14 : i32
      scf.if %cond3A_15 {
        "tpu.region"() ({
          %run_scoped3A = tpu.sem_alloc : memref<!tpu.dma_semaphore, #tpu.memory_space<semaphore_mem>>
          %dma_start3A = arith.constant 9480 : i32
          %dma_start3A_45 = arith.constant 0 : i32
          %dma_start3A_46 = tpu.memref_slice %arg10[%dma_start3A, %dma_start3A_45] : memref<10000x128xf32, #tpu.memory_space<vmem_shared>> -> memref<520x128xf32, #tpu.memory_space<vmem_shared>>
          %dma_start3A_47 = arith.constant 9480 : i32
          %dma_start3A_48 = arith.constant 0 : i32
          %dma_start3A_49 = tpu.memref_slice %arg5[%dma_start3A_47, %dma_start3A_48] : memref<10000x128xf32, #tpu.memory_space<hbm>> -> memref<520x128xf32, #tpu.memory_space<hbm>>
          tpu.enqueue_dma source(%dma_start3A_49 : memref<520x128xf32, #tpu.memory_space<hbm>>) target(%dma_start3A_46 : memref<520x128xf32, #tpu.memory_space<vmem_shared>>) target_semaphore(%run_scoped3A : memref<!tpu.dma_semaphore, #tpu.memory_space<semaphore_mem>>)
          %dma_wait3A = arith.constant 9480 : i32
          %dma_wait3A_50 = arith.constant 0 : i32
          %dma_wait3A_51 = tpu.memref_slice %arg10[%dma_wait3A, %dma_wait3A_50] : memref<10000x128xf32, #tpu.memory_space<vmem_shared>> -> memref<520x128xf32, #tpu.memory_space<vmem_shared>>
          %dma_wait3A_52 = arith.constant 9480 : i32
          %dma_wait3A_53 = arith.constant 0 : i32
          %dma_wait3A_54 = tpu.memref_slice %arg5[%dma_wait3A_52, %dma_wait3A_53] : memref<10000x128xf32, #tpu.memory_space<hbm>> -> memref<520x128xf32, #tpu.memory_space<hbm>>
          tpu.wait_dma2 semaphore(%run_scoped3A : memref<!tpu.dma_semaphore, #tpu.memory_space<semaphore_mem>>) src(%dma_wait3A_54 : memref<520x128xf32, #tpu.memory_space<hbm>>) dst(%dma_wait3A_51 : memref<520x128xf32, #tpu.memory_space<vmem_shared>>)
          tpu.yield
        }) : () -> ()
      } else {
      }
      %barrier3A = arith.constant 0 : index
      tpu.barrier barrier_id(%barrier3A)
      %add3A = arith.constant 0 : i32
      %add3A_16 = arith.addi %add3A, %arg1 : i32
      %lt3A_17 = arith.constant 1250 : i32
      %lt3A_18 = arith.cmpi slt, %add3A_16, %lt3A_17 : i32
      %convert_element_type3A_19 = arith.extui %lt3A_18 : i1 to i32
      %cond3A_20 = arith.constant 0 : i32
      %cond3A_21 = arith.cmpi ne, %convert_element_type3A_19, %cond3A_20 : i32
      scf.if %cond3A_21 {
        %mul3A = arith.constant 128 : i32
        %mul3A_45 = arith.muli %add3A_16, %mul3A : i32
        %run_scoped3A = arith.constant 0 : i32
        "tpu.region"() ({
          %run_scoped3A_65 = tpu.sem_alloc : memref<!tpu.dma_semaphore, #tpu.memory_space<semaphore_mem>>
          %dma_start3A_66 = arith.constant 0 : i32
          %dma_start3A_67 = tpu.memref_slice %arg7[%run_scoped3A, %dma_start3A_66] : memref<2x128xi32, #tpu.memory_space<vmem>> -> memref<1x128xi32, #tpu.memory_space<vmem>>
          %dma_start3A_68 = tpu.memref_squeeze %dma_start3A_67 : memref<1x128xi32, #tpu.memory_space<vmem>> -> memref<128xi32, #tpu.memory_space<vmem>>
          %dma_start3A_69 = tpu.memref_slice %arg3[%mul3A_45] : memref<160000xi32, #tpu.memory_space<hbm>> -> memref<128xi32, #tpu.memory_space<hbm>>
          %dma_start3A_70 = arith.constant 0 : i32
          %dma_start3A_71 = tpu.memref_slice %arg7[%run_scoped3A, %dma_start3A_70] : memref<2x128xi32, #tpu.memory_space<vmem>> -> memref<1x128xi32, #tpu.memory_space<vmem>>
          %dma_start3A_72 = tpu.memref_squeeze %dma_start3A_71 : memref<1x128xi32, #tpu.memory_space<vmem>> -> memref<128xi32, #tpu.memory_space<vmem>>
          %dma_start3A_73 = tpu.memref_slice %arg3[%mul3A_45] : memref<160000xi32, #tpu.memory_space<hbm>> -> memref<128xi32, #tpu.memory_space<hbm>>
          tpu.enqueue_dma source(%dma_start3A_73 : memref<128xi32, #tpu.memory_space<hbm>>) target(%dma_start3A_72 : memref<128xi32, #tpu.memory_space<vmem>>) target_semaphore(%run_scoped3A_65 : memref<!tpu.dma_semaphore, #tpu.memory_space<semaphore_mem>>)
          %dma_wait3A = arith.constant 0 : i32
          %dma_wait3A_74 = tpu.memref_slice %arg7[%run_scoped3A, %dma_wait3A] : memref<2x128xi32, #tpu.memory_space<vmem>> -> memref<1x128xi32, #tpu.memory_space<vmem>>
          %dma_wait3A_75 = tpu.memref_squeeze %dma_wait3A_74 : memref<1x128xi32, #tpu.memory_space<vmem>> -> memref<128xi32, #tpu.memory_space<vmem>>
          %dma_wait3A_76 = tpu.memref_slice %arg3[%mul3A_45] : memref<160000xi32, #tpu.memory_space<hbm>> -> memref<128xi32, #tpu.memory_space<hbm>>
          %dma_wait3A_77 = arith.constant 0 : i32
          %dma_wait3A_78 = tpu.memref_slice %arg7[%run_scoped3A, %dma_wait3A_77] : memref<2x128xi32, #tpu.memory_space<vmem>> -> memref<1x128xi32, #tpu.memory_space<vmem>>
          %dma_wait3A_79 = tpu.memref_squeeze %dma_wait3A_78 : memref<1x128xi32, #tpu.memory_space<vmem>> -> memref<128xi32, #tpu.memory_space<vmem>>
          %dma_wait3A_80 = tpu.memref_slice %arg3[%mul3A_45] : memref<160000xi32, #tpu.memory_space<hbm>> -> memref<128xi32, #tpu.memory_space<hbm>>
          tpu.wait_dma2 semaphore(%run_scoped3A_65 : memref<!tpu.dma_semaphore, #tpu.memory_space<semaphore_mem>>) src(%dma_wait3A_80 : memref<128xi32, #tpu.memory_space<hbm>>) dst(%dma_wait3A_79 : memref<128xi32, #tpu.memory_space<vmem>>)
          tpu.yield
        }) : () -> ()
        %mul3A_46 = arith.constant 128 : i32
        %mul3A_47 = arith.muli %add3A_16, %mul3A_46 : i32
        %run_scoped3A_48 = arith.constant 0 : i32
        "tpu.region"() ({
          %run_scoped3A_65 = tpu.sem_alloc : memref<!tpu.dma_semaphore, #tpu.memory_space<semaphore_mem>>
          %dma_start3A_66 = arith.constant 0 : i32
          %dma_start3A_67 = tpu.memref_slice %arg8[%run_scoped3A_48, %dma_start3A_66] : memref<2x128xi32, #tpu.memory_space<vmem>> -> memref<1x128xi32, #tpu.memory_space<vmem>>
          %dma_start3A_68 = tpu.memref_squeeze %dma_start3A_67 : memref<1x128xi32, #tpu.memory_space<vmem>> -> memref<128xi32, #tpu.memory_space<vmem>>
          %dma_start3A_69 = tpu.memref_slice %arg4[%mul3A_47] : memref<160000xi32, #tpu.memory_space<hbm>> -> memref<128xi32, #tpu.memory_space<hbm>>
          %dma_start3A_70 = arith.constant 0 : i32
          %dma_start3A_71 = tpu.memref_slice %arg8[%run_scoped3A_48, %dma_start3A_70] : memref<2x128xi32, #tpu.memory_space<vmem>> -> memref<1x128xi32, #tpu.memory_space<vmem>>
          %dma_start3A_72 = tpu.memref_squeeze %dma_start3A_71 : memref<1x128xi32, #tpu.memory_space<vmem>> -> memref<128xi32, #tpu.memory_space<vmem>>
          %dma_start3A_73 = tpu.memref_slice %arg4[%mul3A_47] : memref<160000xi32, #tpu.memory_space<hbm>> -> memref<128xi32, #tpu.memory_space<hbm>>
          tpu.enqueue_dma source(%dma_start3A_73 : memref<128xi32, #tpu.memory_space<hbm>>) target(%dma_start3A_72 : memref<128xi32, #tpu.memory_space<vmem>>) target_semaphore(%run_scoped3A_65 : memref<!tpu.dma_semaphore, #tpu.memory_space<semaphore_mem>>)
          %dma_wait3A = arith.constant 0 : i32
          %dma_wait3A_74 = tpu.memref_slice %arg8[%run_scoped3A_48, %dma_wait3A] : memref<2x128xi32, #tpu.memory_space<vmem>> -> memref<1x128xi32, #tpu.memory_space<vmem>>
          %dma_wait3A_75 = tpu.memref_squeeze %dma_wait3A_74 : memref<1x128xi32, #tpu.memory_space<vmem>> -> memref<128xi32, #tpu.memory_space<vmem>>
          %dma_wait3A_76 = tpu.memref_slice %arg4[%mul3A_47] : memref<160000xi32, #tpu.memory_space<hbm>> -> memref<128xi32, #tpu.memory_space<hbm>>
          %dma_wait3A_77 = arith.constant 0 : i32
          %dma_wait3A_78 = tpu.memref_slice %arg8[%run_scoped3A_48, %dma_wait3A_77] : memref<2x128xi32, #tpu.memory_space<vmem>> -> memref<1x128xi32, #tpu.memory_space<vmem>>
          %dma_wait3A_79 = tpu.memref_squeeze %dma_wait3A_78 : memref<1x128xi32, #tpu.memory_space<vmem>> -> memref<128xi32, #tpu.memory_space<vmem>>
          %dma_wait3A_80 = tpu.memref_slice %arg4[%mul3A_47] : memref<160000xi32, #tpu.memory_space<hbm>> -> memref<128xi32, #tpu.memory_space<hbm>>
          tpu.wait_dma2 semaphore(%run_scoped3A_65 : memref<!tpu.dma_semaphore, #tpu.memory_space<semaphore_mem>>) src(%dma_wait3A_80 : memref<128xi32, #tpu.memory_space<hbm>>) dst(%dma_wait3A_79 : memref<128xi32, #tpu.memory_space<vmem>>)
          tpu.yield
        }) : () -> ()
        %dma_start3A = arith.constant 1 : i32
        %dma_start3A_49 = arith.constant 0 : i32
        %dma_start3A_50 = arith.constant 0 : i32
        %dma_start3A_51 = arith.constant 0 : i32
        %dma_start3A_52 = arith.constant 0 : i32
        %dma_start3A_53 = tpu.memref_slice %arg9[%dma_start3A_50, %dma_start3A_51, %dma_start3A_52] : memref<2x128x128xf32, #tpu.memory_space<vmem>> -> memref<1x128x128xf32, #tpu.memory_space<vmem>>
        %dma_start3A_54 = tpu.memref_squeeze %dma_start3A_53 : memref<1x128x128xf32, #tpu.memory_space<vmem>> -> memref<128x128xf32, #tpu.memory_space<vmem>>
        %dma_start3A_55 = arith.constant 0 : i32
        %dma_start3A_56 = tpu.memref_slice %arg7[%dma_start3A_49, %dma_start3A_55] : memref<2x128xi32, #tpu.memory_space<vmem>> -> memref<1x128xi32, #tpu.memory_space<vmem>>
        %dma_start3A_57 = tpu.memref_squeeze %dma_start3A_56 : memref<1x128xi32, #tpu.memory_space<vmem>> -> memref<128xi32, #tpu.memory_space<vmem>>
        %dma_start3A_58 = arith.constant 0 : i32
        %dma_start3A_59 = arith.constant 0 : i32
        %dma_start3A_60 = tpu.memref_slice %arg2[%dma_start3A, %dma_start3A_58, %dma_start3A_59] : memref<2x10000x128xf32, #tpu.memory_space<hbm>> -> memref<1x10000x128xf32, #tpu.memory_space<hbm>>
        %dma_start3A_61 = tpu.memref_squeeze %dma_start3A_60 : memref<1x10000x128xf32, #tpu.memory_space<hbm>> -> memref<10000x128xf32, #tpu.memory_space<hbm>>
        %dma_start3A_62 = arith.constant 0 : i32
        %dma_start3A_63 = arith.constant 0 : i32
        %dma_start3A_64 = tpu.memref_slice %dma_start3A_61[%dma_start3A_62, %dma_start3A_63] : memref<10000x128xf32, #tpu.memory_space<hbm>> -> memref<10000x128xf32, #tpu.memory_space<hbm>>
        tpu.enqueue_indirect_dma source(%dma_start3A_64 : memref<10000x128xf32, #tpu.memory_space<hbm>>) target(%dma_start3A_54 : memref<128x128xf32, #tpu.memory_space<vmem>>) offsets(%dma_start3A_57 : memref<128xi32, #tpu.memory_space<vmem>>) semaphore(%arg11 : memref<!tpu.dma_semaphore, #tpu.memory_space<semaphore_mem>>)
      } else {
      }
      %scan3A = arith.constant 0 : i32
      %scan3A_22 = arith.constant 0 : i32
      %scan3A_23 = arith.constant 39 : i32
      %scan3A_24 = arith.addi %scan3A_22, %scan3A_23 : i32
      %scan3A_25 = arith.constant 1 : i32
      scf.for %scan3A_45 = %scan3A_22 to %scan3A_24 step %scan3A_25  : i32 {
        %mul3A = arith.constant 2 : i32
        %mul3A_46 = arith.muli %mul3A, %scan3A_45 : i32
        %add3A_47 = arith.constant 1 : i32
        %add3A_48 = arith.addi %mul3A_46, %add3A_47 : i32
        %mul3A_49 = arith.constant 16 : i32
        %mul3A_50 = arith.muli %add3A_48, %mul3A_49 : i32
        %add3A_51 = arith.addi %mul3A_50, %arg1 : i32
        %lt3A_52 = arith.constant 1250 : i32
        %lt3A_53 = arith.cmpi slt, %add3A_51, %lt3A_52 : i32
        %convert_element_type3A_54 = arith.extui %lt3A_53 : i1 to i32
        %cond3A_55 = arith.constant 0 : i32
        %cond3A_56 = arith.cmpi ne, %convert_element_type3A_54, %cond3A_55 : i32
        scf.if %cond3A_56 {
          %mul3A_91 = arith.constant 128 : i32
          %mul3A_92 = arith.muli %add3A_51, %mul3A_91 : i32
          %run_scoped3A = arith.constant 1 : i32
          "tpu.region"() ({
            %run_scoped3A_112 = tpu.sem_alloc : memref<!tpu.dma_semaphore, #tpu.memory_space<semaphore_mem>>
            %dma_start3A_113 = arith.constant 0 : i32
            %dma_start3A_114 = tpu.memref_slice %arg7[%run_scoped3A, %dma_start3A_113] : memref<2x128xi32, #tpu.memory_space<vmem>> -> memref<1x128xi32, #tpu.memory_space<vmem>>
            %dma_start3A_115 = tpu.memref_squeeze %dma_start3A_114 : memref<1x128xi32, #tpu.memory_space<vmem>> -> memref<128xi32, #tpu.memory_space<vmem>>
            %dma_start3A_116 = tpu.memref_slice %arg3[%mul3A_92] : memref<160000xi32, #tpu.memory_space<hbm>> -> memref<128xi32, #tpu.memory_space<hbm>>
            %dma_start3A_117 = arith.constant 0 : i32
            %dma_start3A_118 = tpu.memref_slice %arg7[%run_scoped3A, %dma_start3A_117] : memref<2x128xi32, #tpu.memory_space<vmem>> -> memref<1x128xi32, #tpu.memory_space<vmem>>
            %dma_start3A_119 = tpu.memref_squeeze %dma_start3A_118 : memref<1x128xi32, #tpu.memory_space<vmem>> -> memref<128xi32, #tpu.memory_space<vmem>>
            %dma_start3A_120 = tpu.memref_slice %arg3[%mul3A_92] : memref<160000xi32, #tpu.memory_space<hbm>> -> memref<128xi32, #tpu.memory_space<hbm>>
            tpu.enqueue_dma source(%dma_start3A_120 : memref<128xi32, #tpu.memory_space<hbm>>) target(%dma_start3A_119 : memref<128xi32, #tpu.memory_space<vmem>>) target_semaphore(%run_scoped3A_112 : memref<!tpu.dma_semaphore, #tpu.memory_space<semaphore_mem>>)
            %dma_wait3A = arith.constant 0 : i32
            %dma_wait3A_121 = tpu.memref_slice %arg7[%run_scoped3A, %dma_wait3A] : memref<2x128xi32, #tpu.memory_space<vmem>> -> memref<1x128xi32, #tpu.memory_space<vmem>>
            %dma_wait3A_122 = tpu.memref_squeeze %dma_wait3A_121 : memref<1x128xi32, #tpu.memory_space<vmem>> -> memref<128xi32, #tpu.memory_space<vmem>>
            %dma_wait3A_123 = tpu.memref_slice %arg3[%mul3A_92] : memref<160000xi32, #tpu.memory_space<hbm>> -> memref<128xi32, #tpu.memory_space<hbm>>
            %dma_wait3A_124 = arith.constant 0 : i32
            %dma_wait3A_125 = tpu.memref_slice %arg7[%run_scoped3A, %dma_wait3A_124] : memref<2x128xi32, #tpu.memory_space<vmem>> -> memref<1x128xi32, #tpu.memory_space<vmem>>
            %dma_wait3A_126 = tpu.memref_squeeze %dma_wait3A_125 : memref<1x128xi32, #tpu.memory_space<vmem>> -> memref<128xi32, #tpu.memory_space<vmem>>
            %dma_wait3A_127 = tpu.memref_slice %arg3[%mul3A_92] : memref<160000xi32, #tpu.memory_space<hbm>> -> memref<128xi32, #tpu.memory_space<hbm>>
            tpu.wait_dma2 semaphore(%run_scoped3A_112 : memref<!tpu.dma_semaphore, #tpu.memory_space<semaphore_mem>>) src(%dma_wait3A_127 : memref<128xi32, #tpu.memory_space<hbm>>) dst(%dma_wait3A_126 : memref<128xi32, #tpu.memory_space<vmem>>)
            tpu.yield
          }) : () -> ()
          %mul3A_93 = arith.constant 128 : i32
          %mul3A_94 = arith.muli %add3A_51, %mul3A_93 : i32
          %run_scoped3A_95 = arith.constant 1 : i32
          "tpu.region"() ({
            %run_scoped3A_112 = tpu.sem_alloc : memref<!tpu.dma_semaphore, #tpu.memory_space<semaphore_mem>>
            %dma_start3A_113 = arith.constant 0 : i32
            %dma_start3A_114 = tpu.memref_slice %arg8[%run_scoped3A_95, %dma_start3A_113] : memref<2x128xi32, #tpu.memory_space<vmem>> -> memref<1x128xi32, #tpu.memory_space<vmem>>
            %dma_start3A_115 = tpu.memref_squeeze %dma_start3A_114 : memref<1x128xi32, #tpu.memory_space<vmem>> -> memref<128xi32, #tpu.memory_space<vmem>>
            %dma_start3A_116 = tpu.memref_slice %arg4[%mul3A_94] : memref<160000xi32, #tpu.memory_space<hbm>> -> memref<128xi32, #tpu.memory_space<hbm>>
            %dma_start3A_117 = arith.constant 0 : i32
            %dma_start3A_118 = tpu.memref_slice %arg8[%run_scoped3A_95, %dma_start3A_117] : memref<2x128xi32, #tpu.memory_space<vmem>> -> memref<1x128xi32, #tpu.memory_space<vmem>>
            %dma_start3A_119 = tpu.memref_squeeze %dma_start3A_118 : memref<1x128xi32, #tpu.memory_space<vmem>> -> memref<128xi32, #tpu.memory_space<vmem>>
            %dma_start3A_120 = tpu.memref_slice %arg4[%mul3A_94] : memref<160000xi32, #tpu.memory_space<hbm>> -> memref<128xi32, #tpu.memory_space<hbm>>
            tpu.enqueue_dma source(%dma_start3A_120 : memref<128xi32, #tpu.memory_space<hbm>>) target(%dma_start3A_119 : memref<128xi32, #tpu.memory_space<vmem>>) target_semaphore(%run_scoped3A_112 : memref<!tpu.dma_semaphore, #tpu.memory_space<semaphore_mem>>)
            %dma_wait3A = arith.constant 0 : i32
            %dma_wait3A_121 = tpu.memref_slice %arg8[%run_scoped3A_95, %dma_wait3A] : memref<2x128xi32, #tpu.memory_space<vmem>> -> memref<1x128xi32, #tpu.memory_space<vmem>>
            %dma_wait3A_122 = tpu.memref_squeeze %dma_wait3A_121 : memref<1x128xi32, #tpu.memory_space<vmem>> -> memref<128xi32, #tpu.memory_space<vmem>>
            %dma_wait3A_123 = tpu.memref_slice %arg4[%mul3A_94] : memref<160000xi32, #tpu.memory_space<hbm>> -> memref<128xi32, #tpu.memory_space<hbm>>
            %dma_wait3A_124 = arith.constant 0 : i32
            %dma_wait3A_125 = tpu.memref_slice %arg8[%run_scoped3A_95, %dma_wait3A_124] : memref<2x128xi32, #tpu.memory_space<vmem>> -> memref<1x128xi32, #tpu.memory_space<vmem>>
            %dma_wait3A_126 = tpu.memref_squeeze %dma_wait3A_125 : memref<1x128xi32, #tpu.memory_space<vmem>> -> memref<128xi32, #tpu.memory_space<vmem>>
            %dma_wait3A_127 = tpu.memref_slice %arg4[%mul3A_94] : memref<160000xi32, #tpu.memory_space<hbm>> -> memref<128xi32, #tpu.memory_space<hbm>>
            tpu.wait_dma2 semaphore(%run_scoped3A_112 : memref<!tpu.dma_semaphore, #tpu.memory_space<semaphore_mem>>) src(%dma_wait3A_127 : memref<128xi32, #tpu.memory_space<hbm>>) dst(%dma_wait3A_126 : memref<128xi32, #tpu.memory_space<vmem>>)
            tpu.yield
          }) : () -> ()
          %dma_start3A = arith.constant 1 : i32
          %dma_start3A_96 = arith.constant 1 : i32
          %dma_start3A_97 = arith.constant 1 : i32
          %dma_start3A_98 = arith.constant 0 : i32
          %dma_start3A_99 = arith.constant 0 : i32
          %dma_start3A_100 = tpu.memref_slice %arg9[%dma_start3A_97, %dma_start3A_98, %dma_start3A_99] : memref<2x128x128xf32, #tpu.memory_space<vmem>> -> memref<1x128x128xf32, #tpu.memory_space<vmem>>
          %dma_start3A_101 = tpu.memref_squeeze %dma_start3A_100 : memref<1x128x128xf32, #tpu.memory_space<vmem>> -> memref<128x128xf32, #tpu.memory_space<vmem>>
          %dma_start3A_102 = arith.constant 0 : i32
          %dma_start3A_103 = tpu.memref_slice %arg7[%dma_start3A_96, %dma_start3A_102] : memref<2x128xi32, #tpu.memory_space<vmem>> -> memref<1x128xi32, #tpu.memory_space<vmem>>
          %dma_start3A_104 = tpu.memref_squeeze %dma_start3A_103 : memref<1x128xi32, #tpu.memory_space<vmem>> -> memref<128xi32, #tpu.memory_space<vmem>>
          %dma_start3A_105 = arith.constant 0 : i32
          %dma_start3A_106 = arith.constant 0 : i32
          %dma_start3A_107 = tpu.memref_slice %arg2[%dma_start3A, %dma_start3A_105, %dma_start3A_106] : memref<2x10000x128xf32, #tpu.memory_space<hbm>> -> memref<1x10000x128xf32, #tpu.memory_space<hbm>>
          %dma_start3A_108 = tpu.memref_squeeze %dma_start3A_107 : memref<1x10000x128xf32, #tpu.memory_space<hbm>> -> memref<10000x128xf32, #tpu.memory_space<hbm>>
          %dma_start3A_109 = arith.constant 0 : i32
          %dma_start3A_110 = arith.constant 0 : i32
          %dma_start3A_111 = tpu.memref_slice %dma_start3A_108[%dma_start3A_109, %dma_start3A_110] : memref<10000x128xf32, #tpu.memory_space<hbm>> -> memref<10000x128xf32, #tpu.memory_space<hbm>>
          tpu.enqueue_indirect_dma source(%dma_start3A_111 : memref<10000x128xf32, #tpu.memory_space<hbm>>) target(%dma_start3A_101 : memref<128x128xf32, #tpu.memory_space<vmem>>) offsets(%dma_start3A_104 : memref<128xi32, #tpu.memory_space<vmem>>) semaphore(%arg12 : memref<!tpu.dma_semaphore, #tpu.memory_space<semaphore_mem>>)
        } else {
        }
        %mul3A_57 = arith.constant 2 : i32
        %mul3A_58 = arith.muli %mul3A_57, %scan3A_45 : i32
        %mul3A_59 = arith.constant 16 : i32
        %mul3A_60 = arith.muli %mul3A_58, %mul3A_59 : i32
        %add3A_61 = arith.addi %mul3A_60, %arg1 : i32
        %lt3A_62 = arith.constant 1250 : i32
        %lt3A_63 = arith.cmpi slt, %add3A_61, %lt3A_62 : i32
        %convert_element_type3A_64 = arith.extui %lt3A_63 : i1 to i32
        %cond3A_65 = arith.constant 0 : i32
        %cond3A_66 = arith.cmpi ne, %convert_element_type3A_64, %cond3A_65 : i32
        scf.if %cond3A_66 {
          %dma_wait3A = arith.constant 1 : i32
          %dma_wait3A_91 = arith.constant 0 : i32
          %dma_wait3A_92 = arith.constant 0 : i32
          %dma_wait3A_93 = arith.constant 0 : i32
          %dma_wait3A_94 = arith.constant 0 : i32
          %dma_wait3A_95 = tpu.memref_slice %arg9[%dma_wait3A_92, %dma_wait3A_93, %dma_wait3A_94] : memref<2x128x128xf32, #tpu.memory_space<vmem>> -> memref<1x128x128xf32, #tpu.memory_space<vmem>>
          %dma_wait3A_96 = tpu.memref_squeeze %dma_wait3A_95 : memref<1x128x128xf32, #tpu.memory_space<vmem>> -> memref<128x128xf32, #tpu.memory_space<vmem>>
          %dma_wait3A_97 = arith.constant 0 : i32
          %dma_wait3A_98 = tpu.memref_slice %arg7[%dma_wait3A_91, %dma_wait3A_97] : memref<2x128xi32, #tpu.memory_space<vmem>> -> memref<1x128xi32, #tpu.memory_space<vmem>>
          %dma_wait3A_99 = tpu.memref_squeeze %dma_wait3A_98 : memref<1x128xi32, #tpu.memory_space<vmem>> -> memref<128xi32, #tpu.memory_space<vmem>>
          %dma_wait3A_100 = arith.constant 0 : i32
          %dma_wait3A_101 = arith.constant 0 : i32
          %dma_wait3A_102 = tpu.memref_slice %arg2[%dma_wait3A, %dma_wait3A_100, %dma_wait3A_101] : memref<2x10000x128xf32, #tpu.memory_space<hbm>> -> memref<1x10000x128xf32, #tpu.memory_space<hbm>>
          %dma_wait3A_103 = tpu.memref_squeeze %dma_wait3A_102 : memref<1x10000x128xf32, #tpu.memory_space<hbm>> -> memref<10000x128xf32, #tpu.memory_space<hbm>>
          %dma_wait3A_104 = arith.constant 0 : i32
          %dma_wait3A_105 = arith.constant 0 : i32
          %dma_wait3A_106 = tpu.memref_slice %dma_wait3A_103[%dma_wait3A_104, %dma_wait3A_105] : memref<10000x128xf32, #tpu.memory_space<hbm>> -> memref<10000x128xf32, #tpu.memory_space<hbm>>
          tpu.wait_indirect_dma semaphore(%arg11 : memref<!tpu.dma_semaphore, #tpu.memory_space<semaphore_mem>>) src(%dma_wait3A_106 : memref<10000x128xf32, #tpu.memory_space<hbm>>) dst(%dma_wait3A_96 : memref<128x128xf32, #tpu.memory_space<vmem>>)
          %run_scoped3A = arith.constant 0 : i32
          %run_scoped3A_107 = arith.constant 0 : i32
          "tpu.region"() ({
            %run_scoped3A_108 = tpu.sem_alloc : memref<!tpu.dma_semaphore, #tpu.memory_space<semaphore_mem>>
            %dma_start3A = arith.constant 0 : i32
            %dma_start3A_109 = arith.constant 0 : i32
            %dma_start3A_110 = tpu.memref_slice %arg9[%run_scoped3A, %dma_start3A, %dma_start3A_109] : memref<2x128x128xf32, #tpu.memory_space<vmem>> -> memref<1x128x128xf32, #tpu.memory_space<vmem>>
            %dma_start3A_111 = tpu.memref_squeeze %dma_start3A_110 : memref<1x128x128xf32, #tpu.memory_space<vmem>> -> memref<128x128xf32, #tpu.memory_space<vmem>>
            %dma_start3A_112 = arith.constant 0 : i32
            %dma_start3A_113 = tpu.memref_slice %arg8[%run_scoped3A_107, %dma_start3A_112] : memref<2x128xi32, #tpu.memory_space<vmem>> -> memref<1x128xi32, #tpu.memory_space<vmem>>
            %dma_start3A_114 = tpu.memref_squeeze %dma_start3A_113 : memref<1x128xi32, #tpu.memory_space<vmem>> -> memref<128xi32, #tpu.memory_space<vmem>>
            %dma_start3A_115 = arith.constant 0 : i32
            %dma_start3A_116 = arith.constant 0 : i32
            %dma_start3A_117 = tpu.memref_slice %arg10[%dma_start3A_115, %dma_start3A_116] : memref<10000x128xf32, #tpu.memory_space<vmem_shared>> -> memref<10000x128xf32, #tpu.memory_space<vmem_shared>>
            tpu.enqueue_indirect_dma source(%dma_start3A_111 : memref<128x128xf32, #tpu.memory_space<vmem>>) target(%dma_start3A_117 : memref<10000x128xf32, #tpu.memory_space<vmem_shared>>) offsets(%dma_start3A_114 : memref<128xi32, #tpu.memory_space<vmem>>) semaphore(%run_scoped3A_108 : memref<!tpu.dma_semaphore, #tpu.memory_space<semaphore_mem>>) {add = true}
            %dma_wait3A_118 = arith.constant 0 : i32
            %dma_wait3A_119 = arith.constant 0 : i32
            %dma_wait3A_120 = tpu.memref_slice %arg9[%run_scoped3A, %dma_wait3A_118, %dma_wait3A_119] : memref<2x128x128xf32, #tpu.memory_space<vmem>> -> memref<1x128x128xf32, #tpu.memory_space<vmem>>
            %dma_wait3A_121 = tpu.memref_squeeze %dma_wait3A_120 : memref<1x128x128xf32, #tpu.memory_space<vmem>> -> memref<128x128xf32, #tpu.memory_space<vmem>>
            %dma_wait3A_122 = arith.constant 0 : i32
            %dma_wait3A_123 = tpu.memref_slice %arg8[%run_scoped3A_107, %dma_wait3A_122] : memref<2x128xi32, #tpu.memory_space<vmem>> -> memref<1x128xi32, #tpu.memory_space<vmem>>
            %dma_wait3A_124 = tpu.memref_squeeze %dma_wait3A_123 : memref<1x128xi32, #tpu.memory_space<vmem>> -> memref<128xi32, #tpu.memory_space<vmem>>
            %dma_wait3A_125 = arith.constant 0 : i32
            %dma_wait3A_126 = arith.constant 0 : i32
            %dma_wait3A_127 = tpu.memref_slice %arg10[%dma_wait3A_125, %dma_wait3A_126] : memref<10000x128xf32, #tpu.memory_space<vmem_shared>> -> memref<10000x128xf32, #tpu.memory_space<vmem_shared>>
            tpu.wait_indirect_dma semaphore(%run_scoped3A_108 : memref<!tpu.dma_semaphore, #tpu.memory_space<semaphore_mem>>) src(%dma_wait3A_121 : memref<128x128xf32, #tpu.memory_space<vmem>>) dst(%dma_wait3A_127 : memref<10000x128xf32, #tpu.memory_space<vmem_shared>>)
            tpu.yield
          }) : () -> ()
        } else {
        }
        %mul3A_67 = arith.constant 2 : i32
        %mul3A_68 = arith.muli %mul3A_67, %scan3A_45 : i32
        %add3A_69 = arith.constant 2 : i32
        %add3A_70 = arith.addi %mul3A_68, %add3A_69 : i32
        %mul3A_71 = arith.constant 16 : i32
        %mul3A_72 = arith.muli %add3A_70, %mul3A_71 : i32
        %add3A_73 = arith.addi %mul3A_72, %arg1 : i32
        %lt3A_74 = arith.constant 1250 : i32
        %lt3A_75 = arith.cmpi slt, %add3A_73, %lt3A_74 : i32
        %convert_element_type3A_76 = arith.extui %lt3A_75 : i1 to i32
        %cond3A_77 = arith.constant 0 : i32
        %cond3A_78 = arith.cmpi ne, %convert_element_type3A_76, %cond3A_77 : i32
        scf.if %cond3A_78 {
          %mul3A_91 = arith.constant 128 : i32
          %mul3A_92 = arith.muli %add3A_73, %mul3A_91 : i32
          %run_scoped3A = arith.constant 0 : i32
          "tpu.region"() ({
            %run_scoped3A_112 = tpu.sem_alloc : memref<!tpu.dma_semaphore, #tpu.memory_space<semaphore_mem>>
            %dma_start3A_113 = arith.constant 0 : i32
            %dma_start3A_114 = tpu.memref_slice %arg7[%run_scoped3A, %dma_start3A_113] : memref<2x128xi32, #tpu.memory_space<vmem>> -> memref<1x128xi32, #tpu.memory_space<vmem>>
            %dma_start3A_115 = tpu.memref_squeeze %dma_start3A_114 : memref<1x128xi32, #tpu.memory_space<vmem>> -> memref<128xi32, #tpu.memory_space<vmem>>
            %dma_start3A_116 = tpu.memref_slice %arg3[%mul3A_92] : memref<160000xi32, #tpu.memory_space<hbm>> -> memref<128xi32, #tpu.memory_space<hbm>>
            %dma_start3A_117 = arith.constant 0 : i32
            %dma_start3A_118 = tpu.memref_slice %arg7[%run_scoped3A, %dma_start3A_117] : memref<2x128xi32, #tpu.memory_space<vmem>> -> memref<1x128xi32, #tpu.memory_space<vmem>>
            %dma_start3A_119 = tpu.memref_squeeze %dma_start3A_118 : memref<1x128xi32, #tpu.memory_space<vmem>> -> memref<128xi32, #tpu.memory_space<vmem>>
            %dma_start3A_120 = tpu.memref_slice %arg3[%mul3A_92] : memref<160000xi32, #tpu.memory_space<hbm>> -> memref<128xi32, #tpu.memory_space<hbm>>
            tpu.enqueue_dma source(%dma_start3A_120 : memref<128xi32, #tpu.memory_space<hbm>>) target(%dma_start3A_119 : memref<128xi32, #tpu.memory_space<vmem>>) target_semaphore(%run_scoped3A_112 : memref<!tpu.dma_semaphore, #tpu.memory_space<semaphore_mem>>)
            %dma_wait3A = arith.constant 0 : i32
            %dma_wait3A_121 = tpu.memref_slice %arg7[%run_scoped3A, %dma_wait3A] : memref<2x128xi32, #tpu.memory_space<vmem>> -> memref<1x128xi32, #tpu.memory_space<vmem>>
            %dma_wait3A_122 = tpu.memref_squeeze %dma_wait3A_121 : memref<1x128xi32, #tpu.memory_space<vmem>> -> memref<128xi32, #tpu.memory_space<vmem>>
            %dma_wait3A_123 = tpu.memref_slice %arg3[%mul3A_92] : memref<160000xi32, #tpu.memory_space<hbm>> -> memref<128xi32, #tpu.memory_space<hbm>>
            %dma_wait3A_124 = arith.constant 0 : i32
            %dma_wait3A_125 = tpu.memref_slice %arg7[%run_scoped3A, %dma_wait3A_124] : memref<2x128xi32, #tpu.memory_space<vmem>> -> memref<1x128xi32, #tpu.memory_space<vmem>>
            %dma_wait3A_126 = tpu.memref_squeeze %dma_wait3A_125 : memref<1x128xi32, #tpu.memory_space<vmem>> -> memref<128xi32, #tpu.memory_space<vmem>>
            %dma_wait3A_127 = tpu.memref_slice %arg3[%mul3A_92] : memref<160000xi32, #tpu.memory_space<hbm>> -> memref<128xi32, #tpu.memory_space<hbm>>
            tpu.wait_dma2 semaphore(%run_scoped3A_112 : memref<!tpu.dma_semaphore, #tpu.memory_space<semaphore_mem>>) src(%dma_wait3A_127 : memref<128xi32, #tpu.memory_space<hbm>>) dst(%dma_wait3A_126 : memref<128xi32, #tpu.memory_space<vmem>>)
            tpu.yield
          }) : () -> ()
          %mul3A_93 = arith.constant 128 : i32
          %mul3A_94 = arith.muli %add3A_73, %mul3A_93 : i32
          %run_scoped3A_95 = arith.constant 0 : i32
          "tpu.region"() ({
            %run_scoped3A_112 = tpu.sem_alloc : memref<!tpu.dma_semaphore, #tpu.memory_space<semaphore_mem>>
            %dma_start3A_113 = arith.constant 0 : i32
            %dma_start3A_114 = tpu.memref_slice %arg8[%run_scoped3A_95, %dma_start3A_113] : memref<2x128xi32, #tpu.memory_space<vmem>> -> memref<1x128xi32, #tpu.memory_space<vmem>>
            %dma_start3A_115 = tpu.memref_squeeze %dma_start3A_114 : memref<1x128xi32, #tpu.memory_space<vmem>> -> memref<128xi32, #tpu.memory_space<vmem>>
            %dma_start3A_116 = tpu.memref_slice %arg4[%mul3A_94] : memref<160000xi32, #tpu.memory_space<hbm>> -> memref<128xi32, #tpu.memory_space<hbm>>
            %dma_start3A_117 = arith.constant 0 : i32
            %dma_start3A_118 = tpu.memref_slice %arg8[%run_scoped3A_95, %dma_start3A_117] : memref<2x128xi32, #tpu.memory_space<vmem>> -> memref<1x128xi32, #tpu.memory_space<vmem>>
            %dma_start3A_119 = tpu.memref_squeeze %dma_start3A_118 : memref<1x128xi32, #tpu.memory_space<vmem>> -> memref<128xi32, #tpu.memory_space<vmem>>
            %dma_start3A_120 = tpu.memref_slice %arg4[%mul3A_94] : memref<160000xi32, #tpu.memory_space<hbm>> -> memref<128xi32, #tpu.memory_space<hbm>>
            tpu.enqueue_dma source(%dma_start3A_120 : memref<128xi32, #tpu.memory_space<hbm>>) target(%dma_start3A_119 : memref<128xi32, #tpu.memory_space<vmem>>) target_semaphore(%run_scoped3A_112 : memref<!tpu.dma_semaphore, #tpu.memory_space<semaphore_mem>>)
            %dma_wait3A = arith.constant 0 : i32
            %dma_wait3A_121 = tpu.memref_slice %arg8[%run_scoped3A_95, %dma_wait3A] : memref<2x128xi32, #tpu.memory_space<vmem>> -> memref<1x128xi32, #tpu.memory_space<vmem>>
            %dma_wait3A_122 = tpu.memref_squeeze %dma_wait3A_121 : memref<1x128xi32, #tpu.memory_space<vmem>> -> memref<128xi32, #tpu.memory_space<vmem>>
            %dma_wait3A_123 = tpu.memref_slice %arg4[%mul3A_94] : memref<160000xi32, #tpu.memory_space<hbm>> -> memref<128xi32, #tpu.memory_space<hbm>>
            %dma_wait3A_124 = arith.constant 0 : i32
            %dma_wait3A_125 = tpu.memref_slice %arg8[%run_scoped3A_95, %dma_wait3A_124] : memref<2x128xi32, #tpu.memory_space<vmem>> -> memref<1x128xi32, #tpu.memory_space<vmem>>
            %dma_wait3A_126 = tpu.memref_squeeze %dma_wait3A_125 : memref<1x128xi32, #tpu.memory_space<vmem>> -> memref<128xi32, #tpu.memory_space<vmem>>
            %dma_wait3A_127 = tpu.memref_slice %arg4[%mul3A_94] : memref<160000xi32, #tpu.memory_space<hbm>> -> memref<128xi32, #tpu.memory_space<hbm>>
            tpu.wait_dma2 semaphore(%run_scoped3A_112 : memref<!tpu.dma_semaphore, #tpu.memory_space<semaphore_mem>>) src(%dma_wait3A_127 : memref<128xi32, #tpu.memory_space<hbm>>) dst(%dma_wait3A_126 : memref<128xi32, #tpu.memory_space<vmem>>)
            tpu.yield
          }) : () -> ()
          %dma_start3A = arith.constant 1 : i32
          %dma_start3A_96 = arith.constant 0 : i32
          %dma_start3A_97 = arith.constant 0 : i32
          %dma_start3A_98 = arith.constant 0 : i32
          %dma_start3A_99 = arith.constant 0 : i32
          %dma_start3A_100 = tpu.memref_slice %arg9[%dma_start3A_97, %dma_start3A_98, %dma_start3A_99] : memref<2x128x128xf32, #tpu.memory_space<vmem>> -> memref<1x128x128xf32, #tpu.memory_space<vmem>>
          %dma_start3A_101 = tpu.memref_squeeze %dma_start3A_100 : memref<1x128x128xf32, #tpu.memory_space<vmem>> -> memref<128x128xf32, #tpu.memory_space<vmem>>
          %dma_start3A_102 = arith.constant 0 : i32
          %dma_start3A_103 = tpu.memref_slice %arg7[%dma_start3A_96, %dma_start3A_102] : memref<2x128xi32, #tpu.memory_space<vmem>> -> memref<1x128xi32, #tpu.memory_space<vmem>>
          %dma_start3A_104 = tpu.memref_squeeze %dma_start3A_103 : memref<1x128xi32, #tpu.memory_space<vmem>> -> memref<128xi32, #tpu.memory_space<vmem>>
          %dma_start3A_105 = arith.constant 0 : i32
          %dma_start3A_106 = arith.constant 0 : i32
          %dma_start3A_107 = tpu.memref_slice %arg2[%dma_start3A, %dma_start3A_105, %dma_start3A_106] : memref<2x10000x128xf32, #tpu.memory_space<hbm>> -> memref<1x10000x128xf32, #tpu.memory_space<hbm>>
          %dma_start3A_108 = tpu.memref_squeeze %dma_start3A_107 : memref<1x10000x128xf32, #tpu.memory_space<hbm>> -> memref<10000x128xf32, #tpu.memory_space<hbm>>
          %dma_start3A_109 = arith.constant 0 : i32
          %dma_start3A_110 = arith.constant 0 : i32
          %dma_start3A_111 = tpu.memref_slice %dma_start3A_108[%dma_start3A_109, %dma_start3A_110] : memref<10000x128xf32, #tpu.memory_space<hbm>> -> memref<10000x128xf32, #tpu.memory_space<hbm>>
          tpu.enqueue_indirect_dma source(%dma_start3A_111 : memref<10000x128xf32, #tpu.memory_space<hbm>>) target(%dma_start3A_101 : memref<128x128xf32, #tpu.memory_space<vmem>>) offsets(%dma_start3A_104 : memref<128xi32, #tpu.memory_space<vmem>>) semaphore(%arg11 : memref<!tpu.dma_semaphore, #tpu.memory_space<semaphore_mem>>)
        } else {
        }
        %mul3A_79 = arith.constant 2 : i32
        %mul3A_80 = arith.muli %mul3A_79, %scan3A_45 : i32
        %add3A_81 = arith.constant 1 : i32
        %add3A_82 = arith.addi %mul3A_80, %add3A_81 : i32
        %mul3A_83 = arith.constant 16 : i32
        %mul3A_84 = arith.muli %add3A_82, %mul3A_83 : i32
        %add3A_85 = arith.addi %mul3A_84, %arg1 : i32
        %lt3A_86 = arith.constant 1250 : i32
        %lt3A_87 = arith.cmpi slt, %add3A_85, %lt3A_86 : i32
        %convert_element_type3A_88 = arith.extui %lt3A_87 : i1 to i32
        %cond3A_89 = arith.constant 0 : i32
        %cond3A_90 = arith.cmpi ne, %convert_element_type3A_88, %cond3A_89 : i32
        scf.if %cond3A_90 {
          %dma_wait3A = arith.constant 1 : i32
          %dma_wait3A_91 = arith.constant 1 : i32
          %dma_wait3A_92 = arith.constant 1 : i32
          %dma_wait3A_93 = arith.constant 0 : i32
          %dma_wait3A_94 = arith.constant 0 : i32
          %dma_wait3A_95 = tpu.memref_slice %arg9[%dma_wait3A_92, %dma_wait3A_93, %dma_wait3A_94] : memref<2x128x128xf32, #tpu.memory_space<vmem>> -> memref<1x128x128xf32, #tpu.memory_space<vmem>>
          %dma_wait3A_96 = tpu.memref_squeeze %dma_wait3A_95 : memref<1x128x128xf32, #tpu.memory_space<vmem>> -> memref<128x128xf32, #tpu.memory_space<vmem>>
          %dma_wait3A_97 = arith.constant 0 : i32
          %dma_wait3A_98 = tpu.memref_slice %arg7[%dma_wait3A_91, %dma_wait3A_97] : memref<2x128xi32, #tpu.memory_space<vmem>> -> memref<1x128xi32, #tpu.memory_space<vmem>>
          %dma_wait3A_99 = tpu.memref_squeeze %dma_wait3A_98 : memref<1x128xi32, #tpu.memory_space<vmem>> -> memref<128xi32, #tpu.memory_space<vmem>>
          %dma_wait3A_100 = arith.constant 0 : i32
          %dma_wait3A_101 = arith.constant 0 : i32
          %dma_wait3A_102 = tpu.memref_slice %arg2[%dma_wait3A, %dma_wait3A_100, %dma_wait3A_101] : memref<2x10000x128xf32, #tpu.memory_space<hbm>> -> memref<1x10000x128xf32, #tpu.memory_space<hbm>>
          %dma_wait3A_103 = tpu.memref_squeeze %dma_wait3A_102 : memref<1x10000x128xf32, #tpu.memory_space<hbm>> -> memref<10000x128xf32, #tpu.memory_space<hbm>>
          %dma_wait3A_104 = arith.constant 0 : i32
          %dma_wait3A_105 = arith.constant 0 : i32
          %dma_wait3A_106 = tpu.memref_slice %dma_wait3A_103[%dma_wait3A_104, %dma_wait3A_105] : memref<10000x128xf32, #tpu.memory_space<hbm>> -> memref<10000x128xf32, #tpu.memory_space<hbm>>
          tpu.wait_indirect_dma semaphore(%arg12 : memref<!tpu.dma_semaphore, #tpu.memory_space<semaphore_mem>>) src(%dma_wait3A_106 : memref<10000x128xf32, #tpu.memory_space<hbm>>) dst(%dma_wait3A_96 : memref<128x128xf32, #tpu.memory_space<vmem>>)
          %run_scoped3A = arith.constant 1 : i32
          %run_scoped3A_107 = arith.constant 1 : i32
          "tpu.region"() ({
            %run_scoped3A_108 = tpu.sem_alloc : memref<!tpu.dma_semaphore, #tpu.memory_space<semaphore_mem>>
            %dma_start3A = arith.constant 0 : i32
            %dma_start3A_109 = arith.constant 0 : i32
            %dma_start3A_110 = tpu.memref_slice %arg9[%run_scoped3A, %dma_start3A, %dma_start3A_109] : memref<2x128x128xf32, #tpu.memory_space<vmem>> -> memref<1x128x128xf32, #tpu.memory_space<vmem>>
            %dma_start3A_111 = tpu.memref_squeeze %dma_start3A_110 : memref<1x128x128xf32, #tpu.memory_space<vmem>> -> memref<128x128xf32, #tpu.memory_space<vmem>>
            %dma_start3A_112 = arith.constant 0 : i32
            %dma_start3A_113 = tpu.memref_slice %arg8[%run_scoped3A_107, %dma_start3A_112] : memref<2x128xi32, #tpu.memory_space<vmem>> -> memref<1x128xi32, #tpu.memory_space<vmem>>
            %dma_start3A_114 = tpu.memref_squeeze %dma_start3A_113 : memref<1x128xi32, #tpu.memory_space<vmem>> -> memref<128xi32, #tpu.memory_space<vmem>>
            %dma_start3A_115 = arith.constant 0 : i32
            %dma_start3A_116 = arith.constant 0 : i32
            %dma_start3A_117 = tpu.memref_slice %arg10[%dma_start3A_115, %dma_start3A_116] : memref<10000x128xf32, #tpu.memory_space<vmem_shared>> -> memref<10000x128xf32, #tpu.memory_space<vmem_shared>>
            tpu.enqueue_indirect_dma source(%dma_start3A_111 : memref<128x128xf32, #tpu.memory_space<vmem>>) target(%dma_start3A_117 : memref<10000x128xf32, #tpu.memory_space<vmem_shared>>) offsets(%dma_start3A_114 : memref<128xi32, #tpu.memory_space<vmem>>) semaphore(%run_scoped3A_108 : memref<!tpu.dma_semaphore, #tpu.memory_space<semaphore_mem>>) {add = true}
            %dma_wait3A_118 = arith.constant 0 : i32
            %dma_wait3A_119 = arith.constant 0 : i32
            %dma_wait3A_120 = tpu.memref_slice %arg9[%run_scoped3A, %dma_wait3A_118, %dma_wait3A_119] : memref<2x128x128xf32, #tpu.memory_space<vmem>> -> memref<1x128x128xf32, #tpu.memory_space<vmem>>
            %dma_wait3A_121 = tpu.memref_squeeze %dma_wait3A_120 : memref<1x128x128xf32, #tpu.memory_space<vmem>> -> memref<128x128xf32, #tpu.memory_space<vmem>>
            %dma_wait3A_122 = arith.constant 0 : i32
            %dma_wait3A_123 = tpu.memref_slice %arg8[%run_scoped3A_107, %dma_wait3A_122] : memref<2x128xi32, #tpu.memory_space<vmem>> -> memref<1x128xi32, #tpu.memory_space<vmem>>
            %dma_wait3A_124 = tpu.memref_squeeze %dma_wait3A_123 : memref<1x128xi32, #tpu.memory_space<vmem>> -> memref<128xi32, #tpu.memory_space<vmem>>
            %dma_wait3A_125 = arith.constant 0 : i32
            %dma_wait3A_126 = arith.constant 0 : i32
            %dma_wait3A_127 = tpu.memref_slice %arg10[%dma_wait3A_125, %dma_wait3A_126] : memref<10000x128xf32, #tpu.memory_space<vmem_shared>> -> memref<10000x128xf32, #tpu.memory_space<vmem_shared>>
            tpu.wait_indirect_dma semaphore(%run_scoped3A_108 : memref<!tpu.dma_semaphore, #tpu.memory_space<semaphore_mem>>) src(%dma_wait3A_121 : memref<128x128xf32, #tpu.memory_space<vmem>>) dst(%dma_wait3A_127 : memref<10000x128xf32, #tpu.memory_space<vmem_shared>>)
            tpu.yield
          }) : () -> ()
        } else {
        }
      }
      %scan3A_26 = arith.constant 39 : i32
      %add3A_27 = arith.constant 1248 : i32
      %add3A_28 = arith.addi %add3A_27, %arg1 : i32
      %lt3A_29 = arith.constant 1250 : i32
      %lt3A_30 = arith.cmpi slt, %add3A_28, %lt3A_29 : i32
      %convert_element_type3A_31 = arith.extui %lt3A_30 : i1 to i32
      %cond3A_32 = arith.constant 0 : i32
      %cond3A_33 = arith.cmpi ne, %convert_element_type3A_31, %cond3A_32 : i32
      scf.if %cond3A_33 {
        %dma_wait3A = arith.constant 1 : i32
        %dma_wait3A_45 = arith.constant 0 : i32
        %dma_wait3A_46 = arith.constant 0 : i32
        %dma_wait3A_47 = arith.constant 0 : i32
        %dma_wait3A_48 = arith.constant 0 : i32
        %dma_wait3A_49 = tpu.memref_slice %arg9[%dma_wait3A_46, %dma_wait3A_47, %dma_wait3A_48] : memref<2x128x128xf32, #tpu.memory_space<vmem>> -> memref<1x128x128xf32, #tpu.memory_space<vmem>>
        %dma_wait3A_50 = tpu.memref_squeeze %dma_wait3A_49 : memref<1x128x128xf32, #tpu.memory_space<vmem>> -> memref<128x128xf32, #tpu.memory_space<vmem>>
        %dma_wait3A_51 = arith.constant 0 : i32
        %dma_wait3A_52 = tpu.memref_slice %arg7[%dma_wait3A_45, %dma_wait3A_51] : memref<2x128xi32, #tpu.memory_space<vmem>> -> memref<1x128xi32, #tpu.memory_space<vmem>>
        %dma_wait3A_53 = tpu.memref_squeeze %dma_wait3A_52 : memref<1x128xi32, #tpu.memory_space<vmem>> -> memref<128xi32, #tpu.memory_space<vmem>>
        %dma_wait3A_54 = arith.constant 0 : i32
        %dma_wait3A_55 = arith.constant 0 : i32
        %dma_wait3A_56 = tpu.memref_slice %arg2[%dma_wait3A, %dma_wait3A_54, %dma_wait3A_55] : memref<2x10000x128xf32, #tpu.memory_space<hbm>> -> memref<1x10000x128xf32, #tpu.memory_space<hbm>>
        %dma_wait3A_57 = tpu.memref_squeeze %dma_wait3A_56 : memref<1x10000x128xf32, #tpu.memory_space<hbm>> -> memref<10000x128xf32, #tpu.memory_space<hbm>>
        %dma_wait3A_58 = arith.constant 0 : i32
        %dma_wait3A_59 = arith.constant 0 : i32
        %dma_wait3A_60 = tpu.memref_slice %dma_wait3A_57[%dma_wait3A_58, %dma_wait3A_59] : memref<10000x128xf32, #tpu.memory_space<hbm>> -> memref<10000x128xf32, #tpu.memory_space<hbm>>
        tpu.wait_indirect_dma semaphore(%arg11 : memref<!tpu.dma_semaphore, #tpu.memory_space<semaphore_mem>>) src(%dma_wait3A_60 : memref<10000x128xf32, #tpu.memory_space<hbm>>) dst(%dma_wait3A_50 : memref<128x128xf32, #tpu.memory_space<vmem>>)
        %run_scoped3A = arith.constant 0 : i32
        %run_scoped3A_61 = arith.constant 0 : i32
        "tpu.region"() ({
          %run_scoped3A_62 = tpu.sem_alloc : memref<!tpu.dma_semaphore, #tpu.memory_space<semaphore_mem>>
          %dma_start3A = arith.constant 0 : i32
          %dma_start3A_63 = arith.constant 0 : i32
          %dma_start3A_64 = tpu.memref_slice %arg9[%run_scoped3A, %dma_start3A, %dma_start3A_63] : memref<2x128x128xf32, #tpu.memory_space<vmem>> -> memref<1x128x128xf32, #tpu.memory_space<vmem>>
          %dma_start3A_65 = tpu.memref_squeeze %dma_start3A_64 : memref<1x128x128xf32, #tpu.memory_space<vmem>> -> memref<128x128xf32, #tpu.memory_space<vmem>>
          %dma_start3A_66 = arith.constant 0 : i32
          %dma_start3A_67 = tpu.memref_slice %arg8[%run_scoped3A_61, %dma_start3A_66] : memref<2x128xi32, #tpu.memory_space<vmem>> -> memref<1x128xi32, #tpu.memory_space<vmem>>
          %dma_start3A_68 = tpu.memref_squeeze %dma_start3A_67 : memref<1x128xi32, #tpu.memory_space<vmem>> -> memref<128xi32, #tpu.memory_space<vmem>>
          %dma_start3A_69 = arith.constant 0 : i32
          %dma_start3A_70 = arith.constant 0 : i32
          %dma_start3A_71 = tpu.memref_slice %arg10[%dma_start3A_69, %dma_start3A_70] : memref<10000x128xf32, #tpu.memory_space<vmem_shared>> -> memref<10000x128xf32, #tpu.memory_space<vmem_shared>>
          tpu.enqueue_indirect_dma source(%dma_start3A_65 : memref<128x128xf32, #tpu.memory_space<vmem>>) target(%dma_start3A_71 : memref<10000x128xf32, #tpu.memory_space<vmem_shared>>) offsets(%dma_start3A_68 : memref<128xi32, #tpu.memory_space<vmem>>) semaphore(%run_scoped3A_62 : memref<!tpu.dma_semaphore, #tpu.memory_space<semaphore_mem>>) {add = true}
          %dma_wait3A_72 = arith.constant 0 : i32
          %dma_wait3A_73 = arith.constant 0 : i32
          %dma_wait3A_74 = tpu.memref_slice %arg9[%run_scoped3A, %dma_wait3A_72, %dma_wait3A_73] : memref<2x128x128xf32, #tpu.memory_space<vmem>> -> memref<1x128x128xf32, #tpu.memory_space<vmem>>
          %dma_wait3A_75 = tpu.memref_squeeze %dma_wait3A_74 : memref<1x128x128xf32, #tpu.memory_space<vmem>> -> memref<128x128xf32, #tpu.memory_space<vmem>>
          %dma_wait3A_76 = arith.constant 0 : i32
          %dma_wait3A_77 = tpu.memref_slice %arg8[%run_scoped3A_61, %dma_wait3A_76] : memref<2x128xi32, #tpu.memory_space<vmem>> -> memref<1x128xi32, #tpu.memory_space<vmem>>
          %dma_wait3A_78 = tpu.memref_squeeze %dma_wait3A_77 : memref<1x128xi32, #tpu.memory_space<vmem>> -> memref<128xi32, #tpu.memory_space<vmem>>
          %dma_wait3A_79 = arith.constant 0 : i32
          %dma_wait3A_80 = arith.constant 0 : i32
          %dma_wait3A_81 = tpu.memref_slice %arg10[%dma_wait3A_79, %dma_wait3A_80] : memref<10000x128xf32, #tpu.memory_space<vmem_shared>> -> memref<10000x128xf32, #tpu.memory_space<vmem_shared>>
          tpu.wait_indirect_dma semaphore(%run_scoped3A_62 : memref<!tpu.dma_semaphore, #tpu.memory_space<semaphore_mem>>) src(%dma_wait3A_75 : memref<128x128xf32, #tpu.memory_space<vmem>>) dst(%dma_wait3A_81 : memref<10000x128xf32, #tpu.memory_space<vmem_shared>>)
          tpu.yield
        }) : () -> ()
      } else {
      }
      %barrier3A_34 = arith.constant 0 : index
      tpu.barrier barrier_id(%barrier3A_34)
      %lt3A_35 = arith.constant 15 : i32
      %lt3A_36 = arith.cmpi slt, %arg1, %lt3A_35 : i32
      %convert_element_type3A_37 = arith.extui %lt3A_36 : i1 to i32
      %cond3A_38 = arith.constant 0 : i32
      %cond3A_39 = arith.cmpi ne, %convert_element_type3A_37, %cond3A_38 : i32
      scf.if %cond3A_39 {
        %mul3A = arith.constant 632 : i32
        %mul3A_45 = arith.muli %arg1, %mul3A : i32
        %multiple_of3A = tpu.assume_multiple %mul3A_45, 8 : i32
        %run_scoped3A = arith.constant 1 : i32
        "tpu.region"() ({
          %run_scoped3A_46 = tpu.sem_alloc : memref<!tpu.dma_semaphore, #tpu.memory_space<semaphore_mem>>
          %dma_start3A = arith.constant 0 : i32
          %dma_start3A_47 = tpu.memref_slice %arg6[%run_scoped3A, %multiple_of3A, %dma_start3A] : memref<2x10000x128xf32, #tpu.memory_space<hbm>> -> memref<1x632x128xf32, #tpu.memory_space<hbm>>
          %dma_start3A_48 = tpu.memref_squeeze %dma_start3A_47 : memref<1x632x128xf32, #tpu.memory_space<hbm>> -> memref<632x128xf32, #tpu.memory_space<hbm>>
          %dma_start3A_49 = arith.constant 0 : i32
          %dma_start3A_50 = tpu.memref_slice %arg10[%multiple_of3A, %dma_start3A_49] : memref<10000x128xf32, #tpu.memory_space<vmem_shared>> -> memref<632x128xf32, #tpu.memory_space<vmem_shared>>
          tpu.enqueue_dma source(%dma_start3A_50 : memref<632x128xf32, #tpu.memory_space<vmem_shared>>) target(%dma_start3A_48 : memref<632x128xf32, #tpu.memory_space<hbm>>) target_semaphore(%run_scoped3A_46 : memref<!tpu.dma_semaphore, #tpu.memory_space<semaphore_mem>>)
          %dma_wait3A = arith.constant 0 : i32
          %dma_wait3A_51 = tpu.memref_slice %arg6[%run_scoped3A, %multiple_of3A, %dma_wait3A] : memref<2x10000x128xf32, #tpu.memory_space<hbm>> -> memref<1x632x128xf32, #tpu.memory_space<hbm>>
          %dma_wait3A_52 = tpu.memref_squeeze %dma_wait3A_51 : memref<1x632x128xf32, #tpu.memory_space<hbm>> -> memref<632x128xf32, #tpu.memory_space<hbm>>
          %dma_wait3A_53 = arith.constant 0 : i32
          %dma_wait3A_54 = tpu.memref_slice %arg10[%multiple_of3A, %dma_wait3A_53] : memref<10000x128xf32, #tpu.memory_space<vmem_shared>> -> memref<632x128xf32, #tpu.memory_space<vmem_shared>>
          tpu.wait_dma2 semaphore(%run_scoped3A_46 : memref<!tpu.dma_semaphore, #tpu.memory_space<semaphore_mem>>) src(%dma_wait3A_54 : memref<632x128xf32, #tpu.memory_space<vmem_shared>>) dst(%dma_wait3A_52 : memref<632x128xf32, #tpu.memory_space<hbm>>)
          tpu.yield
        }) : () -> ()
      } else {
      }
      %eq3A_40 = arith.constant 15 : i32
      %eq3A_41 = arith.cmpi eq, %arg1, %eq3A_40 : i32
      %convert_element_type3A_42 = arith.extui %eq3A_41 : i1 to i32
      %cond3A_43 = arith.constant 0 : i32
      %cond3A_44 = arith.cmpi ne, %convert_element_type3A_42, %cond3A_43 : i32
      scf.if %cond3A_44 {
        %run_scoped3A = arith.constant 1 : i32
        "tpu.region"() ({
          %run_scoped3A_45 = tpu.sem_alloc : memref<!tpu.dma_semaphore, #tpu.memory_space<semaphore_mem>>
          %dma_start3A = arith.constant 9480 : i32
          %dma_start3A_46 = arith.constant 0 : i32
          %dma_start3A_47 = tpu.memref_slice %arg6[%run_scoped3A, %dma_start3A, %dma_start3A_46] : memref<2x10000x128xf32, #tpu.memory_space<hbm>> -> memref<1x520x128xf32, #tpu.memory_space<hbm>>
          %dma_start3A_48 = tpu.memref_squeeze %dma_start3A_47 : memref<1x520x128xf32, #tpu.memory_space<hbm>> -> memref<520x128xf32, #tpu.memory_space<hbm>>
          %dma_start3A_49 = arith.constant 9480 : i32
          %dma_start3A_50 = arith.constant 0 : i32
          %dma_start3A_51 = tpu.memref_slice %arg10[%dma_start3A_49, %dma_start3A_50] : memref<10000x128xf32, #tpu.memory_space<vmem_shared>> -> memref<520x128xf32, #tpu.memory_space<vmem_shared>>
          tpu.enqueue_dma source(%dma_start3A_51 : memref<520x128xf32, #tpu.memory_space<vmem_shared>>) target(%dma_start3A_48 : memref<520x128xf32, #tpu.memory_space<hbm>>) target_semaphore(%run_scoped3A_45 : memref<!tpu.dma_semaphore, #tpu.memory_space<semaphore_mem>>)
          %dma_wait3A = arith.constant 9480 : i32
          %dma_wait3A_52 = arith.constant 0 : i32
          %dma_wait3A_53 = tpu.memref_slice %arg6[%run_scoped3A, %dma_wait3A, %dma_wait3A_52] : memref<2x10000x128xf32, #tpu.memory_space<hbm>> -> memref<1x520x128xf32, #tpu.memory_space<hbm>>
          %dma_wait3A_54 = tpu.memref_squeeze %dma_wait3A_53 : memref<1x520x128xf32, #tpu.memory_space<hbm>> -> memref<520x128xf32, #tpu.memory_space<hbm>>
          %dma_wait3A_55 = arith.constant 9480 : i32
          %dma_wait3A_56 = arith.constant 0 : i32
          %dma_wait3A_57 = tpu.memref_slice %arg10[%dma_wait3A_55, %dma_wait3A_56] : memref<10000x128xf32, #tpu.memory_space<vmem_shared>> -> memref<520x128xf32, #tpu.memory_space<vmem_shared>>
          tpu.wait_dma2 semaphore(%run_scoped3A_45 : memref<!tpu.dma_semaphore, #tpu.memory_space<semaphore_mem>>) src(%dma_wait3A_57 : memref<520x128xf32, #tpu.memory_space<vmem_shared>>) dst(%dma_wait3A_54 : memref<520x128xf32, #tpu.memory_space<hbm>>)
          tpu.yield
        }) : () -> ()
      } else {
      }
    } else {
    }
    return
  }
}

#map = affine_map<(d0, d1) -> (0, 0, 0)>
#map1 = affine_map<(d0, d1) -> (0)>
#map2 = affine_map<(d0, d1) -> (0, 0)>
module attributes {stable_mosaic.version = 14 : i64} {
  func.func @agg_k(%arg0: i32, %arg1: i32, %arg2: memref<4x10000x128xf32, #tpu.memory_space<hbm>>, %arg3: memref<160000xi32, #tpu.memory_space<hbm>>, %arg4: memref<160000xi32, #tpu.memory_space<hbm>>, %arg5: memref<10000x128xf32, #tpu.memory_space<hbm>>, %arg6: memref<4x10000x128xf32, #tpu.memory_space<hbm>>, %arg7: memref<2x128xi32, #tpu.memory_space<vmem>>, %arg8: memref<2x128xi32, #tpu.memory_space<vmem>>, %arg9: memref<2x128x128xf32, #tpu.memory_space<vmem>>, %arg10: memref<10000x128xf32, #tpu.memory_space<vmem_shared>>, %arg11: memref<!tpu.dma_semaphore, #tpu.memory_space<semaphore_mem>>, %arg12: memref<!tpu.dma_semaphore, #tpu.memory_space<semaphore_mem>>) attributes {dimension_semantics = [#tpu.dimension_semantics<core_parallel>, #tpu.dimension_semantics<subcore_parallel>], iteration_bounds = array<i64: 2, 16>, scalar_prefetch = 0 : i64, scratch_operands = 6 : i64, tpu.core_type = #tpu.core_type<sc_vector_subcore>, window_params = [{transform_indices = #map}, {transform_indices = #map1}, {transform_indices = #map1}, {transform_indices = #map2}, {transform_indices = #map}]} {
    %eq3A = arith.constant 0 : i32
    %eq3A_0 = arith.cmpi eq, %arg0, %eq3A : i32
    %convert_element_type3A = arith.extui %eq3A_0 : i1 to i32
    %cond3A = arith.constant 0 : i32
    %cond3A_1 = arith.cmpi ne, %convert_element_type3A, %cond3A : i32
    scf.if %cond3A_1 {
      %lt3A = arith.constant 15 : i32
      %lt3A_17 = arith.cmpi slt, %arg1, %lt3A : i32
      %convert_element_type3A_18 = arith.extui %lt3A_17 : i1 to i32
      %cond3A_19 = arith.constant 0 : i32
      %cond3A_20 = arith.cmpi ne, %convert_element_type3A_18, %cond3A_19 : i32
      scf.if %cond3A_20 {
        %mul3A = arith.constant 632 : i32
        %mul3A_55 = arith.muli %arg1, %mul3A : i32
        %multiple_of3A = tpu.assume_multiple %mul3A_55, 8 : i32
        "tpu.region"() ({
          %run_scoped3A = tpu.sem_alloc : memref<!tpu.dma_semaphore, #tpu.memory_space<semaphore_mem>>
          %dma_start3A = arith.constant 0 : i32
          %dma_start3A_56 = tpu.memref_slice %arg10[%multiple_of3A, %dma_start3A] : memref<10000x128xf32, #tpu.memory_space<vmem_shared>> -> memref<632x128xf32, #tpu.memory_space<vmem_shared>>
          %dma_start3A_57 = arith.constant 0 : i32
          %dma_start3A_58 = tpu.memref_slice %arg5[%multiple_of3A, %dma_start3A_57] : memref<10000x128xf32, #tpu.memory_space<hbm>> -> memref<632x128xf32, #tpu.memory_space<hbm>>
          tpu.enqueue_dma source(%dma_start3A_58 : memref<632x128xf32, #tpu.memory_space<hbm>>) target(%dma_start3A_56 : memref<632x128xf32, #tpu.memory_space<vmem_shared>>) target_semaphore(%run_scoped3A : memref<!tpu.dma_semaphore, #tpu.memory_space<semaphore_mem>>)
          %dma_wait3A = arith.constant 0 : i32
          %dma_wait3A_59 = tpu.memref_slice %arg10[%multiple_of3A, %dma_wait3A] : memref<10000x128xf32, #tpu.memory_space<vmem_shared>> -> memref<632x128xf32, #tpu.memory_space<vmem_shared>>
          %dma_wait3A_60 = arith.constant 0 : i32
          %dma_wait3A_61 = tpu.memref_slice %arg5[%multiple_of3A, %dma_wait3A_60] : memref<10000x128xf32, #tpu.memory_space<hbm>> -> memref<632x128xf32, #tpu.memory_space<hbm>>
          tpu.wait_dma2 semaphore(%run_scoped3A : memref<!tpu.dma_semaphore, #tpu.memory_space<semaphore_mem>>) src(%dma_wait3A_61 : memref<632x128xf32, #tpu.memory_space<hbm>>) dst(%dma_wait3A_59 : memref<632x128xf32, #tpu.memory_space<vmem_shared>>)
          tpu.yield
        }) : () -> ()
      } else {
      }
      %eq3A_21 = arith.constant 15 : i32
      %eq3A_22 = arith.cmpi eq, %arg1, %eq3A_21 : i32
      %convert_element_type3A_23 = arith.extui %eq3A_22 : i1 to i32
      %cond3A_24 = arith.constant 0 : i32
      %cond3A_25 = arith.cmpi ne, %convert_element_type3A_23, %cond3A_24 : i32
      scf.if %cond3A_25 {
        "tpu.region"() ({
          %run_scoped3A = tpu.sem_alloc : memref<!tpu.dma_semaphore, #tpu.memory_space<semaphore_mem>>
          %dma_start3A = arith.constant 9480 : i32
          %dma_start3A_55 = arith.constant 0 : i32
          %dma_start3A_56 = tpu.memref_slice %arg10[%dma_start3A, %dma_start3A_55] : memref<10000x128xf32, #tpu.memory_space<vmem_shared>> -> memref<520x128xf32, #tpu.memory_space<vmem_shared>>
          %dma_start3A_57 = arith.constant 9480 : i32
          %dma_start3A_58 = arith.constant 0 : i32
          %dma_start3A_59 = tpu.memref_slice %arg5[%dma_start3A_57, %dma_start3A_58] : memref<10000x128xf32, #tpu.memory_space<hbm>> -> memref<520x128xf32, #tpu.memory_space<hbm>>
          tpu.enqueue_dma source(%dma_start3A_59 : memref<520x128xf32, #tpu.memory_space<hbm>>) target(%dma_start3A_56 : memref<520x128xf32, #tpu.memory_space<vmem_shared>>) target_semaphore(%run_scoped3A : memref<!tpu.dma_semaphore, #tpu.memory_space<semaphore_mem>>)
          %dma_wait3A = arith.constant 9480 : i32
          %dma_wait3A_60 = arith.constant 0 : i32
          %dma_wait3A_61 = tpu.memref_slice %arg10[%dma_wait3A, %dma_wait3A_60] : memref<10000x128xf32, #tpu.memory_space<vmem_shared>> -> memref<520x128xf32, #tpu.memory_space<vmem_shared>>
          %dma_wait3A_62 = arith.constant 9480 : i32
          %dma_wait3A_63 = arith.constant 0 : i32
          %dma_wait3A_64 = tpu.memref_slice %arg5[%dma_wait3A_62, %dma_wait3A_63] : memref<10000x128xf32, #tpu.memory_space<hbm>> -> memref<520x128xf32, #tpu.memory_space<hbm>>
          tpu.wait_dma2 semaphore(%run_scoped3A : memref<!tpu.dma_semaphore, #tpu.memory_space<semaphore_mem>>) src(%dma_wait3A_64 : memref<520x128xf32, #tpu.memory_space<hbm>>) dst(%dma_wait3A_61 : memref<520x128xf32, #tpu.memory_space<vmem_shared>>)
          tpu.yield
        }) : () -> ()
      } else {
      }
      %barrier3A = arith.constant 0 : index
      tpu.barrier barrier_id(%barrier3A)
      %add3A = arith.constant 0 : i32
      %add3A_26 = arith.addi %add3A, %arg1 : i32
      %lt3A_27 = arith.constant 1250 : i32
      %lt3A_28 = arith.cmpi slt, %add3A_26, %lt3A_27 : i32
      %convert_element_type3A_29 = arith.extui %lt3A_28 : i1 to i32
      %cond3A_30 = arith.constant 0 : i32
      %cond3A_31 = arith.cmpi ne, %convert_element_type3A_29, %cond3A_30 : i32
      scf.if %cond3A_31 {
        %mul3A = arith.constant 128 : i32
        %mul3A_55 = arith.muli %add3A_26, %mul3A : i32
        %run_scoped3A = arith.constant 0 : i32
        "tpu.region"() ({
          %run_scoped3A_75 = tpu.sem_alloc : memref<!tpu.dma_semaphore, #tpu.memory_space<semaphore_mem>>
          %dma_start3A_76 = arith.constant 0 : i32
          %dma_start3A_77 = tpu.memref_slice %arg7[%run_scoped3A, %dma_start3A_76] : memref<2x128xi32, #tpu.memory_space<vmem>> -> memref<1x128xi32, #tpu.memory_space<vmem>>
          %dma_start3A_78 = tpu.memref_squeeze %dma_start3A_77 : memref<1x128xi32, #tpu.memory_space<vmem>> -> memref<128xi32, #tpu.memory_space<vmem>>
          %dma_start3A_79 = tpu.memref_slice %arg3[%mul3A_55] : memref<160000xi32, #tpu.memory_space<hbm>> -> memref<128xi32, #tpu.memory_space<hbm>>
          %dma_start3A_80 = arith.constant 0 : i32
          %dma_start3A_81 = tpu.memref_slice %arg7[%run_scoped3A, %dma_start3A_80] : memref<2x128xi32, #tpu.memory_space<vmem>> -> memref<1x128xi32, #tpu.memory_space<vmem>>
          %dma_start3A_82 = tpu.memref_squeeze %dma_start3A_81 : memref<1x128xi32, #tpu.memory_space<vmem>> -> memref<128xi32, #tpu.memory_space<vmem>>
          %dma_start3A_83 = tpu.memref_slice %arg3[%mul3A_55] : memref<160000xi32, #tpu.memory_space<hbm>> -> memref<128xi32, #tpu.memory_space<hbm>>
          tpu.enqueue_dma source(%dma_start3A_83 : memref<128xi32, #tpu.memory_space<hbm>>) target(%dma_start3A_82 : memref<128xi32, #tpu.memory_space<vmem>>) target_semaphore(%run_scoped3A_75 : memref<!tpu.dma_semaphore, #tpu.memory_space<semaphore_mem>>)
          %dma_wait3A = arith.constant 0 : i32
          %dma_wait3A_84 = tpu.memref_slice %arg7[%run_scoped3A, %dma_wait3A] : memref<2x128xi32, #tpu.memory_space<vmem>> -> memref<1x128xi32, #tpu.memory_space<vmem>>
          %dma_wait3A_85 = tpu.memref_squeeze %dma_wait3A_84 : memref<1x128xi32, #tpu.memory_space<vmem>> -> memref<128xi32, #tpu.memory_space<vmem>>
          %dma_wait3A_86 = tpu.memref_slice %arg3[%mul3A_55] : memref<160000xi32, #tpu.memory_space<hbm>> -> memref<128xi32, #tpu.memory_space<hbm>>
          %dma_wait3A_87 = arith.constant 0 : i32
          %dma_wait3A_88 = tpu.memref_slice %arg7[%run_scoped3A, %dma_wait3A_87] : memref<2x128xi32, #tpu.memory_space<vmem>> -> memref<1x128xi32, #tpu.memory_space<vmem>>
          %dma_wait3A_89 = tpu.memref_squeeze %dma_wait3A_88 : memref<1x128xi32, #tpu.memory_space<vmem>> -> memref<128xi32, #tpu.memory_space<vmem>>
          %dma_wait3A_90 = tpu.memref_slice %arg3[%mul3A_55] : memref<160000xi32, #tpu.memory_space<hbm>> -> memref<128xi32, #tpu.memory_space<hbm>>
          tpu.wait_dma2 semaphore(%run_scoped3A_75 : memref<!tpu.dma_semaphore, #tpu.memory_space<semaphore_mem>>) src(%dma_wait3A_90 : memref<128xi32, #tpu.memory_space<hbm>>) dst(%dma_wait3A_89 : memref<128xi32, #tpu.memory_space<vmem>>)
          tpu.yield
        }) : () -> ()
        %mul3A_56 = arith.constant 128 : i32
        %mul3A_57 = arith.muli %add3A_26, %mul3A_56 : i32
        %run_scoped3A_58 = arith.constant 0 : i32
        "tpu.region"() ({
          %run_scoped3A_75 = tpu.sem_alloc : memref<!tpu.dma_semaphore, #tpu.memory_space<semaphore_mem>>
          %dma_start3A_76 = arith.constant 0 : i32
          %dma_start3A_77 = tpu.memref_slice %arg8[%run_scoped3A_58, %dma_start3A_76] : memref<2x128xi32, #tpu.memory_space<vmem>> -> memref<1x128xi32, #tpu.memory_space<vmem>>
          %dma_start3A_78 = tpu.memref_squeeze %dma_start3A_77 : memref<1x128xi32, #tpu.memory_space<vmem>> -> memref<128xi32, #tpu.memory_space<vmem>>
          %dma_start3A_79 = tpu.memref_slice %arg4[%mul3A_57] : memref<160000xi32, #tpu.memory_space<hbm>> -> memref<128xi32, #tpu.memory_space<hbm>>
          %dma_start3A_80 = arith.constant 0 : i32
          %dma_start3A_81 = tpu.memref_slice %arg8[%run_scoped3A_58, %dma_start3A_80] : memref<2x128xi32, #tpu.memory_space<vmem>> -> memref<1x128xi32, #tpu.memory_space<vmem>>
          %dma_start3A_82 = tpu.memref_squeeze %dma_start3A_81 : memref<1x128xi32, #tpu.memory_space<vmem>> -> memref<128xi32, #tpu.memory_space<vmem>>
          %dma_start3A_83 = tpu.memref_slice %arg4[%mul3A_57] : memref<160000xi32, #tpu.memory_space<hbm>> -> memref<128xi32, #tpu.memory_space<hbm>>
          tpu.enqueue_dma source(%dma_start3A_83 : memref<128xi32, #tpu.memory_space<hbm>>) target(%dma_start3A_82 : memref<128xi32, #tpu.memory_space<vmem>>) target_semaphore(%run_scoped3A_75 : memref<!tpu.dma_semaphore, #tpu.memory_space<semaphore_mem>>)
          %dma_wait3A = arith.constant 0 : i32
          %dma_wait3A_84 = tpu.memref_slice %arg8[%run_scoped3A_58, %dma_wait3A] : memref<2x128xi32, #tpu.memory_space<vmem>> -> memref<1x128xi32, #tpu.memory_space<vmem>>
          %dma_wait3A_85 = tpu.memref_squeeze %dma_wait3A_84 : memref<1x128xi32, #tpu.memory_space<vmem>> -> memref<128xi32, #tpu.memory_space<vmem>>
          %dma_wait3A_86 = tpu.memref_slice %arg4[%mul3A_57] : memref<160000xi32, #tpu.memory_space<hbm>> -> memref<128xi32, #tpu.memory_space<hbm>>
          %dma_wait3A_87 = arith.constant 0 : i32
          %dma_wait3A_88 = tpu.memref_slice %arg8[%run_scoped3A_58, %dma_wait3A_87] : memref<2x128xi32, #tpu.memory_space<vmem>> -> memref<1x128xi32, #tpu.memory_space<vmem>>
          %dma_wait3A_89 = tpu.memref_squeeze %dma_wait3A_88 : memref<1x128xi32, #tpu.memory_space<vmem>> -> memref<128xi32, #tpu.memory_space<vmem>>
          %dma_wait3A_90 = tpu.memref_slice %arg4[%mul3A_57] : memref<160000xi32, #tpu.memory_space<hbm>> -> memref<128xi32, #tpu.memory_space<hbm>>
          tpu.wait_dma2 semaphore(%run_scoped3A_75 : memref<!tpu.dma_semaphore, #tpu.memory_space<semaphore_mem>>) src(%dma_wait3A_90 : memref<128xi32, #tpu.memory_space<hbm>>) dst(%dma_wait3A_89 : memref<128xi32, #tpu.memory_space<vmem>>)
          tpu.yield
        }) : () -> ()
        %dma_start3A = arith.constant 0 : i32
        %dma_start3A_59 = arith.constant 0 : i32
        %dma_start3A_60 = arith.constant 0 : i32
        %dma_start3A_61 = arith.constant 0 : i32
        %dma_start3A_62 = arith.constant 0 : i32
        %dma_start3A_63 = tpu.memref_slice %arg9[%dma_start3A_60, %dma_start3A_61, %dma_start3A_62] : memref<2x128x128xf32, #tpu.memory_space<vmem>> -> memref<1x128x128xf32, #tpu.memory_space<vmem>>
        %dma_start3A_64 = tpu.memref_squeeze %dma_start3A_63 : memref<1x128x128xf32, #tpu.memory_space<vmem>> -> memref<128x128xf32, #tpu.memory_space<vmem>>
        %dma_start3A_65 = arith.constant 0 : i32
        %dma_start3A_66 = tpu.memref_slice %arg7[%dma_start3A_59, %dma_start3A_65] : memref<2x128xi32, #tpu.memory_space<vmem>> -> memref<1x128xi32, #tpu.memory_space<vmem>>
        %dma_start3A_67 = tpu.memref_squeeze %dma_start3A_66 : memref<1x128xi32, #tpu.memory_space<vmem>> -> memref<128xi32, #tpu.memory_space<vmem>>
        %dma_start3A_68 = arith.constant 0 : i32
        %dma_start3A_69 = arith.constant 0 : i32
        %dma_start3A_70 = tpu.memref_slice %arg2[%dma_start3A, %dma_start3A_68, %dma_start3A_69] : memref<4x10000x128xf32, #tpu.memory_space<hbm>> -> memref<1x10000x128xf32, #tpu.memory_space<hbm>>
        %dma_start3A_71 = tpu.memref_squeeze %dma_start3A_70 : memref<1x10000x128xf32, #tpu.memory_space<hbm>> -> memref<10000x128xf32, #tpu.memory_space<hbm>>
        %dma_start3A_72 = arith.constant 0 : i32
        %dma_start3A_73 = arith.constant 0 : i32
        %dma_start3A_74 = tpu.memref_slice %dma_start3A_71[%dma_start3A_72, %dma_start3A_73] : memref<10000x128xf32, #tpu.memory_space<hbm>> -> memref<10000x128xf32, #tpu.memory_space<hbm>>
        tpu.enqueue_indirect_dma source(%dma_start3A_74 : memref<10000x128xf32, #tpu.memory_space<hbm>>) target(%dma_start3A_64 : memref<128x128xf32, #tpu.memory_space<vmem>>) offsets(%dma_start3A_67 : memref<128xi32, #tpu.memory_space<vmem>>) semaphore(%arg11 : memref<!tpu.dma_semaphore, #tpu.memory_space<semaphore_mem>>)
      } else {
      }
      %scan3A = arith.constant 0 : i32
      %scan3A_32 = arith.constant 0 : i32
      %scan3A_33 = arith.constant 39 : i32
      %scan3A_34 = arith.addi %scan3A_32, %scan3A_33 : i32
      %scan3A_35 = arith.constant 1 : i32
      scf.for %scan3A_55 = %scan3A_32 to %scan3A_34 step %scan3A_35  : i32 {
        %mul3A = arith.constant 2 : i32
        %mul3A_56 = arith.muli %mul3A, %scan3A_55 : i32
        %add3A_57 = arith.constant 1 : i32
        %add3A_58 = arith.addi %mul3A_56, %add3A_57 : i32
        %mul3A_59 = arith.constant 16 : i32
        %mul3A_60 = arith.muli %add3A_58, %mul3A_59 : i32
        %add3A_61 = arith.addi %mul3A_60, %arg1 : i32
        %lt3A_62 = arith.constant 1250 : i32
        %lt3A_63 = arith.cmpi slt, %add3A_61, %lt3A_62 : i32
        %convert_element_type3A_64 = arith.extui %lt3A_63 : i1 to i32
        %cond3A_65 = arith.constant 0 : i32
        %cond3A_66 = arith.cmpi ne, %convert_element_type3A_64, %cond3A_65 : i32
        scf.if %cond3A_66 {
          %mul3A_101 = arith.constant 128 : i32
          %mul3A_102 = arith.muli %add3A_61, %mul3A_101 : i32
          %run_scoped3A = arith.constant 1 : i32
          "tpu.region"() ({
            %run_scoped3A_122 = tpu.sem_alloc : memref<!tpu.dma_semaphore, #tpu.memory_space<semaphore_mem>>
            %dma_start3A_123 = arith.constant 0 : i32
            %dma_start3A_124 = tpu.memref_slice %arg7[%run_scoped3A, %dma_start3A_123] : memref<2x128xi32, #tpu.memory_space<vmem>> -> memref<1x128xi32, #tpu.memory_space<vmem>>
            %dma_start3A_125 = tpu.memref_squeeze %dma_start3A_124 : memref<1x128xi32, #tpu.memory_space<vmem>> -> memref<128xi32, #tpu.memory_space<vmem>>
            %dma_start3A_126 = tpu.memref_slice %arg3[%mul3A_102] : memref<160000xi32, #tpu.memory_space<hbm>> -> memref<128xi32, #tpu.memory_space<hbm>>
            %dma_start3A_127 = arith.constant 0 : i32
            %dma_start3A_128 = tpu.memref_slice %arg7[%run_scoped3A, %dma_start3A_127] : memref<2x128xi32, #tpu.memory_space<vmem>> -> memref<1x128xi32, #tpu.memory_space<vmem>>
            %dma_start3A_129 = tpu.memref_squeeze %dma_start3A_128 : memref<1x128xi32, #tpu.memory_space<vmem>> -> memref<128xi32, #tpu.memory_space<vmem>>
            %dma_start3A_130 = tpu.memref_slice %arg3[%mul3A_102] : memref<160000xi32, #tpu.memory_space<hbm>> -> memref<128xi32, #tpu.memory_space<hbm>>
            tpu.enqueue_dma source(%dma_start3A_130 : memref<128xi32, #tpu.memory_space<hbm>>) target(%dma_start3A_129 : memref<128xi32, #tpu.memory_space<vmem>>) target_semaphore(%run_scoped3A_122 : memref<!tpu.dma_semaphore, #tpu.memory_space<semaphore_mem>>)
            %dma_wait3A = arith.constant 0 : i32
            %dma_wait3A_131 = tpu.memref_slice %arg7[%run_scoped3A, %dma_wait3A] : memref<2x128xi32, #tpu.memory_space<vmem>> -> memref<1x128xi32, #tpu.memory_space<vmem>>
            %dma_wait3A_132 = tpu.memref_squeeze %dma_wait3A_131 : memref<1x128xi32, #tpu.memory_space<vmem>> -> memref<128xi32, #tpu.memory_space<vmem>>
            %dma_wait3A_133 = tpu.memref_slice %arg3[%mul3A_102] : memref<160000xi32, #tpu.memory_space<hbm>> -> memref<128xi32, #tpu.memory_space<hbm>>
            %dma_wait3A_134 = arith.constant 0 : i32
            %dma_wait3A_135 = tpu.memref_slice %arg7[%run_scoped3A, %dma_wait3A_134] : memref<2x128xi32, #tpu.memory_space<vmem>> -> memref<1x128xi32, #tpu.memory_space<vmem>>
            %dma_wait3A_136 = tpu.memref_squeeze %dma_wait3A_135 : memref<1x128xi32, #tpu.memory_space<vmem>> -> memref<128xi32, #tpu.memory_space<vmem>>
            %dma_wait3A_137 = tpu.memref_slice %arg3[%mul3A_102] : memref<160000xi32, #tpu.memory_space<hbm>> -> memref<128xi32, #tpu.memory_space<hbm>>
            tpu.wait_dma2 semaphore(%run_scoped3A_122 : memref<!tpu.dma_semaphore, #tpu.memory_space<semaphore_mem>>) src(%dma_wait3A_137 : memref<128xi32, #tpu.memory_space<hbm>>) dst(%dma_wait3A_136 : memref<128xi32, #tpu.memory_space<vmem>>)
            tpu.yield
          }) : () -> ()
          %mul3A_103 = arith.constant 128 : i32
          %mul3A_104 = arith.muli %add3A_61, %mul3A_103 : i32
          %run_scoped3A_105 = arith.constant 1 : i32
          "tpu.region"() ({
            %run_scoped3A_122 = tpu.sem_alloc : memref<!tpu.dma_semaphore, #tpu.memory_space<semaphore_mem>>
            %dma_start3A_123 = arith.constant 0 : i32
            %dma_start3A_124 = tpu.memref_slice %arg8[%run_scoped3A_105, %dma_start3A_123] : memref<2x128xi32, #tpu.memory_space<vmem>> -> memref<1x128xi32, #tpu.memory_space<vmem>>
            %dma_start3A_125 = tpu.memref_squeeze %dma_start3A_124 : memref<1x128xi32, #tpu.memory_space<vmem>> -> memref<128xi32, #tpu.memory_space<vmem>>
            %dma_start3A_126 = tpu.memref_slice %arg4[%mul3A_104] : memref<160000xi32, #tpu.memory_space<hbm>> -> memref<128xi32, #tpu.memory_space<hbm>>
            %dma_start3A_127 = arith.constant 0 : i32
            %dma_start3A_128 = tpu.memref_slice %arg8[%run_scoped3A_105, %dma_start3A_127] : memref<2x128xi32, #tpu.memory_space<vmem>> -> memref<1x128xi32, #tpu.memory_space<vmem>>
            %dma_start3A_129 = tpu.memref_squeeze %dma_start3A_128 : memref<1x128xi32, #tpu.memory_space<vmem>> -> memref<128xi32, #tpu.memory_space<vmem>>
            %dma_start3A_130 = tpu.memref_slice %arg4[%mul3A_104] : memref<160000xi32, #tpu.memory_space<hbm>> -> memref<128xi32, #tpu.memory_space<hbm>>
            tpu.enqueue_dma source(%dma_start3A_130 : memref<128xi32, #tpu.memory_space<hbm>>) target(%dma_start3A_129 : memref<128xi32, #tpu.memory_space<vmem>>) target_semaphore(%run_scoped3A_122 : memref<!tpu.dma_semaphore, #tpu.memory_space<semaphore_mem>>)
            %dma_wait3A = arith.constant 0 : i32
            %dma_wait3A_131 = tpu.memref_slice %arg8[%run_scoped3A_105, %dma_wait3A] : memref<2x128xi32, #tpu.memory_space<vmem>> -> memref<1x128xi32, #tpu.memory_space<vmem>>
            %dma_wait3A_132 = tpu.memref_squeeze %dma_wait3A_131 : memref<1x128xi32, #tpu.memory_space<vmem>> -> memref<128xi32, #tpu.memory_space<vmem>>
            %dma_wait3A_133 = tpu.memref_slice %arg4[%mul3A_104] : memref<160000xi32, #tpu.memory_space<hbm>> -> memref<128xi32, #tpu.memory_space<hbm>>
            %dma_wait3A_134 = arith.constant 0 : i32
            %dma_wait3A_135 = tpu.memref_slice %arg8[%run_scoped3A_105, %dma_wait3A_134] : memref<2x128xi32, #tpu.memory_space<vmem>> -> memref<1x128xi32, #tpu.memory_space<vmem>>
            %dma_wait3A_136 = tpu.memref_squeeze %dma_wait3A_135 : memref<1x128xi32, #tpu.memory_space<vmem>> -> memref<128xi32, #tpu.memory_space<vmem>>
            %dma_wait3A_137 = tpu.memref_slice %arg4[%mul3A_104] : memref<160000xi32, #tpu.memory_space<hbm>> -> memref<128xi32, #tpu.memory_space<hbm>>
            tpu.wait_dma2 semaphore(%run_scoped3A_122 : memref<!tpu.dma_semaphore, #tpu.memory_space<semaphore_mem>>) src(%dma_wait3A_137 : memref<128xi32, #tpu.memory_space<hbm>>) dst(%dma_wait3A_136 : memref<128xi32, #tpu.memory_space<vmem>>)
            tpu.yield
          }) : () -> ()
          %dma_start3A = arith.constant 0 : i32
          %dma_start3A_106 = arith.constant 1 : i32
          %dma_start3A_107 = arith.constant 1 : i32
          %dma_start3A_108 = arith.constant 0 : i32
          %dma_start3A_109 = arith.constant 0 : i32
          %dma_start3A_110 = tpu.memref_slice %arg9[%dma_start3A_107, %dma_start3A_108, %dma_start3A_109] : memref<2x128x128xf32, #tpu.memory_space<vmem>> -> memref<1x128x128xf32, #tpu.memory_space<vmem>>
          %dma_start3A_111 = tpu.memref_squeeze %dma_start3A_110 : memref<1x128x128xf32, #tpu.memory_space<vmem>> -> memref<128x128xf32, #tpu.memory_space<vmem>>
          %dma_start3A_112 = arith.constant 0 : i32
          %dma_start3A_113 = tpu.memref_slice %arg7[%dma_start3A_106, %dma_start3A_112] : memref<2x128xi32, #tpu.memory_space<vmem>> -> memref<1x128xi32, #tpu.memory_space<vmem>>
          %dma_start3A_114 = tpu.memref_squeeze %dma_start3A_113 : memref<1x128xi32, #tpu.memory_space<vmem>> -> memref<128xi32, #tpu.memory_space<vmem>>
          %dma_start3A_115 = arith.constant 0 : i32
          %dma_start3A_116 = arith.constant 0 : i32
          %dma_start3A_117 = tpu.memref_slice %arg2[%dma_start3A, %dma_start3A_115, %dma_start3A_116] : memref<4x10000x128xf32, #tpu.memory_space<hbm>> -> memref<1x10000x128xf32, #tpu.memory_space<hbm>>
          %dma_start3A_118 = tpu.memref_squeeze %dma_start3A_117 : memref<1x10000x128xf32, #tpu.memory_space<hbm>> -> memref<10000x128xf32, #tpu.memory_space<hbm>>
          %dma_start3A_119 = arith.constant 0 : i32
          %dma_start3A_120 = arith.constant 0 : i32
          %dma_start3A_121 = tpu.memref_slice %dma_start3A_118[%dma_start3A_119, %dma_start3A_120] : memref<10000x128xf32, #tpu.memory_space<hbm>> -> memref<10000x128xf32, #tpu.memory_space<hbm>>
          tpu.enqueue_indirect_dma source(%dma_start3A_121 : memref<10000x128xf32, #tpu.memory_space<hbm>>) target(%dma_start3A_111 : memref<128x128xf32, #tpu.memory_space<vmem>>) offsets(%dma_start3A_114 : memref<128xi32, #tpu.memory_space<vmem>>) semaphore(%arg12 : memref<!tpu.dma_semaphore, #tpu.memory_space<semaphore_mem>>)
        } else {
        }
        %mul3A_67 = arith.constant 2 : i32
        %mul3A_68 = arith.muli %mul3A_67, %scan3A_55 : i32
        %mul3A_69 = arith.constant 16 : i32
        %mul3A_70 = arith.muli %mul3A_68, %mul3A_69 : i32
        %add3A_71 = arith.addi %mul3A_70, %arg1 : i32
        %lt3A_72 = arith.constant 1250 : i32
        %lt3A_73 = arith.cmpi slt, %add3A_71, %lt3A_72 : i32
        %convert_element_type3A_74 = arith.extui %lt3A_73 : i1 to i32
        %cond3A_75 = arith.constant 0 : i32
        %cond3A_76 = arith.cmpi ne, %convert_element_type3A_74, %cond3A_75 : i32
        scf.if %cond3A_76 {
          %dma_wait3A = arith.constant 0 : i32
          %dma_wait3A_101 = arith.constant 0 : i32
          %dma_wait3A_102 = arith.constant 0 : i32
          %dma_wait3A_103 = arith.constant 0 : i32
          %dma_wait3A_104 = arith.constant 0 : i32
          %dma_wait3A_105 = tpu.memref_slice %arg9[%dma_wait3A_102, %dma_wait3A_103, %dma_wait3A_104] : memref<2x128x128xf32, #tpu.memory_space<vmem>> -> memref<1x128x128xf32, #tpu.memory_space<vmem>>
          %dma_wait3A_106 = tpu.memref_squeeze %dma_wait3A_105 : memref<1x128x128xf32, #tpu.memory_space<vmem>> -> memref<128x128xf32, #tpu.memory_space<vmem>>
          %dma_wait3A_107 = arith.constant 0 : i32
          %dma_wait3A_108 = tpu.memref_slice %arg7[%dma_wait3A_101, %dma_wait3A_107] : memref<2x128xi32, #tpu.memory_space<vmem>> -> memref<1x128xi32, #tpu.memory_space<vmem>>
          %dma_wait3A_109 = tpu.memref_squeeze %dma_wait3A_108 : memref<1x128xi32, #tpu.memory_space<vmem>> -> memref<128xi32, #tpu.memory_space<vmem>>
          %dma_wait3A_110 = arith.constant 0 : i32
          %dma_wait3A_111 = arith.constant 0 : i32
          %dma_wait3A_112 = tpu.memref_slice %arg2[%dma_wait3A, %dma_wait3A_110, %dma_wait3A_111] : memref<4x10000x128xf32, #tpu.memory_space<hbm>> -> memref<1x10000x128xf32, #tpu.memory_space<hbm>>
          %dma_wait3A_113 = tpu.memref_squeeze %dma_wait3A_112 : memref<1x10000x128xf32, #tpu.memory_space<hbm>> -> memref<10000x128xf32, #tpu.memory_space<hbm>>
          %dma_wait3A_114 = arith.constant 0 : i32
          %dma_wait3A_115 = arith.constant 0 : i32
          %dma_wait3A_116 = tpu.memref_slice %dma_wait3A_113[%dma_wait3A_114, %dma_wait3A_115] : memref<10000x128xf32, #tpu.memory_space<hbm>> -> memref<10000x128xf32, #tpu.memory_space<hbm>>
          tpu.wait_indirect_dma semaphore(%arg11 : memref<!tpu.dma_semaphore, #tpu.memory_space<semaphore_mem>>) src(%dma_wait3A_116 : memref<10000x128xf32, #tpu.memory_space<hbm>>) dst(%dma_wait3A_106 : memref<128x128xf32, #tpu.memory_space<vmem>>)
          %run_scoped3A = arith.constant 0 : i32
          %run_scoped3A_117 = arith.constant 0 : i32
          "tpu.region"() ({
            %run_scoped3A_118 = tpu.sem_alloc : memref<!tpu.dma_semaphore, #tpu.memory_space<semaphore_mem>>
            %dma_start3A = arith.constant 0 : i32
            %dma_start3A_119 = arith.constant 0 : i32
            %dma_start3A_120 = tpu.memref_slice %arg9[%run_scoped3A, %dma_start3A, %dma_start3A_119] : memref<2x128x128xf32, #tpu.memory_space<vmem>> -> memref<1x128x128xf32, #tpu.memory_space<vmem>>
            %dma_start3A_121 = tpu.memref_squeeze %dma_start3A_120 : memref<1x128x128xf32, #tpu.memory_space<vmem>> -> memref<128x128xf32, #tpu.memory_space<vmem>>
            %dma_start3A_122 = arith.constant 0 : i32
            %dma_start3A_123 = tpu.memref_slice %arg8[%run_scoped3A_117, %dma_start3A_122] : memref<2x128xi32, #tpu.memory_space<vmem>> -> memref<1x128xi32, #tpu.memory_space<vmem>>
            %dma_start3A_124 = tpu.memref_squeeze %dma_start3A_123 : memref<1x128xi32, #tpu.memory_space<vmem>> -> memref<128xi32, #tpu.memory_space<vmem>>
            %dma_start3A_125 = arith.constant 0 : i32
            %dma_start3A_126 = arith.constant 0 : i32
            %dma_start3A_127 = tpu.memref_slice %arg10[%dma_start3A_125, %dma_start3A_126] : memref<10000x128xf32, #tpu.memory_space<vmem_shared>> -> memref<10000x128xf32, #tpu.memory_space<vmem_shared>>
            tpu.enqueue_indirect_dma source(%dma_start3A_121 : memref<128x128xf32, #tpu.memory_space<vmem>>) target(%dma_start3A_127 : memref<10000x128xf32, #tpu.memory_space<vmem_shared>>) offsets(%dma_start3A_124 : memref<128xi32, #tpu.memory_space<vmem>>) semaphore(%run_scoped3A_118 : memref<!tpu.dma_semaphore, #tpu.memory_space<semaphore_mem>>) {add = true}
            %dma_wait3A_128 = arith.constant 0 : i32
            %dma_wait3A_129 = arith.constant 0 : i32
            %dma_wait3A_130 = tpu.memref_slice %arg9[%run_scoped3A, %dma_wait3A_128, %dma_wait3A_129] : memref<2x128x128xf32, #tpu.memory_space<vmem>> -> memref<1x128x128xf32, #tpu.memory_space<vmem>>
            %dma_wait3A_131 = tpu.memref_squeeze %dma_wait3A_130 : memref<1x128x128xf32, #tpu.memory_space<vmem>> -> memref<128x128xf32, #tpu.memory_space<vmem>>
            %dma_wait3A_132 = arith.constant 0 : i32
            %dma_wait3A_133 = tpu.memref_slice %arg8[%run_scoped3A_117, %dma_wait3A_132] : memref<2x128xi32, #tpu.memory_space<vmem>> -> memref<1x128xi32, #tpu.memory_space<vmem>>
            %dma_wait3A_134 = tpu.memref_squeeze %dma_wait3A_133 : memref<1x128xi32, #tpu.memory_space<vmem>> -> memref<128xi32, #tpu.memory_space<vmem>>
            %dma_wait3A_135 = arith.constant 0 : i32
            %dma_wait3A_136 = arith.constant 0 : i32
            %dma_wait3A_137 = tpu.memref_slice %arg10[%dma_wait3A_135, %dma_wait3A_136] : memref<10000x128xf32, #tpu.memory_space<vmem_shared>> -> memref<10000x128xf32, #tpu.memory_space<vmem_shared>>
            tpu.wait_indirect_dma semaphore(%run_scoped3A_118 : memref<!tpu.dma_semaphore, #tpu.memory_space<semaphore_mem>>) src(%dma_wait3A_131 : memref<128x128xf32, #tpu.memory_space<vmem>>) dst(%dma_wait3A_137 : memref<10000x128xf32, #tpu.memory_space<vmem_shared>>)
            tpu.yield
          }) : () -> ()
        } else {
        }
        %mul3A_77 = arith.constant 2 : i32
        %mul3A_78 = arith.muli %mul3A_77, %scan3A_55 : i32
        %add3A_79 = arith.constant 2 : i32
        %add3A_80 = arith.addi %mul3A_78, %add3A_79 : i32
        %mul3A_81 = arith.constant 16 : i32
        %mul3A_82 = arith.muli %add3A_80, %mul3A_81 : i32
        %add3A_83 = arith.addi %mul3A_82, %arg1 : i32
        %lt3A_84 = arith.constant 1250 : i32
        %lt3A_85 = arith.cmpi slt, %add3A_83, %lt3A_84 : i32
        %convert_element_type3A_86 = arith.extui %lt3A_85 : i1 to i32
        %cond3A_87 = arith.constant 0 : i32
        %cond3A_88 = arith.cmpi ne, %convert_element_type3A_86, %cond3A_87 : i32
        scf.if %cond3A_88 {
          %mul3A_101 = arith.constant 128 : i32
          %mul3A_102 = arith.muli %add3A_83, %mul3A_101 : i32
          %run_scoped3A = arith.constant 0 : i32
          "tpu.region"() ({
            %run_scoped3A_122 = tpu.sem_alloc : memref<!tpu.dma_semaphore, #tpu.memory_space<semaphore_mem>>
            %dma_start3A_123 = arith.constant 0 : i32
            %dma_start3A_124 = tpu.memref_slice %arg7[%run_scoped3A, %dma_start3A_123] : memref<2x128xi32, #tpu.memory_space<vmem>> -> memref<1x128xi32, #tpu.memory_space<vmem>>
            %dma_start3A_125 = tpu.memref_squeeze %dma_start3A_124 : memref<1x128xi32, #tpu.memory_space<vmem>> -> memref<128xi32, #tpu.memory_space<vmem>>
            %dma_start3A_126 = tpu.memref_slice %arg3[%mul3A_102] : memref<160000xi32, #tpu.memory_space<hbm>> -> memref<128xi32, #tpu.memory_space<hbm>>
            %dma_start3A_127 = arith.constant 0 : i32
            %dma_start3A_128 = tpu.memref_slice %arg7[%run_scoped3A, %dma_start3A_127] : memref<2x128xi32, #tpu.memory_space<vmem>> -> memref<1x128xi32, #tpu.memory_space<vmem>>
            %dma_start3A_129 = tpu.memref_squeeze %dma_start3A_128 : memref<1x128xi32, #tpu.memory_space<vmem>> -> memref<128xi32, #tpu.memory_space<vmem>>
            %dma_start3A_130 = tpu.memref_slice %arg3[%mul3A_102] : memref<160000xi32, #tpu.memory_space<hbm>> -> memref<128xi32, #tpu.memory_space<hbm>>
            tpu.enqueue_dma source(%dma_start3A_130 : memref<128xi32, #tpu.memory_space<hbm>>) target(%dma_start3A_129 : memref<128xi32, #tpu.memory_space<vmem>>) target_semaphore(%run_scoped3A_122 : memref<!tpu.dma_semaphore, #tpu.memory_space<semaphore_mem>>)
            %dma_wait3A = arith.constant 0 : i32
            %dma_wait3A_131 = tpu.memref_slice %arg7[%run_scoped3A, %dma_wait3A] : memref<2x128xi32, #tpu.memory_space<vmem>> -> memref<1x128xi32, #tpu.memory_space<vmem>>
            %dma_wait3A_132 = tpu.memref_squeeze %dma_wait3A_131 : memref<1x128xi32, #tpu.memory_space<vmem>> -> memref<128xi32, #tpu.memory_space<vmem>>
            %dma_wait3A_133 = tpu.memref_slice %arg3[%mul3A_102] : memref<160000xi32, #tpu.memory_space<hbm>> -> memref<128xi32, #tpu.memory_space<hbm>>
            %dma_wait3A_134 = arith.constant 0 : i32
            %dma_wait3A_135 = tpu.memref_slice %arg7[%run_scoped3A, %dma_wait3A_134] : memref<2x128xi32, #tpu.memory_space<vmem>> -> memref<1x128xi32, #tpu.memory_space<vmem>>
            %dma_wait3A_136 = tpu.memref_squeeze %dma_wait3A_135 : memref<1x128xi32, #tpu.memory_space<vmem>> -> memref<128xi32, #tpu.memory_space<vmem>>
            %dma_wait3A_137 = tpu.memref_slice %arg3[%mul3A_102] : memref<160000xi32, #tpu.memory_space<hbm>> -> memref<128xi32, #tpu.memory_space<hbm>>
            tpu.wait_dma2 semaphore(%run_scoped3A_122 : memref<!tpu.dma_semaphore, #tpu.memory_space<semaphore_mem>>) src(%dma_wait3A_137 : memref<128xi32, #tpu.memory_space<hbm>>) dst(%dma_wait3A_136 : memref<128xi32, #tpu.memory_space<vmem>>)
            tpu.yield
          }) : () -> ()
          %mul3A_103 = arith.constant 128 : i32
          %mul3A_104 = arith.muli %add3A_83, %mul3A_103 : i32
          %run_scoped3A_105 = arith.constant 0 : i32
          "tpu.region"() ({
            %run_scoped3A_122 = tpu.sem_alloc : memref<!tpu.dma_semaphore, #tpu.memory_space<semaphore_mem>>
            %dma_start3A_123 = arith.constant 0 : i32
            %dma_start3A_124 = tpu.memref_slice %arg8[%run_scoped3A_105, %dma_start3A_123] : memref<2x128xi32, #tpu.memory_space<vmem>> -> memref<1x128xi32, #tpu.memory_space<vmem>>
            %dma_start3A_125 = tpu.memref_squeeze %dma_start3A_124 : memref<1x128xi32, #tpu.memory_space<vmem>> -> memref<128xi32, #tpu.memory_space<vmem>>
            %dma_start3A_126 = tpu.memref_slice %arg4[%mul3A_104] : memref<160000xi32, #tpu.memory_space<hbm>> -> memref<128xi32, #tpu.memory_space<hbm>>
            %dma_start3A_127 = arith.constant 0 : i32
            %dma_start3A_128 = tpu.memref_slice %arg8[%run_scoped3A_105, %dma_start3A_127] : memref<2x128xi32, #tpu.memory_space<vmem>> -> memref<1x128xi32, #tpu.memory_space<vmem>>
            %dma_start3A_129 = tpu.memref_squeeze %dma_start3A_128 : memref<1x128xi32, #tpu.memory_space<vmem>> -> memref<128xi32, #tpu.memory_space<vmem>>
            %dma_start3A_130 = tpu.memref_slice %arg4[%mul3A_104] : memref<160000xi32, #tpu.memory_space<hbm>> -> memref<128xi32, #tpu.memory_space<hbm>>
            tpu.enqueue_dma source(%dma_start3A_130 : memref<128xi32, #tpu.memory_space<hbm>>) target(%dma_start3A_129 : memref<128xi32, #tpu.memory_space<vmem>>) target_semaphore(%run_scoped3A_122 : memref<!tpu.dma_semaphore, #tpu.memory_space<semaphore_mem>>)
            %dma_wait3A = arith.constant 0 : i32
            %dma_wait3A_131 = tpu.memref_slice %arg8[%run_scoped3A_105, %dma_wait3A] : memref<2x128xi32, #tpu.memory_space<vmem>> -> memref<1x128xi32, #tpu.memory_space<vmem>>
            %dma_wait3A_132 = tpu.memref_squeeze %dma_wait3A_131 : memref<1x128xi32, #tpu.memory_space<vmem>> -> memref<128xi32, #tpu.memory_space<vmem>>
            %dma_wait3A_133 = tpu.memref_slice %arg4[%mul3A_104] : memref<160000xi32, #tpu.memory_space<hbm>> -> memref<128xi32, #tpu.memory_space<hbm>>
            %dma_wait3A_134 = arith.constant 0 : i32
            %dma_wait3A_135 = tpu.memref_slice %arg8[%run_scoped3A_105, %dma_wait3A_134] : memref<2x128xi32, #tpu.memory_space<vmem>> -> memref<1x128xi32, #tpu.memory_space<vmem>>
            %dma_wait3A_136 = tpu.memref_squeeze %dma_wait3A_135 : memref<1x128xi32, #tpu.memory_space<vmem>> -> memref<128xi32, #tpu.memory_space<vmem>>
            %dma_wait3A_137 = tpu.memref_slice %arg4[%mul3A_104] : memref<160000xi32, #tpu.memory_space<hbm>> -> memref<128xi32, #tpu.memory_space<hbm>>
            tpu.wait_dma2 semaphore(%run_scoped3A_122 : memref<!tpu.dma_semaphore, #tpu.memory_space<semaphore_mem>>) src(%dma_wait3A_137 : memref<128xi32, #tpu.memory_space<hbm>>) dst(%dma_wait3A_136 : memref<128xi32, #tpu.memory_space<vmem>>)
            tpu.yield
          }) : () -> ()
          %dma_start3A = arith.constant 0 : i32
          %dma_start3A_106 = arith.constant 0 : i32
          %dma_start3A_107 = arith.constant 0 : i32
          %dma_start3A_108 = arith.constant 0 : i32
          %dma_start3A_109 = arith.constant 0 : i32
          %dma_start3A_110 = tpu.memref_slice %arg9[%dma_start3A_107, %dma_start3A_108, %dma_start3A_109] : memref<2x128x128xf32, #tpu.memory_space<vmem>> -> memref<1x128x128xf32, #tpu.memory_space<vmem>>
          %dma_start3A_111 = tpu.memref_squeeze %dma_start3A_110 : memref<1x128x128xf32, #tpu.memory_space<vmem>> -> memref<128x128xf32, #tpu.memory_space<vmem>>
          %dma_start3A_112 = arith.constant 0 : i32
          %dma_start3A_113 = tpu.memref_slice %arg7[%dma_start3A_106, %dma_start3A_112] : memref<2x128xi32, #tpu.memory_space<vmem>> -> memref<1x128xi32, #tpu.memory_space<vmem>>
          %dma_start3A_114 = tpu.memref_squeeze %dma_start3A_113 : memref<1x128xi32, #tpu.memory_space<vmem>> -> memref<128xi32, #tpu.memory_space<vmem>>
          %dma_start3A_115 = arith.constant 0 : i32
          %dma_start3A_116 = arith.constant 0 : i32
          %dma_start3A_117 = tpu.memref_slice %arg2[%dma_start3A, %dma_start3A_115, %dma_start3A_116] : memref<4x10000x128xf32, #tpu.memory_space<hbm>> -> memref<1x10000x128xf32, #tpu.memory_space<hbm>>
          %dma_start3A_118 = tpu.memref_squeeze %dma_start3A_117 : memref<1x10000x128xf32, #tpu.memory_space<hbm>> -> memref<10000x128xf32, #tpu.memory_space<hbm>>
          %dma_start3A_119 = arith.constant 0 : i32
          %dma_start3A_120 = arith.constant 0 : i32
          %dma_start3A_121 = tpu.memref_slice %dma_start3A_118[%dma_start3A_119, %dma_start3A_120] : memref<10000x128xf32, #tpu.memory_space<hbm>> -> memref<10000x128xf32, #tpu.memory_space<hbm>>
          tpu.enqueue_indirect_dma source(%dma_start3A_121 : memref<10000x128xf32, #tpu.memory_space<hbm>>) target(%dma_start3A_111 : memref<128x128xf32, #tpu.memory_space<vmem>>) offsets(%dma_start3A_114 : memref<128xi32, #tpu.memory_space<vmem>>) semaphore(%arg11 : memref<!tpu.dma_semaphore, #tpu.memory_space<semaphore_mem>>)
        } else {
        }
        %mul3A_89 = arith.constant 2 : i32
        %mul3A_90 = arith.muli %mul3A_89, %scan3A_55 : i32
        %add3A_91 = arith.constant 1 : i32
        %add3A_92 = arith.addi %mul3A_90, %add3A_91 : i32
        %mul3A_93 = arith.constant 16 : i32
        %mul3A_94 = arith.muli %add3A_92, %mul3A_93 : i32
        %add3A_95 = arith.addi %mul3A_94, %arg1 : i32
        %lt3A_96 = arith.constant 1250 : i32
        %lt3A_97 = arith.cmpi slt, %add3A_95, %lt3A_96 : i32
        %convert_element_type3A_98 = arith.extui %lt3A_97 : i1 to i32
        %cond3A_99 = arith.constant 0 : i32
        %cond3A_100 = arith.cmpi ne, %convert_element_type3A_98, %cond3A_99 : i32
        scf.if %cond3A_100 {
          %dma_wait3A = arith.constant 0 : i32
          %dma_wait3A_101 = arith.constant 1 : i32
          %dma_wait3A_102 = arith.constant 1 : i32
          %dma_wait3A_103 = arith.constant 0 : i32
          %dma_wait3A_104 = arith.constant 0 : i32
          %dma_wait3A_105 = tpu.memref_slice %arg9[%dma_wait3A_102, %dma_wait3A_103, %dma_wait3A_104] : memref<2x128x128xf32, #tpu.memory_space<vmem>> -> memref<1x128x128xf32, #tpu.memory_space<vmem>>
          %dma_wait3A_106 = tpu.memref_squeeze %dma_wait3A_105 : memref<1x128x128xf32, #tpu.memory_space<vmem>> -> memref<128x128xf32, #tpu.memory_space<vmem>>
          %dma_wait3A_107 = arith.constant 0 : i32
          %dma_wait3A_108 = tpu.memref_slice %arg7[%dma_wait3A_101, %dma_wait3A_107] : memref<2x128xi32, #tpu.memory_space<vmem>> -> memref<1x128xi32, #tpu.memory_space<vmem>>
          %dma_wait3A_109 = tpu.memref_squeeze %dma_wait3A_108 : memref<1x128xi32, #tpu.memory_space<vmem>> -> memref<128xi32, #tpu.memory_space<vmem>>
          %dma_wait3A_110 = arith.constant 0 : i32
          %dma_wait3A_111 = arith.constant 0 : i32
          %dma_wait3A_112 = tpu.memref_slice %arg2[%dma_wait3A, %dma_wait3A_110, %dma_wait3A_111] : memref<4x10000x128xf32, #tpu.memory_space<hbm>> -> memref<1x10000x128xf32, #tpu.memory_space<hbm>>
          %dma_wait3A_113 = tpu.memref_squeeze %dma_wait3A_112 : memref<1x10000x128xf32, #tpu.memory_space<hbm>> -> memref<10000x128xf32, #tpu.memory_space<hbm>>
          %dma_wait3A_114 = arith.constant 0 : i32
          %dma_wait3A_115 = arith.constant 0 : i32
          %dma_wait3A_116 = tpu.memref_slice %dma_wait3A_113[%dma_wait3A_114, %dma_wait3A_115] : memref<10000x128xf32, #tpu.memory_space<hbm>> -> memref<10000x128xf32, #tpu.memory_space<hbm>>
          tpu.wait_indirect_dma semaphore(%arg12 : memref<!tpu.dma_semaphore, #tpu.memory_space<semaphore_mem>>) src(%dma_wait3A_116 : memref<10000x128xf32, #tpu.memory_space<hbm>>) dst(%dma_wait3A_106 : memref<128x128xf32, #tpu.memory_space<vmem>>)
          %run_scoped3A = arith.constant 1 : i32
          %run_scoped3A_117 = arith.constant 1 : i32
          "tpu.region"() ({
            %run_scoped3A_118 = tpu.sem_alloc : memref<!tpu.dma_semaphore, #tpu.memory_space<semaphore_mem>>
            %dma_start3A = arith.constant 0 : i32
            %dma_start3A_119 = arith.constant 0 : i32
            %dma_start3A_120 = tpu.memref_slice %arg9[%run_scoped3A, %dma_start3A, %dma_start3A_119] : memref<2x128x128xf32, #tpu.memory_space<vmem>> -> memref<1x128x128xf32, #tpu.memory_space<vmem>>
            %dma_start3A_121 = tpu.memref_squeeze %dma_start3A_120 : memref<1x128x128xf32, #tpu.memory_space<vmem>> -> memref<128x128xf32, #tpu.memory_space<vmem>>
            %dma_start3A_122 = arith.constant 0 : i32
            %dma_start3A_123 = tpu.memref_slice %arg8[%run_scoped3A_117, %dma_start3A_122] : memref<2x128xi32, #tpu.memory_space<vmem>> -> memref<1x128xi32, #tpu.memory_space<vmem>>
            %dma_start3A_124 = tpu.memref_squeeze %dma_start3A_123 : memref<1x128xi32, #tpu.memory_space<vmem>> -> memref<128xi32, #tpu.memory_space<vmem>>
            %dma_start3A_125 = arith.constant 0 : i32
            %dma_start3A_126 = arith.constant 0 : i32
            %dma_start3A_127 = tpu.memref_slice %arg10[%dma_start3A_125, %dma_start3A_126] : memref<10000x128xf32, #tpu.memory_space<vmem_shared>> -> memref<10000x128xf32, #tpu.memory_space<vmem_shared>>
            tpu.enqueue_indirect_dma source(%dma_start3A_121 : memref<128x128xf32, #tpu.memory_space<vmem>>) target(%dma_start3A_127 : memref<10000x128xf32, #tpu.memory_space<vmem_shared>>) offsets(%dma_start3A_124 : memref<128xi32, #tpu.memory_space<vmem>>) semaphore(%run_scoped3A_118 : memref<!tpu.dma_semaphore, #tpu.memory_space<semaphore_mem>>) {add = true}
            %dma_wait3A_128 = arith.constant 0 : i32
            %dma_wait3A_129 = arith.constant 0 : i32
            %dma_wait3A_130 = tpu.memref_slice %arg9[%run_scoped3A, %dma_wait3A_128, %dma_wait3A_129] : memref<2x128x128xf32, #tpu.memory_space<vmem>> -> memref<1x128x128xf32, #tpu.memory_space<vmem>>
            %dma_wait3A_131 = tpu.memref_squeeze %dma_wait3A_130 : memref<1x128x128xf32, #tpu.memory_space<vmem>> -> memref<128x128xf32, #tpu.memory_space<vmem>>
            %dma_wait3A_132 = arith.constant 0 : i32
            %dma_wait3A_133 = tpu.memref_slice %arg8[%run_scoped3A_117, %dma_wait3A_132] : memref<2x128xi32, #tpu.memory_space<vmem>> -> memref<1x128xi32, #tpu.memory_space<vmem>>
            %dma_wait3A_134 = tpu.memref_squeeze %dma_wait3A_133 : memref<1x128xi32, #tpu.memory_space<vmem>> -> memref<128xi32, #tpu.memory_space<vmem>>
            %dma_wait3A_135 = arith.constant 0 : i32
            %dma_wait3A_136 = arith.constant 0 : i32
            %dma_wait3A_137 = tpu.memref_slice %arg10[%dma_wait3A_135, %dma_wait3A_136] : memref<10000x128xf32, #tpu.memory_space<vmem_shared>> -> memref<10000x128xf32, #tpu.memory_space<vmem_shared>>
            tpu.wait_indirect_dma semaphore(%run_scoped3A_118 : memref<!tpu.dma_semaphore, #tpu.memory_space<semaphore_mem>>) src(%dma_wait3A_131 : memref<128x128xf32, #tpu.memory_space<vmem>>) dst(%dma_wait3A_137 : memref<10000x128xf32, #tpu.memory_space<vmem_shared>>)
            tpu.yield
          }) : () -> ()
        } else {
        }
      }
      %scan3A_36 = arith.constant 39 : i32
      %add3A_37 = arith.constant 1248 : i32
      %add3A_38 = arith.addi %add3A_37, %arg1 : i32
      %lt3A_39 = arith.constant 1250 : i32
      %lt3A_40 = arith.cmpi slt, %add3A_38, %lt3A_39 : i32
      %convert_element_type3A_41 = arith.extui %lt3A_40 : i1 to i32
      %cond3A_42 = arith.constant 0 : i32
      %cond3A_43 = arith.cmpi ne, %convert_element_type3A_41, %cond3A_42 : i32
      scf.if %cond3A_43 {
        %dma_wait3A = arith.constant 0 : i32
        %dma_wait3A_55 = arith.constant 0 : i32
        %dma_wait3A_56 = arith.constant 0 : i32
        %dma_wait3A_57 = arith.constant 0 : i32
        %dma_wait3A_58 = arith.constant 0 : i32
        %dma_wait3A_59 = tpu.memref_slice %arg9[%dma_wait3A_56, %dma_wait3A_57, %dma_wait3A_58] : memref<2x128x128xf32, #tpu.memory_space<vmem>> -> memref<1x128x128xf32, #tpu.memory_space<vmem>>
        %dma_wait3A_60 = tpu.memref_squeeze %dma_wait3A_59 : memref<1x128x128xf32, #tpu.memory_space<vmem>> -> memref<128x128xf32, #tpu.memory_space<vmem>>
        %dma_wait3A_61 = arith.constant 0 : i32
        %dma_wait3A_62 = tpu.memref_slice %arg7[%dma_wait3A_55, %dma_wait3A_61] : memref<2x128xi32, #tpu.memory_space<vmem>> -> memref<1x128xi32, #tpu.memory_space<vmem>>
        %dma_wait3A_63 = tpu.memref_squeeze %dma_wait3A_62 : memref<1x128xi32, #tpu.memory_space<vmem>> -> memref<128xi32, #tpu.memory_space<vmem>>
        %dma_wait3A_64 = arith.constant 0 : i32
        %dma_wait3A_65 = arith.constant 0 : i32
        %dma_wait3A_66 = tpu.memref_slice %arg2[%dma_wait3A, %dma_wait3A_64, %dma_wait3A_65] : memref<4x10000x128xf32, #tpu.memory_space<hbm>> -> memref<1x10000x128xf32, #tpu.memory_space<hbm>>
        %dma_wait3A_67 = tpu.memref_squeeze %dma_wait3A_66 : memref<1x10000x128xf32, #tpu.memory_space<hbm>> -> memref<10000x128xf32, #tpu.memory_space<hbm>>
        %dma_wait3A_68 = arith.constant 0 : i32
        %dma_wait3A_69 = arith.constant 0 : i32
        %dma_wait3A_70 = tpu.memref_slice %dma_wait3A_67[%dma_wait3A_68, %dma_wait3A_69] : memref<10000x128xf32, #tpu.memory_space<hbm>> -> memref<10000x128xf32, #tpu.memory_space<hbm>>
        tpu.wait_indirect_dma semaphore(%arg11 : memref<!tpu.dma_semaphore, #tpu.memory_space<semaphore_mem>>) src(%dma_wait3A_70 : memref<10000x128xf32, #tpu.memory_space<hbm>>) dst(%dma_wait3A_60 : memref<128x128xf32, #tpu.memory_space<vmem>>)
        %run_scoped3A = arith.constant 0 : i32
        %run_scoped3A_71 = arith.constant 0 : i32
        "tpu.region"() ({
          %run_scoped3A_72 = tpu.sem_alloc : memref<!tpu.dma_semaphore, #tpu.memory_space<semaphore_mem>>
          %dma_start3A = arith.constant 0 : i32
          %dma_start3A_73 = arith.constant 0 : i32
          %dma_start3A_74 = tpu.memref_slice %arg9[%run_scoped3A, %dma_start3A, %dma_start3A_73] : memref<2x128x128xf32, #tpu.memory_space<vmem>> -> memref<1x128x128xf32, #tpu.memory_space<vmem>>
          %dma_start3A_75 = tpu.memref_squeeze %dma_start3A_74 : memref<1x128x128xf32, #tpu.memory_space<vmem>> -> memref<128x128xf32, #tpu.memory_space<vmem>>
          %dma_start3A_76 = arith.constant 0 : i32
          %dma_start3A_77 = tpu.memref_slice %arg8[%run_scoped3A_71, %dma_start3A_76] : memref<2x128xi32, #tpu.memory_space<vmem>> -> memref<1x128xi32, #tpu.memory_space<vmem>>
          %dma_start3A_78 = tpu.memref_squeeze %dma_start3A_77 : memref<1x128xi32, #tpu.memory_space<vmem>> -> memref<128xi32, #tpu.memory_space<vmem>>
          %dma_start3A_79 = arith.constant 0 : i32
          %dma_start3A_80 = arith.constant 0 : i32
          %dma_start3A_81 = tpu.memref_slice %arg10[%dma_start3A_79, %dma_start3A_80] : memref<10000x128xf32, #tpu.memory_space<vmem_shared>> -> memref<10000x128xf32, #tpu.memory_space<vmem_shared>>
          tpu.enqueue_indirect_dma source(%dma_start3A_75 : memref<128x128xf32, #tpu.memory_space<vmem>>) target(%dma_start3A_81 : memref<10000x128xf32, #tpu.memory_space<vmem_shared>>) offsets(%dma_start3A_78 : memref<128xi32, #tpu.memory_space<vmem>>) semaphore(%run_scoped3A_72 : memref<!tpu.dma_semaphore, #tpu.memory_space<semaphore_mem>>) {add = true}
          %dma_wait3A_82 = arith.constant 0 : i32
          %dma_wait3A_83 = arith.constant 0 : i32
          %dma_wait3A_84 = tpu.memref_slice %arg9[%run_scoped3A, %dma_wait3A_82, %dma_wait3A_83] : memref<2x128x128xf32, #tpu.memory_space<vmem>> -> memref<1x128x128xf32, #tpu.memory_space<vmem>>
          %dma_wait3A_85 = tpu.memref_squeeze %dma_wait3A_84 : memref<1x128x128xf32, #tpu.memory_space<vmem>> -> memref<128x128xf32, #tpu.memory_space<vmem>>
          %dma_wait3A_86 = arith.constant 0 : i32
          %dma_wait3A_87 = tpu.memref_slice %arg8[%run_scoped3A_71, %dma_wait3A_86] : memref<2x128xi32, #tpu.memory_space<vmem>> -> memref<1x128xi32, #tpu.memory_space<vmem>>
          %dma_wait3A_88 = tpu.memref_squeeze %dma_wait3A_87 : memref<1x128xi32, #tpu.memory_space<vmem>> -> memref<128xi32, #tpu.memory_space<vmem>>
          %dma_wait3A_89 = arith.constant 0 : i32
          %dma_wait3A_90 = arith.constant 0 : i32
          %dma_wait3A_91 = tpu.memref_slice %arg10[%dma_wait3A_89, %dma_wait3A_90] : memref<10000x128xf32, #tpu.memory_space<vmem_shared>> -> memref<10000x128xf32, #tpu.memory_space<vmem_shared>>
          tpu.wait_indirect_dma semaphore(%run_scoped3A_72 : memref<!tpu.dma_semaphore, #tpu.memory_space<semaphore_mem>>) src(%dma_wait3A_85 : memref<128x128xf32, #tpu.memory_space<vmem>>) dst(%dma_wait3A_91 : memref<10000x128xf32, #tpu.memory_space<vmem_shared>>)
          tpu.yield
        }) : () -> ()
      } else {
      }
      %barrier3A_44 = arith.constant 0 : index
      tpu.barrier barrier_id(%barrier3A_44)
      %lt3A_45 = arith.constant 15 : i32
      %lt3A_46 = arith.cmpi slt, %arg1, %lt3A_45 : i32
      %convert_element_type3A_47 = arith.extui %lt3A_46 : i1 to i32
      %cond3A_48 = arith.constant 0 : i32
      %cond3A_49 = arith.cmpi ne, %convert_element_type3A_47, %cond3A_48 : i32
      scf.if %cond3A_49 {
        %mul3A = arith.constant 632 : i32
        %mul3A_55 = arith.muli %arg1, %mul3A : i32
        %multiple_of3A = tpu.assume_multiple %mul3A_55, 8 : i32
        %run_scoped3A = arith.constant 0 : i32
        "tpu.region"() ({
          %run_scoped3A_56 = tpu.sem_alloc : memref<!tpu.dma_semaphore, #tpu.memory_space<semaphore_mem>>
          %dma_start3A = arith.constant 0 : i32
          %dma_start3A_57 = tpu.memref_slice %arg6[%run_scoped3A, %multiple_of3A, %dma_start3A] : memref<4x10000x128xf32, #tpu.memory_space<hbm>> -> memref<1x632x128xf32, #tpu.memory_space<hbm>>
          %dma_start3A_58 = tpu.memref_squeeze %dma_start3A_57 : memref<1x632x128xf32, #tpu.memory_space<hbm>> -> memref<632x128xf32, #tpu.memory_space<hbm>>
          %dma_start3A_59 = arith.constant 0 : i32
          %dma_start3A_60 = tpu.memref_slice %arg10[%multiple_of3A, %dma_start3A_59] : memref<10000x128xf32, #tpu.memory_space<vmem_shared>> -> memref<632x128xf32, #tpu.memory_space<vmem_shared>>
          tpu.enqueue_dma source(%dma_start3A_60 : memref<632x128xf32, #tpu.memory_space<vmem_shared>>) target(%dma_start3A_58 : memref<632x128xf32, #tpu.memory_space<hbm>>) target_semaphore(%run_scoped3A_56 : memref<!tpu.dma_semaphore, #tpu.memory_space<semaphore_mem>>)
          %dma_wait3A = arith.constant 0 : i32
          %dma_wait3A_61 = tpu.memref_slice %arg6[%run_scoped3A, %multiple_of3A, %dma_wait3A] : memref<4x10000x128xf32, #tpu.memory_space<hbm>> -> memref<1x632x128xf32, #tpu.memory_space<hbm>>
          %dma_wait3A_62 = tpu.memref_squeeze %dma_wait3A_61 : memref<1x632x128xf32, #tpu.memory_space<hbm>> -> memref<632x128xf32, #tpu.memory_space<hbm>>
          %dma_wait3A_63 = arith.constant 0 : i32
          %dma_wait3A_64 = tpu.memref_slice %arg10[%multiple_of3A, %dma_wait3A_63] : memref<10000x128xf32, #tpu.memory_space<vmem_shared>> -> memref<632x128xf32, #tpu.memory_space<vmem_shared>>
          tpu.wait_dma2 semaphore(%run_scoped3A_56 : memref<!tpu.dma_semaphore, #tpu.memory_space<semaphore_mem>>) src(%dma_wait3A_64 : memref<632x128xf32, #tpu.memory_space<vmem_shared>>) dst(%dma_wait3A_62 : memref<632x128xf32, #tpu.memory_space<hbm>>)
          tpu.yield
        }) : () -> ()
      } else {
      }
      %eq3A_50 = arith.constant 15 : i32
      %eq3A_51 = arith.cmpi eq, %arg1, %eq3A_50 : i32
      %convert_element_type3A_52 = arith.extui %eq3A_51 : i1 to i32
      %cond3A_53 = arith.constant 0 : i32
      %cond3A_54 = arith.cmpi ne, %convert_element_type3A_52, %cond3A_53 : i32
      scf.if %cond3A_54 {
        %run_scoped3A = arith.constant 0 : i32
        "tpu.region"() ({
          %run_scoped3A_55 = tpu.sem_alloc : memref<!tpu.dma_semaphore, #tpu.memory_space<semaphore_mem>>
          %dma_start3A = arith.constant 9480 : i32
          %dma_start3A_56 = arith.constant 0 : i32
          %dma_start3A_57 = tpu.memref_slice %arg6[%run_scoped3A, %dma_start3A, %dma_start3A_56] : memref<4x10000x128xf32, #tpu.memory_space<hbm>> -> memref<1x520x128xf32, #tpu.memory_space<hbm>>
          %dma_start3A_58 = tpu.memref_squeeze %dma_start3A_57 : memref<1x520x128xf32, #tpu.memory_space<hbm>> -> memref<520x128xf32, #tpu.memory_space<hbm>>
          %dma_start3A_59 = arith.constant 9480 : i32
          %dma_start3A_60 = arith.constant 0 : i32
          %dma_start3A_61 = tpu.memref_slice %arg10[%dma_start3A_59, %dma_start3A_60] : memref<10000x128xf32, #tpu.memory_space<vmem_shared>> -> memref<520x128xf32, #tpu.memory_space<vmem_shared>>
          tpu.enqueue_dma source(%dma_start3A_61 : memref<520x128xf32, #tpu.memory_space<vmem_shared>>) target(%dma_start3A_58 : memref<520x128xf32, #tpu.memory_space<hbm>>) target_semaphore(%run_scoped3A_55 : memref<!tpu.dma_semaphore, #tpu.memory_space<semaphore_mem>>)
          %dma_wait3A = arith.constant 9480 : i32
          %dma_wait3A_62 = arith.constant 0 : i32
          %dma_wait3A_63 = tpu.memref_slice %arg6[%run_scoped3A, %dma_wait3A, %dma_wait3A_62] : memref<4x10000x128xf32, #tpu.memory_space<hbm>> -> memref<1x520x128xf32, #tpu.memory_space<hbm>>
          %dma_wait3A_64 = tpu.memref_squeeze %dma_wait3A_63 : memref<1x520x128xf32, #tpu.memory_space<hbm>> -> memref<520x128xf32, #tpu.memory_space<hbm>>
          %dma_wait3A_65 = arith.constant 9480 : i32
          %dma_wait3A_66 = arith.constant 0 : i32
          %dma_wait3A_67 = tpu.memref_slice %arg10[%dma_wait3A_65, %dma_wait3A_66] : memref<10000x128xf32, #tpu.memory_space<vmem_shared>> -> memref<520x128xf32, #tpu.memory_space<vmem_shared>>
          tpu.wait_dma2 semaphore(%run_scoped3A_55 : memref<!tpu.dma_semaphore, #tpu.memory_space<semaphore_mem>>) src(%dma_wait3A_67 : memref<520x128xf32, #tpu.memory_space<vmem_shared>>) dst(%dma_wait3A_64 : memref<520x128xf32, #tpu.memory_space<hbm>>)
          tpu.yield
        }) : () -> ()
      } else {
      }
    } else {
    }
    %eq3A_2 = arith.constant 1 : i32
    %eq3A_3 = arith.cmpi eq, %arg0, %eq3A_2 : i32
    %convert_element_type3A_4 = arith.extui %eq3A_3 : i1 to i32
    %cond3A_5 = arith.constant 0 : i32
    %cond3A_6 = arith.cmpi ne, %convert_element_type3A_4, %cond3A_5 : i32
    scf.if %cond3A_6 {
      %lt3A = arith.constant 15 : i32
      %lt3A_17 = arith.cmpi slt, %arg1, %lt3A : i32
      %convert_element_type3A_18 = arith.extui %lt3A_17 : i1 to i32
      %cond3A_19 = arith.constant 0 : i32
      %cond3A_20 = arith.cmpi ne, %convert_element_type3A_18, %cond3A_19 : i32
      scf.if %cond3A_20 {
        %mul3A = arith.constant 632 : i32
        %mul3A_55 = arith.muli %arg1, %mul3A : i32
        %multiple_of3A = tpu.assume_multiple %mul3A_55, 8 : i32
        "tpu.region"() ({
          %run_scoped3A = tpu.sem_alloc : memref<!tpu.dma_semaphore, #tpu.memory_space<semaphore_mem>>
          %dma_start3A = arith.constant 0 : i32
          %dma_start3A_56 = tpu.memref_slice %arg10[%multiple_of3A, %dma_start3A] : memref<10000x128xf32, #tpu.memory_space<vmem_shared>> -> memref<632x128xf32, #tpu.memory_space<vmem_shared>>
          %dma_start3A_57 = arith.constant 0 : i32
          %dma_start3A_58 = tpu.memref_slice %arg5[%multiple_of3A, %dma_start3A_57] : memref<10000x128xf32, #tpu.memory_space<hbm>> -> memref<632x128xf32, #tpu.memory_space<hbm>>
          tpu.enqueue_dma source(%dma_start3A_58 : memref<632x128xf32, #tpu.memory_space<hbm>>) target(%dma_start3A_56 : memref<632x128xf32, #tpu.memory_space<vmem_shared>>) target_semaphore(%run_scoped3A : memref<!tpu.dma_semaphore, #tpu.memory_space<semaphore_mem>>)
          %dma_wait3A = arith.constant 0 : i32
          %dma_wait3A_59 = tpu.memref_slice %arg10[%multiple_of3A, %dma_wait3A] : memref<10000x128xf32, #tpu.memory_space<vmem_shared>> -> memref<632x128xf32, #tpu.memory_space<vmem_shared>>
          %dma_wait3A_60 = arith.constant 0 : i32
          %dma_wait3A_61 = tpu.memref_slice %arg5[%multiple_of3A, %dma_wait3A_60] : memref<10000x128xf32, #tpu.memory_space<hbm>> -> memref<632x128xf32, #tpu.memory_space<hbm>>
          tpu.wait_dma2 semaphore(%run_scoped3A : memref<!tpu.dma_semaphore, #tpu.memory_space<semaphore_mem>>) src(%dma_wait3A_61 : memref<632x128xf32, #tpu.memory_space<hbm>>) dst(%dma_wait3A_59 : memref<632x128xf32, #tpu.memory_space<vmem_shared>>)
          tpu.yield
        }) : () -> ()
      } else {
      }
      %eq3A_21 = arith.constant 15 : i32
      %eq3A_22 = arith.cmpi eq, %arg1, %eq3A_21 : i32
      %convert_element_type3A_23 = arith.extui %eq3A_22 : i1 to i32
      %cond3A_24 = arith.constant 0 : i32
      %cond3A_25 = arith.cmpi ne, %convert_element_type3A_23, %cond3A_24 : i32
      scf.if %cond3A_25 {
        "tpu.region"() ({
          %run_scoped3A = tpu.sem_alloc : memref<!tpu.dma_semaphore, #tpu.memory_space<semaphore_mem>>
          %dma_start3A = arith.constant 9480 : i32
          %dma_start3A_55 = arith.constant 0 : i32
          %dma_start3A_56 = tpu.memref_slice %arg10[%dma_start3A, %dma_start3A_55] : memref<10000x128xf32, #tpu.memory_space<vmem_shared>> -> memref<520x128xf32, #tpu.memory_space<vmem_shared>>
          %dma_start3A_57 = arith.constant 9480 : i32
          %dma_start3A_58 = arith.constant 0 : i32
          %dma_start3A_59 = tpu.memref_slice %arg5[%dma_start3A_57, %dma_start3A_58] : memref<10000x128xf32, #tpu.memory_space<hbm>> -> memref<520x128xf32, #tpu.memory_space<hbm>>
          tpu.enqueue_dma source(%dma_start3A_59 : memref<520x128xf32, #tpu.memory_space<hbm>>) target(%dma_start3A_56 : memref<520x128xf32, #tpu.memory_space<vmem_shared>>) target_semaphore(%run_scoped3A : memref<!tpu.dma_semaphore, #tpu.memory_space<semaphore_mem>>)
          %dma_wait3A = arith.constant 9480 : i32
          %dma_wait3A_60 = arith.constant 0 : i32
          %dma_wait3A_61 = tpu.memref_slice %arg10[%dma_wait3A, %dma_wait3A_60] : memref<10000x128xf32, #tpu.memory_space<vmem_shared>> -> memref<520x128xf32, #tpu.memory_space<vmem_shared>>
          %dma_wait3A_62 = arith.constant 9480 : i32
          %dma_wait3A_63 = arith.constant 0 : i32
          %dma_wait3A_64 = tpu.memref_slice %arg5[%dma_wait3A_62, %dma_wait3A_63] : memref<10000x128xf32, #tpu.memory_space<hbm>> -> memref<520x128xf32, #tpu.memory_space<hbm>>
          tpu.wait_dma2 semaphore(%run_scoped3A : memref<!tpu.dma_semaphore, #tpu.memory_space<semaphore_mem>>) src(%dma_wait3A_64 : memref<520x128xf32, #tpu.memory_space<hbm>>) dst(%dma_wait3A_61 : memref<520x128xf32, #tpu.memory_space<vmem_shared>>)
          tpu.yield
        }) : () -> ()
      } else {
      }
      %barrier3A = arith.constant 0 : index
      tpu.barrier barrier_id(%barrier3A)
      %add3A = arith.constant 0 : i32
      %add3A_26 = arith.addi %add3A, %arg1 : i32
      %lt3A_27 = arith.constant 1250 : i32
      %lt3A_28 = arith.cmpi slt, %add3A_26, %lt3A_27 : i32
      %convert_element_type3A_29 = arith.extui %lt3A_28 : i1 to i32
      %cond3A_30 = arith.constant 0 : i32
      %cond3A_31 = arith.cmpi ne, %convert_element_type3A_29, %cond3A_30 : i32
      scf.if %cond3A_31 {
        %mul3A = arith.constant 128 : i32
        %mul3A_55 = arith.muli %add3A_26, %mul3A : i32
        %run_scoped3A = arith.constant 0 : i32
        "tpu.region"() ({
          %run_scoped3A_75 = tpu.sem_alloc : memref<!tpu.dma_semaphore, #tpu.memory_space<semaphore_mem>>
          %dma_start3A_76 = arith.constant 0 : i32
          %dma_start3A_77 = tpu.memref_slice %arg7[%run_scoped3A, %dma_start3A_76] : memref<2x128xi32, #tpu.memory_space<vmem>> -> memref<1x128xi32, #tpu.memory_space<vmem>>
          %dma_start3A_78 = tpu.memref_squeeze %dma_start3A_77 : memref<1x128xi32, #tpu.memory_space<vmem>> -> memref<128xi32, #tpu.memory_space<vmem>>
          %dma_start3A_79 = tpu.memref_slice %arg3[%mul3A_55] : memref<160000xi32, #tpu.memory_space<hbm>> -> memref<128xi32, #tpu.memory_space<hbm>>
          %dma_start3A_80 = arith.constant 0 : i32
          %dma_start3A_81 = tpu.memref_slice %arg7[%run_scoped3A, %dma_start3A_80] : memref<2x128xi32, #tpu.memory_space<vmem>> -> memref<1x128xi32, #tpu.memory_space<vmem>>
          %dma_start3A_82 = tpu.memref_squeeze %dma_start3A_81 : memref<1x128xi32, #tpu.memory_space<vmem>> -> memref<128xi32, #tpu.memory_space<vmem>>
          %dma_start3A_83 = tpu.memref_slice %arg3[%mul3A_55] : memref<160000xi32, #tpu.memory_space<hbm>> -> memref<128xi32, #tpu.memory_space<hbm>>
          tpu.enqueue_dma source(%dma_start3A_83 : memref<128xi32, #tpu.memory_space<hbm>>) target(%dma_start3A_82 : memref<128xi32, #tpu.memory_space<vmem>>) target_semaphore(%run_scoped3A_75 : memref<!tpu.dma_semaphore, #tpu.memory_space<semaphore_mem>>)
          %dma_wait3A = arith.constant 0 : i32
          %dma_wait3A_84 = tpu.memref_slice %arg7[%run_scoped3A, %dma_wait3A] : memref<2x128xi32, #tpu.memory_space<vmem>> -> memref<1x128xi32, #tpu.memory_space<vmem>>
          %dma_wait3A_85 = tpu.memref_squeeze %dma_wait3A_84 : memref<1x128xi32, #tpu.memory_space<vmem>> -> memref<128xi32, #tpu.memory_space<vmem>>
          %dma_wait3A_86 = tpu.memref_slice %arg3[%mul3A_55] : memref<160000xi32, #tpu.memory_space<hbm>> -> memref<128xi32, #tpu.memory_space<hbm>>
          %dma_wait3A_87 = arith.constant 0 : i32
          %dma_wait3A_88 = tpu.memref_slice %arg7[%run_scoped3A, %dma_wait3A_87] : memref<2x128xi32, #tpu.memory_space<vmem>> -> memref<1x128xi32, #tpu.memory_space<vmem>>
          %dma_wait3A_89 = tpu.memref_squeeze %dma_wait3A_88 : memref<1x128xi32, #tpu.memory_space<vmem>> -> memref<128xi32, #tpu.memory_space<vmem>>
          %dma_wait3A_90 = tpu.memref_slice %arg3[%mul3A_55] : memref<160000xi32, #tpu.memory_space<hbm>> -> memref<128xi32, #tpu.memory_space<hbm>>
          tpu.wait_dma2 semaphore(%run_scoped3A_75 : memref<!tpu.dma_semaphore, #tpu.memory_space<semaphore_mem>>) src(%dma_wait3A_90 : memref<128xi32, #tpu.memory_space<hbm>>) dst(%dma_wait3A_89 : memref<128xi32, #tpu.memory_space<vmem>>)
          tpu.yield
        }) : () -> ()
        %mul3A_56 = arith.constant 128 : i32
        %mul3A_57 = arith.muli %add3A_26, %mul3A_56 : i32
        %run_scoped3A_58 = arith.constant 0 : i32
        "tpu.region"() ({
          %run_scoped3A_75 = tpu.sem_alloc : memref<!tpu.dma_semaphore, #tpu.memory_space<semaphore_mem>>
          %dma_start3A_76 = arith.constant 0 : i32
          %dma_start3A_77 = tpu.memref_slice %arg8[%run_scoped3A_58, %dma_start3A_76] : memref<2x128xi32, #tpu.memory_space<vmem>> -> memref<1x128xi32, #tpu.memory_space<vmem>>
          %dma_start3A_78 = tpu.memref_squeeze %dma_start3A_77 : memref<1x128xi32, #tpu.memory_space<vmem>> -> memref<128xi32, #tpu.memory_space<vmem>>
          %dma_start3A_79 = tpu.memref_slice %arg4[%mul3A_57] : memref<160000xi32, #tpu.memory_space<hbm>> -> memref<128xi32, #tpu.memory_space<hbm>>
          %dma_start3A_80 = arith.constant 0 : i32
          %dma_start3A_81 = tpu.memref_slice %arg8[%run_scoped3A_58, %dma_start3A_80] : memref<2x128xi32, #tpu.memory_space<vmem>> -> memref<1x128xi32, #tpu.memory_space<vmem>>
          %dma_start3A_82 = tpu.memref_squeeze %dma_start3A_81 : memref<1x128xi32, #tpu.memory_space<vmem>> -> memref<128xi32, #tpu.memory_space<vmem>>
          %dma_start3A_83 = tpu.memref_slice %arg4[%mul3A_57] : memref<160000xi32, #tpu.memory_space<hbm>> -> memref<128xi32, #tpu.memory_space<hbm>>
          tpu.enqueue_dma source(%dma_start3A_83 : memref<128xi32, #tpu.memory_space<hbm>>) target(%dma_start3A_82 : memref<128xi32, #tpu.memory_space<vmem>>) target_semaphore(%run_scoped3A_75 : memref<!tpu.dma_semaphore, #tpu.memory_space<semaphore_mem>>)
          %dma_wait3A = arith.constant 0 : i32
          %dma_wait3A_84 = tpu.memref_slice %arg8[%run_scoped3A_58, %dma_wait3A] : memref<2x128xi32, #tpu.memory_space<vmem>> -> memref<1x128xi32, #tpu.memory_space<vmem>>
          %dma_wait3A_85 = tpu.memref_squeeze %dma_wait3A_84 : memref<1x128xi32, #tpu.memory_space<vmem>> -> memref<128xi32, #tpu.memory_space<vmem>>
          %dma_wait3A_86 = tpu.memref_slice %arg4[%mul3A_57] : memref<160000xi32, #tpu.memory_space<hbm>> -> memref<128xi32, #tpu.memory_space<hbm>>
          %dma_wait3A_87 = arith.constant 0 : i32
          %dma_wait3A_88 = tpu.memref_slice %arg8[%run_scoped3A_58, %dma_wait3A_87] : memref<2x128xi32, #tpu.memory_space<vmem>> -> memref<1x128xi32, #tpu.memory_space<vmem>>
          %dma_wait3A_89 = tpu.memref_squeeze %dma_wait3A_88 : memref<1x128xi32, #tpu.memory_space<vmem>> -> memref<128xi32, #tpu.memory_space<vmem>>
          %dma_wait3A_90 = tpu.memref_slice %arg4[%mul3A_57] : memref<160000xi32, #tpu.memory_space<hbm>> -> memref<128xi32, #tpu.memory_space<hbm>>
          tpu.wait_dma2 semaphore(%run_scoped3A_75 : memref<!tpu.dma_semaphore, #tpu.memory_space<semaphore_mem>>) src(%dma_wait3A_90 : memref<128xi32, #tpu.memory_space<hbm>>) dst(%dma_wait3A_89 : memref<128xi32, #tpu.memory_space<vmem>>)
          tpu.yield
        }) : () -> ()
        %dma_start3A = arith.constant 1 : i32
        %dma_start3A_59 = arith.constant 0 : i32
        %dma_start3A_60 = arith.constant 0 : i32
        %dma_start3A_61 = arith.constant 0 : i32
        %dma_start3A_62 = arith.constant 0 : i32
        %dma_start3A_63 = tpu.memref_slice %arg9[%dma_start3A_60, %dma_start3A_61, %dma_start3A_62] : memref<2x128x128xf32, #tpu.memory_space<vmem>> -> memref<1x128x128xf32, #tpu.memory_space<vmem>>
        %dma_start3A_64 = tpu.memref_squeeze %dma_start3A_63 : memref<1x128x128xf32, #tpu.memory_space<vmem>> -> memref<128x128xf32, #tpu.memory_space<vmem>>
        %dma_start3A_65 = arith.constant 0 : i32
        %dma_start3A_66 = tpu.memref_slice %arg7[%dma_start3A_59, %dma_start3A_65] : memref<2x128xi32, #tpu.memory_space<vmem>> -> memref<1x128xi32, #tpu.memory_space<vmem>>
        %dma_start3A_67 = tpu.memref_squeeze %dma_start3A_66 : memref<1x128xi32, #tpu.memory_space<vmem>> -> memref<128xi32, #tpu.memory_space<vmem>>
        %dma_start3A_68 = arith.constant 0 : i32
        %dma_start3A_69 = arith.constant 0 : i32
        %dma_start3A_70 = tpu.memref_slice %arg2[%dma_start3A, %dma_start3A_68, %dma_start3A_69] : memref<4x10000x128xf32, #tpu.memory_space<hbm>> -> memref<1x10000x128xf32, #tpu.memory_space<hbm>>
        %dma_start3A_71 = tpu.memref_squeeze %dma_start3A_70 : memref<1x10000x128xf32, #tpu.memory_space<hbm>> -> memref<10000x128xf32, #tpu.memory_space<hbm>>
        %dma_start3A_72 = arith.constant 0 : i32
        %dma_start3A_73 = arith.constant 0 : i32
        %dma_start3A_74 = tpu.memref_slice %dma_start3A_71[%dma_start3A_72, %dma_start3A_73] : memref<10000x128xf32, #tpu.memory_space<hbm>> -> memref<10000x128xf32, #tpu.memory_space<hbm>>
        tpu.enqueue_indirect_dma source(%dma_start3A_74 : memref<10000x128xf32, #tpu.memory_space<hbm>>) target(%dma_start3A_64 : memref<128x128xf32, #tpu.memory_space<vmem>>) offsets(%dma_start3A_67 : memref<128xi32, #tpu.memory_space<vmem>>) semaphore(%arg11 : memref<!tpu.dma_semaphore, #tpu.memory_space<semaphore_mem>>)
      } else {
      }
      %scan3A = arith.constant 0 : i32
      %scan3A_32 = arith.constant 0 : i32
      %scan3A_33 = arith.constant 39 : i32
      %scan3A_34 = arith.addi %scan3A_32, %scan3A_33 : i32
      %scan3A_35 = arith.constant 1 : i32
      scf.for %scan3A_55 = %scan3A_32 to %scan3A_34 step %scan3A_35  : i32 {
        %mul3A = arith.constant 2 : i32
        %mul3A_56 = arith.muli %mul3A, %scan3A_55 : i32
        %add3A_57 = arith.constant 1 : i32
        %add3A_58 = arith.addi %mul3A_56, %add3A_57 : i32
        %mul3A_59 = arith.constant 16 : i32
        %mul3A_60 = arith.muli %add3A_58, %mul3A_59 : i32
        %add3A_61 = arith.addi %mul3A_60, %arg1 : i32
        %lt3A_62 = arith.constant 1250 : i32
        %lt3A_63 = arith.cmpi slt, %add3A_61, %lt3A_62 : i32
        %convert_element_type3A_64 = arith.extui %lt3A_63 : i1 to i32
        %cond3A_65 = arith.constant 0 : i32
        %cond3A_66 = arith.cmpi ne, %convert_element_type3A_64, %cond3A_65 : i32
        scf.if %cond3A_66 {
          %mul3A_101 = arith.constant 128 : i32
          %mul3A_102 = arith.muli %add3A_61, %mul3A_101 : i32
          %run_scoped3A = arith.constant 1 : i32
          "tpu.region"() ({
            %run_scoped3A_122 = tpu.sem_alloc : memref<!tpu.dma_semaphore, #tpu.memory_space<semaphore_mem>>
            %dma_start3A_123 = arith.constant 0 : i32
            %dma_start3A_124 = tpu.memref_slice %arg7[%run_scoped3A, %dma_start3A_123] : memref<2x128xi32, #tpu.memory_space<vmem>> -> memref<1x128xi32, #tpu.memory_space<vmem>>
            %dma_start3A_125 = tpu.memref_squeeze %dma_start3A_124 : memref<1x128xi32, #tpu.memory_space<vmem>> -> memref<128xi32, #tpu.memory_space<vmem>>
            %dma_start3A_126 = tpu.memref_slice %arg3[%mul3A_102] : memref<160000xi32, #tpu.memory_space<hbm>> -> memref<128xi32, #tpu.memory_space<hbm>>
            %dma_start3A_127 = arith.constant 0 : i32
            %dma_start3A_128 = tpu.memref_slice %arg7[%run_scoped3A, %dma_start3A_127] : memref<2x128xi32, #tpu.memory_space<vmem>> -> memref<1x128xi32, #tpu.memory_space<vmem>>
            %dma_start3A_129 = tpu.memref_squeeze %dma_start3A_128 : memref<1x128xi32, #tpu.memory_space<vmem>> -> memref<128xi32, #tpu.memory_space<vmem>>
            %dma_start3A_130 = tpu.memref_slice %arg3[%mul3A_102] : memref<160000xi32, #tpu.memory_space<hbm>> -> memref<128xi32, #tpu.memory_space<hbm>>
            tpu.enqueue_dma source(%dma_start3A_130 : memref<128xi32, #tpu.memory_space<hbm>>) target(%dma_start3A_129 : memref<128xi32, #tpu.memory_space<vmem>>) target_semaphore(%run_scoped3A_122 : memref<!tpu.dma_semaphore, #tpu.memory_space<semaphore_mem>>)
            %dma_wait3A = arith.constant 0 : i32
            %dma_wait3A_131 = tpu.memref_slice %arg7[%run_scoped3A, %dma_wait3A] : memref<2x128xi32, #tpu.memory_space<vmem>> -> memref<1x128xi32, #tpu.memory_space<vmem>>
            %dma_wait3A_132 = tpu.memref_squeeze %dma_wait3A_131 : memref<1x128xi32, #tpu.memory_space<vmem>> -> memref<128xi32, #tpu.memory_space<vmem>>
            %dma_wait3A_133 = tpu.memref_slice %arg3[%mul3A_102] : memref<160000xi32, #tpu.memory_space<hbm>> -> memref<128xi32, #tpu.memory_space<hbm>>
            %dma_wait3A_134 = arith.constant 0 : i32
            %dma_wait3A_135 = tpu.memref_slice %arg7[%run_scoped3A, %dma_wait3A_134] : memref<2x128xi32, #tpu.memory_space<vmem>> -> memref<1x128xi32, #tpu.memory_space<vmem>>
            %dma_wait3A_136 = tpu.memref_squeeze %dma_wait3A_135 : memref<1x128xi32, #tpu.memory_space<vmem>> -> memref<128xi32, #tpu.memory_space<vmem>>
            %dma_wait3A_137 = tpu.memref_slice %arg3[%mul3A_102] : memref<160000xi32, #tpu.memory_space<hbm>> -> memref<128xi32, #tpu.memory_space<hbm>>
            tpu.wait_dma2 semaphore(%run_scoped3A_122 : memref<!tpu.dma_semaphore, #tpu.memory_space<semaphore_mem>>) src(%dma_wait3A_137 : memref<128xi32, #tpu.memory_space<hbm>>) dst(%dma_wait3A_136 : memref<128xi32, #tpu.memory_space<vmem>>)
            tpu.yield
          }) : () -> ()
          %mul3A_103 = arith.constant 128 : i32
          %mul3A_104 = arith.muli %add3A_61, %mul3A_103 : i32
          %run_scoped3A_105 = arith.constant 1 : i32
          "tpu.region"() ({
            %run_scoped3A_122 = tpu.sem_alloc : memref<!tpu.dma_semaphore, #tpu.memory_space<semaphore_mem>>
            %dma_start3A_123 = arith.constant 0 : i32
            %dma_start3A_124 = tpu.memref_slice %arg8[%run_scoped3A_105, %dma_start3A_123] : memref<2x128xi32, #tpu.memory_space<vmem>> -> memref<1x128xi32, #tpu.memory_space<vmem>>
            %dma_start3A_125 = tpu.memref_squeeze %dma_start3A_124 : memref<1x128xi32, #tpu.memory_space<vmem>> -> memref<128xi32, #tpu.memory_space<vmem>>
            %dma_start3A_126 = tpu.memref_slice %arg4[%mul3A_104] : memref<160000xi32, #tpu.memory_space<hbm>> -> memref<128xi32, #tpu.memory_space<hbm>>
            %dma_start3A_127 = arith.constant 0 : i32
            %dma_start3A_128 = tpu.memref_slice %arg8[%run_scoped3A_105, %dma_start3A_127] : memref<2x128xi32, #tpu.memory_space<vmem>> -> memref<1x128xi32, #tpu.memory_space<vmem>>
            %dma_start3A_129 = tpu.memref_squeeze %dma_start3A_128 : memref<1x128xi32, #tpu.memory_space<vmem>> -> memref<128xi32, #tpu.memory_space<vmem>>
            %dma_start3A_130 = tpu.memref_slice %arg4[%mul3A_104] : memref<160000xi32, #tpu.memory_space<hbm>> -> memref<128xi32, #tpu.memory_space<hbm>>
            tpu.enqueue_dma source(%dma_start3A_130 : memref<128xi32, #tpu.memory_space<hbm>>) target(%dma_start3A_129 : memref<128xi32, #tpu.memory_space<vmem>>) target_semaphore(%run_scoped3A_122 : memref<!tpu.dma_semaphore, #tpu.memory_space<semaphore_mem>>)
            %dma_wait3A = arith.constant 0 : i32
            %dma_wait3A_131 = tpu.memref_slice %arg8[%run_scoped3A_105, %dma_wait3A] : memref<2x128xi32, #tpu.memory_space<vmem>> -> memref<1x128xi32, #tpu.memory_space<vmem>>
            %dma_wait3A_132 = tpu.memref_squeeze %dma_wait3A_131 : memref<1x128xi32, #tpu.memory_space<vmem>> -> memref<128xi32, #tpu.memory_space<vmem>>
            %dma_wait3A_133 = tpu.memref_slice %arg4[%mul3A_104] : memref<160000xi32, #tpu.memory_space<hbm>> -> memref<128xi32, #tpu.memory_space<hbm>>
            %dma_wait3A_134 = arith.constant 0 : i32
            %dma_wait3A_135 = tpu.memref_slice %arg8[%run_scoped3A_105, %dma_wait3A_134] : memref<2x128xi32, #tpu.memory_space<vmem>> -> memref<1x128xi32, #tpu.memory_space<vmem>>
            %dma_wait3A_136 = tpu.memref_squeeze %dma_wait3A_135 : memref<1x128xi32, #tpu.memory_space<vmem>> -> memref<128xi32, #tpu.memory_space<vmem>>
            %dma_wait3A_137 = tpu.memref_slice %arg4[%mul3A_104] : memref<160000xi32, #tpu.memory_space<hbm>> -> memref<128xi32, #tpu.memory_space<hbm>>
            tpu.wait_dma2 semaphore(%run_scoped3A_122 : memref<!tpu.dma_semaphore, #tpu.memory_space<semaphore_mem>>) src(%dma_wait3A_137 : memref<128xi32, #tpu.memory_space<hbm>>) dst(%dma_wait3A_136 : memref<128xi32, #tpu.memory_space<vmem>>)
            tpu.yield
          }) : () -> ()
          %dma_start3A = arith.constant 1 : i32
          %dma_start3A_106 = arith.constant 1 : i32
          %dma_start3A_107 = arith.constant 1 : i32
          %dma_start3A_108 = arith.constant 0 : i32
          %dma_start3A_109 = arith.constant 0 : i32
          %dma_start3A_110 = tpu.memref_slice %arg9[%dma_start3A_107, %dma_start3A_108, %dma_start3A_109] : memref<2x128x128xf32, #tpu.memory_space<vmem>> -> memref<1x128x128xf32, #tpu.memory_space<vmem>>
          %dma_start3A_111 = tpu.memref_squeeze %dma_start3A_110 : memref<1x128x128xf32, #tpu.memory_space<vmem>> -> memref<128x128xf32, #tpu.memory_space<vmem>>
          %dma_start3A_112 = arith.constant 0 : i32
          %dma_start3A_113 = tpu.memref_slice %arg7[%dma_start3A_106, %dma_start3A_112] : memref<2x128xi32, #tpu.memory_space<vmem>> -> memref<1x128xi32, #tpu.memory_space<vmem>>
          %dma_start3A_114 = tpu.memref_squeeze %dma_start3A_113 : memref<1x128xi32, #tpu.memory_space<vmem>> -> memref<128xi32, #tpu.memory_space<vmem>>
          %dma_start3A_115 = arith.constant 0 : i32
          %dma_start3A_116 = arith.constant 0 : i32
          %dma_start3A_117 = tpu.memref_slice %arg2[%dma_start3A, %dma_start3A_115, %dma_start3A_116] : memref<4x10000x128xf32, #tpu.memory_space<hbm>> -> memref<1x10000x128xf32, #tpu.memory_space<hbm>>
          %dma_start3A_118 = tpu.memref_squeeze %dma_start3A_117 : memref<1x10000x128xf32, #tpu.memory_space<hbm>> -> memref<10000x128xf32, #tpu.memory_space<hbm>>
          %dma_start3A_119 = arith.constant 0 : i32
          %dma_start3A_120 = arith.constant 0 : i32
          %dma_start3A_121 = tpu.memref_slice %dma_start3A_118[%dma_start3A_119, %dma_start3A_120] : memref<10000x128xf32, #tpu.memory_space<hbm>> -> memref<10000x128xf32, #tpu.memory_space<hbm>>
          tpu.enqueue_indirect_dma source(%dma_start3A_121 : memref<10000x128xf32, #tpu.memory_space<hbm>>) target(%dma_start3A_111 : memref<128x128xf32, #tpu.memory_space<vmem>>) offsets(%dma_start3A_114 : memref<128xi32, #tpu.memory_space<vmem>>) semaphore(%arg12 : memref<!tpu.dma_semaphore, #tpu.memory_space<semaphore_mem>>)
        } else {
        }
        %mul3A_67 = arith.constant 2 : i32
        %mul3A_68 = arith.muli %mul3A_67, %scan3A_55 : i32
        %mul3A_69 = arith.constant 16 : i32
        %mul3A_70 = arith.muli %mul3A_68, %mul3A_69 : i32
        %add3A_71 = arith.addi %mul3A_70, %arg1 : i32
        %lt3A_72 = arith.constant 1250 : i32
        %lt3A_73 = arith.cmpi slt, %add3A_71, %lt3A_72 : i32
        %convert_element_type3A_74 = arith.extui %lt3A_73 : i1 to i32
        %cond3A_75 = arith.constant 0 : i32
        %cond3A_76 = arith.cmpi ne, %convert_element_type3A_74, %cond3A_75 : i32
        scf.if %cond3A_76 {
          %dma_wait3A = arith.constant 1 : i32
          %dma_wait3A_101 = arith.constant 0 : i32
          %dma_wait3A_102 = arith.constant 0 : i32
          %dma_wait3A_103 = arith.constant 0 : i32
          %dma_wait3A_104 = arith.constant 0 : i32
          %dma_wait3A_105 = tpu.memref_slice %arg9[%dma_wait3A_102, %dma_wait3A_103, %dma_wait3A_104] : memref<2x128x128xf32, #tpu.memory_space<vmem>> -> memref<1x128x128xf32, #tpu.memory_space<vmem>>
          %dma_wait3A_106 = tpu.memref_squeeze %dma_wait3A_105 : memref<1x128x128xf32, #tpu.memory_space<vmem>> -> memref<128x128xf32, #tpu.memory_space<vmem>>
          %dma_wait3A_107 = arith.constant 0 : i32
          %dma_wait3A_108 = tpu.memref_slice %arg7[%dma_wait3A_101, %dma_wait3A_107] : memref<2x128xi32, #tpu.memory_space<vmem>> -> memref<1x128xi32, #tpu.memory_space<vmem>>
          %dma_wait3A_109 = tpu.memref_squeeze %dma_wait3A_108 : memref<1x128xi32, #tpu.memory_space<vmem>> -> memref<128xi32, #tpu.memory_space<vmem>>
          %dma_wait3A_110 = arith.constant 0 : i32
          %dma_wait3A_111 = arith.constant 0 : i32
          %dma_wait3A_112 = tpu.memref_slice %arg2[%dma_wait3A, %dma_wait3A_110, %dma_wait3A_111] : memref<4x10000x128xf32, #tpu.memory_space<hbm>> -> memref<1x10000x128xf32, #tpu.memory_space<hbm>>
          %dma_wait3A_113 = tpu.memref_squeeze %dma_wait3A_112 : memref<1x10000x128xf32, #tpu.memory_space<hbm>> -> memref<10000x128xf32, #tpu.memory_space<hbm>>
          %dma_wait3A_114 = arith.constant 0 : i32
          %dma_wait3A_115 = arith.constant 0 : i32
          %dma_wait3A_116 = tpu.memref_slice %dma_wait3A_113[%dma_wait3A_114, %dma_wait3A_115] : memref<10000x128xf32, #tpu.memory_space<hbm>> -> memref<10000x128xf32, #tpu.memory_space<hbm>>
          tpu.wait_indirect_dma semaphore(%arg11 : memref<!tpu.dma_semaphore, #tpu.memory_space<semaphore_mem>>) src(%dma_wait3A_116 : memref<10000x128xf32, #tpu.memory_space<hbm>>) dst(%dma_wait3A_106 : memref<128x128xf32, #tpu.memory_space<vmem>>)
          %run_scoped3A = arith.constant 0 : i32
          %run_scoped3A_117 = arith.constant 0 : i32
          "tpu.region"() ({
            %run_scoped3A_118 = tpu.sem_alloc : memref<!tpu.dma_semaphore, #tpu.memory_space<semaphore_mem>>
            %dma_start3A = arith.constant 0 : i32
            %dma_start3A_119 = arith.constant 0 : i32
            %dma_start3A_120 = tpu.memref_slice %arg9[%run_scoped3A, %dma_start3A, %dma_start3A_119] : memref<2x128x128xf32, #tpu.memory_space<vmem>> -> memref<1x128x128xf32, #tpu.memory_space<vmem>>
            %dma_start3A_121 = tpu.memref_squeeze %dma_start3A_120 : memref<1x128x128xf32, #tpu.memory_space<vmem>> -> memref<128x128xf32, #tpu.memory_space<vmem>>
            %dma_start3A_122 = arith.constant 0 : i32
            %dma_start3A_123 = tpu.memref_slice %arg8[%run_scoped3A_117, %dma_start3A_122] : memref<2x128xi32, #tpu.memory_space<vmem>> -> memref<1x128xi32, #tpu.memory_space<vmem>>
            %dma_start3A_124 = tpu.memref_squeeze %dma_start3A_123 : memref<1x128xi32, #tpu.memory_space<vmem>> -> memref<128xi32, #tpu.memory_space<vmem>>
            %dma_start3A_125 = arith.constant 0 : i32
            %dma_start3A_126 = arith.constant 0 : i32
            %dma_start3A_127 = tpu.memref_slice %arg10[%dma_start3A_125, %dma_start3A_126] : memref<10000x128xf32, #tpu.memory_space<vmem_shared>> -> memref<10000x128xf32, #tpu.memory_space<vmem_shared>>
            tpu.enqueue_indirect_dma source(%dma_start3A_121 : memref<128x128xf32, #tpu.memory_space<vmem>>) target(%dma_start3A_127 : memref<10000x128xf32, #tpu.memory_space<vmem_shared>>) offsets(%dma_start3A_124 : memref<128xi32, #tpu.memory_space<vmem>>) semaphore(%run_scoped3A_118 : memref<!tpu.dma_semaphore, #tpu.memory_space<semaphore_mem>>) {add = true}
            %dma_wait3A_128 = arith.constant 0 : i32
            %dma_wait3A_129 = arith.constant 0 : i32
            %dma_wait3A_130 = tpu.memref_slice %arg9[%run_scoped3A, %dma_wait3A_128, %dma_wait3A_129] : memref<2x128x128xf32, #tpu.memory_space<vmem>> -> memref<1x128x128xf32, #tpu.memory_space<vmem>>
            %dma_wait3A_131 = tpu.memref_squeeze %dma_wait3A_130 : memref<1x128x128xf32, #tpu.memory_space<vmem>> -> memref<128x128xf32, #tpu.memory_space<vmem>>
            %dma_wait3A_132 = arith.constant 0 : i32
            %dma_wait3A_133 = tpu.memref_slice %arg8[%run_scoped3A_117, %dma_wait3A_132] : memref<2x128xi32, #tpu.memory_space<vmem>> -> memref<1x128xi32, #tpu.memory_space<vmem>>
            %dma_wait3A_134 = tpu.memref_squeeze %dma_wait3A_133 : memref<1x128xi32, #tpu.memory_space<vmem>> -> memref<128xi32, #tpu.memory_space<vmem>>
            %dma_wait3A_135 = arith.constant 0 : i32
            %dma_wait3A_136 = arith.constant 0 : i32
            %dma_wait3A_137 = tpu.memref_slice %arg10[%dma_wait3A_135, %dma_wait3A_136] : memref<10000x128xf32, #tpu.memory_space<vmem_shared>> -> memref<10000x128xf32, #tpu.memory_space<vmem_shared>>
            tpu.wait_indirect_dma semaphore(%run_scoped3A_118 : memref<!tpu.dma_semaphore, #tpu.memory_space<semaphore_mem>>) src(%dma_wait3A_131 : memref<128x128xf32, #tpu.memory_space<vmem>>) dst(%dma_wait3A_137 : memref<10000x128xf32, #tpu.memory_space<vmem_shared>>)
            tpu.yield
          }) : () -> ()
        } else {
        }
        %mul3A_77 = arith.constant 2 : i32
        %mul3A_78 = arith.muli %mul3A_77, %scan3A_55 : i32
        %add3A_79 = arith.constant 2 : i32
        %add3A_80 = arith.addi %mul3A_78, %add3A_79 : i32
        %mul3A_81 = arith.constant 16 : i32
        %mul3A_82 = arith.muli %add3A_80, %mul3A_81 : i32
        %add3A_83 = arith.addi %mul3A_82, %arg1 : i32
        %lt3A_84 = arith.constant 1250 : i32
        %lt3A_85 = arith.cmpi slt, %add3A_83, %lt3A_84 : i32
        %convert_element_type3A_86 = arith.extui %lt3A_85 : i1 to i32
        %cond3A_87 = arith.constant 0 : i32
        %cond3A_88 = arith.cmpi ne, %convert_element_type3A_86, %cond3A_87 : i32
        scf.if %cond3A_88 {
          %mul3A_101 = arith.constant 128 : i32
          %mul3A_102 = arith.muli %add3A_83, %mul3A_101 : i32
          %run_scoped3A = arith.constant 0 : i32
          "tpu.region"() ({
            %run_scoped3A_122 = tpu.sem_alloc : memref<!tpu.dma_semaphore, #tpu.memory_space<semaphore_mem>>
            %dma_start3A_123 = arith.constant 0 : i32
            %dma_start3A_124 = tpu.memref_slice %arg7[%run_scoped3A, %dma_start3A_123] : memref<2x128xi32, #tpu.memory_space<vmem>> -> memref<1x128xi32, #tpu.memory_space<vmem>>
            %dma_start3A_125 = tpu.memref_squeeze %dma_start3A_124 : memref<1x128xi32, #tpu.memory_space<vmem>> -> memref<128xi32, #tpu.memory_space<vmem>>
            %dma_start3A_126 = tpu.memref_slice %arg3[%mul3A_102] : memref<160000xi32, #tpu.memory_space<hbm>> -> memref<128xi32, #tpu.memory_space<hbm>>
            %dma_start3A_127 = arith.constant 0 : i32
            %dma_start3A_128 = tpu.memref_slice %arg7[%run_scoped3A, %dma_start3A_127] : memref<2x128xi32, #tpu.memory_space<vmem>> -> memref<1x128xi32, #tpu.memory_space<vmem>>
            %dma_start3A_129 = tpu.memref_squeeze %dma_start3A_128 : memref<1x128xi32, #tpu.memory_space<vmem>> -> memref<128xi32, #tpu.memory_space<vmem>>
            %dma_start3A_130 = tpu.memref_slice %arg3[%mul3A_102] : memref<160000xi32, #tpu.memory_space<hbm>> -> memref<128xi32, #tpu.memory_space<hbm>>
            tpu.enqueue_dma source(%dma_start3A_130 : memref<128xi32, #tpu.memory_space<hbm>>) target(%dma_start3A_129 : memref<128xi32, #tpu.memory_space<vmem>>) target_semaphore(%run_scoped3A_122 : memref<!tpu.dma_semaphore, #tpu.memory_space<semaphore_mem>>)
            %dma_wait3A = arith.constant 0 : i32
            %dma_wait3A_131 = tpu.memref_slice %arg7[%run_scoped3A, %dma_wait3A] : memref<2x128xi32, #tpu.memory_space<vmem>> -> memref<1x128xi32, #tpu.memory_space<vmem>>
            %dma_wait3A_132 = tpu.memref_squeeze %dma_wait3A_131 : memref<1x128xi32, #tpu.memory_space<vmem>> -> memref<128xi32, #tpu.memory_space<vmem>>
            %dma_wait3A_133 = tpu.memref_slice %arg3[%mul3A_102] : memref<160000xi32, #tpu.memory_space<hbm>> -> memref<128xi32, #tpu.memory_space<hbm>>
            %dma_wait3A_134 = arith.constant 0 : i32
            %dma_wait3A_135 = tpu.memref_slice %arg7[%run_scoped3A, %dma_wait3A_134] : memref<2x128xi32, #tpu.memory_space<vmem>> -> memref<1x128xi32, #tpu.memory_space<vmem>>
            %dma_wait3A_136 = tpu.memref_squeeze %dma_wait3A_135 : memref<1x128xi32, #tpu.memory_space<vmem>> -> memref<128xi32, #tpu.memory_space<vmem>>
            %dma_wait3A_137 = tpu.memref_slice %arg3[%mul3A_102] : memref<160000xi32, #tpu.memory_space<hbm>> -> memref<128xi32, #tpu.memory_space<hbm>>
            tpu.wait_dma2 semaphore(%run_scoped3A_122 : memref<!tpu.dma_semaphore, #tpu.memory_space<semaphore_mem>>) src(%dma_wait3A_137 : memref<128xi32, #tpu.memory_space<hbm>>) dst(%dma_wait3A_136 : memref<128xi32, #tpu.memory_space<vmem>>)
            tpu.yield
          }) : () -> ()
          %mul3A_103 = arith.constant 128 : i32
          %mul3A_104 = arith.muli %add3A_83, %mul3A_103 : i32
          %run_scoped3A_105 = arith.constant 0 : i32
          "tpu.region"() ({
            %run_scoped3A_122 = tpu.sem_alloc : memref<!tpu.dma_semaphore, #tpu.memory_space<semaphore_mem>>
            %dma_start3A_123 = arith.constant 0 : i32
            %dma_start3A_124 = tpu.memref_slice %arg8[%run_scoped3A_105, %dma_start3A_123] : memref<2x128xi32, #tpu.memory_space<vmem>> -> memref<1x128xi32, #tpu.memory_space<vmem>>
            %dma_start3A_125 = tpu.memref_squeeze %dma_start3A_124 : memref<1x128xi32, #tpu.memory_space<vmem>> -> memref<128xi32, #tpu.memory_space<vmem>>
            %dma_start3A_126 = tpu.memref_slice %arg4[%mul3A_104] : memref<160000xi32, #tpu.memory_space<hbm>> -> memref<128xi32, #tpu.memory_space<hbm>>
            %dma_start3A_127 = arith.constant 0 : i32
            %dma_start3A_128 = tpu.memref_slice %arg8[%run_scoped3A_105, %dma_start3A_127] : memref<2x128xi32, #tpu.memory_space<vmem>> -> memref<1x128xi32, #tpu.memory_space<vmem>>
            %dma_start3A_129 = tpu.memref_squeeze %dma_start3A_128 : memref<1x128xi32, #tpu.memory_space<vmem>> -> memref<128xi32, #tpu.memory_space<vmem>>
            %dma_start3A_130 = tpu.memref_slice %arg4[%mul3A_104] : memref<160000xi32, #tpu.memory_space<hbm>> -> memref<128xi32, #tpu.memory_space<hbm>>
            tpu.enqueue_dma source(%dma_start3A_130 : memref<128xi32, #tpu.memory_space<hbm>>) target(%dma_start3A_129 : memref<128xi32, #tpu.memory_space<vmem>>) target_semaphore(%run_scoped3A_122 : memref<!tpu.dma_semaphore, #tpu.memory_space<semaphore_mem>>)
            %dma_wait3A = arith.constant 0 : i32
            %dma_wait3A_131 = tpu.memref_slice %arg8[%run_scoped3A_105, %dma_wait3A] : memref<2x128xi32, #tpu.memory_space<vmem>> -> memref<1x128xi32, #tpu.memory_space<vmem>>
            %dma_wait3A_132 = tpu.memref_squeeze %dma_wait3A_131 : memref<1x128xi32, #tpu.memory_space<vmem>> -> memref<128xi32, #tpu.memory_space<vmem>>
            %dma_wait3A_133 = tpu.memref_slice %arg4[%mul3A_104] : memref<160000xi32, #tpu.memory_space<hbm>> -> memref<128xi32, #tpu.memory_space<hbm>>
            %dma_wait3A_134 = arith.constant 0 : i32
            %dma_wait3A_135 = tpu.memref_slice %arg8[%run_scoped3A_105, %dma_wait3A_134] : memref<2x128xi32, #tpu.memory_space<vmem>> -> memref<1x128xi32, #tpu.memory_space<vmem>>
            %dma_wait3A_136 = tpu.memref_squeeze %dma_wait3A_135 : memref<1x128xi32, #tpu.memory_space<vmem>> -> memref<128xi32, #tpu.memory_space<vmem>>
            %dma_wait3A_137 = tpu.memref_slice %arg4[%mul3A_104] : memref<160000xi32, #tpu.memory_space<hbm>> -> memref<128xi32, #tpu.memory_space<hbm>>
            tpu.wait_dma2 semaphore(%run_scoped3A_122 : memref<!tpu.dma_semaphore, #tpu.memory_space<semaphore_mem>>) src(%dma_wait3A_137 : memref<128xi32, #tpu.memory_space<hbm>>) dst(%dma_wait3A_136 : memref<128xi32, #tpu.memory_space<vmem>>)
            tpu.yield
          }) : () -> ()
          %dma_start3A = arith.constant 1 : i32
          %dma_start3A_106 = arith.constant 0 : i32
          %dma_start3A_107 = arith.constant 0 : i32
          %dma_start3A_108 = arith.constant 0 : i32
          %dma_start3A_109 = arith.constant 0 : i32
          %dma_start3A_110 = tpu.memref_slice %arg9[%dma_start3A_107, %dma_start3A_108, %dma_start3A_109] : memref<2x128x128xf32, #tpu.memory_space<vmem>> -> memref<1x128x128xf32, #tpu.memory_space<vmem>>
          %dma_start3A_111 = tpu.memref_squeeze %dma_start3A_110 : memref<1x128x128xf32, #tpu.memory_space<vmem>> -> memref<128x128xf32, #tpu.memory_space<vmem>>
          %dma_start3A_112 = arith.constant 0 : i32
          %dma_start3A_113 = tpu.memref_slice %arg7[%dma_start3A_106, %dma_start3A_112] : memref<2x128xi32, #tpu.memory_space<vmem>> -> memref<1x128xi32, #tpu.memory_space<vmem>>
          %dma_start3A_114 = tpu.memref_squeeze %dma_start3A_113 : memref<1x128xi32, #tpu.memory_space<vmem>> -> memref<128xi32, #tpu.memory_space<vmem>>
          %dma_start3A_115 = arith.constant 0 : i32
          %dma_start3A_116 = arith.constant 0 : i32
          %dma_start3A_117 = tpu.memref_slice %arg2[%dma_start3A, %dma_start3A_115, %dma_start3A_116] : memref<4x10000x128xf32, #tpu.memory_space<hbm>> -> memref<1x10000x128xf32, #tpu.memory_space<hbm>>
          %dma_start3A_118 = tpu.memref_squeeze %dma_start3A_117 : memref<1x10000x128xf32, #tpu.memory_space<hbm>> -> memref<10000x128xf32, #tpu.memory_space<hbm>>
          %dma_start3A_119 = arith.constant 0 : i32
          %dma_start3A_120 = arith.constant 0 : i32
          %dma_start3A_121 = tpu.memref_slice %dma_start3A_118[%dma_start3A_119, %dma_start3A_120] : memref<10000x128xf32, #tpu.memory_space<hbm>> -> memref<10000x128xf32, #tpu.memory_space<hbm>>
          tpu.enqueue_indirect_dma source(%dma_start3A_121 : memref<10000x128xf32, #tpu.memory_space<hbm>>) target(%dma_start3A_111 : memref<128x128xf32, #tpu.memory_space<vmem>>) offsets(%dma_start3A_114 : memref<128xi32, #tpu.memory_space<vmem>>) semaphore(%arg11 : memref<!tpu.dma_semaphore, #tpu.memory_space<semaphore_mem>>)
        } else {
        }
        %mul3A_89 = arith.constant 2 : i32
        %mul3A_90 = arith.muli %mul3A_89, %scan3A_55 : i32
        %add3A_91 = arith.constant 1 : i32
        %add3A_92 = arith.addi %mul3A_90, %add3A_91 : i32
        %mul3A_93 = arith.constant 16 : i32
        %mul3A_94 = arith.muli %add3A_92, %mul3A_93 : i32
        %add3A_95 = arith.addi %mul3A_94, %arg1 : i32
        %lt3A_96 = arith.constant 1250 : i32
        %lt3A_97 = arith.cmpi slt, %add3A_95, %lt3A_96 : i32
        %convert_element_type3A_98 = arith.extui %lt3A_97 : i1 to i32
        %cond3A_99 = arith.constant 0 : i32
        %cond3A_100 = arith.cmpi ne, %convert_element_type3A_98, %cond3A_99 : i32
        scf.if %cond3A_100 {
          %dma_wait3A = arith.constant 1 : i32
          %dma_wait3A_101 = arith.constant 1 : i32
          %dma_wait3A_102 = arith.constant 1 : i32
          %dma_wait3A_103 = arith.constant 0 : i32
          %dma_wait3A_104 = arith.constant 0 : i32
          %dma_wait3A_105 = tpu.memref_slice %arg9[%dma_wait3A_102, %dma_wait3A_103, %dma_wait3A_104] : memref<2x128x128xf32, #tpu.memory_space<vmem>> -> memref<1x128x128xf32, #tpu.memory_space<vmem>>
          %dma_wait3A_106 = tpu.memref_squeeze %dma_wait3A_105 : memref<1x128x128xf32, #tpu.memory_space<vmem>> -> memref<128x128xf32, #tpu.memory_space<vmem>>
          %dma_wait3A_107 = arith.constant 0 : i32
          %dma_wait3A_108 = tpu.memref_slice %arg7[%dma_wait3A_101, %dma_wait3A_107] : memref<2x128xi32, #tpu.memory_space<vmem>> -> memref<1x128xi32, #tpu.memory_space<vmem>>
          %dma_wait3A_109 = tpu.memref_squeeze %dma_wait3A_108 : memref<1x128xi32, #tpu.memory_space<vmem>> -> memref<128xi32, #tpu.memory_space<vmem>>
          %dma_wait3A_110 = arith.constant 0 : i32
          %dma_wait3A_111 = arith.constant 0 : i32
          %dma_wait3A_112 = tpu.memref_slice %arg2[%dma_wait3A, %dma_wait3A_110, %dma_wait3A_111] : memref<4x10000x128xf32, #tpu.memory_space<hbm>> -> memref<1x10000x128xf32, #tpu.memory_space<hbm>>
          %dma_wait3A_113 = tpu.memref_squeeze %dma_wait3A_112 : memref<1x10000x128xf32, #tpu.memory_space<hbm>> -> memref<10000x128xf32, #tpu.memory_space<hbm>>
          %dma_wait3A_114 = arith.constant 0 : i32
          %dma_wait3A_115 = arith.constant 0 : i32
          %dma_wait3A_116 = tpu.memref_slice %dma_wait3A_113[%dma_wait3A_114, %dma_wait3A_115] : memref<10000x128xf32, #tpu.memory_space<hbm>> -> memref<10000x128xf32, #tpu.memory_space<hbm>>
          tpu.wait_indirect_dma semaphore(%arg12 : memref<!tpu.dma_semaphore, #tpu.memory_space<semaphore_mem>>) src(%dma_wait3A_116 : memref<10000x128xf32, #tpu.memory_space<hbm>>) dst(%dma_wait3A_106 : memref<128x128xf32, #tpu.memory_space<vmem>>)
          %run_scoped3A = arith.constant 1 : i32
          %run_scoped3A_117 = arith.constant 1 : i32
          "tpu.region"() ({
            %run_scoped3A_118 = tpu.sem_alloc : memref<!tpu.dma_semaphore, #tpu.memory_space<semaphore_mem>>
            %dma_start3A = arith.constant 0 : i32
            %dma_start3A_119 = arith.constant 0 : i32
            %dma_start3A_120 = tpu.memref_slice %arg9[%run_scoped3A, %dma_start3A, %dma_start3A_119] : memref<2x128x128xf32, #tpu.memory_space<vmem>> -> memref<1x128x128xf32, #tpu.memory_space<vmem>>
            %dma_start3A_121 = tpu.memref_squeeze %dma_start3A_120 : memref<1x128x128xf32, #tpu.memory_space<vmem>> -> memref<128x128xf32, #tpu.memory_space<vmem>>
            %dma_start3A_122 = arith.constant 0 : i32
            %dma_start3A_123 = tpu.memref_slice %arg8[%run_scoped3A_117, %dma_start3A_122] : memref<2x128xi32, #tpu.memory_space<vmem>> -> memref<1x128xi32, #tpu.memory_space<vmem>>
            %dma_start3A_124 = tpu.memref_squeeze %dma_start3A_123 : memref<1x128xi32, #tpu.memory_space<vmem>> -> memref<128xi32, #tpu.memory_space<vmem>>
            %dma_start3A_125 = arith.constant 0 : i32
            %dma_start3A_126 = arith.constant 0 : i32
            %dma_start3A_127 = tpu.memref_slice %arg10[%dma_start3A_125, %dma_start3A_126] : memref<10000x128xf32, #tpu.memory_space<vmem_shared>> -> memref<10000x128xf32, #tpu.memory_space<vmem_shared>>
            tpu.enqueue_indirect_dma source(%dma_start3A_121 : memref<128x128xf32, #tpu.memory_space<vmem>>) target(%dma_start3A_127 : memref<10000x128xf32, #tpu.memory_space<vmem_shared>>) offsets(%dma_start3A_124 : memref<128xi32, #tpu.memory_space<vmem>>) semaphore(%run_scoped3A_118 : memref<!tpu.dma_semaphore, #tpu.memory_space<semaphore_mem>>) {add = true}
            %dma_wait3A_128 = arith.constant 0 : i32
            %dma_wait3A_129 = arith.constant 0 : i32
            %dma_wait3A_130 = tpu.memref_slice %arg9[%run_scoped3A, %dma_wait3A_128, %dma_wait3A_129] : memref<2x128x128xf32, #tpu.memory_space<vmem>> -> memref<1x128x128xf32, #tpu.memory_space<vmem>>
            %dma_wait3A_131 = tpu.memref_squeeze %dma_wait3A_130 : memref<1x128x128xf32, #tpu.memory_space<vmem>> -> memref<128x128xf32, #tpu.memory_space<vmem>>
            %dma_wait3A_132 = arith.constant 0 : i32
            %dma_wait3A_133 = tpu.memref_slice %arg8[%run_scoped3A_117, %dma_wait3A_132] : memref<2x128xi32, #tpu.memory_space<vmem>> -> memref<1x128xi32, #tpu.memory_space<vmem>>
            %dma_wait3A_134 = tpu.memref_squeeze %dma_wait3A_133 : memref<1x128xi32, #tpu.memory_space<vmem>> -> memref<128xi32, #tpu.memory_space<vmem>>
            %dma_wait3A_135 = arith.constant 0 : i32
            %dma_wait3A_136 = arith.constant 0 : i32
            %dma_wait3A_137 = tpu.memref_slice %arg10[%dma_wait3A_135, %dma_wait3A_136] : memref<10000x128xf32, #tpu.memory_space<vmem_shared>> -> memref<10000x128xf32, #tpu.memory_space<vmem_shared>>
            tpu.wait_indirect_dma semaphore(%run_scoped3A_118 : memref<!tpu.dma_semaphore, #tpu.memory_space<semaphore_mem>>) src(%dma_wait3A_131 : memref<128x128xf32, #tpu.memory_space<vmem>>) dst(%dma_wait3A_137 : memref<10000x128xf32, #tpu.memory_space<vmem_shared>>)
            tpu.yield
          }) : () -> ()
        } else {
        }
      }
      %scan3A_36 = arith.constant 39 : i32
      %add3A_37 = arith.constant 1248 : i32
      %add3A_38 = arith.addi %add3A_37, %arg1 : i32
      %lt3A_39 = arith.constant 1250 : i32
      %lt3A_40 = arith.cmpi slt, %add3A_38, %lt3A_39 : i32
      %convert_element_type3A_41 = arith.extui %lt3A_40 : i1 to i32
      %cond3A_42 = arith.constant 0 : i32
      %cond3A_43 = arith.cmpi ne, %convert_element_type3A_41, %cond3A_42 : i32
      scf.if %cond3A_43 {
        %dma_wait3A = arith.constant 1 : i32
        %dma_wait3A_55 = arith.constant 0 : i32
        %dma_wait3A_56 = arith.constant 0 : i32
        %dma_wait3A_57 = arith.constant 0 : i32
        %dma_wait3A_58 = arith.constant 0 : i32
        %dma_wait3A_59 = tpu.memref_slice %arg9[%dma_wait3A_56, %dma_wait3A_57, %dma_wait3A_58] : memref<2x128x128xf32, #tpu.memory_space<vmem>> -> memref<1x128x128xf32, #tpu.memory_space<vmem>>
        %dma_wait3A_60 = tpu.memref_squeeze %dma_wait3A_59 : memref<1x128x128xf32, #tpu.memory_space<vmem>> -> memref<128x128xf32, #tpu.memory_space<vmem>>
        %dma_wait3A_61 = arith.constant 0 : i32
        %dma_wait3A_62 = tpu.memref_slice %arg7[%dma_wait3A_55, %dma_wait3A_61] : memref<2x128xi32, #tpu.memory_space<vmem>> -> memref<1x128xi32, #tpu.memory_space<vmem>>
        %dma_wait3A_63 = tpu.memref_squeeze %dma_wait3A_62 : memref<1x128xi32, #tpu.memory_space<vmem>> -> memref<128xi32, #tpu.memory_space<vmem>>
        %dma_wait3A_64 = arith.constant 0 : i32
        %dma_wait3A_65 = arith.constant 0 : i32
        %dma_wait3A_66 = tpu.memref_slice %arg2[%dma_wait3A, %dma_wait3A_64, %dma_wait3A_65] : memref<4x10000x128xf32, #tpu.memory_space<hbm>> -> memref<1x10000x128xf32, #tpu.memory_space<hbm>>
        %dma_wait3A_67 = tpu.memref_squeeze %dma_wait3A_66 : memref<1x10000x128xf32, #tpu.memory_space<hbm>> -> memref<10000x128xf32, #tpu.memory_space<hbm>>
        %dma_wait3A_68 = arith.constant 0 : i32
        %dma_wait3A_69 = arith.constant 0 : i32
        %dma_wait3A_70 = tpu.memref_slice %dma_wait3A_67[%dma_wait3A_68, %dma_wait3A_69] : memref<10000x128xf32, #tpu.memory_space<hbm>> -> memref<10000x128xf32, #tpu.memory_space<hbm>>
        tpu.wait_indirect_dma semaphore(%arg11 : memref<!tpu.dma_semaphore, #tpu.memory_space<semaphore_mem>>) src(%dma_wait3A_70 : memref<10000x128xf32, #tpu.memory_space<hbm>>) dst(%dma_wait3A_60 : memref<128x128xf32, #tpu.memory_space<vmem>>)
        %run_scoped3A = arith.constant 0 : i32
        %run_scoped3A_71 = arith.constant 0 : i32
        "tpu.region"() ({
          %run_scoped3A_72 = tpu.sem_alloc : memref<!tpu.dma_semaphore, #tpu.memory_space<semaphore_mem>>
          %dma_start3A = arith.constant 0 : i32
          %dma_start3A_73 = arith.constant 0 : i32
          %dma_start3A_74 = tpu.memref_slice %arg9[%run_scoped3A, %dma_start3A, %dma_start3A_73] : memref<2x128x128xf32, #tpu.memory_space<vmem>> -> memref<1x128x128xf32, #tpu.memory_space<vmem>>
          %dma_start3A_75 = tpu.memref_squeeze %dma_start3A_74 : memref<1x128x128xf32, #tpu.memory_space<vmem>> -> memref<128x128xf32, #tpu.memory_space<vmem>>
          %dma_start3A_76 = arith.constant 0 : i32
          %dma_start3A_77 = tpu.memref_slice %arg8[%run_scoped3A_71, %dma_start3A_76] : memref<2x128xi32, #tpu.memory_space<vmem>> -> memref<1x128xi32, #tpu.memory_space<vmem>>
          %dma_start3A_78 = tpu.memref_squeeze %dma_start3A_77 : memref<1x128xi32, #tpu.memory_space<vmem>> -> memref<128xi32, #tpu.memory_space<vmem>>
          %dma_start3A_79 = arith.constant 0 : i32
          %dma_start3A_80 = arith.constant 0 : i32
          %dma_start3A_81 = tpu.memref_slice %arg10[%dma_start3A_79, %dma_start3A_80] : memref<10000x128xf32, #tpu.memory_space<vmem_shared>> -> memref<10000x128xf32, #tpu.memory_space<vmem_shared>>
          tpu.enqueue_indirect_dma source(%dma_start3A_75 : memref<128x128xf32, #tpu.memory_space<vmem>>) target(%dma_start3A_81 : memref<10000x128xf32, #tpu.memory_space<vmem_shared>>) offsets(%dma_start3A_78 : memref<128xi32, #tpu.memory_space<vmem>>) semaphore(%run_scoped3A_72 : memref<!tpu.dma_semaphore, #tpu.memory_space<semaphore_mem>>) {add = true}
          %dma_wait3A_82 = arith.constant 0 : i32
          %dma_wait3A_83 = arith.constant 0 : i32
          %dma_wait3A_84 = tpu.memref_slice %arg9[%run_scoped3A, %dma_wait3A_82, %dma_wait3A_83] : memref<2x128x128xf32, #tpu.memory_space<vmem>> -> memref<1x128x128xf32, #tpu.memory_space<vmem>>
          %dma_wait3A_85 = tpu.memref_squeeze %dma_wait3A_84 : memref<1x128x128xf32, #tpu.memory_space<vmem>> -> memref<128x128xf32, #tpu.memory_space<vmem>>
          %dma_wait3A_86 = arith.constant 0 : i32
          %dma_wait3A_87 = tpu.memref_slice %arg8[%run_scoped3A_71, %dma_wait3A_86] : memref<2x128xi32, #tpu.memory_space<vmem>> -> memref<1x128xi32, #tpu.memory_space<vmem>>
          %dma_wait3A_88 = tpu.memref_squeeze %dma_wait3A_87 : memref<1x128xi32, #tpu.memory_space<vmem>> -> memref<128xi32, #tpu.memory_space<vmem>>
          %dma_wait3A_89 = arith.constant 0 : i32
          %dma_wait3A_90 = arith.constant 0 : i32
          %dma_wait3A_91 = tpu.memref_slice %arg10[%dma_wait3A_89, %dma_wait3A_90] : memref<10000x128xf32, #tpu.memory_space<vmem_shared>> -> memref<10000x128xf32, #tpu.memory_space<vmem_shared>>
          tpu.wait_indirect_dma semaphore(%run_scoped3A_72 : memref<!tpu.dma_semaphore, #tpu.memory_space<semaphore_mem>>) src(%dma_wait3A_85 : memref<128x128xf32, #tpu.memory_space<vmem>>) dst(%dma_wait3A_91 : memref<10000x128xf32, #tpu.memory_space<vmem_shared>>)
          tpu.yield
        }) : () -> ()
      } else {
      }
      %barrier3A_44 = arith.constant 0 : index
      tpu.barrier barrier_id(%barrier3A_44)
      %lt3A_45 = arith.constant 15 : i32
      %lt3A_46 = arith.cmpi slt, %arg1, %lt3A_45 : i32
      %convert_element_type3A_47 = arith.extui %lt3A_46 : i1 to i32
      %cond3A_48 = arith.constant 0 : i32
      %cond3A_49 = arith.cmpi ne, %convert_element_type3A_47, %cond3A_48 : i32
      scf.if %cond3A_49 {
        %mul3A = arith.constant 632 : i32
        %mul3A_55 = arith.muli %arg1, %mul3A : i32
        %multiple_of3A = tpu.assume_multiple %mul3A_55, 8 : i32
        %run_scoped3A = arith.constant 1 : i32
        "tpu.region"() ({
          %run_scoped3A_56 = tpu.sem_alloc : memref<!tpu.dma_semaphore, #tpu.memory_space<semaphore_mem>>
          %dma_start3A = arith.constant 0 : i32
          %dma_start3A_57 = tpu.memref_slice %arg6[%run_scoped3A, %multiple_of3A, %dma_start3A] : memref<4x10000x128xf32, #tpu.memory_space<hbm>> -> memref<1x632x128xf32, #tpu.memory_space<hbm>>
          %dma_start3A_58 = tpu.memref_squeeze %dma_start3A_57 : memref<1x632x128xf32, #tpu.memory_space<hbm>> -> memref<632x128xf32, #tpu.memory_space<hbm>>
          %dma_start3A_59 = arith.constant 0 : i32
          %dma_start3A_60 = tpu.memref_slice %arg10[%multiple_of3A, %dma_start3A_59] : memref<10000x128xf32, #tpu.memory_space<vmem_shared>> -> memref<632x128xf32, #tpu.memory_space<vmem_shared>>
          tpu.enqueue_dma source(%dma_start3A_60 : memref<632x128xf32, #tpu.memory_space<vmem_shared>>) target(%dma_start3A_58 : memref<632x128xf32, #tpu.memory_space<hbm>>) target_semaphore(%run_scoped3A_56 : memref<!tpu.dma_semaphore, #tpu.memory_space<semaphore_mem>>)
          %dma_wait3A = arith.constant 0 : i32
          %dma_wait3A_61 = tpu.memref_slice %arg6[%run_scoped3A, %multiple_of3A, %dma_wait3A] : memref<4x10000x128xf32, #tpu.memory_space<hbm>> -> memref<1x632x128xf32, #tpu.memory_space<hbm>>
          %dma_wait3A_62 = tpu.memref_squeeze %dma_wait3A_61 : memref<1x632x128xf32, #tpu.memory_space<hbm>> -> memref<632x128xf32, #tpu.memory_space<hbm>>
          %dma_wait3A_63 = arith.constant 0 : i32
          %dma_wait3A_64 = tpu.memref_slice %arg10[%multiple_of3A, %dma_wait3A_63] : memref<10000x128xf32, #tpu.memory_space<vmem_shared>> -> memref<632x128xf32, #tpu.memory_space<vmem_shared>>
          tpu.wait_dma2 semaphore(%run_scoped3A_56 : memref<!tpu.dma_semaphore, #tpu.memory_space<semaphore_mem>>) src(%dma_wait3A_64 : memref<632x128xf32, #tpu.memory_space<vmem_shared>>) dst(%dma_wait3A_62 : memref<632x128xf32, #tpu.memory_space<hbm>>)
          tpu.yield
        }) : () -> ()
      } else {
      }
      %eq3A_50 = arith.constant 15 : i32
      %eq3A_51 = arith.cmpi eq, %arg1, %eq3A_50 : i32
      %convert_element_type3A_52 = arith.extui %eq3A_51 : i1 to i32
      %cond3A_53 = arith.constant 0 : i32
      %cond3A_54 = arith.cmpi ne, %convert_element_type3A_52, %cond3A_53 : i32
      scf.if %cond3A_54 {
        %run_scoped3A = arith.constant 1 : i32
        "tpu.region"() ({
          %run_scoped3A_55 = tpu.sem_alloc : memref<!tpu.dma_semaphore, #tpu.memory_space<semaphore_mem>>
          %dma_start3A = arith.constant 9480 : i32
          %dma_start3A_56 = arith.constant 0 : i32
          %dma_start3A_57 = tpu.memref_slice %arg6[%run_scoped3A, %dma_start3A, %dma_start3A_56] : memref<4x10000x128xf32, #tpu.memory_space<hbm>> -> memref<1x520x128xf32, #tpu.memory_space<hbm>>
          %dma_start3A_58 = tpu.memref_squeeze %dma_start3A_57 : memref<1x520x128xf32, #tpu.memory_space<hbm>> -> memref<520x128xf32, #tpu.memory_space<hbm>>
          %dma_start3A_59 = arith.constant 9480 : i32
          %dma_start3A_60 = arith.constant 0 : i32
          %dma_start3A_61 = tpu.memref_slice %arg10[%dma_start3A_59, %dma_start3A_60] : memref<10000x128xf32, #tpu.memory_space<vmem_shared>> -> memref<520x128xf32, #tpu.memory_space<vmem_shared>>
          tpu.enqueue_dma source(%dma_start3A_61 : memref<520x128xf32, #tpu.memory_space<vmem_shared>>) target(%dma_start3A_58 : memref<520x128xf32, #tpu.memory_space<hbm>>) target_semaphore(%run_scoped3A_55 : memref<!tpu.dma_semaphore, #tpu.memory_space<semaphore_mem>>)
          %dma_wait3A = arith.constant 9480 : i32
          %dma_wait3A_62 = arith.constant 0 : i32
          %dma_wait3A_63 = tpu.memref_slice %arg6[%run_scoped3A, %dma_wait3A, %dma_wait3A_62] : memref<4x10000x128xf32, #tpu.memory_space<hbm>> -> memref<1x520x128xf32, #tpu.memory_space<hbm>>
          %dma_wait3A_64 = tpu.memref_squeeze %dma_wait3A_63 : memref<1x520x128xf32, #tpu.memory_space<hbm>> -> memref<520x128xf32, #tpu.memory_space<hbm>>
          %dma_wait3A_65 = arith.constant 9480 : i32
          %dma_wait3A_66 = arith.constant 0 : i32
          %dma_wait3A_67 = tpu.memref_slice %arg10[%dma_wait3A_65, %dma_wait3A_66] : memref<10000x128xf32, #tpu.memory_space<vmem_shared>> -> memref<520x128xf32, #tpu.memory_space<vmem_shared>>
          tpu.wait_dma2 semaphore(%run_scoped3A_55 : memref<!tpu.dma_semaphore, #tpu.memory_space<semaphore_mem>>) src(%dma_wait3A_67 : memref<520x128xf32, #tpu.memory_space<vmem_shared>>) dst(%dma_wait3A_64 : memref<520x128xf32, #tpu.memory_space<hbm>>)
          tpu.yield
        }) : () -> ()
      } else {
      }
    } else {
    }
    %eq3A_7 = arith.constant 0 : i32
    %eq3A_8 = arith.cmpi eq, %arg0, %eq3A_7 : i32
    %convert_element_type3A_9 = arith.extui %eq3A_8 : i1 to i32
    %cond3A_10 = arith.constant 0 : i32
    %cond3A_11 = arith.cmpi ne, %convert_element_type3A_9, %cond3A_10 : i32
    scf.if %cond3A_11 {
      %lt3A = arith.constant 15 : i32
      %lt3A_17 = arith.cmpi slt, %arg1, %lt3A : i32
      %convert_element_type3A_18 = arith.extui %lt3A_17 : i1 to i32
      %cond3A_19 = arith.constant 0 : i32
      %cond3A_20 = arith.cmpi ne, %convert_element_type3A_18, %cond3A_19 : i32
      scf.if %cond3A_20 {
        %mul3A = arith.constant 632 : i32
        %mul3A_55 = arith.muli %arg1, %mul3A : i32
        %multiple_of3A = tpu.assume_multiple %mul3A_55, 8 : i32
        "tpu.region"() ({
          %run_scoped3A = tpu.sem_alloc : memref<!tpu.dma_semaphore, #tpu.memory_space<semaphore_mem>>
          %dma_start3A = arith.constant 0 : i32
          %dma_start3A_56 = tpu.memref_slice %arg10[%multiple_of3A, %dma_start3A] : memref<10000x128xf32, #tpu.memory_space<vmem_shared>> -> memref<632x128xf32, #tpu.memory_space<vmem_shared>>
          %dma_start3A_57 = arith.constant 0 : i32
          %dma_start3A_58 = tpu.memref_slice %arg5[%multiple_of3A, %dma_start3A_57] : memref<10000x128xf32, #tpu.memory_space<hbm>> -> memref<632x128xf32, #tpu.memory_space<hbm>>
          tpu.enqueue_dma source(%dma_start3A_58 : memref<632x128xf32, #tpu.memory_space<hbm>>) target(%dma_start3A_56 : memref<632x128xf32, #tpu.memory_space<vmem_shared>>) target_semaphore(%run_scoped3A : memref<!tpu.dma_semaphore, #tpu.memory_space<semaphore_mem>>)
          %dma_wait3A = arith.constant 0 : i32
          %dma_wait3A_59 = tpu.memref_slice %arg10[%multiple_of3A, %dma_wait3A] : memref<10000x128xf32, #tpu.memory_space<vmem_shared>> -> memref<632x128xf32, #tpu.memory_space<vmem_shared>>
          %dma_wait3A_60 = arith.constant 0 : i32
          %dma_wait3A_61 = tpu.memref_slice %arg5[%multiple_of3A, %dma_wait3A_60] : memref<10000x128xf32, #tpu.memory_space<hbm>> -> memref<632x128xf32, #tpu.memory_space<hbm>>
          tpu.wait_dma2 semaphore(%run_scoped3A : memref<!tpu.dma_semaphore, #tpu.memory_space<semaphore_mem>>) src(%dma_wait3A_61 : memref<632x128xf32, #tpu.memory_space<hbm>>) dst(%dma_wait3A_59 : memref<632x128xf32, #tpu.memory_space<vmem_shared>>)
          tpu.yield
        }) : () -> ()
      } else {
      }
      %eq3A_21 = arith.constant 15 : i32
      %eq3A_22 = arith.cmpi eq, %arg1, %eq3A_21 : i32
      %convert_element_type3A_23 = arith.extui %eq3A_22 : i1 to i32
      %cond3A_24 = arith.constant 0 : i32
      %cond3A_25 = arith.cmpi ne, %convert_element_type3A_23, %cond3A_24 : i32
      scf.if %cond3A_25 {
        "tpu.region"() ({
          %run_scoped3A = tpu.sem_alloc : memref<!tpu.dma_semaphore, #tpu.memory_space<semaphore_mem>>
          %dma_start3A = arith.constant 9480 : i32
          %dma_start3A_55 = arith.constant 0 : i32
          %dma_start3A_56 = tpu.memref_slice %arg10[%dma_start3A, %dma_start3A_55] : memref<10000x128xf32, #tpu.memory_space<vmem_shared>> -> memref<520x128xf32, #tpu.memory_space<vmem_shared>>
          %dma_start3A_57 = arith.constant 9480 : i32
          %dma_start3A_58 = arith.constant 0 : i32
          %dma_start3A_59 = tpu.memref_slice %arg5[%dma_start3A_57, %dma_start3A_58] : memref<10000x128xf32, #tpu.memory_space<hbm>> -> memref<520x128xf32, #tpu.memory_space<hbm>>
          tpu.enqueue_dma source(%dma_start3A_59 : memref<520x128xf32, #tpu.memory_space<hbm>>) target(%dma_start3A_56 : memref<520x128xf32, #tpu.memory_space<vmem_shared>>) target_semaphore(%run_scoped3A : memref<!tpu.dma_semaphore, #tpu.memory_space<semaphore_mem>>)
          %dma_wait3A = arith.constant 9480 : i32
          %dma_wait3A_60 = arith.constant 0 : i32
          %dma_wait3A_61 = tpu.memref_slice %arg10[%dma_wait3A, %dma_wait3A_60] : memref<10000x128xf32, #tpu.memory_space<vmem_shared>> -> memref<520x128xf32, #tpu.memory_space<vmem_shared>>
          %dma_wait3A_62 = arith.constant 9480 : i32
          %dma_wait3A_63 = arith.constant 0 : i32
          %dma_wait3A_64 = tpu.memref_slice %arg5[%dma_wait3A_62, %dma_wait3A_63] : memref<10000x128xf32, #tpu.memory_space<hbm>> -> memref<520x128xf32, #tpu.memory_space<hbm>>
          tpu.wait_dma2 semaphore(%run_scoped3A : memref<!tpu.dma_semaphore, #tpu.memory_space<semaphore_mem>>) src(%dma_wait3A_64 : memref<520x128xf32, #tpu.memory_space<hbm>>) dst(%dma_wait3A_61 : memref<520x128xf32, #tpu.memory_space<vmem_shared>>)
          tpu.yield
        }) : () -> ()
      } else {
      }
      %barrier3A = arith.constant 0 : index
      tpu.barrier barrier_id(%barrier3A)
      %add3A = arith.constant 0 : i32
      %add3A_26 = arith.addi %add3A, %arg1 : i32
      %lt3A_27 = arith.constant 1250 : i32
      %lt3A_28 = arith.cmpi slt, %add3A_26, %lt3A_27 : i32
      %convert_element_type3A_29 = arith.extui %lt3A_28 : i1 to i32
      %cond3A_30 = arith.constant 0 : i32
      %cond3A_31 = arith.cmpi ne, %convert_element_type3A_29, %cond3A_30 : i32
      scf.if %cond3A_31 {
        %mul3A = arith.constant 128 : i32
        %mul3A_55 = arith.muli %add3A_26, %mul3A : i32
        %run_scoped3A = arith.constant 0 : i32
        "tpu.region"() ({
          %run_scoped3A_75 = tpu.sem_alloc : memref<!tpu.dma_semaphore, #tpu.memory_space<semaphore_mem>>
          %dma_start3A_76 = arith.constant 0 : i32
          %dma_start3A_77 = tpu.memref_slice %arg7[%run_scoped3A, %dma_start3A_76] : memref<2x128xi32, #tpu.memory_space<vmem>> -> memref<1x128xi32, #tpu.memory_space<vmem>>
          %dma_start3A_78 = tpu.memref_squeeze %dma_start3A_77 : memref<1x128xi32, #tpu.memory_space<vmem>> -> memref<128xi32, #tpu.memory_space<vmem>>
          %dma_start3A_79 = tpu.memref_slice %arg3[%mul3A_55] : memref<160000xi32, #tpu.memory_space<hbm>> -> memref<128xi32, #tpu.memory_space<hbm>>
          %dma_start3A_80 = arith.constant 0 : i32
          %dma_start3A_81 = tpu.memref_slice %arg7[%run_scoped3A, %dma_start3A_80] : memref<2x128xi32, #tpu.memory_space<vmem>> -> memref<1x128xi32, #tpu.memory_space<vmem>>
          %dma_start3A_82 = tpu.memref_squeeze %dma_start3A_81 : memref<1x128xi32, #tpu.memory_space<vmem>> -> memref<128xi32, #tpu.memory_space<vmem>>
          %dma_start3A_83 = tpu.memref_slice %arg3[%mul3A_55] : memref<160000xi32, #tpu.memory_space<hbm>> -> memref<128xi32, #tpu.memory_space<hbm>>
          tpu.enqueue_dma source(%dma_start3A_83 : memref<128xi32, #tpu.memory_space<hbm>>) target(%dma_start3A_82 : memref<128xi32, #tpu.memory_space<vmem>>) target_semaphore(%run_scoped3A_75 : memref<!tpu.dma_semaphore, #tpu.memory_space<semaphore_mem>>)
          %dma_wait3A = arith.constant 0 : i32
          %dma_wait3A_84 = tpu.memref_slice %arg7[%run_scoped3A, %dma_wait3A] : memref<2x128xi32, #tpu.memory_space<vmem>> -> memref<1x128xi32, #tpu.memory_space<vmem>>
          %dma_wait3A_85 = tpu.memref_squeeze %dma_wait3A_84 : memref<1x128xi32, #tpu.memory_space<vmem>> -> memref<128xi32, #tpu.memory_space<vmem>>
          %dma_wait3A_86 = tpu.memref_slice %arg3[%mul3A_55] : memref<160000xi32, #tpu.memory_space<hbm>> -> memref<128xi32, #tpu.memory_space<hbm>>
          %dma_wait3A_87 = arith.constant 0 : i32
          %dma_wait3A_88 = tpu.memref_slice %arg7[%run_scoped3A, %dma_wait3A_87] : memref<2x128xi32, #tpu.memory_space<vmem>> -> memref<1x128xi32, #tpu.memory_space<vmem>>
          %dma_wait3A_89 = tpu.memref_squeeze %dma_wait3A_88 : memref<1x128xi32, #tpu.memory_space<vmem>> -> memref<128xi32, #tpu.memory_space<vmem>>
          %dma_wait3A_90 = tpu.memref_slice %arg3[%mul3A_55] : memref<160000xi32, #tpu.memory_space<hbm>> -> memref<128xi32, #tpu.memory_space<hbm>>
          tpu.wait_dma2 semaphore(%run_scoped3A_75 : memref<!tpu.dma_semaphore, #tpu.memory_space<semaphore_mem>>) src(%dma_wait3A_90 : memref<128xi32, #tpu.memory_space<hbm>>) dst(%dma_wait3A_89 : memref<128xi32, #tpu.memory_space<vmem>>)
          tpu.yield
        }) : () -> ()
        %mul3A_56 = arith.constant 128 : i32
        %mul3A_57 = arith.muli %add3A_26, %mul3A_56 : i32
        %run_scoped3A_58 = arith.constant 0 : i32
        "tpu.region"() ({
          %run_scoped3A_75 = tpu.sem_alloc : memref<!tpu.dma_semaphore, #tpu.memory_space<semaphore_mem>>
          %dma_start3A_76 = arith.constant 0 : i32
          %dma_start3A_77 = tpu.memref_slice %arg8[%run_scoped3A_58, %dma_start3A_76] : memref<2x128xi32, #tpu.memory_space<vmem>> -> memref<1x128xi32, #tpu.memory_space<vmem>>
          %dma_start3A_78 = tpu.memref_squeeze %dma_start3A_77 : memref<1x128xi32, #tpu.memory_space<vmem>> -> memref<128xi32, #tpu.memory_space<vmem>>
          %dma_start3A_79 = tpu.memref_slice %arg4[%mul3A_57] : memref<160000xi32, #tpu.memory_space<hbm>> -> memref<128xi32, #tpu.memory_space<hbm>>
          %dma_start3A_80 = arith.constant 0 : i32
          %dma_start3A_81 = tpu.memref_slice %arg8[%run_scoped3A_58, %dma_start3A_80] : memref<2x128xi32, #tpu.memory_space<vmem>> -> memref<1x128xi32, #tpu.memory_space<vmem>>
          %dma_start3A_82 = tpu.memref_squeeze %dma_start3A_81 : memref<1x128xi32, #tpu.memory_space<vmem>> -> memref<128xi32, #tpu.memory_space<vmem>>
          %dma_start3A_83 = tpu.memref_slice %arg4[%mul3A_57] : memref<160000xi32, #tpu.memory_space<hbm>> -> memref<128xi32, #tpu.memory_space<hbm>>
          tpu.enqueue_dma source(%dma_start3A_83 : memref<128xi32, #tpu.memory_space<hbm>>) target(%dma_start3A_82 : memref<128xi32, #tpu.memory_space<vmem>>) target_semaphore(%run_scoped3A_75 : memref<!tpu.dma_semaphore, #tpu.memory_space<semaphore_mem>>)
          %dma_wait3A = arith.constant 0 : i32
          %dma_wait3A_84 = tpu.memref_slice %arg8[%run_scoped3A_58, %dma_wait3A] : memref<2x128xi32, #tpu.memory_space<vmem>> -> memref<1x128xi32, #tpu.memory_space<vmem>>
          %dma_wait3A_85 = tpu.memref_squeeze %dma_wait3A_84 : memref<1x128xi32, #tpu.memory_space<vmem>> -> memref<128xi32, #tpu.memory_space<vmem>>
          %dma_wait3A_86 = tpu.memref_slice %arg4[%mul3A_57] : memref<160000xi32, #tpu.memory_space<hbm>> -> memref<128xi32, #tpu.memory_space<hbm>>
          %dma_wait3A_87 = arith.constant 0 : i32
          %dma_wait3A_88 = tpu.memref_slice %arg8[%run_scoped3A_58, %dma_wait3A_87] : memref<2x128xi32, #tpu.memory_space<vmem>> -> memref<1x128xi32, #tpu.memory_space<vmem>>
          %dma_wait3A_89 = tpu.memref_squeeze %dma_wait3A_88 : memref<1x128xi32, #tpu.memory_space<vmem>> -> memref<128xi32, #tpu.memory_space<vmem>>
          %dma_wait3A_90 = tpu.memref_slice %arg4[%mul3A_57] : memref<160000xi32, #tpu.memory_space<hbm>> -> memref<128xi32, #tpu.memory_space<hbm>>
          tpu.wait_dma2 semaphore(%run_scoped3A_75 : memref<!tpu.dma_semaphore, #tpu.memory_space<semaphore_mem>>) src(%dma_wait3A_90 : memref<128xi32, #tpu.memory_space<hbm>>) dst(%dma_wait3A_89 : memref<128xi32, #tpu.memory_space<vmem>>)
          tpu.yield
        }) : () -> ()
        %dma_start3A = arith.constant 2 : i32
        %dma_start3A_59 = arith.constant 0 : i32
        %dma_start3A_60 = arith.constant 0 : i32
        %dma_start3A_61 = arith.constant 0 : i32
        %dma_start3A_62 = arith.constant 0 : i32
        %dma_start3A_63 = tpu.memref_slice %arg9[%dma_start3A_60, %dma_start3A_61, %dma_start3A_62] : memref<2x128x128xf32, #tpu.memory_space<vmem>> -> memref<1x128x128xf32, #tpu.memory_space<vmem>>
        %dma_start3A_64 = tpu.memref_squeeze %dma_start3A_63 : memref<1x128x128xf32, #tpu.memory_space<vmem>> -> memref<128x128xf32, #tpu.memory_space<vmem>>
        %dma_start3A_65 = arith.constant 0 : i32
        %dma_start3A_66 = tpu.memref_slice %arg7[%dma_start3A_59, %dma_start3A_65] : memref<2x128xi32, #tpu.memory_space<vmem>> -> memref<1x128xi32, #tpu.memory_space<vmem>>
        %dma_start3A_67 = tpu.memref_squeeze %dma_start3A_66 : memref<1x128xi32, #tpu.memory_space<vmem>> -> memref<128xi32, #tpu.memory_space<vmem>>
        %dma_start3A_68 = arith.constant 0 : i32
        %dma_start3A_69 = arith.constant 0 : i32
        %dma_start3A_70 = tpu.memref_slice %arg2[%dma_start3A, %dma_start3A_68, %dma_start3A_69] : memref<4x10000x128xf32, #tpu.memory_space<hbm>> -> memref<1x10000x128xf32, #tpu.memory_space<hbm>>
        %dma_start3A_71 = tpu.memref_squeeze %dma_start3A_70 : memref<1x10000x128xf32, #tpu.memory_space<hbm>> -> memref<10000x128xf32, #tpu.memory_space<hbm>>
        %dma_start3A_72 = arith.constant 0 : i32
        %dma_start3A_73 = arith.constant 0 : i32
        %dma_start3A_74 = tpu.memref_slice %dma_start3A_71[%dma_start3A_72, %dma_start3A_73] : memref<10000x128xf32, #tpu.memory_space<hbm>> -> memref<10000x128xf32, #tpu.memory_space<hbm>>
        tpu.enqueue_indirect_dma source(%dma_start3A_74 : memref<10000x128xf32, #tpu.memory_space<hbm>>) target(%dma_start3A_64 : memref<128x128xf32, #tpu.memory_space<vmem>>) offsets(%dma_start3A_67 : memref<128xi32, #tpu.memory_space<vmem>>) semaphore(%arg11 : memref<!tpu.dma_semaphore, #tpu.memory_space<semaphore_mem>>)
      } else {
      }
      %scan3A = arith.constant 0 : i32
      %scan3A_32 = arith.constant 0 : i32
      %scan3A_33 = arith.constant 39 : i32
      %scan3A_34 = arith.addi %scan3A_32, %scan3A_33 : i32
      %scan3A_35 = arith.constant 1 : i32
      scf.for %scan3A_55 = %scan3A_32 to %scan3A_34 step %scan3A_35  : i32 {
        %mul3A = arith.constant 2 : i32
        %mul3A_56 = arith.muli %mul3A, %scan3A_55 : i32
        %add3A_57 = arith.constant 1 : i32
        %add3A_58 = arith.addi %mul3A_56, %add3A_57 : i32
        %mul3A_59 = arith.constant 16 : i32
        %mul3A_60 = arith.muli %add3A_58, %mul3A_59 : i32
        %add3A_61 = arith.addi %mul3A_60, %arg1 : i32
        %lt3A_62 = arith.constant 1250 : i32
        %lt3A_63 = arith.cmpi slt, %add3A_61, %lt3A_62 : i32
        %convert_element_type3A_64 = arith.extui %lt3A_63 : i1 to i32
        %cond3A_65 = arith.constant 0 : i32
        %cond3A_66 = arith.cmpi ne, %convert_element_type3A_64, %cond3A_65 : i32
        scf.if %cond3A_66 {
          %mul3A_101 = arith.constant 128 : i32
          %mul3A_102 = arith.muli %add3A_61, %mul3A_101 : i32
          %run_scoped3A = arith.constant 1 : i32
          "tpu.region"() ({
            %run_scoped3A_122 = tpu.sem_alloc : memref<!tpu.dma_semaphore, #tpu.memory_space<semaphore_mem>>
            %dma_start3A_123 = arith.constant 0 : i32
            %dma_start3A_124 = tpu.memref_slice %arg7[%run_scoped3A, %dma_start3A_123] : memref<2x128xi32, #tpu.memory_space<vmem>> -> memref<1x128xi32, #tpu.memory_space<vmem>>
            %dma_start3A_125 = tpu.memref_squeeze %dma_start3A_124 : memref<1x128xi32, #tpu.memory_space<vmem>> -> memref<128xi32, #tpu.memory_space<vmem>>
            %dma_start3A_126 = tpu.memref_slice %arg3[%mul3A_102] : memref<160000xi32, #tpu.memory_space<hbm>> -> memref<128xi32, #tpu.memory_space<hbm>>
            %dma_start3A_127 = arith.constant 0 : i32
            %dma_start3A_128 = tpu.memref_slice %arg7[%run_scoped3A, %dma_start3A_127] : memref<2x128xi32, #tpu.memory_space<vmem>> -> memref<1x128xi32, #tpu.memory_space<vmem>>
            %dma_start3A_129 = tpu.memref_squeeze %dma_start3A_128 : memref<1x128xi32, #tpu.memory_space<vmem>> -> memref<128xi32, #tpu.memory_space<vmem>>
            %dma_start3A_130 = tpu.memref_slice %arg3[%mul3A_102] : memref<160000xi32, #tpu.memory_space<hbm>> -> memref<128xi32, #tpu.memory_space<hbm>>
            tpu.enqueue_dma source(%dma_start3A_130 : memref<128xi32, #tpu.memory_space<hbm>>) target(%dma_start3A_129 : memref<128xi32, #tpu.memory_space<vmem>>) target_semaphore(%run_scoped3A_122 : memref<!tpu.dma_semaphore, #tpu.memory_space<semaphore_mem>>)
            %dma_wait3A = arith.constant 0 : i32
            %dma_wait3A_131 = tpu.memref_slice %arg7[%run_scoped3A, %dma_wait3A] : memref<2x128xi32, #tpu.memory_space<vmem>> -> memref<1x128xi32, #tpu.memory_space<vmem>>
            %dma_wait3A_132 = tpu.memref_squeeze %dma_wait3A_131 : memref<1x128xi32, #tpu.memory_space<vmem>> -> memref<128xi32, #tpu.memory_space<vmem>>
            %dma_wait3A_133 = tpu.memref_slice %arg3[%mul3A_102] : memref<160000xi32, #tpu.memory_space<hbm>> -> memref<128xi32, #tpu.memory_space<hbm>>
            %dma_wait3A_134 = arith.constant 0 : i32
            %dma_wait3A_135 = tpu.memref_slice %arg7[%run_scoped3A, %dma_wait3A_134] : memref<2x128xi32, #tpu.memory_space<vmem>> -> memref<1x128xi32, #tpu.memory_space<vmem>>
            %dma_wait3A_136 = tpu.memref_squeeze %dma_wait3A_135 : memref<1x128xi32, #tpu.memory_space<vmem>> -> memref<128xi32, #tpu.memory_space<vmem>>
            %dma_wait3A_137 = tpu.memref_slice %arg3[%mul3A_102] : memref<160000xi32, #tpu.memory_space<hbm>> -> memref<128xi32, #tpu.memory_space<hbm>>
            tpu.wait_dma2 semaphore(%run_scoped3A_122 : memref<!tpu.dma_semaphore, #tpu.memory_space<semaphore_mem>>) src(%dma_wait3A_137 : memref<128xi32, #tpu.memory_space<hbm>>) dst(%dma_wait3A_136 : memref<128xi32, #tpu.memory_space<vmem>>)
            tpu.yield
          }) : () -> ()
          %mul3A_103 = arith.constant 128 : i32
          %mul3A_104 = arith.muli %add3A_61, %mul3A_103 : i32
          %run_scoped3A_105 = arith.constant 1 : i32
          "tpu.region"() ({
            %run_scoped3A_122 = tpu.sem_alloc : memref<!tpu.dma_semaphore, #tpu.memory_space<semaphore_mem>>
            %dma_start3A_123 = arith.constant 0 : i32
            %dma_start3A_124 = tpu.memref_slice %arg8[%run_scoped3A_105, %dma_start3A_123] : memref<2x128xi32, #tpu.memory_space<vmem>> -> memref<1x128xi32, #tpu.memory_space<vmem>>
            %dma_start3A_125 = tpu.memref_squeeze %dma_start3A_124 : memref<1x128xi32, #tpu.memory_space<vmem>> -> memref<128xi32, #tpu.memory_space<vmem>>
            %dma_start3A_126 = tpu.memref_slice %arg4[%mul3A_104] : memref<160000xi32, #tpu.memory_space<hbm>> -> memref<128xi32, #tpu.memory_space<hbm>>
            %dma_start3A_127 = arith.constant 0 : i32
            %dma_start3A_128 = tpu.memref_slice %arg8[%run_scoped3A_105, %dma_start3A_127] : memref<2x128xi32, #tpu.memory_space<vmem>> -> memref<1x128xi32, #tpu.memory_space<vmem>>
            %dma_start3A_129 = tpu.memref_squeeze %dma_start3A_128 : memref<1x128xi32, #tpu.memory_space<vmem>> -> memref<128xi32, #tpu.memory_space<vmem>>
            %dma_start3A_130 = tpu.memref_slice %arg4[%mul3A_104] : memref<160000xi32, #tpu.memory_space<hbm>> -> memref<128xi32, #tpu.memory_space<hbm>>
            tpu.enqueue_dma source(%dma_start3A_130 : memref<128xi32, #tpu.memory_space<hbm>>) target(%dma_start3A_129 : memref<128xi32, #tpu.memory_space<vmem>>) target_semaphore(%run_scoped3A_122 : memref<!tpu.dma_semaphore, #tpu.memory_space<semaphore_mem>>)
            %dma_wait3A = arith.constant 0 : i32
            %dma_wait3A_131 = tpu.memref_slice %arg8[%run_scoped3A_105, %dma_wait3A] : memref<2x128xi32, #tpu.memory_space<vmem>> -> memref<1x128xi32, #tpu.memory_space<vmem>>
            %dma_wait3A_132 = tpu.memref_squeeze %dma_wait3A_131 : memref<1x128xi32, #tpu.memory_space<vmem>> -> memref<128xi32, #tpu.memory_space<vmem>>
            %dma_wait3A_133 = tpu.memref_slice %arg4[%mul3A_104] : memref<160000xi32, #tpu.memory_space<hbm>> -> memref<128xi32, #tpu.memory_space<hbm>>
            %dma_wait3A_134 = arith.constant 0 : i32
            %dma_wait3A_135 = tpu.memref_slice %arg8[%run_scoped3A_105, %dma_wait3A_134] : memref<2x128xi32, #tpu.memory_space<vmem>> -> memref<1x128xi32, #tpu.memory_space<vmem>>
            %dma_wait3A_136 = tpu.memref_squeeze %dma_wait3A_135 : memref<1x128xi32, #tpu.memory_space<vmem>> -> memref<128xi32, #tpu.memory_space<vmem>>
            %dma_wait3A_137 = tpu.memref_slice %arg4[%mul3A_104] : memref<160000xi32, #tpu.memory_space<hbm>> -> memref<128xi32, #tpu.memory_space<hbm>>
            tpu.wait_dma2 semaphore(%run_scoped3A_122 : memref<!tpu.dma_semaphore, #tpu.memory_space<semaphore_mem>>) src(%dma_wait3A_137 : memref<128xi32, #tpu.memory_space<hbm>>) dst(%dma_wait3A_136 : memref<128xi32, #tpu.memory_space<vmem>>)
            tpu.yield
          }) : () -> ()
          %dma_start3A = arith.constant 2 : i32
          %dma_start3A_106 = arith.constant 1 : i32
          %dma_start3A_107 = arith.constant 1 : i32
          %dma_start3A_108 = arith.constant 0 : i32
          %dma_start3A_109 = arith.constant 0 : i32
          %dma_start3A_110 = tpu.memref_slice %arg9[%dma_start3A_107, %dma_start3A_108, %dma_start3A_109] : memref<2x128x128xf32, #tpu.memory_space<vmem>> -> memref<1x128x128xf32, #tpu.memory_space<vmem>>
          %dma_start3A_111 = tpu.memref_squeeze %dma_start3A_110 : memref<1x128x128xf32, #tpu.memory_space<vmem>> -> memref<128x128xf32, #tpu.memory_space<vmem>>
          %dma_start3A_112 = arith.constant 0 : i32
          %dma_start3A_113 = tpu.memref_slice %arg7[%dma_start3A_106, %dma_start3A_112] : memref<2x128xi32, #tpu.memory_space<vmem>> -> memref<1x128xi32, #tpu.memory_space<vmem>>
          %dma_start3A_114 = tpu.memref_squeeze %dma_start3A_113 : memref<1x128xi32, #tpu.memory_space<vmem>> -> memref<128xi32, #tpu.memory_space<vmem>>
          %dma_start3A_115 = arith.constant 0 : i32
          %dma_start3A_116 = arith.constant 0 : i32
          %dma_start3A_117 = tpu.memref_slice %arg2[%dma_start3A, %dma_start3A_115, %dma_start3A_116] : memref<4x10000x128xf32, #tpu.memory_space<hbm>> -> memref<1x10000x128xf32, #tpu.memory_space<hbm>>
          %dma_start3A_118 = tpu.memref_squeeze %dma_start3A_117 : memref<1x10000x128xf32, #tpu.memory_space<hbm>> -> memref<10000x128xf32, #tpu.memory_space<hbm>>
          %dma_start3A_119 = arith.constant 0 : i32
          %dma_start3A_120 = arith.constant 0 : i32
          %dma_start3A_121 = tpu.memref_slice %dma_start3A_118[%dma_start3A_119, %dma_start3A_120] : memref<10000x128xf32, #tpu.memory_space<hbm>> -> memref<10000x128xf32, #tpu.memory_space<hbm>>
          tpu.enqueue_indirect_dma source(%dma_start3A_121 : memref<10000x128xf32, #tpu.memory_space<hbm>>) target(%dma_start3A_111 : memref<128x128xf32, #tpu.memory_space<vmem>>) offsets(%dma_start3A_114 : memref<128xi32, #tpu.memory_space<vmem>>) semaphore(%arg12 : memref<!tpu.dma_semaphore, #tpu.memory_space<semaphore_mem>>)
        } else {
        }
        %mul3A_67 = arith.constant 2 : i32
        %mul3A_68 = arith.muli %mul3A_67, %scan3A_55 : i32
        %mul3A_69 = arith.constant 16 : i32
        %mul3A_70 = arith.muli %mul3A_68, %mul3A_69 : i32
        %add3A_71 = arith.addi %mul3A_70, %arg1 : i32
        %lt3A_72 = arith.constant 1250 : i32
        %lt3A_73 = arith.cmpi slt, %add3A_71, %lt3A_72 : i32
        %convert_element_type3A_74 = arith.extui %lt3A_73 : i1 to i32
        %cond3A_75 = arith.constant 0 : i32
        %cond3A_76 = arith.cmpi ne, %convert_element_type3A_74, %cond3A_75 : i32
        scf.if %cond3A_76 {
          %dma_wait3A = arith.constant 2 : i32
          %dma_wait3A_101 = arith.constant 0 : i32
          %dma_wait3A_102 = arith.constant 0 : i32
          %dma_wait3A_103 = arith.constant 0 : i32
          %dma_wait3A_104 = arith.constant 0 : i32
          %dma_wait3A_105 = tpu.memref_slice %arg9[%dma_wait3A_102, %dma_wait3A_103, %dma_wait3A_104] : memref<2x128x128xf32, #tpu.memory_space<vmem>> -> memref<1x128x128xf32, #tpu.memory_space<vmem>>
          %dma_wait3A_106 = tpu.memref_squeeze %dma_wait3A_105 : memref<1x128x128xf32, #tpu.memory_space<vmem>> -> memref<128x128xf32, #tpu.memory_space<vmem>>
          %dma_wait3A_107 = arith.constant 0 : i32
          %dma_wait3A_108 = tpu.memref_slice %arg7[%dma_wait3A_101, %dma_wait3A_107] : memref<2x128xi32, #tpu.memory_space<vmem>> -> memref<1x128xi32, #tpu.memory_space<vmem>>
          %dma_wait3A_109 = tpu.memref_squeeze %dma_wait3A_108 : memref<1x128xi32, #tpu.memory_space<vmem>> -> memref<128xi32, #tpu.memory_space<vmem>>
          %dma_wait3A_110 = arith.constant 0 : i32
          %dma_wait3A_111 = arith.constant 0 : i32
          %dma_wait3A_112 = tpu.memref_slice %arg2[%dma_wait3A, %dma_wait3A_110, %dma_wait3A_111] : memref<4x10000x128xf32, #tpu.memory_space<hbm>> -> memref<1x10000x128xf32, #tpu.memory_space<hbm>>
          %dma_wait3A_113 = tpu.memref_squeeze %dma_wait3A_112 : memref<1x10000x128xf32, #tpu.memory_space<hbm>> -> memref<10000x128xf32, #tpu.memory_space<hbm>>
          %dma_wait3A_114 = arith.constant 0 : i32
          %dma_wait3A_115 = arith.constant 0 : i32
          %dma_wait3A_116 = tpu.memref_slice %dma_wait3A_113[%dma_wait3A_114, %dma_wait3A_115] : memref<10000x128xf32, #tpu.memory_space<hbm>> -> memref<10000x128xf32, #tpu.memory_space<hbm>>
          tpu.wait_indirect_dma semaphore(%arg11 : memref<!tpu.dma_semaphore, #tpu.memory_space<semaphore_mem>>) src(%dma_wait3A_116 : memref<10000x128xf32, #tpu.memory_space<hbm>>) dst(%dma_wait3A_106 : memref<128x128xf32, #tpu.memory_space<vmem>>)
          %run_scoped3A = arith.constant 0 : i32
          %run_scoped3A_117 = arith.constant 0 : i32
          "tpu.region"() ({
            %run_scoped3A_118 = tpu.sem_alloc : memref<!tpu.dma_semaphore, #tpu.memory_space<semaphore_mem>>
            %dma_start3A = arith.constant 0 : i32
            %dma_start3A_119 = arith.constant 0 : i32
            %dma_start3A_120 = tpu.memref_slice %arg9[%run_scoped3A, %dma_start3A, %dma_start3A_119] : memref<2x128x128xf32, #tpu.memory_space<vmem>> -> memref<1x128x128xf32, #tpu.memory_space<vmem>>
            %dma_start3A_121 = tpu.memref_squeeze %dma_start3A_120 : memref<1x128x128xf32, #tpu.memory_space<vmem>> -> memref<128x128xf32, #tpu.memory_space<vmem>>
            %dma_start3A_122 = arith.constant 0 : i32
            %dma_start3A_123 = tpu.memref_slice %arg8[%run_scoped3A_117, %dma_start3A_122] : memref<2x128xi32, #tpu.memory_space<vmem>> -> memref<1x128xi32, #tpu.memory_space<vmem>>
            %dma_start3A_124 = tpu.memref_squeeze %dma_start3A_123 : memref<1x128xi32, #tpu.memory_space<vmem>> -> memref<128xi32, #tpu.memory_space<vmem>>
            %dma_start3A_125 = arith.constant 0 : i32
            %dma_start3A_126 = arith.constant 0 : i32
            %dma_start3A_127 = tpu.memref_slice %arg10[%dma_start3A_125, %dma_start3A_126] : memref<10000x128xf32, #tpu.memory_space<vmem_shared>> -> memref<10000x128xf32, #tpu.memory_space<vmem_shared>>
            tpu.enqueue_indirect_dma source(%dma_start3A_121 : memref<128x128xf32, #tpu.memory_space<vmem>>) target(%dma_start3A_127 : memref<10000x128xf32, #tpu.memory_space<vmem_shared>>) offsets(%dma_start3A_124 : memref<128xi32, #tpu.memory_space<vmem>>) semaphore(%run_scoped3A_118 : memref<!tpu.dma_semaphore, #tpu.memory_space<semaphore_mem>>) {add = true}
            %dma_wait3A_128 = arith.constant 0 : i32
            %dma_wait3A_129 = arith.constant 0 : i32
            %dma_wait3A_130 = tpu.memref_slice %arg9[%run_scoped3A, %dma_wait3A_128, %dma_wait3A_129] : memref<2x128x128xf32, #tpu.memory_space<vmem>> -> memref<1x128x128xf32, #tpu.memory_space<vmem>>
            %dma_wait3A_131 = tpu.memref_squeeze %dma_wait3A_130 : memref<1x128x128xf32, #tpu.memory_space<vmem>> -> memref<128x128xf32, #tpu.memory_space<vmem>>
            %dma_wait3A_132 = arith.constant 0 : i32
            %dma_wait3A_133 = tpu.memref_slice %arg8[%run_scoped3A_117, %dma_wait3A_132] : memref<2x128xi32, #tpu.memory_space<vmem>> -> memref<1x128xi32, #tpu.memory_space<vmem>>
            %dma_wait3A_134 = tpu.memref_squeeze %dma_wait3A_133 : memref<1x128xi32, #tpu.memory_space<vmem>> -> memref<128xi32, #tpu.memory_space<vmem>>
            %dma_wait3A_135 = arith.constant 0 : i32
            %dma_wait3A_136 = arith.constant 0 : i32
            %dma_wait3A_137 = tpu.memref_slice %arg10[%dma_wait3A_135, %dma_wait3A_136] : memref<10000x128xf32, #tpu.memory_space<vmem_shared>> -> memref<10000x128xf32, #tpu.memory_space<vmem_shared>>
            tpu.wait_indirect_dma semaphore(%run_scoped3A_118 : memref<!tpu.dma_semaphore, #tpu.memory_space<semaphore_mem>>) src(%dma_wait3A_131 : memref<128x128xf32, #tpu.memory_space<vmem>>) dst(%dma_wait3A_137 : memref<10000x128xf32, #tpu.memory_space<vmem_shared>>)
            tpu.yield
          }) : () -> ()
        } else {
        }
        %mul3A_77 = arith.constant 2 : i32
        %mul3A_78 = arith.muli %mul3A_77, %scan3A_55 : i32
        %add3A_79 = arith.constant 2 : i32
        %add3A_80 = arith.addi %mul3A_78, %add3A_79 : i32
        %mul3A_81 = arith.constant 16 : i32
        %mul3A_82 = arith.muli %add3A_80, %mul3A_81 : i32
        %add3A_83 = arith.addi %mul3A_82, %arg1 : i32
        %lt3A_84 = arith.constant 1250 : i32
        %lt3A_85 = arith.cmpi slt, %add3A_83, %lt3A_84 : i32
        %convert_element_type3A_86 = arith.extui %lt3A_85 : i1 to i32
        %cond3A_87 = arith.constant 0 : i32
        %cond3A_88 = arith.cmpi ne, %convert_element_type3A_86, %cond3A_87 : i32
        scf.if %cond3A_88 {
          %mul3A_101 = arith.constant 128 : i32
          %mul3A_102 = arith.muli %add3A_83, %mul3A_101 : i32
          %run_scoped3A = arith.constant 0 : i32
          "tpu.region"() ({
            %run_scoped3A_122 = tpu.sem_alloc : memref<!tpu.dma_semaphore, #tpu.memory_space<semaphore_mem>>
            %dma_start3A_123 = arith.constant 0 : i32
            %dma_start3A_124 = tpu.memref_slice %arg7[%run_scoped3A, %dma_start3A_123] : memref<2x128xi32, #tpu.memory_space<vmem>> -> memref<1x128xi32, #tpu.memory_space<vmem>>
            %dma_start3A_125 = tpu.memref_squeeze %dma_start3A_124 : memref<1x128xi32, #tpu.memory_space<vmem>> -> memref<128xi32, #tpu.memory_space<vmem>>
            %dma_start3A_126 = tpu.memref_slice %arg3[%mul3A_102] : memref<160000xi32, #tpu.memory_space<hbm>> -> memref<128xi32, #tpu.memory_space<hbm>>
            %dma_start3A_127 = arith.constant 0 : i32
            %dma_start3A_128 = tpu.memref_slice %arg7[%run_scoped3A, %dma_start3A_127] : memref<2x128xi32, #tpu.memory_space<vmem>> -> memref<1x128xi32, #tpu.memory_space<vmem>>
            %dma_start3A_129 = tpu.memref_squeeze %dma_start3A_128 : memref<1x128xi32, #tpu.memory_space<vmem>> -> memref<128xi32, #tpu.memory_space<vmem>>
            %dma_start3A_130 = tpu.memref_slice %arg3[%mul3A_102] : memref<160000xi32, #tpu.memory_space<hbm>> -> memref<128xi32, #tpu.memory_space<hbm>>
            tpu.enqueue_dma source(%dma_start3A_130 : memref<128xi32, #tpu.memory_space<hbm>>) target(%dma_start3A_129 : memref<128xi32, #tpu.memory_space<vmem>>) target_semaphore(%run_scoped3A_122 : memref<!tpu.dma_semaphore, #tpu.memory_space<semaphore_mem>>)
            %dma_wait3A = arith.constant 0 : i32
            %dma_wait3A_131 = tpu.memref_slice %arg7[%run_scoped3A, %dma_wait3A] : memref<2x128xi32, #tpu.memory_space<vmem>> -> memref<1x128xi32, #tpu.memory_space<vmem>>
            %dma_wait3A_132 = tpu.memref_squeeze %dma_wait3A_131 : memref<1x128xi32, #tpu.memory_space<vmem>> -> memref<128xi32, #tpu.memory_space<vmem>>
            %dma_wait3A_133 = tpu.memref_slice %arg3[%mul3A_102] : memref<160000xi32, #tpu.memory_space<hbm>> -> memref<128xi32, #tpu.memory_space<hbm>>
            %dma_wait3A_134 = arith.constant 0 : i32
            %dma_wait3A_135 = tpu.memref_slice %arg7[%run_scoped3A, %dma_wait3A_134] : memref<2x128xi32, #tpu.memory_space<vmem>> -> memref<1x128xi32, #tpu.memory_space<vmem>>
            %dma_wait3A_136 = tpu.memref_squeeze %dma_wait3A_135 : memref<1x128xi32, #tpu.memory_space<vmem>> -> memref<128xi32, #tpu.memory_space<vmem>>
            %dma_wait3A_137 = tpu.memref_slice %arg3[%mul3A_102] : memref<160000xi32, #tpu.memory_space<hbm>> -> memref<128xi32, #tpu.memory_space<hbm>>
            tpu.wait_dma2 semaphore(%run_scoped3A_122 : memref<!tpu.dma_semaphore, #tpu.memory_space<semaphore_mem>>) src(%dma_wait3A_137 : memref<128xi32, #tpu.memory_space<hbm>>) dst(%dma_wait3A_136 : memref<128xi32, #tpu.memory_space<vmem>>)
            tpu.yield
          }) : () -> ()
          %mul3A_103 = arith.constant 128 : i32
          %mul3A_104 = arith.muli %add3A_83, %mul3A_103 : i32
          %run_scoped3A_105 = arith.constant 0 : i32
          "tpu.region"() ({
            %run_scoped3A_122 = tpu.sem_alloc : memref<!tpu.dma_semaphore, #tpu.memory_space<semaphore_mem>>
            %dma_start3A_123 = arith.constant 0 : i32
            %dma_start3A_124 = tpu.memref_slice %arg8[%run_scoped3A_105, %dma_start3A_123] : memref<2x128xi32, #tpu.memory_space<vmem>> -> memref<1x128xi32, #tpu.memory_space<vmem>>
            %dma_start3A_125 = tpu.memref_squeeze %dma_start3A_124 : memref<1x128xi32, #tpu.memory_space<vmem>> -> memref<128xi32, #tpu.memory_space<vmem>>
            %dma_start3A_126 = tpu.memref_slice %arg4[%mul3A_104] : memref<160000xi32, #tpu.memory_space<hbm>> -> memref<128xi32, #tpu.memory_space<hbm>>
            %dma_start3A_127 = arith.constant 0 : i32
            %dma_start3A_128 = tpu.memref_slice %arg8[%run_scoped3A_105, %dma_start3A_127] : memref<2x128xi32, #tpu.memory_space<vmem>> -> memref<1x128xi32, #tpu.memory_space<vmem>>
            %dma_start3A_129 = tpu.memref_squeeze %dma_start3A_128 : memref<1x128xi32, #tpu.memory_space<vmem>> -> memref<128xi32, #tpu.memory_space<vmem>>
            %dma_start3A_130 = tpu.memref_slice %arg4[%mul3A_104] : memref<160000xi32, #tpu.memory_space<hbm>> -> memref<128xi32, #tpu.memory_space<hbm>>
            tpu.enqueue_dma source(%dma_start3A_130 : memref<128xi32, #tpu.memory_space<hbm>>) target(%dma_start3A_129 : memref<128xi32, #tpu.memory_space<vmem>>) target_semaphore(%run_scoped3A_122 : memref<!tpu.dma_semaphore, #tpu.memory_space<semaphore_mem>>)
            %dma_wait3A = arith.constant 0 : i32
            %dma_wait3A_131 = tpu.memref_slice %arg8[%run_scoped3A_105, %dma_wait3A] : memref<2x128xi32, #tpu.memory_space<vmem>> -> memref<1x128xi32, #tpu.memory_space<vmem>>
            %dma_wait3A_132 = tpu.memref_squeeze %dma_wait3A_131 : memref<1x128xi32, #tpu.memory_space<vmem>> -> memref<128xi32, #tpu.memory_space<vmem>>
            %dma_wait3A_133 = tpu.memref_slice %arg4[%mul3A_104] : memref<160000xi32, #tpu.memory_space<hbm>> -> memref<128xi32, #tpu.memory_space<hbm>>
            %dma_wait3A_134 = arith.constant 0 : i32
            %dma_wait3A_135 = tpu.memref_slice %arg8[%run_scoped3A_105, %dma_wait3A_134] : memref<2x128xi32, #tpu.memory_space<vmem>> -> memref<1x128xi32, #tpu.memory_space<vmem>>
            %dma_wait3A_136 = tpu.memref_squeeze %dma_wait3A_135 : memref<1x128xi32, #tpu.memory_space<vmem>> -> memref<128xi32, #tpu.memory_space<vmem>>
            %dma_wait3A_137 = tpu.memref_slice %arg4[%mul3A_104] : memref<160000xi32, #tpu.memory_space<hbm>> -> memref<128xi32, #tpu.memory_space<hbm>>
            tpu.wait_dma2 semaphore(%run_scoped3A_122 : memref<!tpu.dma_semaphore, #tpu.memory_space<semaphore_mem>>) src(%dma_wait3A_137 : memref<128xi32, #tpu.memory_space<hbm>>) dst(%dma_wait3A_136 : memref<128xi32, #tpu.memory_space<vmem>>)
            tpu.yield
          }) : () -> ()
          %dma_start3A = arith.constant 2 : i32
          %dma_start3A_106 = arith.constant 0 : i32
          %dma_start3A_107 = arith.constant 0 : i32
          %dma_start3A_108 = arith.constant 0 : i32
          %dma_start3A_109 = arith.constant 0 : i32
          %dma_start3A_110 = tpu.memref_slice %arg9[%dma_start3A_107, %dma_start3A_108, %dma_start3A_109] : memref<2x128x128xf32, #tpu.memory_space<vmem>> -> memref<1x128x128xf32, #tpu.memory_space<vmem>>
          %dma_start3A_111 = tpu.memref_squeeze %dma_start3A_110 : memref<1x128x128xf32, #tpu.memory_space<vmem>> -> memref<128x128xf32, #tpu.memory_space<vmem>>
          %dma_start3A_112 = arith.constant 0 : i32
          %dma_start3A_113 = tpu.memref_slice %arg7[%dma_start3A_106, %dma_start3A_112] : memref<2x128xi32, #tpu.memory_space<vmem>> -> memref<1x128xi32, #tpu.memory_space<vmem>>
          %dma_start3A_114 = tpu.memref_squeeze %dma_start3A_113 : memref<1x128xi32, #tpu.memory_space<vmem>> -> memref<128xi32, #tpu.memory_space<vmem>>
          %dma_start3A_115 = arith.constant 0 : i32
          %dma_start3A_116 = arith.constant 0 : i32
          %dma_start3A_117 = tpu.memref_slice %arg2[%dma_start3A, %dma_start3A_115, %dma_start3A_116] : memref<4x10000x128xf32, #tpu.memory_space<hbm>> -> memref<1x10000x128xf32, #tpu.memory_space<hbm>>
          %dma_start3A_118 = tpu.memref_squeeze %dma_start3A_117 : memref<1x10000x128xf32, #tpu.memory_space<hbm>> -> memref<10000x128xf32, #tpu.memory_space<hbm>>
          %dma_start3A_119 = arith.constant 0 : i32
          %dma_start3A_120 = arith.constant 0 : i32
          %dma_start3A_121 = tpu.memref_slice %dma_start3A_118[%dma_start3A_119, %dma_start3A_120] : memref<10000x128xf32, #tpu.memory_space<hbm>> -> memref<10000x128xf32, #tpu.memory_space<hbm>>
          tpu.enqueue_indirect_dma source(%dma_start3A_121 : memref<10000x128xf32, #tpu.memory_space<hbm>>) target(%dma_start3A_111 : memref<128x128xf32, #tpu.memory_space<vmem>>) offsets(%dma_start3A_114 : memref<128xi32, #tpu.memory_space<vmem>>) semaphore(%arg11 : memref<!tpu.dma_semaphore, #tpu.memory_space<semaphore_mem>>)
        } else {
        }
        %mul3A_89 = arith.constant 2 : i32
        %mul3A_90 = arith.muli %mul3A_89, %scan3A_55 : i32
        %add3A_91 = arith.constant 1 : i32
        %add3A_92 = arith.addi %mul3A_90, %add3A_91 : i32
        %mul3A_93 = arith.constant 16 : i32
        %mul3A_94 = arith.muli %add3A_92, %mul3A_93 : i32
        %add3A_95 = arith.addi %mul3A_94, %arg1 : i32
        %lt3A_96 = arith.constant 1250 : i32
        %lt3A_97 = arith.cmpi slt, %add3A_95, %lt3A_96 : i32
        %convert_element_type3A_98 = arith.extui %lt3A_97 : i1 to i32
        %cond3A_99 = arith.constant 0 : i32
        %cond3A_100 = arith.cmpi ne, %convert_element_type3A_98, %cond3A_99 : i32
        scf.if %cond3A_100 {
          %dma_wait3A = arith.constant 2 : i32
          %dma_wait3A_101 = arith.constant 1 : i32
          %dma_wait3A_102 = arith.constant 1 : i32
          %dma_wait3A_103 = arith.constant 0 : i32
          %dma_wait3A_104 = arith.constant 0 : i32
          %dma_wait3A_105 = tpu.memref_slice %arg9[%dma_wait3A_102, %dma_wait3A_103, %dma_wait3A_104] : memref<2x128x128xf32, #tpu.memory_space<vmem>> -> memref<1x128x128xf32, #tpu.memory_space<vmem>>
          %dma_wait3A_106 = tpu.memref_squeeze %dma_wait3A_105 : memref<1x128x128xf32, #tpu.memory_space<vmem>> -> memref<128x128xf32, #tpu.memory_space<vmem>>
          %dma_wait3A_107 = arith.constant 0 : i32
          %dma_wait3A_108 = tpu.memref_slice %arg7[%dma_wait3A_101, %dma_wait3A_107] : memref<2x128xi32, #tpu.memory_space<vmem>> -> memref<1x128xi32, #tpu.memory_space<vmem>>
          %dma_wait3A_109 = tpu.memref_squeeze %dma_wait3A_108 : memref<1x128xi32, #tpu.memory_space<vmem>> -> memref<128xi32, #tpu.memory_space<vmem>>
          %dma_wait3A_110 = arith.constant 0 : i32
          %dma_wait3A_111 = arith.constant 0 : i32
          %dma_wait3A_112 = tpu.memref_slice %arg2[%dma_wait3A, %dma_wait3A_110, %dma_wait3A_111] : memref<4x10000x128xf32, #tpu.memory_space<hbm>> -> memref<1x10000x128xf32, #tpu.memory_space<hbm>>
          %dma_wait3A_113 = tpu.memref_squeeze %dma_wait3A_112 : memref<1x10000x128xf32, #tpu.memory_space<hbm>> -> memref<10000x128xf32, #tpu.memory_space<hbm>>
          %dma_wait3A_114 = arith.constant 0 : i32
          %dma_wait3A_115 = arith.constant 0 : i32
          %dma_wait3A_116 = tpu.memref_slice %dma_wait3A_113[%dma_wait3A_114, %dma_wait3A_115] : memref<10000x128xf32, #tpu.memory_space<hbm>> -> memref<10000x128xf32, #tpu.memory_space<hbm>>
          tpu.wait_indirect_dma semaphore(%arg12 : memref<!tpu.dma_semaphore, #tpu.memory_space<semaphore_mem>>) src(%dma_wait3A_116 : memref<10000x128xf32, #tpu.memory_space<hbm>>) dst(%dma_wait3A_106 : memref<128x128xf32, #tpu.memory_space<vmem>>)
          %run_scoped3A = arith.constant 1 : i32
          %run_scoped3A_117 = arith.constant 1 : i32
          "tpu.region"() ({
            %run_scoped3A_118 = tpu.sem_alloc : memref<!tpu.dma_semaphore, #tpu.memory_space<semaphore_mem>>
            %dma_start3A = arith.constant 0 : i32
            %dma_start3A_119 = arith.constant 0 : i32
            %dma_start3A_120 = tpu.memref_slice %arg9[%run_scoped3A, %dma_start3A, %dma_start3A_119] : memref<2x128x128xf32, #tpu.memory_space<vmem>> -> memref<1x128x128xf32, #tpu.memory_space<vmem>>
            %dma_start3A_121 = tpu.memref_squeeze %dma_start3A_120 : memref<1x128x128xf32, #tpu.memory_space<vmem>> -> memref<128x128xf32, #tpu.memory_space<vmem>>
            %dma_start3A_122 = arith.constant 0 : i32
            %dma_start3A_123 = tpu.memref_slice %arg8[%run_scoped3A_117, %dma_start3A_122] : memref<2x128xi32, #tpu.memory_space<vmem>> -> memref<1x128xi32, #tpu.memory_space<vmem>>
            %dma_start3A_124 = tpu.memref_squeeze %dma_start3A_123 : memref<1x128xi32, #tpu.memory_space<vmem>> -> memref<128xi32, #tpu.memory_space<vmem>>
            %dma_start3A_125 = arith.constant 0 : i32
            %dma_start3A_126 = arith.constant 0 : i32
            %dma_start3A_127 = tpu.memref_slice %arg10[%dma_start3A_125, %dma_start3A_126] : memref<10000x128xf32, #tpu.memory_space<vmem_shared>> -> memref<10000x128xf32, #tpu.memory_space<vmem_shared>>
            tpu.enqueue_indirect_dma source(%dma_start3A_121 : memref<128x128xf32, #tpu.memory_space<vmem>>) target(%dma_start3A_127 : memref<10000x128xf32, #tpu.memory_space<vmem_shared>>) offsets(%dma_start3A_124 : memref<128xi32, #tpu.memory_space<vmem>>) semaphore(%run_scoped3A_118 : memref<!tpu.dma_semaphore, #tpu.memory_space<semaphore_mem>>) {add = true}
            %dma_wait3A_128 = arith.constant 0 : i32
            %dma_wait3A_129 = arith.constant 0 : i32
            %dma_wait3A_130 = tpu.memref_slice %arg9[%run_scoped3A, %dma_wait3A_128, %dma_wait3A_129] : memref<2x128x128xf32, #tpu.memory_space<vmem>> -> memref<1x128x128xf32, #tpu.memory_space<vmem>>
            %dma_wait3A_131 = tpu.memref_squeeze %dma_wait3A_130 : memref<1x128x128xf32, #tpu.memory_space<vmem>> -> memref<128x128xf32, #tpu.memory_space<vmem>>
            %dma_wait3A_132 = arith.constant 0 : i32
            %dma_wait3A_133 = tpu.memref_slice %arg8[%run_scoped3A_117, %dma_wait3A_132] : memref<2x128xi32, #tpu.memory_space<vmem>> -> memref<1x128xi32, #tpu.memory_space<vmem>>
            %dma_wait3A_134 = tpu.memref_squeeze %dma_wait3A_133 : memref<1x128xi32, #tpu.memory_space<vmem>> -> memref<128xi32, #tpu.memory_space<vmem>>
            %dma_wait3A_135 = arith.constant 0 : i32
            %dma_wait3A_136 = arith.constant 0 : i32
            %dma_wait3A_137 = tpu.memref_slice %arg10[%dma_wait3A_135, %dma_wait3A_136] : memref<10000x128xf32, #tpu.memory_space<vmem_shared>> -> memref<10000x128xf32, #tpu.memory_space<vmem_shared>>
            tpu.wait_indirect_dma semaphore(%run_scoped3A_118 : memref<!tpu.dma_semaphore, #tpu.memory_space<semaphore_mem>>) src(%dma_wait3A_131 : memref<128x128xf32, #tpu.memory_space<vmem>>) dst(%dma_wait3A_137 : memref<10000x128xf32, #tpu.memory_space<vmem_shared>>)
            tpu.yield
          }) : () -> ()
        } else {
        }
      }
      %scan3A_36 = arith.constant 39 : i32
      %add3A_37 = arith.constant 1248 : i32
      %add3A_38 = arith.addi %add3A_37, %arg1 : i32
      %lt3A_39 = arith.constant 1250 : i32
      %lt3A_40 = arith.cmpi slt, %add3A_38, %lt3A_39 : i32
      %convert_element_type3A_41 = arith.extui %lt3A_40 : i1 to i32
      %cond3A_42 = arith.constant 0 : i32
      %cond3A_43 = arith.cmpi ne, %convert_element_type3A_41, %cond3A_42 : i32
      scf.if %cond3A_43 {
        %dma_wait3A = arith.constant 2 : i32
        %dma_wait3A_55 = arith.constant 0 : i32
        %dma_wait3A_56 = arith.constant 0 : i32
        %dma_wait3A_57 = arith.constant 0 : i32
        %dma_wait3A_58 = arith.constant 0 : i32
        %dma_wait3A_59 = tpu.memref_slice %arg9[%dma_wait3A_56, %dma_wait3A_57, %dma_wait3A_58] : memref<2x128x128xf32, #tpu.memory_space<vmem>> -> memref<1x128x128xf32, #tpu.memory_space<vmem>>
        %dma_wait3A_60 = tpu.memref_squeeze %dma_wait3A_59 : memref<1x128x128xf32, #tpu.memory_space<vmem>> -> memref<128x128xf32, #tpu.memory_space<vmem>>
        %dma_wait3A_61 = arith.constant 0 : i32
        %dma_wait3A_62 = tpu.memref_slice %arg7[%dma_wait3A_55, %dma_wait3A_61] : memref<2x128xi32, #tpu.memory_space<vmem>> -> memref<1x128xi32, #tpu.memory_space<vmem>>
        %dma_wait3A_63 = tpu.memref_squeeze %dma_wait3A_62 : memref<1x128xi32, #tpu.memory_space<vmem>> -> memref<128xi32, #tpu.memory_space<vmem>>
        %dma_wait3A_64 = arith.constant 0 : i32
        %dma_wait3A_65 = arith.constant 0 : i32
        %dma_wait3A_66 = tpu.memref_slice %arg2[%dma_wait3A, %dma_wait3A_64, %dma_wait3A_65] : memref<4x10000x128xf32, #tpu.memory_space<hbm>> -> memref<1x10000x128xf32, #tpu.memory_space<hbm>>
        %dma_wait3A_67 = tpu.memref_squeeze %dma_wait3A_66 : memref<1x10000x128xf32, #tpu.memory_space<hbm>> -> memref<10000x128xf32, #tpu.memory_space<hbm>>
        %dma_wait3A_68 = arith.constant 0 : i32
        %dma_wait3A_69 = arith.constant 0 : i32
        %dma_wait3A_70 = tpu.memref_slice %dma_wait3A_67[%dma_wait3A_68, %dma_wait3A_69] : memref<10000x128xf32, #tpu.memory_space<hbm>> -> memref<10000x128xf32, #tpu.memory_space<hbm>>
        tpu.wait_indirect_dma semaphore(%arg11 : memref<!tpu.dma_semaphore, #tpu.memory_space<semaphore_mem>>) src(%dma_wait3A_70 : memref<10000x128xf32, #tpu.memory_space<hbm>>) dst(%dma_wait3A_60 : memref<128x128xf32, #tpu.memory_space<vmem>>)
        %run_scoped3A = arith.constant 0 : i32
        %run_scoped3A_71 = arith.constant 0 : i32
        "tpu.region"() ({
          %run_scoped3A_72 = tpu.sem_alloc : memref<!tpu.dma_semaphore, #tpu.memory_space<semaphore_mem>>
          %dma_start3A = arith.constant 0 : i32
          %dma_start3A_73 = arith.constant 0 : i32
          %dma_start3A_74 = tpu.memref_slice %arg9[%run_scoped3A, %dma_start3A, %dma_start3A_73] : memref<2x128x128xf32, #tpu.memory_space<vmem>> -> memref<1x128x128xf32, #tpu.memory_space<vmem>>
          %dma_start3A_75 = tpu.memref_squeeze %dma_start3A_74 : memref<1x128x128xf32, #tpu.memory_space<vmem>> -> memref<128x128xf32, #tpu.memory_space<vmem>>
          %dma_start3A_76 = arith.constant 0 : i32
          %dma_start3A_77 = tpu.memref_slice %arg8[%run_scoped3A_71, %dma_start3A_76] : memref<2x128xi32, #tpu.memory_space<vmem>> -> memref<1x128xi32, #tpu.memory_space<vmem>>
          %dma_start3A_78 = tpu.memref_squeeze %dma_start3A_77 : memref<1x128xi32, #tpu.memory_space<vmem>> -> memref<128xi32, #tpu.memory_space<vmem>>
          %dma_start3A_79 = arith.constant 0 : i32
          %dma_start3A_80 = arith.constant 0 : i32
          %dma_start3A_81 = tpu.memref_slice %arg10[%dma_start3A_79, %dma_start3A_80] : memref<10000x128xf32, #tpu.memory_space<vmem_shared>> -> memref<10000x128xf32, #tpu.memory_space<vmem_shared>>
          tpu.enqueue_indirect_dma source(%dma_start3A_75 : memref<128x128xf32, #tpu.memory_space<vmem>>) target(%dma_start3A_81 : memref<10000x128xf32, #tpu.memory_space<vmem_shared>>) offsets(%dma_start3A_78 : memref<128xi32, #tpu.memory_space<vmem>>) semaphore(%run_scoped3A_72 : memref<!tpu.dma_semaphore, #tpu.memory_space<semaphore_mem>>) {add = true}
          %dma_wait3A_82 = arith.constant 0 : i32
          %dma_wait3A_83 = arith.constant 0 : i32
          %dma_wait3A_84 = tpu.memref_slice %arg9[%run_scoped3A, %dma_wait3A_82, %dma_wait3A_83] : memref<2x128x128xf32, #tpu.memory_space<vmem>> -> memref<1x128x128xf32, #tpu.memory_space<vmem>>
          %dma_wait3A_85 = tpu.memref_squeeze %dma_wait3A_84 : memref<1x128x128xf32, #tpu.memory_space<vmem>> -> memref<128x128xf32, #tpu.memory_space<vmem>>
          %dma_wait3A_86 = arith.constant 0 : i32
          %dma_wait3A_87 = tpu.memref_slice %arg8[%run_scoped3A_71, %dma_wait3A_86] : memref<2x128xi32, #tpu.memory_space<vmem>> -> memref<1x128xi32, #tpu.memory_space<vmem>>
          %dma_wait3A_88 = tpu.memref_squeeze %dma_wait3A_87 : memref<1x128xi32, #tpu.memory_space<vmem>> -> memref<128xi32, #tpu.memory_space<vmem>>
          %dma_wait3A_89 = arith.constant 0 : i32
          %dma_wait3A_90 = arith.constant 0 : i32
          %dma_wait3A_91 = tpu.memref_slice %arg10[%dma_wait3A_89, %dma_wait3A_90] : memref<10000x128xf32, #tpu.memory_space<vmem_shared>> -> memref<10000x128xf32, #tpu.memory_space<vmem_shared>>
          tpu.wait_indirect_dma semaphore(%run_scoped3A_72 : memref<!tpu.dma_semaphore, #tpu.memory_space<semaphore_mem>>) src(%dma_wait3A_85 : memref<128x128xf32, #tpu.memory_space<vmem>>) dst(%dma_wait3A_91 : memref<10000x128xf32, #tpu.memory_space<vmem_shared>>)
          tpu.yield
        }) : () -> ()
      } else {
      }
      %barrier3A_44 = arith.constant 0 : index
      tpu.barrier barrier_id(%barrier3A_44)
      %lt3A_45 = arith.constant 15 : i32
      %lt3A_46 = arith.cmpi slt, %arg1, %lt3A_45 : i32
      %convert_element_type3A_47 = arith.extui %lt3A_46 : i1 to i32
      %cond3A_48 = arith.constant 0 : i32
      %cond3A_49 = arith.cmpi ne, %convert_element_type3A_47, %cond3A_48 : i32
      scf.if %cond3A_49 {
        %mul3A = arith.constant 632 : i32
        %mul3A_55 = arith.muli %arg1, %mul3A : i32
        %multiple_of3A = tpu.assume_multiple %mul3A_55, 8 : i32
        %run_scoped3A = arith.constant 2 : i32
        "tpu.region"() ({
          %run_scoped3A_56 = tpu.sem_alloc : memref<!tpu.dma_semaphore, #tpu.memory_space<semaphore_mem>>
          %dma_start3A = arith.constant 0 : i32
          %dma_start3A_57 = tpu.memref_slice %arg6[%run_scoped3A, %multiple_of3A, %dma_start3A] : memref<4x10000x128xf32, #tpu.memory_space<hbm>> -> memref<1x632x128xf32, #tpu.memory_space<hbm>>
          %dma_start3A_58 = tpu.memref_squeeze %dma_start3A_57 : memref<1x632x128xf32, #tpu.memory_space<hbm>> -> memref<632x128xf32, #tpu.memory_space<hbm>>
          %dma_start3A_59 = arith.constant 0 : i32
          %dma_start3A_60 = tpu.memref_slice %arg10[%multiple_of3A, %dma_start3A_59] : memref<10000x128xf32, #tpu.memory_space<vmem_shared>> -> memref<632x128xf32, #tpu.memory_space<vmem_shared>>
          tpu.enqueue_dma source(%dma_start3A_60 : memref<632x128xf32, #tpu.memory_space<vmem_shared>>) target(%dma_start3A_58 : memref<632x128xf32, #tpu.memory_space<hbm>>) target_semaphore(%run_scoped3A_56 : memref<!tpu.dma_semaphore, #tpu.memory_space<semaphore_mem>>)
          %dma_wait3A = arith.constant 0 : i32
          %dma_wait3A_61 = tpu.memref_slice %arg6[%run_scoped3A, %multiple_of3A, %dma_wait3A] : memref<4x10000x128xf32, #tpu.memory_space<hbm>> -> memref<1x632x128xf32, #tpu.memory_space<hbm>>
          %dma_wait3A_62 = tpu.memref_squeeze %dma_wait3A_61 : memref<1x632x128xf32, #tpu.memory_space<hbm>> -> memref<632x128xf32, #tpu.memory_space<hbm>>
          %dma_wait3A_63 = arith.constant 0 : i32
          %dma_wait3A_64 = tpu.memref_slice %arg10[%multiple_of3A, %dma_wait3A_63] : memref<10000x128xf32, #tpu.memory_space<vmem_shared>> -> memref<632x128xf32, #tpu.memory_space<vmem_shared>>
          tpu.wait_dma2 semaphore(%run_scoped3A_56 : memref<!tpu.dma_semaphore, #tpu.memory_space<semaphore_mem>>) src(%dma_wait3A_64 : memref<632x128xf32, #tpu.memory_space<vmem_shared>>) dst(%dma_wait3A_62 : memref<632x128xf32, #tpu.memory_space<hbm>>)
          tpu.yield
        }) : () -> ()
      } else {
      }
      %eq3A_50 = arith.constant 15 : i32
      %eq3A_51 = arith.cmpi eq, %arg1, %eq3A_50 : i32
      %convert_element_type3A_52 = arith.extui %eq3A_51 : i1 to i32
      %cond3A_53 = arith.constant 0 : i32
      %cond3A_54 = arith.cmpi ne, %convert_element_type3A_52, %cond3A_53 : i32
      scf.if %cond3A_54 {
        %run_scoped3A = arith.constant 2 : i32
        "tpu.region"() ({
          %run_scoped3A_55 = tpu.sem_alloc : memref<!tpu.dma_semaphore, #tpu.memory_space<semaphore_mem>>
          %dma_start3A = arith.constant 9480 : i32
          %dma_start3A_56 = arith.constant 0 : i32
          %dma_start3A_57 = tpu.memref_slice %arg6[%run_scoped3A, %dma_start3A, %dma_start3A_56] : memref<4x10000x128xf32, #tpu.memory_space<hbm>> -> memref<1x520x128xf32, #tpu.memory_space<hbm>>
          %dma_start3A_58 = tpu.memref_squeeze %dma_start3A_57 : memref<1x520x128xf32, #tpu.memory_space<hbm>> -> memref<520x128xf32, #tpu.memory_space<hbm>>
          %dma_start3A_59 = arith.constant 9480 : i32
          %dma_start3A_60 = arith.constant 0 : i32
          %dma_start3A_61 = tpu.memref_slice %arg10[%dma_start3A_59, %dma_start3A_60] : memref<10000x128xf32, #tpu.memory_space<vmem_shared>> -> memref<520x128xf32, #tpu.memory_space<vmem_shared>>
          tpu.enqueue_dma source(%dma_start3A_61 : memref<520x128xf32, #tpu.memory_space<vmem_shared>>) target(%dma_start3A_58 : memref<520x128xf32, #tpu.memory_space<hbm>>) target_semaphore(%run_scoped3A_55 : memref<!tpu.dma_semaphore, #tpu.memory_space<semaphore_mem>>)
          %dma_wait3A = arith.constant 9480 : i32
          %dma_wait3A_62 = arith.constant 0 : i32
          %dma_wait3A_63 = tpu.memref_slice %arg6[%run_scoped3A, %dma_wait3A, %dma_wait3A_62] : memref<4x10000x128xf32, #tpu.memory_space<hbm>> -> memref<1x520x128xf32, #tpu.memory_space<hbm>>
          %dma_wait3A_64 = tpu.memref_squeeze %dma_wait3A_63 : memref<1x520x128xf32, #tpu.memory_space<hbm>> -> memref<520x128xf32, #tpu.memory_space<hbm>>
          %dma_wait3A_65 = arith.constant 9480 : i32
          %dma_wait3A_66 = arith.constant 0 : i32
          %dma_wait3A_67 = tpu.memref_slice %arg10[%dma_wait3A_65, %dma_wait3A_66] : memref<10000x128xf32, #tpu.memory_space<vmem_shared>> -> memref<520x128xf32, #tpu.memory_space<vmem_shared>>
          tpu.wait_dma2 semaphore(%run_scoped3A_55 : memref<!tpu.dma_semaphore, #tpu.memory_space<semaphore_mem>>) src(%dma_wait3A_67 : memref<520x128xf32, #tpu.memory_space<vmem_shared>>) dst(%dma_wait3A_64 : memref<520x128xf32, #tpu.memory_space<hbm>>)
          tpu.yield
        }) : () -> ()
      } else {
      }
    } else {
    }
    %eq3A_12 = arith.constant 1 : i32
    %eq3A_13 = arith.cmpi eq, %arg0, %eq3A_12 : i32
    %convert_element_type3A_14 = arith.extui %eq3A_13 : i1 to i32
    %cond3A_15 = arith.constant 0 : i32
    %cond3A_16 = arith.cmpi ne, %convert_element_type3A_14, %cond3A_15 : i32
    scf.if %cond3A_16 {
      %lt3A = arith.constant 15 : i32
      %lt3A_17 = arith.cmpi slt, %arg1, %lt3A : i32
      %convert_element_type3A_18 = arith.extui %lt3A_17 : i1 to i32
      %cond3A_19 = arith.constant 0 : i32
      %cond3A_20 = arith.cmpi ne, %convert_element_type3A_18, %cond3A_19 : i32
      scf.if %cond3A_20 {
        %mul3A = arith.constant 632 : i32
        %mul3A_55 = arith.muli %arg1, %mul3A : i32
        %multiple_of3A = tpu.assume_multiple %mul3A_55, 8 : i32
        "tpu.region"() ({
          %run_scoped3A = tpu.sem_alloc : memref<!tpu.dma_semaphore, #tpu.memory_space<semaphore_mem>>
          %dma_start3A = arith.constant 0 : i32
          %dma_start3A_56 = tpu.memref_slice %arg10[%multiple_of3A, %dma_start3A] : memref<10000x128xf32, #tpu.memory_space<vmem_shared>> -> memref<632x128xf32, #tpu.memory_space<vmem_shared>>
          %dma_start3A_57 = arith.constant 0 : i32
          %dma_start3A_58 = tpu.memref_slice %arg5[%multiple_of3A, %dma_start3A_57] : memref<10000x128xf32, #tpu.memory_space<hbm>> -> memref<632x128xf32, #tpu.memory_space<hbm>>
          tpu.enqueue_dma source(%dma_start3A_58 : memref<632x128xf32, #tpu.memory_space<hbm>>) target(%dma_start3A_56 : memref<632x128xf32, #tpu.memory_space<vmem_shared>>) target_semaphore(%run_scoped3A : memref<!tpu.dma_semaphore, #tpu.memory_space<semaphore_mem>>)
          %dma_wait3A = arith.constant 0 : i32
          %dma_wait3A_59 = tpu.memref_slice %arg10[%multiple_of3A, %dma_wait3A] : memref<10000x128xf32, #tpu.memory_space<vmem_shared>> -> memref<632x128xf32, #tpu.memory_space<vmem_shared>>
          %dma_wait3A_60 = arith.constant 0 : i32
          %dma_wait3A_61 = tpu.memref_slice %arg5[%multiple_of3A, %dma_wait3A_60] : memref<10000x128xf32, #tpu.memory_space<hbm>> -> memref<632x128xf32, #tpu.memory_space<hbm>>
          tpu.wait_dma2 semaphore(%run_scoped3A : memref<!tpu.dma_semaphore, #tpu.memory_space<semaphore_mem>>) src(%dma_wait3A_61 : memref<632x128xf32, #tpu.memory_space<hbm>>) dst(%dma_wait3A_59 : memref<632x128xf32, #tpu.memory_space<vmem_shared>>)
          tpu.yield
        }) : () -> ()
      } else {
      }
      %eq3A_21 = arith.constant 15 : i32
      %eq3A_22 = arith.cmpi eq, %arg1, %eq3A_21 : i32
      %convert_element_type3A_23 = arith.extui %eq3A_22 : i1 to i32
      %cond3A_24 = arith.constant 0 : i32
      %cond3A_25 = arith.cmpi ne, %convert_element_type3A_23, %cond3A_24 : i32
      scf.if %cond3A_25 {
        "tpu.region"() ({
          %run_scoped3A = tpu.sem_alloc : memref<!tpu.dma_semaphore, #tpu.memory_space<semaphore_mem>>
          %dma_start3A = arith.constant 9480 : i32
          %dma_start3A_55 = arith.constant 0 : i32
          %dma_start3A_56 = tpu.memref_slice %arg10[%dma_start3A, %dma_start3A_55] : memref<10000x128xf32, #tpu.memory_space<vmem_shared>> -> memref<520x128xf32, #tpu.memory_space<vmem_shared>>
          %dma_start3A_57 = arith.constant 9480 : i32
          %dma_start3A_58 = arith.constant 0 : i32
          %dma_start3A_59 = tpu.memref_slice %arg5[%dma_start3A_57, %dma_start3A_58] : memref<10000x128xf32, #tpu.memory_space<hbm>> -> memref<520x128xf32, #tpu.memory_space<hbm>>
          tpu.enqueue_dma source(%dma_start3A_59 : memref<520x128xf32, #tpu.memory_space<hbm>>) target(%dma_start3A_56 : memref<520x128xf32, #tpu.memory_space<vmem_shared>>) target_semaphore(%run_scoped3A : memref<!tpu.dma_semaphore, #tpu.memory_space<semaphore_mem>>)
          %dma_wait3A = arith.constant 9480 : i32
          %dma_wait3A_60 = arith.constant 0 : i32
          %dma_wait3A_61 = tpu.memref_slice %arg10[%dma_wait3A, %dma_wait3A_60] : memref<10000x128xf32, #tpu.memory_space<vmem_shared>> -> memref<520x128xf32, #tpu.memory_space<vmem_shared>>
          %dma_wait3A_62 = arith.constant 9480 : i32
          %dma_wait3A_63 = arith.constant 0 : i32
          %dma_wait3A_64 = tpu.memref_slice %arg5[%dma_wait3A_62, %dma_wait3A_63] : memref<10000x128xf32, #tpu.memory_space<hbm>> -> memref<520x128xf32, #tpu.memory_space<hbm>>
          tpu.wait_dma2 semaphore(%run_scoped3A : memref<!tpu.dma_semaphore, #tpu.memory_space<semaphore_mem>>) src(%dma_wait3A_64 : memref<520x128xf32, #tpu.memory_space<hbm>>) dst(%dma_wait3A_61 : memref<520x128xf32, #tpu.memory_space<vmem_shared>>)
          tpu.yield
        }) : () -> ()
      } else {
      }
      %barrier3A = arith.constant 0 : index
      tpu.barrier barrier_id(%barrier3A)
      %add3A = arith.constant 0 : i32
      %add3A_26 = arith.addi %add3A, %arg1 : i32
      %lt3A_27 = arith.constant 1250 : i32
      %lt3A_28 = arith.cmpi slt, %add3A_26, %lt3A_27 : i32
      %convert_element_type3A_29 = arith.extui %lt3A_28 : i1 to i32
      %cond3A_30 = arith.constant 0 : i32
      %cond3A_31 = arith.cmpi ne, %convert_element_type3A_29, %cond3A_30 : i32
      scf.if %cond3A_31 {
        %mul3A = arith.constant 128 : i32
        %mul3A_55 = arith.muli %add3A_26, %mul3A : i32
        %run_scoped3A = arith.constant 0 : i32
        "tpu.region"() ({
          %run_scoped3A_75 = tpu.sem_alloc : memref<!tpu.dma_semaphore, #tpu.memory_space<semaphore_mem>>
          %dma_start3A_76 = arith.constant 0 : i32
          %dma_start3A_77 = tpu.memref_slice %arg7[%run_scoped3A, %dma_start3A_76] : memref<2x128xi32, #tpu.memory_space<vmem>> -> memref<1x128xi32, #tpu.memory_space<vmem>>
          %dma_start3A_78 = tpu.memref_squeeze %dma_start3A_77 : memref<1x128xi32, #tpu.memory_space<vmem>> -> memref<128xi32, #tpu.memory_space<vmem>>
          %dma_start3A_79 = tpu.memref_slice %arg3[%mul3A_55] : memref<160000xi32, #tpu.memory_space<hbm>> -> memref<128xi32, #tpu.memory_space<hbm>>
          %dma_start3A_80 = arith.constant 0 : i32
          %dma_start3A_81 = tpu.memref_slice %arg7[%run_scoped3A, %dma_start3A_80] : memref<2x128xi32, #tpu.memory_space<vmem>> -> memref<1x128xi32, #tpu.memory_space<vmem>>
          %dma_start3A_82 = tpu.memref_squeeze %dma_start3A_81 : memref<1x128xi32, #tpu.memory_space<vmem>> -> memref<128xi32, #tpu.memory_space<vmem>>
          %dma_start3A_83 = tpu.memref_slice %arg3[%mul3A_55] : memref<160000xi32, #tpu.memory_space<hbm>> -> memref<128xi32, #tpu.memory_space<hbm>>
          tpu.enqueue_dma source(%dma_start3A_83 : memref<128xi32, #tpu.memory_space<hbm>>) target(%dma_start3A_82 : memref<128xi32, #tpu.memory_space<vmem>>) target_semaphore(%run_scoped3A_75 : memref<!tpu.dma_semaphore, #tpu.memory_space<semaphore_mem>>)
          %dma_wait3A = arith.constant 0 : i32
          %dma_wait3A_84 = tpu.memref_slice %arg7[%run_scoped3A, %dma_wait3A] : memref<2x128xi32, #tpu.memory_space<vmem>> -> memref<1x128xi32, #tpu.memory_space<vmem>>
          %dma_wait3A_85 = tpu.memref_squeeze %dma_wait3A_84 : memref<1x128xi32, #tpu.memory_space<vmem>> -> memref<128xi32, #tpu.memory_space<vmem>>
          %dma_wait3A_86 = tpu.memref_slice %arg3[%mul3A_55] : memref<160000xi32, #tpu.memory_space<hbm>> -> memref<128xi32, #tpu.memory_space<hbm>>
          %dma_wait3A_87 = arith.constant 0 : i32
          %dma_wait3A_88 = tpu.memref_slice %arg7[%run_scoped3A, %dma_wait3A_87] : memref<2x128xi32, #tpu.memory_space<vmem>> -> memref<1x128xi32, #tpu.memory_space<vmem>>
          %dma_wait3A_89 = tpu.memref_squeeze %dma_wait3A_88 : memref<1x128xi32, #tpu.memory_space<vmem>> -> memref<128xi32, #tpu.memory_space<vmem>>
          %dma_wait3A_90 = tpu.memref_slice %arg3[%mul3A_55] : memref<160000xi32, #tpu.memory_space<hbm>> -> memref<128xi32, #tpu.memory_space<hbm>>
          tpu.wait_dma2 semaphore(%run_scoped3A_75 : memref<!tpu.dma_semaphore, #tpu.memory_space<semaphore_mem>>) src(%dma_wait3A_90 : memref<128xi32, #tpu.memory_space<hbm>>) dst(%dma_wait3A_89 : memref<128xi32, #tpu.memory_space<vmem>>)
          tpu.yield
        }) : () -> ()
        %mul3A_56 = arith.constant 128 : i32
        %mul3A_57 = arith.muli %add3A_26, %mul3A_56 : i32
        %run_scoped3A_58 = arith.constant 0 : i32
        "tpu.region"() ({
          %run_scoped3A_75 = tpu.sem_alloc : memref<!tpu.dma_semaphore, #tpu.memory_space<semaphore_mem>>
          %dma_start3A_76 = arith.constant 0 : i32
          %dma_start3A_77 = tpu.memref_slice %arg8[%run_scoped3A_58, %dma_start3A_76] : memref<2x128xi32, #tpu.memory_space<vmem>> -> memref<1x128xi32, #tpu.memory_space<vmem>>
          %dma_start3A_78 = tpu.memref_squeeze %dma_start3A_77 : memref<1x128xi32, #tpu.memory_space<vmem>> -> memref<128xi32, #tpu.memory_space<vmem>>
          %dma_start3A_79 = tpu.memref_slice %arg4[%mul3A_57] : memref<160000xi32, #tpu.memory_space<hbm>> -> memref<128xi32, #tpu.memory_space<hbm>>
          %dma_start3A_80 = arith.constant 0 : i32
          %dma_start3A_81 = tpu.memref_slice %arg8[%run_scoped3A_58, %dma_start3A_80] : memref<2x128xi32, #tpu.memory_space<vmem>> -> memref<1x128xi32, #tpu.memory_space<vmem>>
          %dma_start3A_82 = tpu.memref_squeeze %dma_start3A_81 : memref<1x128xi32, #tpu.memory_space<vmem>> -> memref<128xi32, #tpu.memory_space<vmem>>
          %dma_start3A_83 = tpu.memref_slice %arg4[%mul3A_57] : memref<160000xi32, #tpu.memory_space<hbm>> -> memref<128xi32, #tpu.memory_space<hbm>>
          tpu.enqueue_dma source(%dma_start3A_83 : memref<128xi32, #tpu.memory_space<hbm>>) target(%dma_start3A_82 : memref<128xi32, #tpu.memory_space<vmem>>) target_semaphore(%run_scoped3A_75 : memref<!tpu.dma_semaphore, #tpu.memory_space<semaphore_mem>>)
          %dma_wait3A = arith.constant 0 : i32
          %dma_wait3A_84 = tpu.memref_slice %arg8[%run_scoped3A_58, %dma_wait3A] : memref<2x128xi32, #tpu.memory_space<vmem>> -> memref<1x128xi32, #tpu.memory_space<vmem>>
          %dma_wait3A_85 = tpu.memref_squeeze %dma_wait3A_84 : memref<1x128xi32, #tpu.memory_space<vmem>> -> memref<128xi32, #tpu.memory_space<vmem>>
          %dma_wait3A_86 = tpu.memref_slice %arg4[%mul3A_57] : memref<160000xi32, #tpu.memory_space<hbm>> -> memref<128xi32, #tpu.memory_space<hbm>>
          %dma_wait3A_87 = arith.constant 0 : i32
          %dma_wait3A_88 = tpu.memref_slice %arg8[%run_scoped3A_58, %dma_wait3A_87] : memref<2x128xi32, #tpu.memory_space<vmem>> -> memref<1x128xi32, #tpu.memory_space<vmem>>
          %dma_wait3A_89 = tpu.memref_squeeze %dma_wait3A_88 : memref<1x128xi32, #tpu.memory_space<vmem>> -> memref<128xi32, #tpu.memory_space<vmem>>
          %dma_wait3A_90 = tpu.memref_slice %arg4[%mul3A_57] : memref<160000xi32, #tpu.memory_space<hbm>> -> memref<128xi32, #tpu.memory_space<hbm>>
          tpu.wait_dma2 semaphore(%run_scoped3A_75 : memref<!tpu.dma_semaphore, #tpu.memory_space<semaphore_mem>>) src(%dma_wait3A_90 : memref<128xi32, #tpu.memory_space<hbm>>) dst(%dma_wait3A_89 : memref<128xi32, #tpu.memory_space<vmem>>)
          tpu.yield
        }) : () -> ()
        %dma_start3A = arith.constant 3 : i32
        %dma_start3A_59 = arith.constant 0 : i32
        %dma_start3A_60 = arith.constant 0 : i32
        %dma_start3A_61 = arith.constant 0 : i32
        %dma_start3A_62 = arith.constant 0 : i32
        %dma_start3A_63 = tpu.memref_slice %arg9[%dma_start3A_60, %dma_start3A_61, %dma_start3A_62] : memref<2x128x128xf32, #tpu.memory_space<vmem>> -> memref<1x128x128xf32, #tpu.memory_space<vmem>>
        %dma_start3A_64 = tpu.memref_squeeze %dma_start3A_63 : memref<1x128x128xf32, #tpu.memory_space<vmem>> -> memref<128x128xf32, #tpu.memory_space<vmem>>
        %dma_start3A_65 = arith.constant 0 : i32
        %dma_start3A_66 = tpu.memref_slice %arg7[%dma_start3A_59, %dma_start3A_65] : memref<2x128xi32, #tpu.memory_space<vmem>> -> memref<1x128xi32, #tpu.memory_space<vmem>>
        %dma_start3A_67 = tpu.memref_squeeze %dma_start3A_66 : memref<1x128xi32, #tpu.memory_space<vmem>> -> memref<128xi32, #tpu.memory_space<vmem>>
        %dma_start3A_68 = arith.constant 0 : i32
        %dma_start3A_69 = arith.constant 0 : i32
        %dma_start3A_70 = tpu.memref_slice %arg2[%dma_start3A, %dma_start3A_68, %dma_start3A_69] : memref<4x10000x128xf32, #tpu.memory_space<hbm>> -> memref<1x10000x128xf32, #tpu.memory_space<hbm>>
        %dma_start3A_71 = tpu.memref_squeeze %dma_start3A_70 : memref<1x10000x128xf32, #tpu.memory_space<hbm>> -> memref<10000x128xf32, #tpu.memory_space<hbm>>
        %dma_start3A_72 = arith.constant 0 : i32
        %dma_start3A_73 = arith.constant 0 : i32
        %dma_start3A_74 = tpu.memref_slice %dma_start3A_71[%dma_start3A_72, %dma_start3A_73] : memref<10000x128xf32, #tpu.memory_space<hbm>> -> memref<10000x128xf32, #tpu.memory_space<hbm>>
        tpu.enqueue_indirect_dma source(%dma_start3A_74 : memref<10000x128xf32, #tpu.memory_space<hbm>>) target(%dma_start3A_64 : memref<128x128xf32, #tpu.memory_space<vmem>>) offsets(%dma_start3A_67 : memref<128xi32, #tpu.memory_space<vmem>>) semaphore(%arg11 : memref<!tpu.dma_semaphore, #tpu.memory_space<semaphore_mem>>)
      } else {
      }
      %scan3A = arith.constant 0 : i32
      %scan3A_32 = arith.constant 0 : i32
      %scan3A_33 = arith.constant 39 : i32
      %scan3A_34 = arith.addi %scan3A_32, %scan3A_33 : i32
      %scan3A_35 = arith.constant 1 : i32
      scf.for %scan3A_55 = %scan3A_32 to %scan3A_34 step %scan3A_35  : i32 {
        %mul3A = arith.constant 2 : i32
        %mul3A_56 = arith.muli %mul3A, %scan3A_55 : i32
        %add3A_57 = arith.constant 1 : i32
        %add3A_58 = arith.addi %mul3A_56, %add3A_57 : i32
        %mul3A_59 = arith.constant 16 : i32
        %mul3A_60 = arith.muli %add3A_58, %mul3A_59 : i32
        %add3A_61 = arith.addi %mul3A_60, %arg1 : i32
        %lt3A_62 = arith.constant 1250 : i32
        %lt3A_63 = arith.cmpi slt, %add3A_61, %lt3A_62 : i32
        %convert_element_type3A_64 = arith.extui %lt3A_63 : i1 to i32
        %cond3A_65 = arith.constant 0 : i32
        %cond3A_66 = arith.cmpi ne, %convert_element_type3A_64, %cond3A_65 : i32
        scf.if %cond3A_66 {
          %mul3A_101 = arith.constant 128 : i32
          %mul3A_102 = arith.muli %add3A_61, %mul3A_101 : i32
          %run_scoped3A = arith.constant 1 : i32
          "tpu.region"() ({
            %run_scoped3A_122 = tpu.sem_alloc : memref<!tpu.dma_semaphore, #tpu.memory_space<semaphore_mem>>
            %dma_start3A_123 = arith.constant 0 : i32
            %dma_start3A_124 = tpu.memref_slice %arg7[%run_scoped3A, %dma_start3A_123] : memref<2x128xi32, #tpu.memory_space<vmem>> -> memref<1x128xi32, #tpu.memory_space<vmem>>
            %dma_start3A_125 = tpu.memref_squeeze %dma_start3A_124 : memref<1x128xi32, #tpu.memory_space<vmem>> -> memref<128xi32, #tpu.memory_space<vmem>>
            %dma_start3A_126 = tpu.memref_slice %arg3[%mul3A_102] : memref<160000xi32, #tpu.memory_space<hbm>> -> memref<128xi32, #tpu.memory_space<hbm>>
            %dma_start3A_127 = arith.constant 0 : i32
            %dma_start3A_128 = tpu.memref_slice %arg7[%run_scoped3A, %dma_start3A_127] : memref<2x128xi32, #tpu.memory_space<vmem>> -> memref<1x128xi32, #tpu.memory_space<vmem>>
            %dma_start3A_129 = tpu.memref_squeeze %dma_start3A_128 : memref<1x128xi32, #tpu.memory_space<vmem>> -> memref<128xi32, #tpu.memory_space<vmem>>
            %dma_start3A_130 = tpu.memref_slice %arg3[%mul3A_102] : memref<160000xi32, #tpu.memory_space<hbm>> -> memref<128xi32, #tpu.memory_space<hbm>>
            tpu.enqueue_dma source(%dma_start3A_130 : memref<128xi32, #tpu.memory_space<hbm>>) target(%dma_start3A_129 : memref<128xi32, #tpu.memory_space<vmem>>) target_semaphore(%run_scoped3A_122 : memref<!tpu.dma_semaphore, #tpu.memory_space<semaphore_mem>>)
            %dma_wait3A = arith.constant 0 : i32
            %dma_wait3A_131 = tpu.memref_slice %arg7[%run_scoped3A, %dma_wait3A] : memref<2x128xi32, #tpu.memory_space<vmem>> -> memref<1x128xi32, #tpu.memory_space<vmem>>
            %dma_wait3A_132 = tpu.memref_squeeze %dma_wait3A_131 : memref<1x128xi32, #tpu.memory_space<vmem>> -> memref<128xi32, #tpu.memory_space<vmem>>
            %dma_wait3A_133 = tpu.memref_slice %arg3[%mul3A_102] : memref<160000xi32, #tpu.memory_space<hbm>> -> memref<128xi32, #tpu.memory_space<hbm>>
            %dma_wait3A_134 = arith.constant 0 : i32
            %dma_wait3A_135 = tpu.memref_slice %arg7[%run_scoped3A, %dma_wait3A_134] : memref<2x128xi32, #tpu.memory_space<vmem>> -> memref<1x128xi32, #tpu.memory_space<vmem>>
            %dma_wait3A_136 = tpu.memref_squeeze %dma_wait3A_135 : memref<1x128xi32, #tpu.memory_space<vmem>> -> memref<128xi32, #tpu.memory_space<vmem>>
            %dma_wait3A_137 = tpu.memref_slice %arg3[%mul3A_102] : memref<160000xi32, #tpu.memory_space<hbm>> -> memref<128xi32, #tpu.memory_space<hbm>>
            tpu.wait_dma2 semaphore(%run_scoped3A_122 : memref<!tpu.dma_semaphore, #tpu.memory_space<semaphore_mem>>) src(%dma_wait3A_137 : memref<128xi32, #tpu.memory_space<hbm>>) dst(%dma_wait3A_136 : memref<128xi32, #tpu.memory_space<vmem>>)
            tpu.yield
          }) : () -> ()
          %mul3A_103 = arith.constant 128 : i32
          %mul3A_104 = arith.muli %add3A_61, %mul3A_103 : i32
          %run_scoped3A_105 = arith.constant 1 : i32
          "tpu.region"() ({
            %run_scoped3A_122 = tpu.sem_alloc : memref<!tpu.dma_semaphore, #tpu.memory_space<semaphore_mem>>
            %dma_start3A_123 = arith.constant 0 : i32
            %dma_start3A_124 = tpu.memref_slice %arg8[%run_scoped3A_105, %dma_start3A_123] : memref<2x128xi32, #tpu.memory_space<vmem>> -> memref<1x128xi32, #tpu.memory_space<vmem>>
            %dma_start3A_125 = tpu.memref_squeeze %dma_start3A_124 : memref<1x128xi32, #tpu.memory_space<vmem>> -> memref<128xi32, #tpu.memory_space<vmem>>
            %dma_start3A_126 = tpu.memref_slice %arg4[%mul3A_104] : memref<160000xi32, #tpu.memory_space<hbm>> -> memref<128xi32, #tpu.memory_space<hbm>>
            %dma_start3A_127 = arith.constant 0 : i32
            %dma_start3A_128 = tpu.memref_slice %arg8[%run_scoped3A_105, %dma_start3A_127] : memref<2x128xi32, #tpu.memory_space<vmem>> -> memref<1x128xi32, #tpu.memory_space<vmem>>
            %dma_start3A_129 = tpu.memref_squeeze %dma_start3A_128 : memref<1x128xi32, #tpu.memory_space<vmem>> -> memref<128xi32, #tpu.memory_space<vmem>>
            %dma_start3A_130 = tpu.memref_slice %arg4[%mul3A_104] : memref<160000xi32, #tpu.memory_space<hbm>> -> memref<128xi32, #tpu.memory_space<hbm>>
            tpu.enqueue_dma source(%dma_start3A_130 : memref<128xi32, #tpu.memory_space<hbm>>) target(%dma_start3A_129 : memref<128xi32, #tpu.memory_space<vmem>>) target_semaphore(%run_scoped3A_122 : memref<!tpu.dma_semaphore, #tpu.memory_space<semaphore_mem>>)
            %dma_wait3A = arith.constant 0 : i32
            %dma_wait3A_131 = tpu.memref_slice %arg8[%run_scoped3A_105, %dma_wait3A] : memref<2x128xi32, #tpu.memory_space<vmem>> -> memref<1x128xi32, #tpu.memory_space<vmem>>
            %dma_wait3A_132 = tpu.memref_squeeze %dma_wait3A_131 : memref<1x128xi32, #tpu.memory_space<vmem>> -> memref<128xi32, #tpu.memory_space<vmem>>
            %dma_wait3A_133 = tpu.memref_slice %arg4[%mul3A_104] : memref<160000xi32, #tpu.memory_space<hbm>> -> memref<128xi32, #tpu.memory_space<hbm>>
            %dma_wait3A_134 = arith.constant 0 : i32
            %dma_wait3A_135 = tpu.memref_slice %arg8[%run_scoped3A_105, %dma_wait3A_134] : memref<2x128xi32, #tpu.memory_space<vmem>> -> memref<1x128xi32, #tpu.memory_space<vmem>>
            %dma_wait3A_136 = tpu.memref_squeeze %dma_wait3A_135 : memref<1x128xi32, #tpu.memory_space<vmem>> -> memref<128xi32, #tpu.memory_space<vmem>>
            %dma_wait3A_137 = tpu.memref_slice %arg4[%mul3A_104] : memref<160000xi32, #tpu.memory_space<hbm>> -> memref<128xi32, #tpu.memory_space<hbm>>
            tpu.wait_dma2 semaphore(%run_scoped3A_122 : memref<!tpu.dma_semaphore, #tpu.memory_space<semaphore_mem>>) src(%dma_wait3A_137 : memref<128xi32, #tpu.memory_space<hbm>>) dst(%dma_wait3A_136 : memref<128xi32, #tpu.memory_space<vmem>>)
            tpu.yield
          }) : () -> ()
          %dma_start3A = arith.constant 3 : i32
          %dma_start3A_106 = arith.constant 1 : i32
          %dma_start3A_107 = arith.constant 1 : i32
          %dma_start3A_108 = arith.constant 0 : i32
          %dma_start3A_109 = arith.constant 0 : i32
          %dma_start3A_110 = tpu.memref_slice %arg9[%dma_start3A_107, %dma_start3A_108, %dma_start3A_109] : memref<2x128x128xf32, #tpu.memory_space<vmem>> -> memref<1x128x128xf32, #tpu.memory_space<vmem>>
          %dma_start3A_111 = tpu.memref_squeeze %dma_start3A_110 : memref<1x128x128xf32, #tpu.memory_space<vmem>> -> memref<128x128xf32, #tpu.memory_space<vmem>>
          %dma_start3A_112 = arith.constant 0 : i32
          %dma_start3A_113 = tpu.memref_slice %arg7[%dma_start3A_106, %dma_start3A_112] : memref<2x128xi32, #tpu.memory_space<vmem>> -> memref<1x128xi32, #tpu.memory_space<vmem>>
          %dma_start3A_114 = tpu.memref_squeeze %dma_start3A_113 : memref<1x128xi32, #tpu.memory_space<vmem>> -> memref<128xi32, #tpu.memory_space<vmem>>
          %dma_start3A_115 = arith.constant 0 : i32
          %dma_start3A_116 = arith.constant 0 : i32
          %dma_start3A_117 = tpu.memref_slice %arg2[%dma_start3A, %dma_start3A_115, %dma_start3A_116] : memref<4x10000x128xf32, #tpu.memory_space<hbm>> -> memref<1x10000x128xf32, #tpu.memory_space<hbm>>
          %dma_start3A_118 = tpu.memref_squeeze %dma_start3A_117 : memref<1x10000x128xf32, #tpu.memory_space<hbm>> -> memref<10000x128xf32, #tpu.memory_space<hbm>>
          %dma_start3A_119 = arith.constant 0 : i32
          %dma_start3A_120 = arith.constant 0 : i32
          %dma_start3A_121 = tpu.memref_slice %dma_start3A_118[%dma_start3A_119, %dma_start3A_120] : memref<10000x128xf32, #tpu.memory_space<hbm>> -> memref<10000x128xf32, #tpu.memory_space<hbm>>
          tpu.enqueue_indirect_dma source(%dma_start3A_121 : memref<10000x128xf32, #tpu.memory_space<hbm>>) target(%dma_start3A_111 : memref<128x128xf32, #tpu.memory_space<vmem>>) offsets(%dma_start3A_114 : memref<128xi32, #tpu.memory_space<vmem>>) semaphore(%arg12 : memref<!tpu.dma_semaphore, #tpu.memory_space<semaphore_mem>>)
        } else {
        }
        %mul3A_67 = arith.constant 2 : i32
        %mul3A_68 = arith.muli %mul3A_67, %scan3A_55 : i32
        %mul3A_69 = arith.constant 16 : i32
        %mul3A_70 = arith.muli %mul3A_68, %mul3A_69 : i32
        %add3A_71 = arith.addi %mul3A_70, %arg1 : i32
        %lt3A_72 = arith.constant 1250 : i32
        %lt3A_73 = arith.cmpi slt, %add3A_71, %lt3A_72 : i32
        %convert_element_type3A_74 = arith.extui %lt3A_73 : i1 to i32
        %cond3A_75 = arith.constant 0 : i32
        %cond3A_76 = arith.cmpi ne, %convert_element_type3A_74, %cond3A_75 : i32
        scf.if %cond3A_76 {
          %dma_wait3A = arith.constant 3 : i32
          %dma_wait3A_101 = arith.constant 0 : i32
          %dma_wait3A_102 = arith.constant 0 : i32
          %dma_wait3A_103 = arith.constant 0 : i32
          %dma_wait3A_104 = arith.constant 0 : i32
          %dma_wait3A_105 = tpu.memref_slice %arg9[%dma_wait3A_102, %dma_wait3A_103, %dma_wait3A_104] : memref<2x128x128xf32, #tpu.memory_space<vmem>> -> memref<1x128x128xf32, #tpu.memory_space<vmem>>
          %dma_wait3A_106 = tpu.memref_squeeze %dma_wait3A_105 : memref<1x128x128xf32, #tpu.memory_space<vmem>> -> memref<128x128xf32, #tpu.memory_space<vmem>>
          %dma_wait3A_107 = arith.constant 0 : i32
          %dma_wait3A_108 = tpu.memref_slice %arg7[%dma_wait3A_101, %dma_wait3A_107] : memref<2x128xi32, #tpu.memory_space<vmem>> -> memref<1x128xi32, #tpu.memory_space<vmem>>
          %dma_wait3A_109 = tpu.memref_squeeze %dma_wait3A_108 : memref<1x128xi32, #tpu.memory_space<vmem>> -> memref<128xi32, #tpu.memory_space<vmem>>
          %dma_wait3A_110 = arith.constant 0 : i32
          %dma_wait3A_111 = arith.constant 0 : i32
          %dma_wait3A_112 = tpu.memref_slice %arg2[%dma_wait3A, %dma_wait3A_110, %dma_wait3A_111] : memref<4x10000x128xf32, #tpu.memory_space<hbm>> -> memref<1x10000x128xf32, #tpu.memory_space<hbm>>
          %dma_wait3A_113 = tpu.memref_squeeze %dma_wait3A_112 : memref<1x10000x128xf32, #tpu.memory_space<hbm>> -> memref<10000x128xf32, #tpu.memory_space<hbm>>
          %dma_wait3A_114 = arith.constant 0 : i32
          %dma_wait3A_115 = arith.constant 0 : i32
          %dma_wait3A_116 = tpu.memref_slice %dma_wait3A_113[%dma_wait3A_114, %dma_wait3A_115] : memref<10000x128xf32, #tpu.memory_space<hbm>> -> memref<10000x128xf32, #tpu.memory_space<hbm>>
          tpu.wait_indirect_dma semaphore(%arg11 : memref<!tpu.dma_semaphore, #tpu.memory_space<semaphore_mem>>) src(%dma_wait3A_116 : memref<10000x128xf32, #tpu.memory_space<hbm>>) dst(%dma_wait3A_106 : memref<128x128xf32, #tpu.memory_space<vmem>>)
          %run_scoped3A = arith.constant 0 : i32
          %run_scoped3A_117 = arith.constant 0 : i32
          "tpu.region"() ({
            %run_scoped3A_118 = tpu.sem_alloc : memref<!tpu.dma_semaphore, #tpu.memory_space<semaphore_mem>>
            %dma_start3A = arith.constant 0 : i32
            %dma_start3A_119 = arith.constant 0 : i32
            %dma_start3A_120 = tpu.memref_slice %arg9[%run_scoped3A, %dma_start3A, %dma_start3A_119] : memref<2x128x128xf32, #tpu.memory_space<vmem>> -> memref<1x128x128xf32, #tpu.memory_space<vmem>>
            %dma_start3A_121 = tpu.memref_squeeze %dma_start3A_120 : memref<1x128x128xf32, #tpu.memory_space<vmem>> -> memref<128x128xf32, #tpu.memory_space<vmem>>
            %dma_start3A_122 = arith.constant 0 : i32
            %dma_start3A_123 = tpu.memref_slice %arg8[%run_scoped3A_117, %dma_start3A_122] : memref<2x128xi32, #tpu.memory_space<vmem>> -> memref<1x128xi32, #tpu.memory_space<vmem>>
            %dma_start3A_124 = tpu.memref_squeeze %dma_start3A_123 : memref<1x128xi32, #tpu.memory_space<vmem>> -> memref<128xi32, #tpu.memory_space<vmem>>
            %dma_start3A_125 = arith.constant 0 : i32
            %dma_start3A_126 = arith.constant 0 : i32
            %dma_start3A_127 = tpu.memref_slice %arg10[%dma_start3A_125, %dma_start3A_126] : memref<10000x128xf32, #tpu.memory_space<vmem_shared>> -> memref<10000x128xf32, #tpu.memory_space<vmem_shared>>
            tpu.enqueue_indirect_dma source(%dma_start3A_121 : memref<128x128xf32, #tpu.memory_space<vmem>>) target(%dma_start3A_127 : memref<10000x128xf32, #tpu.memory_space<vmem_shared>>) offsets(%dma_start3A_124 : memref<128xi32, #tpu.memory_space<vmem>>) semaphore(%run_scoped3A_118 : memref<!tpu.dma_semaphore, #tpu.memory_space<semaphore_mem>>) {add = true}
            %dma_wait3A_128 = arith.constant 0 : i32
            %dma_wait3A_129 = arith.constant 0 : i32
            %dma_wait3A_130 = tpu.memref_slice %arg9[%run_scoped3A, %dma_wait3A_128, %dma_wait3A_129] : memref<2x128x128xf32, #tpu.memory_space<vmem>> -> memref<1x128x128xf32, #tpu.memory_space<vmem>>
            %dma_wait3A_131 = tpu.memref_squeeze %dma_wait3A_130 : memref<1x128x128xf32, #tpu.memory_space<vmem>> -> memref<128x128xf32, #tpu.memory_space<vmem>>
            %dma_wait3A_132 = arith.constant 0 : i32
            %dma_wait3A_133 = tpu.memref_slice %arg8[%run_scoped3A_117, %dma_wait3A_132] : memref<2x128xi32, #tpu.memory_space<vmem>> -> memref<1x128xi32, #tpu.memory_space<vmem>>
            %dma_wait3A_134 = tpu.memref_squeeze %dma_wait3A_133 : memref<1x128xi32, #tpu.memory_space<vmem>> -> memref<128xi32, #tpu.memory_space<vmem>>
            %dma_wait3A_135 = arith.constant 0 : i32
            %dma_wait3A_136 = arith.constant 0 : i32
            %dma_wait3A_137 = tpu.memref_slice %arg10[%dma_wait3A_135, %dma_wait3A_136] : memref<10000x128xf32, #tpu.memory_space<vmem_shared>> -> memref<10000x128xf32, #tpu.memory_space<vmem_shared>>
            tpu.wait_indirect_dma semaphore(%run_scoped3A_118 : memref<!tpu.dma_semaphore, #tpu.memory_space<semaphore_mem>>) src(%dma_wait3A_131 : memref<128x128xf32, #tpu.memory_space<vmem>>) dst(%dma_wait3A_137 : memref<10000x128xf32, #tpu.memory_space<vmem_shared>>)
            tpu.yield
          }) : () -> ()
        } else {
        }
        %mul3A_77 = arith.constant 2 : i32
        %mul3A_78 = arith.muli %mul3A_77, %scan3A_55 : i32
        %add3A_79 = arith.constant 2 : i32
        %add3A_80 = arith.addi %mul3A_78, %add3A_79 : i32
        %mul3A_81 = arith.constant 16 : i32
        %mul3A_82 = arith.muli %add3A_80, %mul3A_81 : i32
        %add3A_83 = arith.addi %mul3A_82, %arg1 : i32
        %lt3A_84 = arith.constant 1250 : i32
        %lt3A_85 = arith.cmpi slt, %add3A_83, %lt3A_84 : i32
        %convert_element_type3A_86 = arith.extui %lt3A_85 : i1 to i32
        %cond3A_87 = arith.constant 0 : i32
        %cond3A_88 = arith.cmpi ne, %convert_element_type3A_86, %cond3A_87 : i32
        scf.if %cond3A_88 {
          %mul3A_101 = arith.constant 128 : i32
          %mul3A_102 = arith.muli %add3A_83, %mul3A_101 : i32
          %run_scoped3A = arith.constant 0 : i32
          "tpu.region"() ({
            %run_scoped3A_122 = tpu.sem_alloc : memref<!tpu.dma_semaphore, #tpu.memory_space<semaphore_mem>>
            %dma_start3A_123 = arith.constant 0 : i32
            %dma_start3A_124 = tpu.memref_slice %arg7[%run_scoped3A, %dma_start3A_123] : memref<2x128xi32, #tpu.memory_space<vmem>> -> memref<1x128xi32, #tpu.memory_space<vmem>>
            %dma_start3A_125 = tpu.memref_squeeze %dma_start3A_124 : memref<1x128xi32, #tpu.memory_space<vmem>> -> memref<128xi32, #tpu.memory_space<vmem>>
            %dma_start3A_126 = tpu.memref_slice %arg3[%mul3A_102] : memref<160000xi32, #tpu.memory_space<hbm>> -> memref<128xi32, #tpu.memory_space<hbm>>
            %dma_start3A_127 = arith.constant 0 : i32
            %dma_start3A_128 = tpu.memref_slice %arg7[%run_scoped3A, %dma_start3A_127] : memref<2x128xi32, #tpu.memory_space<vmem>> -> memref<1x128xi32, #tpu.memory_space<vmem>>
            %dma_start3A_129 = tpu.memref_squeeze %dma_start3A_128 : memref<1x128xi32, #tpu.memory_space<vmem>> -> memref<128xi32, #tpu.memory_space<vmem>>
            %dma_start3A_130 = tpu.memref_slice %arg3[%mul3A_102] : memref<160000xi32, #tpu.memory_space<hbm>> -> memref<128xi32, #tpu.memory_space<hbm>>
            tpu.enqueue_dma source(%dma_start3A_130 : memref<128xi32, #tpu.memory_space<hbm>>) target(%dma_start3A_129 : memref<128xi32, #tpu.memory_space<vmem>>) target_semaphore(%run_scoped3A_122 : memref<!tpu.dma_semaphore, #tpu.memory_space<semaphore_mem>>)
            %dma_wait3A = arith.constant 0 : i32
            %dma_wait3A_131 = tpu.memref_slice %arg7[%run_scoped3A, %dma_wait3A] : memref<2x128xi32, #tpu.memory_space<vmem>> -> memref<1x128xi32, #tpu.memory_space<vmem>>
            %dma_wait3A_132 = tpu.memref_squeeze %dma_wait3A_131 : memref<1x128xi32, #tpu.memory_space<vmem>> -> memref<128xi32, #tpu.memory_space<vmem>>
            %dma_wait3A_133 = tpu.memref_slice %arg3[%mul3A_102] : memref<160000xi32, #tpu.memory_space<hbm>> -> memref<128xi32, #tpu.memory_space<hbm>>
            %dma_wait3A_134 = arith.constant 0 : i32
            %dma_wait3A_135 = tpu.memref_slice %arg7[%run_scoped3A, %dma_wait3A_134] : memref<2x128xi32, #tpu.memory_space<vmem>> -> memref<1x128xi32, #tpu.memory_space<vmem>>
            %dma_wait3A_136 = tpu.memref_squeeze %dma_wait3A_135 : memref<1x128xi32, #tpu.memory_space<vmem>> -> memref<128xi32, #tpu.memory_space<vmem>>
            %dma_wait3A_137 = tpu.memref_slice %arg3[%mul3A_102] : memref<160000xi32, #tpu.memory_space<hbm>> -> memref<128xi32, #tpu.memory_space<hbm>>
            tpu.wait_dma2 semaphore(%run_scoped3A_122 : memref<!tpu.dma_semaphore, #tpu.memory_space<semaphore_mem>>) src(%dma_wait3A_137 : memref<128xi32, #tpu.memory_space<hbm>>) dst(%dma_wait3A_136 : memref<128xi32, #tpu.memory_space<vmem>>)
            tpu.yield
          }) : () -> ()
          %mul3A_103 = arith.constant 128 : i32
          %mul3A_104 = arith.muli %add3A_83, %mul3A_103 : i32
          %run_scoped3A_105 = arith.constant 0 : i32
          "tpu.region"() ({
            %run_scoped3A_122 = tpu.sem_alloc : memref<!tpu.dma_semaphore, #tpu.memory_space<semaphore_mem>>
            %dma_start3A_123 = arith.constant 0 : i32
            %dma_start3A_124 = tpu.memref_slice %arg8[%run_scoped3A_105, %dma_start3A_123] : memref<2x128xi32, #tpu.memory_space<vmem>> -> memref<1x128xi32, #tpu.memory_space<vmem>>
            %dma_start3A_125 = tpu.memref_squeeze %dma_start3A_124 : memref<1x128xi32, #tpu.memory_space<vmem>> -> memref<128xi32, #tpu.memory_space<vmem>>
            %dma_start3A_126 = tpu.memref_slice %arg4[%mul3A_104] : memref<160000xi32, #tpu.memory_space<hbm>> -> memref<128xi32, #tpu.memory_space<hbm>>
            %dma_start3A_127 = arith.constant 0 : i32
            %dma_start3A_128 = tpu.memref_slice %arg8[%run_scoped3A_105, %dma_start3A_127] : memref<2x128xi32, #tpu.memory_space<vmem>> -> memref<1x128xi32, #tpu.memory_space<vmem>>
            %dma_start3A_129 = tpu.memref_squeeze %dma_start3A_128 : memref<1x128xi32, #tpu.memory_space<vmem>> -> memref<128xi32, #tpu.memory_space<vmem>>
            %dma_start3A_130 = tpu.memref_slice %arg4[%mul3A_104] : memref<160000xi32, #tpu.memory_space<hbm>> -> memref<128xi32, #tpu.memory_space<hbm>>
            tpu.enqueue_dma source(%dma_start3A_130 : memref<128xi32, #tpu.memory_space<hbm>>) target(%dma_start3A_129 : memref<128xi32, #tpu.memory_space<vmem>>) target_semaphore(%run_scoped3A_122 : memref<!tpu.dma_semaphore, #tpu.memory_space<semaphore_mem>>)
            %dma_wait3A = arith.constant 0 : i32
            %dma_wait3A_131 = tpu.memref_slice %arg8[%run_scoped3A_105, %dma_wait3A] : memref<2x128xi32, #tpu.memory_space<vmem>> -> memref<1x128xi32, #tpu.memory_space<vmem>>
            %dma_wait3A_132 = tpu.memref_squeeze %dma_wait3A_131 : memref<1x128xi32, #tpu.memory_space<vmem>> -> memref<128xi32, #tpu.memory_space<vmem>>
            %dma_wait3A_133 = tpu.memref_slice %arg4[%mul3A_104] : memref<160000xi32, #tpu.memory_space<hbm>> -> memref<128xi32, #tpu.memory_space<hbm>>
            %dma_wait3A_134 = arith.constant 0 : i32
            %dma_wait3A_135 = tpu.memref_slice %arg8[%run_scoped3A_105, %dma_wait3A_134] : memref<2x128xi32, #tpu.memory_space<vmem>> -> memref<1x128xi32, #tpu.memory_space<vmem>>
            %dma_wait3A_136 = tpu.memref_squeeze %dma_wait3A_135 : memref<1x128xi32, #tpu.memory_space<vmem>> -> memref<128xi32, #tpu.memory_space<vmem>>
            %dma_wait3A_137 = tpu.memref_slice %arg4[%mul3A_104] : memref<160000xi32, #tpu.memory_space<hbm>> -> memref<128xi32, #tpu.memory_space<hbm>>
            tpu.wait_dma2 semaphore(%run_scoped3A_122 : memref<!tpu.dma_semaphore, #tpu.memory_space<semaphore_mem>>) src(%dma_wait3A_137 : memref<128xi32, #tpu.memory_space<hbm>>) dst(%dma_wait3A_136 : memref<128xi32, #tpu.memory_space<vmem>>)
            tpu.yield
          }) : () -> ()
          %dma_start3A = arith.constant 3 : i32
          %dma_start3A_106 = arith.constant 0 : i32
          %dma_start3A_107 = arith.constant 0 : i32
          %dma_start3A_108 = arith.constant 0 : i32
          %dma_start3A_109 = arith.constant 0 : i32
          %dma_start3A_110 = tpu.memref_slice %arg9[%dma_start3A_107, %dma_start3A_108, %dma_start3A_109] : memref<2x128x128xf32, #tpu.memory_space<vmem>> -> memref<1x128x128xf32, #tpu.memory_space<vmem>>
          %dma_start3A_111 = tpu.memref_squeeze %dma_start3A_110 : memref<1x128x128xf32, #tpu.memory_space<vmem>> -> memref<128x128xf32, #tpu.memory_space<vmem>>
          %dma_start3A_112 = arith.constant 0 : i32
          %dma_start3A_113 = tpu.memref_slice %arg7[%dma_start3A_106, %dma_start3A_112] : memref<2x128xi32, #tpu.memory_space<vmem>> -> memref<1x128xi32, #tpu.memory_space<vmem>>
          %dma_start3A_114 = tpu.memref_squeeze %dma_start3A_113 : memref<1x128xi32, #tpu.memory_space<vmem>> -> memref<128xi32, #tpu.memory_space<vmem>>
          %dma_start3A_115 = arith.constant 0 : i32
          %dma_start3A_116 = arith.constant 0 : i32
          %dma_start3A_117 = tpu.memref_slice %arg2[%dma_start3A, %dma_start3A_115, %dma_start3A_116] : memref<4x10000x128xf32, #tpu.memory_space<hbm>> -> memref<1x10000x128xf32, #tpu.memory_space<hbm>>
          %dma_start3A_118 = tpu.memref_squeeze %dma_start3A_117 : memref<1x10000x128xf32, #tpu.memory_space<hbm>> -> memref<10000x128xf32, #tpu.memory_space<hbm>>
          %dma_start3A_119 = arith.constant 0 : i32
          %dma_start3A_120 = arith.constant 0 : i32
          %dma_start3A_121 = tpu.memref_slice %dma_start3A_118[%dma_start3A_119, %dma_start3A_120] : memref<10000x128xf32, #tpu.memory_space<hbm>> -> memref<10000x128xf32, #tpu.memory_space<hbm>>
          tpu.enqueue_indirect_dma source(%dma_start3A_121 : memref<10000x128xf32, #tpu.memory_space<hbm>>) target(%dma_start3A_111 : memref<128x128xf32, #tpu.memory_space<vmem>>) offsets(%dma_start3A_114 : memref<128xi32, #tpu.memory_space<vmem>>) semaphore(%arg11 : memref<!tpu.dma_semaphore, #tpu.memory_space<semaphore_mem>>)
        } else {
        }
        %mul3A_89 = arith.constant 2 : i32
        %mul3A_90 = arith.muli %mul3A_89, %scan3A_55 : i32
        %add3A_91 = arith.constant 1 : i32
        %add3A_92 = arith.addi %mul3A_90, %add3A_91 : i32
        %mul3A_93 = arith.constant 16 : i32
        %mul3A_94 = arith.muli %add3A_92, %mul3A_93 : i32
        %add3A_95 = arith.addi %mul3A_94, %arg1 : i32
        %lt3A_96 = arith.constant 1250 : i32
        %lt3A_97 = arith.cmpi slt, %add3A_95, %lt3A_96 : i32
        %convert_element_type3A_98 = arith.extui %lt3A_97 : i1 to i32
        %cond3A_99 = arith.constant 0 : i32
        %cond3A_100 = arith.cmpi ne, %convert_element_type3A_98, %cond3A_99 : i32
        scf.if %cond3A_100 {
          %dma_wait3A = arith.constant 3 : i32
          %dma_wait3A_101 = arith.constant 1 : i32
          %dma_wait3A_102 = arith.constant 1 : i32
          %dma_wait3A_103 = arith.constant 0 : i32
          %dma_wait3A_104 = arith.constant 0 : i32
          %dma_wait3A_105 = tpu.memref_slice %arg9[%dma_wait3A_102, %dma_wait3A_103, %dma_wait3A_104] : memref<2x128x128xf32, #tpu.memory_space<vmem>> -> memref<1x128x128xf32, #tpu.memory_space<vmem>>
          %dma_wait3A_106 = tpu.memref_squeeze %dma_wait3A_105 : memref<1x128x128xf32, #tpu.memory_space<vmem>> -> memref<128x128xf32, #tpu.memory_space<vmem>>
          %dma_wait3A_107 = arith.constant 0 : i32
          %dma_wait3A_108 = tpu.memref_slice %arg7[%dma_wait3A_101, %dma_wait3A_107] : memref<2x128xi32, #tpu.memory_space<vmem>> -> memref<1x128xi32, #tpu.memory_space<vmem>>
          %dma_wait3A_109 = tpu.memref_squeeze %dma_wait3A_108 : memref<1x128xi32, #tpu.memory_space<vmem>> -> memref<128xi32, #tpu.memory_space<vmem>>
          %dma_wait3A_110 = arith.constant 0 : i32
          %dma_wait3A_111 = arith.constant 0 : i32
          %dma_wait3A_112 = tpu.memref_slice %arg2[%dma_wait3A, %dma_wait3A_110, %dma_wait3A_111] : memref<4x10000x128xf32, #tpu.memory_space<hbm>> -> memref<1x10000x128xf32, #tpu.memory_space<hbm>>
          %dma_wait3A_113 = tpu.memref_squeeze %dma_wait3A_112 : memref<1x10000x128xf32, #tpu.memory_space<hbm>> -> memref<10000x128xf32, #tpu.memory_space<hbm>>
          %dma_wait3A_114 = arith.constant 0 : i32
          %dma_wait3A_115 = arith.constant 0 : i32
          %dma_wait3A_116 = tpu.memref_slice %dma_wait3A_113[%dma_wait3A_114, %dma_wait3A_115] : memref<10000x128xf32, #tpu.memory_space<hbm>> -> memref<10000x128xf32, #tpu.memory_space<hbm>>
          tpu.wait_indirect_dma semaphore(%arg12 : memref<!tpu.dma_semaphore, #tpu.memory_space<semaphore_mem>>) src(%dma_wait3A_116 : memref<10000x128xf32, #tpu.memory_space<hbm>>) dst(%dma_wait3A_106 : memref<128x128xf32, #tpu.memory_space<vmem>>)
          %run_scoped3A = arith.constant 1 : i32
          %run_scoped3A_117 = arith.constant 1 : i32
          "tpu.region"() ({
            %run_scoped3A_118 = tpu.sem_alloc : memref<!tpu.dma_semaphore, #tpu.memory_space<semaphore_mem>>
            %dma_start3A = arith.constant 0 : i32
            %dma_start3A_119 = arith.constant 0 : i32
            %dma_start3A_120 = tpu.memref_slice %arg9[%run_scoped3A, %dma_start3A, %dma_start3A_119] : memref<2x128x128xf32, #tpu.memory_space<vmem>> -> memref<1x128x128xf32, #tpu.memory_space<vmem>>
            %dma_start3A_121 = tpu.memref_squeeze %dma_start3A_120 : memref<1x128x128xf32, #tpu.memory_space<vmem>> -> memref<128x128xf32, #tpu.memory_space<vmem>>
            %dma_start3A_122 = arith.constant 0 : i32
            %dma_start3A_123 = tpu.memref_slice %arg8[%run_scoped3A_117, %dma_start3A_122] : memref<2x128xi32, #tpu.memory_space<vmem>> -> memref<1x128xi32, #tpu.memory_space<vmem>>
            %dma_start3A_124 = tpu.memref_squeeze %dma_start3A_123 : memref<1x128xi32, #tpu.memory_space<vmem>> -> memref<128xi32, #tpu.memory_space<vmem>>
            %dma_start3A_125 = arith.constant 0 : i32
            %dma_start3A_126 = arith.constant 0 : i32
            %dma_start3A_127 = tpu.memref_slice %arg10[%dma_start3A_125, %dma_start3A_126] : memref<10000x128xf32, #tpu.memory_space<vmem_shared>> -> memref<10000x128xf32, #tpu.memory_space<vmem_shared>>
            tpu.enqueue_indirect_dma source(%dma_start3A_121 : memref<128x128xf32, #tpu.memory_space<vmem>>) target(%dma_start3A_127 : memref<10000x128xf32, #tpu.memory_space<vmem_shared>>) offsets(%dma_start3A_124 : memref<128xi32, #tpu.memory_space<vmem>>) semaphore(%run_scoped3A_118 : memref<!tpu.dma_semaphore, #tpu.memory_space<semaphore_mem>>) {add = true}
            %dma_wait3A_128 = arith.constant 0 : i32
            %dma_wait3A_129 = arith.constant 0 : i32
            %dma_wait3A_130 = tpu.memref_slice %arg9[%run_scoped3A, %dma_wait3A_128, %dma_wait3A_129] : memref<2x128x128xf32, #tpu.memory_space<vmem>> -> memref<1x128x128xf32, #tpu.memory_space<vmem>>
            %dma_wait3A_131 = tpu.memref_squeeze %dma_wait3A_130 : memref<1x128x128xf32, #tpu.memory_space<vmem>> -> memref<128x128xf32, #tpu.memory_space<vmem>>
            %dma_wait3A_132 = arith.constant 0 : i32
            %dma_wait3A_133 = tpu.memref_slice %arg8[%run_scoped3A_117, %dma_wait3A_132] : memref<2x128xi32, #tpu.memory_space<vmem>> -> memref<1x128xi32, #tpu.memory_space<vmem>>
            %dma_wait3A_134 = tpu.memref_squeeze %dma_wait3A_133 : memref<1x128xi32, #tpu.memory_space<vmem>> -> memref<128xi32, #tpu.memory_space<vmem>>
            %dma_wait3A_135 = arith.constant 0 : i32
            %dma_wait3A_136 = arith.constant 0 : i32
            %dma_wait3A_137 = tpu.memref_slice %arg10[%dma_wait3A_135, %dma_wait3A_136] : memref<10000x128xf32, #tpu.memory_space<vmem_shared>> -> memref<10000x128xf32, #tpu.memory_space<vmem_shared>>
            tpu.wait_indirect_dma semaphore(%run_scoped3A_118 : memref<!tpu.dma_semaphore, #tpu.memory_space<semaphore_mem>>) src(%dma_wait3A_131 : memref<128x128xf32, #tpu.memory_space<vmem>>) dst(%dma_wait3A_137 : memref<10000x128xf32, #tpu.memory_space<vmem_shared>>)
            tpu.yield
          }) : () -> ()
        } else {
        }
      }
      %scan3A_36 = arith.constant 39 : i32
      %add3A_37 = arith.constant 1248 : i32
      %add3A_38 = arith.addi %add3A_37, %arg1 : i32
      %lt3A_39 = arith.constant 1250 : i32
      %lt3A_40 = arith.cmpi slt, %add3A_38, %lt3A_39 : i32
      %convert_element_type3A_41 = arith.extui %lt3A_40 : i1 to i32
      %cond3A_42 = arith.constant 0 : i32
      %cond3A_43 = arith.cmpi ne, %convert_element_type3A_41, %cond3A_42 : i32
      scf.if %cond3A_43 {
        %dma_wait3A = arith.constant 3 : i32
        %dma_wait3A_55 = arith.constant 0 : i32
        %dma_wait3A_56 = arith.constant 0 : i32
        %dma_wait3A_57 = arith.constant 0 : i32
        %dma_wait3A_58 = arith.constant 0 : i32
        %dma_wait3A_59 = tpu.memref_slice %arg9[%dma_wait3A_56, %dma_wait3A_57, %dma_wait3A_58] : memref<2x128x128xf32, #tpu.memory_space<vmem>> -> memref<1x128x128xf32, #tpu.memory_space<vmem>>
        %dma_wait3A_60 = tpu.memref_squeeze %dma_wait3A_59 : memref<1x128x128xf32, #tpu.memory_space<vmem>> -> memref<128x128xf32, #tpu.memory_space<vmem>>
        %dma_wait3A_61 = arith.constant 0 : i32
        %dma_wait3A_62 = tpu.memref_slice %arg7[%dma_wait3A_55, %dma_wait3A_61] : memref<2x128xi32, #tpu.memory_space<vmem>> -> memref<1x128xi32, #tpu.memory_space<vmem>>
        %dma_wait3A_63 = tpu.memref_squeeze %dma_wait3A_62 : memref<1x128xi32, #tpu.memory_space<vmem>> -> memref<128xi32, #tpu.memory_space<vmem>>
        %dma_wait3A_64 = arith.constant 0 : i32
        %dma_wait3A_65 = arith.constant 0 : i32
        %dma_wait3A_66 = tpu.memref_slice %arg2[%dma_wait3A, %dma_wait3A_64, %dma_wait3A_65] : memref<4x10000x128xf32, #tpu.memory_space<hbm>> -> memref<1x10000x128xf32, #tpu.memory_space<hbm>>
        %dma_wait3A_67 = tpu.memref_squeeze %dma_wait3A_66 : memref<1x10000x128xf32, #tpu.memory_space<hbm>> -> memref<10000x128xf32, #tpu.memory_space<hbm>>
        %dma_wait3A_68 = arith.constant 0 : i32
        %dma_wait3A_69 = arith.constant 0 : i32
        %dma_wait3A_70 = tpu.memref_slice %dma_wait3A_67[%dma_wait3A_68, %dma_wait3A_69] : memref<10000x128xf32, #tpu.memory_space<hbm>> -> memref<10000x128xf32, #tpu.memory_space<hbm>>
        tpu.wait_indirect_dma semaphore(%arg11 : memref<!tpu.dma_semaphore, #tpu.memory_space<semaphore_mem>>) src(%dma_wait3A_70 : memref<10000x128xf32, #tpu.memory_space<hbm>>) dst(%dma_wait3A_60 : memref<128x128xf32, #tpu.memory_space<vmem>>)
        %run_scoped3A = arith.constant 0 : i32
        %run_scoped3A_71 = arith.constant 0 : i32
        "tpu.region"() ({
          %run_scoped3A_72 = tpu.sem_alloc : memref<!tpu.dma_semaphore, #tpu.memory_space<semaphore_mem>>
          %dma_start3A = arith.constant 0 : i32
          %dma_start3A_73 = arith.constant 0 : i32
          %dma_start3A_74 = tpu.memref_slice %arg9[%run_scoped3A, %dma_start3A, %dma_start3A_73] : memref<2x128x128xf32, #tpu.memory_space<vmem>> -> memref<1x128x128xf32, #tpu.memory_space<vmem>>
          %dma_start3A_75 = tpu.memref_squeeze %dma_start3A_74 : memref<1x128x128xf32, #tpu.memory_space<vmem>> -> memref<128x128xf32, #tpu.memory_space<vmem>>
          %dma_start3A_76 = arith.constant 0 : i32
          %dma_start3A_77 = tpu.memref_slice %arg8[%run_scoped3A_71, %dma_start3A_76] : memref<2x128xi32, #tpu.memory_space<vmem>> -> memref<1x128xi32, #tpu.memory_space<vmem>>
          %dma_start3A_78 = tpu.memref_squeeze %dma_start3A_77 : memref<1x128xi32, #tpu.memory_space<vmem>> -> memref<128xi32, #tpu.memory_space<vmem>>
          %dma_start3A_79 = arith.constant 0 : i32
          %dma_start3A_80 = arith.constant 0 : i32
          %dma_start3A_81 = tpu.memref_slice %arg10[%dma_start3A_79, %dma_start3A_80] : memref<10000x128xf32, #tpu.memory_space<vmem_shared>> -> memref<10000x128xf32, #tpu.memory_space<vmem_shared>>
          tpu.enqueue_indirect_dma source(%dma_start3A_75 : memref<128x128xf32, #tpu.memory_space<vmem>>) target(%dma_start3A_81 : memref<10000x128xf32, #tpu.memory_space<vmem_shared>>) offsets(%dma_start3A_78 : memref<128xi32, #tpu.memory_space<vmem>>) semaphore(%run_scoped3A_72 : memref<!tpu.dma_semaphore, #tpu.memory_space<semaphore_mem>>) {add = true}
          %dma_wait3A_82 = arith.constant 0 : i32
          %dma_wait3A_83 = arith.constant 0 : i32
          %dma_wait3A_84 = tpu.memref_slice %arg9[%run_scoped3A, %dma_wait3A_82, %dma_wait3A_83] : memref<2x128x128xf32, #tpu.memory_space<vmem>> -> memref<1x128x128xf32, #tpu.memory_space<vmem>>
          %dma_wait3A_85 = tpu.memref_squeeze %dma_wait3A_84 : memref<1x128x128xf32, #tpu.memory_space<vmem>> -> memref<128x128xf32, #tpu.memory_space<vmem>>
          %dma_wait3A_86 = arith.constant 0 : i32
          %dma_wait3A_87 = tpu.memref_slice %arg8[%run_scoped3A_71, %dma_wait3A_86] : memref<2x128xi32, #tpu.memory_space<vmem>> -> memref<1x128xi32, #tpu.memory_space<vmem>>
          %dma_wait3A_88 = tpu.memref_squeeze %dma_wait3A_87 : memref<1x128xi32, #tpu.memory_space<vmem>> -> memref<128xi32, #tpu.memory_space<vmem>>
          %dma_wait3A_89 = arith.constant 0 : i32
          %dma_wait3A_90 = arith.constant 0 : i32
          %dma_wait3A_91 = tpu.memref_slice %arg10[%dma_wait3A_89, %dma_wait3A_90] : memref<10000x128xf32, #tpu.memory_space<vmem_shared>> -> memref<10000x128xf32, #tpu.memory_space<vmem_shared>>
          tpu.wait_indirect_dma semaphore(%run_scoped3A_72 : memref<!tpu.dma_semaphore, #tpu.memory_space<semaphore_mem>>) src(%dma_wait3A_85 : memref<128x128xf32, #tpu.memory_space<vmem>>) dst(%dma_wait3A_91 : memref<10000x128xf32, #tpu.memory_space<vmem_shared>>)
          tpu.yield
        }) : () -> ()
      } else {
      }
      %barrier3A_44 = arith.constant 0 : index
      tpu.barrier barrier_id(%barrier3A_44)
      %lt3A_45 = arith.constant 15 : i32
      %lt3A_46 = arith.cmpi slt, %arg1, %lt3A_45 : i32
      %convert_element_type3A_47 = arith.extui %lt3A_46 : i1 to i32
      %cond3A_48 = arith.constant 0 : i32
      %cond3A_49 = arith.cmpi ne, %convert_element_type3A_47, %cond3A_48 : i32
      scf.if %cond3A_49 {
        %mul3A = arith.constant 632 : i32
        %mul3A_55 = arith.muli %arg1, %mul3A : i32
        %multiple_of3A = tpu.assume_multiple %mul3A_55, 8 : i32
        %run_scoped3A = arith.constant 3 : i32
        "tpu.region"() ({
          %run_scoped3A_56 = tpu.sem_alloc : memref<!tpu.dma_semaphore, #tpu.memory_space<semaphore_mem>>
          %dma_start3A = arith.constant 0 : i32
          %dma_start3A_57 = tpu.memref_slice %arg6[%run_scoped3A, %multiple_of3A, %dma_start3A] : memref<4x10000x128xf32, #tpu.memory_space<hbm>> -> memref<1x632x128xf32, #tpu.memory_space<hbm>>
          %dma_start3A_58 = tpu.memref_squeeze %dma_start3A_57 : memref<1x632x128xf32, #tpu.memory_space<hbm>> -> memref<632x128xf32, #tpu.memory_space<hbm>>
          %dma_start3A_59 = arith.constant 0 : i32
          %dma_start3A_60 = tpu.memref_slice %arg10[%multiple_of3A, %dma_start3A_59] : memref<10000x128xf32, #tpu.memory_space<vmem_shared>> -> memref<632x128xf32, #tpu.memory_space<vmem_shared>>
          tpu.enqueue_dma source(%dma_start3A_60 : memref<632x128xf32, #tpu.memory_space<vmem_shared>>) target(%dma_start3A_58 : memref<632x128xf32, #tpu.memory_space<hbm>>) target_semaphore(%run_scoped3A_56 : memref<!tpu.dma_semaphore, #tpu.memory_space<semaphore_mem>>)
          %dma_wait3A = arith.constant 0 : i32
          %dma_wait3A_61 = tpu.memref_slice %arg6[%run_scoped3A, %multiple_of3A, %dma_wait3A] : memref<4x10000x128xf32, #tpu.memory_space<hbm>> -> memref<1x632x128xf32, #tpu.memory_space<hbm>>
          %dma_wait3A_62 = tpu.memref_squeeze %dma_wait3A_61 : memref<1x632x128xf32, #tpu.memory_space<hbm>> -> memref<632x128xf32, #tpu.memory_space<hbm>>
          %dma_wait3A_63 = arith.constant 0 : i32
          %dma_wait3A_64 = tpu.memref_slice %arg10[%multiple_of3A, %dma_wait3A_63] : memref<10000x128xf32, #tpu.memory_space<vmem_shared>> -> memref<632x128xf32, #tpu.memory_space<vmem_shared>>
          tpu.wait_dma2 semaphore(%run_scoped3A_56 : memref<!tpu.dma_semaphore, #tpu.memory_space<semaphore_mem>>) src(%dma_wait3A_64 : memref<632x128xf32, #tpu.memory_space<vmem_shared>>) dst(%dma_wait3A_62 : memref<632x128xf32, #tpu.memory_space<hbm>>)
          tpu.yield
        }) : () -> ()
      } else {
      }
      %eq3A_50 = arith.constant 15 : i32
      %eq3A_51 = arith.cmpi eq, %arg1, %eq3A_50 : i32
      %convert_element_type3A_52 = arith.extui %eq3A_51 : i1 to i32
      %cond3A_53 = arith.constant 0 : i32
      %cond3A_54 = arith.cmpi ne, %convert_element_type3A_52, %cond3A_53 : i32
      scf.if %cond3A_54 {
        %run_scoped3A = arith.constant 3 : i32
        "tpu.region"() ({
          %run_scoped3A_55 = tpu.sem_alloc : memref<!tpu.dma_semaphore, #tpu.memory_space<semaphore_mem>>
          %dma_start3A = arith.constant 9480 : i32
          %dma_start3A_56 = arith.constant 0 : i32
          %dma_start3A_57 = tpu.memref_slice %arg6[%run_scoped3A, %dma_start3A, %dma_start3A_56] : memref<4x10000x128xf32, #tpu.memory_space<hbm>> -> memref<1x520x128xf32, #tpu.memory_space<hbm>>
          %dma_start3A_58 = tpu.memref_squeeze %dma_start3A_57 : memref<1x520x128xf32, #tpu.memory_space<hbm>> -> memref<520x128xf32, #tpu.memory_space<hbm>>
          %dma_start3A_59 = arith.constant 9480 : i32
          %dma_start3A_60 = arith.constant 0 : i32
          %dma_start3A_61 = tpu.memref_slice %arg10[%dma_start3A_59, %dma_start3A_60] : memref<10000x128xf32, #tpu.memory_space<vmem_shared>> -> memref<520x128xf32, #tpu.memory_space<vmem_shared>>
          tpu.enqueue_dma source(%dma_start3A_61 : memref<520x128xf32, #tpu.memory_space<vmem_shared>>) target(%dma_start3A_58 : memref<520x128xf32, #tpu.memory_space<hbm>>) target_semaphore(%run_scoped3A_55 : memref<!tpu.dma_semaphore, #tpu.memory_space<semaphore_mem>>)
          %dma_wait3A = arith.constant 9480 : i32
          %dma_wait3A_62 = arith.constant 0 : i32
          %dma_wait3A_63 = tpu.memref_slice %arg6[%run_scoped3A, %dma_wait3A, %dma_wait3A_62] : memref<4x10000x128xf32, #tpu.memory_space<hbm>> -> memref<1x520x128xf32, #tpu.memory_space<hbm>>
          %dma_wait3A_64 = tpu.memref_squeeze %dma_wait3A_63 : memref<1x520x128xf32, #tpu.memory_space<hbm>> -> memref<520x128xf32, #tpu.memory_space<hbm>>
          %dma_wait3A_65 = arith.constant 9480 : i32
          %dma_wait3A_66 = arith.constant 0 : i32
          %dma_wait3A_67 = tpu.memref_slice %arg10[%dma_wait3A_65, %dma_wait3A_66] : memref<10000x128xf32, #tpu.memory_space<vmem_shared>> -> memref<520x128xf32, #tpu.memory_space<vmem_shared>>
          tpu.wait_dma2 semaphore(%run_scoped3A_55 : memref<!tpu.dma_semaphore, #tpu.memory_space<semaphore_mem>>) src(%dma_wait3A_67 : memref<520x128xf32, #tpu.memory_space<vmem_shared>>) dst(%dma_wait3A_64 : memref<520x128xf32, #tpu.memory_space<hbm>>)
          tpu.yield
        }) : () -> ()
      } else {
      }
    } else {
    }
    return
  }
}

#map = affine_map<(d0, d1) -> (0)>
#map1 = affine_map<(d0, d1) -> (0, 0)>
#map2 = affine_map<(d0, d1) -> (0, 0, 0)>
module attributes {stable_mosaic.version = 14 : i64} {
  func.func @deg_k(%arg0: i32, %arg1: i32, %arg2: memref<160000xi32, #tpu.memory_space<hbm>>, %arg3: memref<128x128xf32, #tpu.memory_space<hbm>>, %arg4: memref<10000x128xf32, #tpu.memory_space<hbm>>, %arg5: memref<2x10000x128xf32, #tpu.memory_space<hbm>>, %arg6: memref<1x128xi32, #tpu.memory_space<vmem>>, %arg7: memref<128x128xf32, #tpu.memory_space<vmem>>, %arg8: memref<10000x128xf32, #tpu.memory_space<vmem_shared>>) attributes {dimension_semantics = [#tpu.dimension_semantics<core_parallel>, #tpu.dimension_semantics<subcore_parallel>], iteration_bounds = array<i64: 2, 16>, scalar_prefetch = 0 : i64, scratch_operands = 3 : i64, tpu.core_type = #tpu.core_type<sc_vector_subcore>, window_params = [{transform_indices = #map}, {transform_indices = #map1}, {transform_indices = #map1}, {transform_indices = #map2}]} {
    %mul3A = arith.constant 2 : i32
    %mul3A_0 = arith.muli %arg1, %mul3A : i32
    %add3A = arith.addi %mul3A_0, %arg0 : i32
    %lt3A = arith.constant 15 : i32
    %lt3A_1 = arith.cmpi slt, %arg1, %lt3A : i32
    %convert_element_type3A = arith.extui %lt3A_1 : i1 to i32
    %cond3A = arith.constant 0 : i32
    %cond3A_2 = arith.cmpi ne, %convert_element_type3A, %cond3A : i32
    scf.if %cond3A_2 {
      %mul3A_23 = arith.constant 632 : i32
      %mul3A_24 = arith.muli %arg1, %mul3A_23 : i32
      %multiple_of3A = tpu.assume_multiple %mul3A_24, 8 : i32
      "tpu.region"() ({
        %run_scoped3A = tpu.sem_alloc : memref<!tpu.dma_semaphore, #tpu.memory_space<semaphore_mem>>
        %dma_start3A = arith.constant 0 : i32
        %dma_start3A_25 = tpu.memref_slice %arg8[%multiple_of3A, %dma_start3A] : memref<10000x128xf32, #tpu.memory_space<vmem_shared>> -> memref<632x128xf32, #tpu.memory_space<vmem_shared>>
        %dma_start3A_26 = arith.constant 0 : i32
        %dma_start3A_27 = tpu.memref_slice %arg4[%multiple_of3A, %dma_start3A_26] : memref<10000x128xf32, #tpu.memory_space<hbm>> -> memref<632x128xf32, #tpu.memory_space<hbm>>
        tpu.enqueue_dma source(%dma_start3A_27 : memref<632x128xf32, #tpu.memory_space<hbm>>) target(%dma_start3A_25 : memref<632x128xf32, #tpu.memory_space<vmem_shared>>) target_semaphore(%run_scoped3A : memref<!tpu.dma_semaphore, #tpu.memory_space<semaphore_mem>>)
        %dma_wait3A = arith.constant 0 : i32
        %dma_wait3A_28 = tpu.memref_slice %arg8[%multiple_of3A, %dma_wait3A] : memref<10000x128xf32, #tpu.memory_space<vmem_shared>> -> memref<632x128xf32, #tpu.memory_space<vmem_shared>>
        %dma_wait3A_29 = arith.constant 0 : i32
        %dma_wait3A_30 = tpu.memref_slice %arg4[%multiple_of3A, %dma_wait3A_29] : memref<10000x128xf32, #tpu.memory_space<hbm>> -> memref<632x128xf32, #tpu.memory_space<hbm>>
        tpu.wait_dma2 semaphore(%run_scoped3A : memref<!tpu.dma_semaphore, #tpu.memory_space<semaphore_mem>>) src(%dma_wait3A_30 : memref<632x128xf32, #tpu.memory_space<hbm>>) dst(%dma_wait3A_28 : memref<632x128xf32, #tpu.memory_space<vmem_shared>>)
        tpu.yield
      }) : () -> ()
    } else {
    }
    %eq3A = arith.constant 15 : i32
    %eq3A_3 = arith.cmpi eq, %arg1, %eq3A : i32
    %convert_element_type3A_4 = arith.extui %eq3A_3 : i1 to i32
    %cond3A_5 = arith.constant 0 : i32
    %cond3A_6 = arith.cmpi ne, %convert_element_type3A_4, %cond3A_5 : i32
    scf.if %cond3A_6 {
      "tpu.region"() ({
        %run_scoped3A = tpu.sem_alloc : memref<!tpu.dma_semaphore, #tpu.memory_space<semaphore_mem>>
        %dma_start3A = arith.constant 9480 : i32
        %dma_start3A_23 = arith.constant 0 : i32
        %dma_start3A_24 = tpu.memref_slice %arg8[%dma_start3A, %dma_start3A_23] : memref<10000x128xf32, #tpu.memory_space<vmem_shared>> -> memref<520x128xf32, #tpu.memory_space<vmem_shared>>
        %dma_start3A_25 = arith.constant 9480 : i32
        %dma_start3A_26 = arith.constant 0 : i32
        %dma_start3A_27 = tpu.memref_slice %arg4[%dma_start3A_25, %dma_start3A_26] : memref<10000x128xf32, #tpu.memory_space<hbm>> -> memref<520x128xf32, #tpu.memory_space<hbm>>
        tpu.enqueue_dma source(%dma_start3A_27 : memref<520x128xf32, #tpu.memory_space<hbm>>) target(%dma_start3A_24 : memref<520x128xf32, #tpu.memory_space<vmem_shared>>) target_semaphore(%run_scoped3A : memref<!tpu.dma_semaphore, #tpu.memory_space<semaphore_mem>>)
        %dma_wait3A = arith.constant 9480 : i32
        %dma_wait3A_28 = arith.constant 0 : i32
        %dma_wait3A_29 = tpu.memref_slice %arg8[%dma_wait3A, %dma_wait3A_28] : memref<10000x128xf32, #tpu.memory_space<vmem_shared>> -> memref<520x128xf32, #tpu.memory_space<vmem_shared>>
        %dma_wait3A_30 = arith.constant 9480 : i32
        %dma_wait3A_31 = arith.constant 0 : i32
        %dma_wait3A_32 = tpu.memref_slice %arg4[%dma_wait3A_30, %dma_wait3A_31] : memref<10000x128xf32, #tpu.memory_space<hbm>> -> memref<520x128xf32, #tpu.memory_space<hbm>>
        tpu.wait_dma2 semaphore(%run_scoped3A : memref<!tpu.dma_semaphore, #tpu.memory_space<semaphore_mem>>) src(%dma_wait3A_32 : memref<520x128xf32, #tpu.memory_space<hbm>>) dst(%dma_wait3A_29 : memref<520x128xf32, #tpu.memory_space<vmem_shared>>)
        tpu.yield
      }) : () -> ()
    } else {
    }
    "tpu.region"() ({
      %run_scoped3A = tpu.sem_alloc : memref<!tpu.dma_semaphore, #tpu.memory_space<semaphore_mem>>
      tpu.enqueue_dma source(%arg3 : memref<128x128xf32, #tpu.memory_space<hbm>>) target(%arg7 : memref<128x128xf32, #tpu.memory_space<vmem>>) target_semaphore(%run_scoped3A : memref<!tpu.dma_semaphore, #tpu.memory_space<semaphore_mem>>)
      tpu.wait_dma2 semaphore(%run_scoped3A : memref<!tpu.dma_semaphore, #tpu.memory_space<semaphore_mem>>) src(%arg3 : memref<128x128xf32, #tpu.memory_space<hbm>>) dst(%arg7 : memref<128x128xf32, #tpu.memory_space<vmem>>)
      tpu.yield
    }) : () -> ()
    %barrier3A = arith.constant 0 : index
    tpu.barrier barrier_id(%barrier3A)
    %scan3A = arith.constant 0 : i32
    %scan3A_7 = arith.constant 0 : i32
    %scan3A_8 = arith.constant 40 : i32
    %scan3A_9 = arith.addi %scan3A_7, %scan3A_8 : i32
    %scan3A_10 = arith.constant 1 : i32
    scf.for %scan3A_23 = %scan3A_7 to %scan3A_9 step %scan3A_10  : i32 {
      %mul3A_24 = arith.constant 32 : i32
      %mul3A_25 = arith.muli %scan3A_23, %mul3A_24 : i32
      %add3A_26 = arith.addi %mul3A_25, %add3A : i32
      %lt3A_27 = arith.constant 1250 : i32
      %lt3A_28 = arith.cmpi slt, %add3A_26, %lt3A_27 : i32
      %convert_element_type3A_29 = arith.extui %lt3A_28 : i1 to i32
      %cond3A_30 = arith.constant 0 : i32
      %cond3A_31 = arith.cmpi ne, %convert_element_type3A_29, %cond3A_30 : i32
      scf.if %cond3A_31 {
        %mul3A_32 = arith.constant 128 : i32
        %mul3A_33 = arith.muli %add3A_26, %mul3A_32 : i32
        %run_scoped3A = arith.constant 0 : i32
        "tpu.region"() ({
          %run_scoped3A_35 = tpu.sem_alloc : memref<!tpu.dma_semaphore, #tpu.memory_space<semaphore_mem>>
          %dma_start3A = arith.constant 0 : i32
          %dma_start3A_36 = tpu.memref_slice %arg6[%run_scoped3A, %dma_start3A] : memref<1x128xi32, #tpu.memory_space<vmem>> -> memref<1x128xi32, #tpu.memory_space<vmem>>
          %dma_start3A_37 = tpu.memref_squeeze %dma_start3A_36 : memref<1x128xi32, #tpu.memory_space<vmem>> -> memref<128xi32, #tpu.memory_space<vmem>>
          %dma_start3A_38 = tpu.memref_slice %arg2[%mul3A_33] : memref<160000xi32, #tpu.memory_space<hbm>> -> memref<128xi32, #tpu.memory_space<hbm>>
          %dma_start3A_39 = arith.constant 0 : i32
          %dma_start3A_40 = tpu.memref_slice %arg6[%run_scoped3A, %dma_start3A_39] : memref<1x128xi32, #tpu.memory_space<vmem>> -> memref<1x128xi32, #tpu.memory_space<vmem>>
          %dma_start3A_41 = tpu.memref_squeeze %dma_start3A_40 : memref<1x128xi32, #tpu.memory_space<vmem>> -> memref<128xi32, #tpu.memory_space<vmem>>
          %dma_start3A_42 = tpu.memref_slice %arg2[%mul3A_33] : memref<160000xi32, #tpu.memory_space<hbm>> -> memref<128xi32, #tpu.memory_space<hbm>>
          tpu.enqueue_dma source(%dma_start3A_42 : memref<128xi32, #tpu.memory_space<hbm>>) target(%dma_start3A_41 : memref<128xi32, #tpu.memory_space<vmem>>) target_semaphore(%run_scoped3A_35 : memref<!tpu.dma_semaphore, #tpu.memory_space<semaphore_mem>>)
          %dma_wait3A = arith.constant 0 : i32
          %dma_wait3A_43 = tpu.memref_slice %arg6[%run_scoped3A, %dma_wait3A] : memref<1x128xi32, #tpu.memory_space<vmem>> -> memref<1x128xi32, #tpu.memory_space<vmem>>
          %dma_wait3A_44 = tpu.memref_squeeze %dma_wait3A_43 : memref<1x128xi32, #tpu.memory_space<vmem>> -> memref<128xi32, #tpu.memory_space<vmem>>
          %dma_wait3A_45 = tpu.memref_slice %arg2[%mul3A_33] : memref<160000xi32, #tpu.memory_space<hbm>> -> memref<128xi32, #tpu.memory_space<hbm>>
          %dma_wait3A_46 = arith.constant 0 : i32
          %dma_wait3A_47 = tpu.memref_slice %arg6[%run_scoped3A, %dma_wait3A_46] : memref<1x128xi32, #tpu.memory_space<vmem>> -> memref<1x128xi32, #tpu.memory_space<vmem>>
          %dma_wait3A_48 = tpu.memref_squeeze %dma_wait3A_47 : memref<1x128xi32, #tpu.memory_space<vmem>> -> memref<128xi32, #tpu.memory_space<vmem>>
          %dma_wait3A_49 = tpu.memref_slice %arg2[%mul3A_33] : memref<160000xi32, #tpu.memory_space<hbm>> -> memref<128xi32, #tpu.memory_space<hbm>>
          tpu.wait_dma2 semaphore(%run_scoped3A_35 : memref<!tpu.dma_semaphore, #tpu.memory_space<semaphore_mem>>) src(%dma_wait3A_49 : memref<128xi32, #tpu.memory_space<hbm>>) dst(%dma_wait3A_48 : memref<128xi32, #tpu.memory_space<vmem>>)
          tpu.yield
        }) : () -> ()
        %run_scoped3A_34 = arith.constant 0 : i32
        "tpu.region"() ({
          %run_scoped3A_35 = tpu.sem_alloc : memref<!tpu.dma_semaphore, #tpu.memory_space<semaphore_mem>>
          %dma_start3A = arith.constant 0 : i32
          %dma_start3A_36 = tpu.memref_slice %arg6[%run_scoped3A_34, %dma_start3A] : memref<1x128xi32, #tpu.memory_space<vmem>> -> memref<1x128xi32, #tpu.memory_space<vmem>>
          %dma_start3A_37 = tpu.memref_squeeze %dma_start3A_36 : memref<1x128xi32, #tpu.memory_space<vmem>> -> memref<128xi32, #tpu.memory_space<vmem>>
          %dma_start3A_38 = arith.constant 0 : i32
          %dma_start3A_39 = arith.constant 0 : i32
          %dma_start3A_40 = tpu.memref_slice %arg8[%dma_start3A_38, %dma_start3A_39] : memref<10000x128xf32, #tpu.memory_space<vmem_shared>> -> memref<10000x128xf32, #tpu.memory_space<vmem_shared>>
          tpu.enqueue_indirect_dma source(%arg7 : memref<128x128xf32, #tpu.memory_space<vmem>>) target(%dma_start3A_40 : memref<10000x128xf32, #tpu.memory_space<vmem_shared>>) offsets(%dma_start3A_37 : memref<128xi32, #tpu.memory_space<vmem>>) semaphore(%run_scoped3A_35 : memref<!tpu.dma_semaphore, #tpu.memory_space<semaphore_mem>>) {add = true}
          %dma_wait3A = arith.constant 0 : i32
          %dma_wait3A_41 = tpu.memref_slice %arg6[%run_scoped3A_34, %dma_wait3A] : memref<1x128xi32, #tpu.memory_space<vmem>> -> memref<1x128xi32, #tpu.memory_space<vmem>>
          %dma_wait3A_42 = tpu.memref_squeeze %dma_wait3A_41 : memref<1x128xi32, #tpu.memory_space<vmem>> -> memref<128xi32, #tpu.memory_space<vmem>>
          %dma_wait3A_43 = arith.constant 0 : i32
          %dma_wait3A_44 = arith.constant 0 : i32
          %dma_wait3A_45 = tpu.memref_slice %arg8[%dma_wait3A_43, %dma_wait3A_44] : memref<10000x128xf32, #tpu.memory_space<vmem_shared>> -> memref<10000x128xf32, #tpu.memory_space<vmem_shared>>
          tpu.wait_indirect_dma semaphore(%run_scoped3A_35 : memref<!tpu.dma_semaphore, #tpu.memory_space<semaphore_mem>>) src(%arg7 : memref<128x128xf32, #tpu.memory_space<vmem>>) dst(%dma_wait3A_45 : memref<10000x128xf32, #tpu.memory_space<vmem_shared>>)
          tpu.yield
        }) : () -> ()
      } else {
      }
    }
    %scan3A_11 = arith.constant 40 : i32
    %barrier3A_12 = arith.constant 0 : index
    tpu.barrier barrier_id(%barrier3A_12)
    %lt3A_13 = arith.constant 15 : i32
    %lt3A_14 = arith.cmpi slt, %arg1, %lt3A_13 : i32
    %convert_element_type3A_15 = arith.extui %lt3A_14 : i1 to i32
    %cond3A_16 = arith.constant 0 : i32
    %cond3A_17 = arith.cmpi ne, %convert_element_type3A_15, %cond3A_16 : i32
    scf.if %cond3A_17 {
      %mul3A_23 = arith.constant 632 : i32
      %mul3A_24 = arith.muli %arg1, %mul3A_23 : i32
      %multiple_of3A = tpu.assume_multiple %mul3A_24, 8 : i32
      "tpu.region"() ({
        %run_scoped3A = tpu.sem_alloc : memref<!tpu.dma_semaphore, #tpu.memory_space<semaphore_mem>>
        %dma_start3A = arith.constant 0 : i32
        %dma_start3A_25 = tpu.memref_slice %arg5[%arg0, %multiple_of3A, %dma_start3A] : memref<2x10000x128xf32, #tpu.memory_space<hbm>> -> memref<1x632x128xf32, #tpu.memory_space<hbm>>
        %dma_start3A_26 = tpu.memref_squeeze %dma_start3A_25 : memref<1x632x128xf32, #tpu.memory_space<hbm>> -> memref<632x128xf32, #tpu.memory_space<hbm>>
        %dma_start3A_27 = arith.constant 0 : i32
        %dma_start3A_28 = tpu.memref_slice %arg8[%multiple_of3A, %dma_start3A_27] : memref<10000x128xf32, #tpu.memory_space<vmem_shared>> -> memref<632x128xf32, #tpu.memory_space<vmem_shared>>
        tpu.enqueue_dma source(%dma_start3A_28 : memref<632x128xf32, #tpu.memory_space<vmem_shared>>) target(%dma_start3A_26 : memref<632x128xf32, #tpu.memory_space<hbm>>) target_semaphore(%run_scoped3A : memref<!tpu.dma_semaphore, #tpu.memory_space<semaphore_mem>>)
        %dma_wait3A = arith.constant 0 : i32
        %dma_wait3A_29 = tpu.memref_slice %arg5[%arg0, %multiple_of3A, %dma_wait3A] : memref<2x10000x128xf32, #tpu.memory_space<hbm>> -> memref<1x632x128xf32, #tpu.memory_space<hbm>>
        %dma_wait3A_30 = tpu.memref_squeeze %dma_wait3A_29 : memref<1x632x128xf32, #tpu.memory_space<hbm>> -> memref<632x128xf32, #tpu.memory_space<hbm>>
        %dma_wait3A_31 = arith.constant 0 : i32
        %dma_wait3A_32 = tpu.memref_slice %arg8[%multiple_of3A, %dma_wait3A_31] : memref<10000x128xf32, #tpu.memory_space<vmem_shared>> -> memref<632x128xf32, #tpu.memory_space<vmem_shared>>
        tpu.wait_dma2 semaphore(%run_scoped3A : memref<!tpu.dma_semaphore, #tpu.memory_space<semaphore_mem>>) src(%dma_wait3A_32 : memref<632x128xf32, #tpu.memory_space<vmem_shared>>) dst(%dma_wait3A_30 : memref<632x128xf32, #tpu.memory_space<hbm>>)
        tpu.yield
      }) : () -> ()
    } else {
    }
    %eq3A_18 = arith.constant 15 : i32
    %eq3A_19 = arith.cmpi eq, %arg1, %eq3A_18 : i32
    %convert_element_type3A_20 = arith.extui %eq3A_19 : i1 to i32
    %cond3A_21 = arith.constant 0 : i32
    %cond3A_22 = arith.cmpi ne, %convert_element_type3A_20, %cond3A_21 : i32
    scf.if %cond3A_22 {
      "tpu.region"() ({
        %run_scoped3A = tpu.sem_alloc : memref<!tpu.dma_semaphore, #tpu.memory_space<semaphore_mem>>
        %dma_start3A = arith.constant 9480 : i32
        %dma_start3A_23 = arith.constant 0 : i32
        %dma_start3A_24 = tpu.memref_slice %arg5[%arg0, %dma_start3A, %dma_start3A_23] : memref<2x10000x128xf32, #tpu.memory_space<hbm>> -> memref<1x520x128xf32, #tpu.memory_space<hbm>>
        %dma_start3A_25 = tpu.memref_squeeze %dma_start3A_24 : memref<1x520x128xf32, #tpu.memory_space<hbm>> -> memref<520x128xf32, #tpu.memory_space<hbm>>
        %dma_start3A_26 = arith.constant 9480 : i32
        %dma_start3A_27 = arith.constant 0 : i32
        %dma_start3A_28 = tpu.memref_slice %arg8[%dma_start3A_26, %dma_start3A_27] : memref<10000x128xf32, #tpu.memory_space<vmem_shared>> -> memref<520x128xf32, #tpu.memory_space<vmem_shared>>
        tpu.enqueue_dma source(%dma_start3A_28 : memref<520x128xf32, #tpu.memory_space<vmem_shared>>) target(%dma_start3A_25 : memref<520x128xf32, #tpu.memory_space<hbm>>) target_semaphore(%run_scoped3A : memref<!tpu.dma_semaphore, #tpu.memory_space<semaphore_mem>>)
        %dma_wait3A = arith.constant 9480 : i32
        %dma_wait3A_29 = arith.constant 0 : i32
        %dma_wait3A_30 = tpu.memref_slice %arg5[%arg0, %dma_wait3A, %dma_wait3A_29] : memref<2x10000x128xf32, #tpu.memory_space<hbm>> -> memref<1x520x128xf32, #tpu.memory_space<hbm>>
        %dma_wait3A_31 = tpu.memref_squeeze %dma_wait3A_30 : memref<1x520x128xf32, #tpu.memory_space<hbm>> -> memref<520x128xf32, #tpu.memory_space<hbm>>
        %dma_wait3A_32 = arith.constant 9480 : i32
        %dma_wait3A_33 = arith.constant 0 : i32
        %dma_wait3A_34 = tpu.memref_slice %arg8[%dma_wait3A_32, %dma_wait3A_33] : memref<10000x128xf32, #tpu.memory_space<vmem_shared>> -> memref<520x128xf32, #tpu.memory_space<vmem_shared>>
        tpu.wait_dma2 semaphore(%run_scoped3A : memref<!tpu.dma_semaphore, #tpu.memory_space<semaphore_mem>>) src(%dma_wait3A_34 : memref<520x128xf32, #tpu.memory_space<vmem_shared>>) dst(%dma_wait3A_31 : memref<520x128xf32, #tpu.memory_space<hbm>>)
        tpu.yield
      }) : () -> ()
    } else {
    }
    return
  }
}

module attributes {stable_mosaic.version = 14 : i64} {
  func.func @body(%arg0: i32, %arg1: i32, %arg2: memref<1x1000x256xf32, #tpu.memory_space<vmem>>, %arg3: memref<1x256x128xf32, #tpu.memory_space<vmem>>, %arg4: memref<2x1000x128xf32, #tpu.memory_space<vmem>>, %arg5: memref<1x1000x128xf32, #tpu.memory_space<vmem>>) attributes {dimension_semantics = [#tpu.dimension_semantics<arbitrary>, #tpu.dimension_semantics<arbitrary>], iteration_bounds = array<i64: 10, 4>, scalar_prefetch = 0 : i64, scratch_operands = 0 : i64, tpu.core_type = #tpu.core_type<tc>, window_params = [{transform_indices = @transform_0, window_bounds = array<i64: 1, 1000, 256>}, {transform_indices = @transform_1, window_bounds = array<i64: 1, 256, 128>}, {transform_indices = @transform_2, window_bounds = array<i64: 2, 1000, 128>}, {transform_indices = @transform_3, window_bounds = array<i64: 1, 1000, 128>}]} {
    %get3A = arith.constant 0 : index
    %get3A_0 = arith.constant 0 : index
    %get3A_1 = arith.constant 0 : index
    %get3A_2 = vector.load %arg2[%get3A, %get3A_0, %get3A_1] : memref<1x1000x256xf32, #tpu.memory_space<vmem>>, vector<1x1000x256xf32>
    %get3A_3 = vector.shape_cast %get3A_2 : vector<1x1000x256xf32> to vector<1000x256xf32>
    %get3A_4 = arith.constant 0 : index
    %get3A_5 = arith.constant 0 : index
    %get3A_6 = arith.constant 0 : index
    %get3A_7 = vector.load %arg3[%get3A_4, %get3A_5, %get3A_6] : memref<1x256x128xf32, #tpu.memory_space<vmem>>, vector<1x256x128xf32>
    %get3A_8 = vector.shape_cast %get3A_7 : vector<1x256x128xf32> to vector<256x128xf32>
    %dot_general3A = arith.constant dense<0.000000e+00> : vector<1000x128xf32>
    %dot_general3A_9 = tpu.matmul %get3A_3, %get3A_8, %dot_general3A {dimension_numbers = #tpu.dot_dimension_numbers<[1], [0], [0], [1], [0, 0, 1, 1], [], []>, transpose_lhs_hint = false} : vector<1000x256xf32>, vector<256x128xf32>, vector<1000x128xf32> -> vector<1000x128xf32>
    %get3A_10 = arith.constant 0 : index
    %get3A_11 = arith.constant 0 : index
    %get3A_12 = arith.constant 0 : index
    %get3A_13 = vector.load %arg4[%get3A_10, %get3A_11, %get3A_12] : memref<2x1000x128xf32, #tpu.memory_space<vmem>>, vector<1x1000x1xf32>
    %get3A_14 = vector.shape_cast %get3A_13 : vector<1x1000x1xf32> to vector<1000x1xf32>
    %get3A_15 = arith.constant 1 : index
    %get3A_16 = arith.constant 0 : index
    %get3A_17 = arith.constant 0 : index
    %get3A_18 = vector.load %arg4[%get3A_15, %get3A_16, %get3A_17] : memref<2x1000x128xf32, #tpu.memory_space<vmem>>, vector<1x1000x1xf32>
    %get3A_19 = vector.shape_cast %get3A_18 : vector<1x1000x1xf32> to vector<1000x1xf32>
    %add3A = arith.addf %get3A_14, %get3A_19 : vector<1000x1xf32>
    %add3A_20 = arith.constant 1.000000e+00 : f32
    %add3A_21 = vector.broadcast %add3A_20 : f32 to vector<1000x1xf32>
    %add3A_22 = arith.addf %add3A, %add3A_21 : vector<1000x1xf32>
    %rsqrt3A = math.rsqrt %add3A_22 : vector<1000x1xf32>
    %mul3A = vector.broadcast %rsqrt3A : vector<1000x1xf32> to vector<1000x128xf32>
    %mul3A_23 = arith.mulf %dot_general3A_9, %mul3A : vector<1000x128xf32>
    %swap3A = arith.constant 0 : index
    %swap3A_24 = arith.constant 0 : index
    %swap3A_25 = arith.constant 0 : index
    %swap3A_26 = vector.load %arg5[%swap3A, %swap3A_24, %swap3A_25] : memref<1x1000x128xf32, #tpu.memory_space<vmem>>, vector<1x1000x128xf32>
    %swap3A_27 = vector.shape_cast %swap3A_26 : vector<1x1000x128xf32> to vector<1000x128xf32>
    %swap3A_28 = vector.shape_cast %mul3A_23 : vector<1000x128xf32> to vector<1x1000x128xf32>
    tpu.vector_store %arg5[%swap3A, %swap3A_24, %swap3A_25], %swap3A_28 {strides = array<i32>} : memref<1x1000x128xf32, #tpu.memory_space<vmem>>, vector<1x1000x128xf32>,
    return
  }
  func.func @transform_0(%arg0: i32, %arg1: i32) -> (i32, i32, i32) {
    %c0_i32 = arith.constant 0 : i32
    %c0_i32_0 = arith.constant 0 : i32
    %c0_i32_1 = arith.constant 0 : i32
    return %c0_i32, %arg0, %c0_i32_0 : i32, i32, i32
  }
  func.func @transform_1(%arg0: i32, %arg1: i32) -> (i32, i32, i32) {
    %c0_i32 = arith.constant 0 : i32
    %c0_i32_0 = arith.constant 0 : i32
    %c0_i32_1 = arith.constant 0 : i32
    return %c0_i32, %c0_i32_0, %arg1 : i32, i32, i32
  }
  func.func @transform_2(%arg0: i32, %arg1: i32) -> (i32, i32, i32) {
    %c0_i32 = arith.constant 0 : i32
    %c0_i32_0 = arith.constant 0 : i32
    %c0_i32_1 = arith.constant 0 : i32
    return %c0_i32, %arg0, %c0_i32_0 : i32, i32, i32
  }
  func.func @transform_3(%arg0: i32, %arg1: i32) -> (i32, i32, i32) {
    %c0_i32 = arith.constant 0 : i32
    %c0_i32_0 = arith.constant 0 : i32
    return %arg1, %arg0, %c0_i32 : i32, i32, i32
  }
}

module attributes {stable_mosaic.version = 14 : i64} {
  func.func @body(%arg0: i32, %arg1: memref<4x1000x128xf32, #tpu.memory_space<vmem>>, %arg2: memref<4x1000x128xf32, #tpu.memory_space<vmem>>, %arg3: memref<2x1000x128xf32, #tpu.memory_space<vmem>>, %arg4: memref<4x1x128xf32, #tpu.memory_space<vmem>>, %arg5: memref<4x1x128xf32, #tpu.memory_space<vmem>>, %arg6: memref<4x1x128xf32, #tpu.memory_space<vmem>>, %arg7: memref<4x1000x128xf32, #tpu.memory_space<vmem>>) attributes {dimension_semantics = [#tpu.dimension_semantics<arbitrary>], iteration_bounds = array<i64: 10>, scalar_prefetch = 0 : i64, scratch_operands = 0 : i64, tpu.core_type = #tpu.core_type<tc>, window_params = [{transform_indices = @transform_0, window_bounds = array<i64: 4, 1000, 128>}, {transform_indices = @transform_1, window_bounds = array<i64: 4, 1000, 128>}, {transform_indices = @transform_2, window_bounds = array<i64: 2, 1000, 128>}, {pipeline_mode = #tpu.pipeline_mode<synchronous>, transform_indices = @transform_3, window_bounds = array<i64: 4, 1, 128>}, {pipeline_mode = #tpu.pipeline_mode<synchronous>, transform_indices = @transform_4, window_bounds = array<i64: 4, 1, 128>}, {pipeline_mode = #tpu.pipeline_mode<synchronous>, transform_indices = @transform_5, window_bounds = array<i64: 4, 1, 128>}, {transform_indices = @transform_6, window_bounds = array<i64: 4, 1000, 128>}]} {
    %get3A = arith.constant 0 : index
    %get3A_0 = arith.constant 0 : index
    %get3A_1 = arith.constant 0 : index
    %get3A_2 = vector.load %arg3[%get3A, %get3A_0, %get3A_1] : memref<2x1000x128xf32, #tpu.memory_space<vmem>>, vector<1x1000x1xf32>
    %get3A_3 = vector.shape_cast %get3A_2 : vector<1x1000x1xf32> to vector<1000x1xf32>
    %get3A_4 = arith.constant 1 : index
    %get3A_5 = arith.constant 0 : index
    %get3A_6 = arith.constant 0 : index
    %get3A_7 = vector.load %arg3[%get3A_4, %get3A_5, %get3A_6] : memref<2x1000x128xf32, #tpu.memory_space<vmem>>, vector<1x1000x1xf32>
    %get3A_8 = vector.shape_cast %get3A_7 : vector<1x1000x1xf32> to vector<1000x1xf32>
    %add3A = arith.addf %get3A_3, %get3A_8 : vector<1000x1xf32>
    %add3A_9 = arith.constant 1.000000e+00 : f32
    %add3A_10 = vector.broadcast %add3A_9 : f32 to vector<1000x1xf32>
    %add3A_11 = arith.addf %add3A, %add3A_10 : vector<1000x1xf32>
    %rsqrt3A = math.rsqrt %add3A_11 : vector<1000x1xf32>
    %get3A_12 = arith.constant 0 : index
    %get3A_13 = arith.constant 0 : index
    %get3A_14 = arith.constant 0 : index
    %get3A_15 = vector.load %arg1[%get3A_12, %get3A_13, %get3A_14] : memref<4x1000x128xf32, #tpu.memory_space<vmem>>, vector<4x1000x128xf32>
    %get3A_16 = arith.constant 0 : index
    %get3A_17 = arith.constant 0 : index
    %get3A_18 = arith.constant 0 : index
    %get3A_19 = vector.load %arg2[%get3A_16, %get3A_17, %get3A_18] : memref<4x1000x128xf32, #tpu.memory_space<vmem>>, vector<4x1000x128xf32>
    %add3A_20 = arith.addf %get3A_15, %get3A_19 : vector<4x1000x128xf32>
    %broadcast_in_dim3A = vector.shape_cast %rsqrt3A : vector<1000x1xf32> to vector<1x1000x1xf32>
    %mul3A = vector.broadcast %broadcast_in_dim3A : vector<1x1000x1xf32> to vector<4x1000x128xf32>
    %mul3A_21 = arith.mulf %add3A_20, %mul3A : vector<4x1000x128xf32>
    %get3A_22 = arith.constant 0 : index
    %get3A_23 = arith.constant 0 : index
    %get3A_24 = arith.constant 0 : index
    %get3A_25 = vector.load %arg4[%get3A_22, %get3A_23, %get3A_24] : memref<4x1x128xf32, #tpu.memory_space<vmem>>, vector<4x1x128xf32>
    %add3A_26 = vector.broadcast %get3A_25 : vector<4x1x128xf32> to vector<4x1000x128xf32>
    %add3A_27 = arith.addf %mul3A_21, %add3A_26 : vector<4x1000x128xf32>
    %max3A = arith.constant 0.000000e+00 : f32
    %max3A_28 = vector.broadcast %max3A : f32 to vector<4x1000x128xf32>
    %max3A_29 = arith.maximumf %add3A_27, %max3A_28 : vector<4x1000x128xf32>
    %reduce_sum3A = arith.constant dense<0.000000e+00> : vector<1000xf32>
    %reduce_sum3A_30 = vector.multi_reduction <add>, %max3A_29, %reduce_sum3A [0, 2] : vector<4x1000x128xf32> to vector<1000xf32>
    %broadcast_in_dim3A_31 = vector.shape_cast %reduce_sum3A_30 : vector<1000xf32> to vector<1x1000x1xf32>
    %div3A = arith.constant 5.120000e+02 : f32
    %div3A_32 = vector.broadcast %div3A : f32 to vector<1x1000x1xf32>
    %div3A_33 = arith.divf %broadcast_in_dim3A_31, %div3A_32 : vector<1x1000x1xf32>
    %sub3A = vector.broadcast %div3A_33 : vector<1x1000x1xf32> to vector<4x1000x128xf32>
    %sub3A_34 = arith.subf %max3A_29, %sub3A : vector<4x1000x128xf32>
    %mul3A_35 = arith.mulf %sub3A_34, %sub3A_34 : vector<4x1000x128xf32>
    %reduce_sum3A_36 = arith.constant dense<0.000000e+00> : vector<1000xf32>
    %reduce_sum3A_37 = vector.multi_reduction <add>, %mul3A_35, %reduce_sum3A_36 [0, 2] : vector<4x1000x128xf32> to vector<1000xf32>
    %broadcast_in_dim3A_38 = vector.shape_cast %reduce_sum3A_37 : vector<1000xf32> to vector<1x1000x1xf32>
    %div3A_39 = arith.constant 5.120000e+02 : f32
    %div3A_40 = vector.broadcast %div3A_39 : f32 to vector<1x1000x1xf32>
    %div3A_41 = arith.divf %broadcast_in_dim3A_38, %div3A_40 : vector<1x1000x1xf32>
    %add3A_42 = arith.constant 9.99999974E-6 : f32
    %add3A_43 = vector.broadcast %add3A_42 : f32 to vector<1x1000x1xf32>
    %add3A_44 = arith.addf %div3A_41, %add3A_43 : vector<1x1000x1xf32>
    %rsqrt3A_45 = math.rsqrt %add3A_44 : vector<1x1000x1xf32>
    %mul3A_46 = vector.broadcast %rsqrt3A_45 : vector<1x1000x1xf32> to vector<4x1000x128xf32>
    %mul3A_47 = arith.mulf %sub3A_34, %mul3A_46 : vector<4x1000x128xf32>
    %get3A_48 = arith.constant 0 : index
    %get3A_49 = arith.constant 0 : index
    %get3A_50 = arith.constant 0 : index
    %get3A_51 = vector.load %arg5[%get3A_48, %get3A_49, %get3A_50] : memref<4x1x128xf32, #tpu.memory_space<vmem>>, vector<4x1x128xf32>
    %mul3A_52 = vector.broadcast %get3A_51 : vector<4x1x128xf32> to vector<4x1000x128xf32>
    %mul3A_53 = arith.mulf %mul3A_47, %mul3A_52 : vector<4x1000x128xf32>
    %get3A_54 = arith.constant 0 : index
    %get3A_55 = arith.constant 0 : index
    %get3A_56 = arith.constant 0 : index
    %get3A_57 = vector.load %arg6[%get3A_54, %get3A_55, %get3A_56] : memref<4x1x128xf32, #tpu.memory_space<vmem>>, vector<4x1x128xf32>
    %add3A_58 = vector.broadcast %get3A_57 : vector<4x1x128xf32> to vector<4x1000x128xf32>
    %add3A_59 = arith.addf %mul3A_53, %add3A_58 : vector<4x1000x128xf32>
    %swap3A = arith.constant 0 : index
    %swap3A_60 = arith.constant 0 : index
    %swap3A_61 = arith.constant 0 : index
    %swap3A_62 = vector.load %arg7[%swap3A, %swap3A_60, %swap3A_61] : memref<4x1000x128xf32, #tpu.memory_space<vmem>>, vector<4x1000x128xf32>
    tpu.vector_store %arg7[%swap3A, %swap3A_60, %swap3A_61], %add3A_59 {strides = array<i32>} : memref<4x1000x128xf32, #tpu.memory_space<vmem>>, vector<4x1000x128xf32>,
    return
  }
  func.func @transform_0(%arg0: i32) -> (i32, i32, i32) {
    %c0_i32 = arith.constant 0 : i32
    %c0_i32_0 = arith.constant 0 : i32
    %c0_i32_1 = arith.constant 0 : i32
    return %c0_i32, %arg0, %c0_i32_0 : i32, i32, i32
  }
  func.func @transform_1(%arg0: i32) -> (i32, i32, i32) {
    %c0_i32 = arith.constant 0 : i32
    %c0_i32_0 = arith.constant 0 : i32
    %c0_i32_1 = arith.constant 0 : i32
    return %c0_i32, %arg0, %c0_i32_0 : i32, i32, i32
  }
  func.func @transform_2(%arg0: i32) -> (i32, i32, i32) {
    %c0_i32 = arith.constant 0 : i32
    %c0_i32_0 = arith.constant 0 : i32
    %c0_i32_1 = arith.constant 0 : i32
    return %c0_i32, %arg0, %c0_i32_0 : i32, i32, i32
  }
  func.func @transform_3(%arg0: i32) -> (i32, i32, i32) {
    %c0_i32 = arith.constant 0 : i32
    %c0_i32_0 = arith.constant 0 : i32
    %c0_i32_1 = arith.constant 0 : i32
    %c0_i32_2 = arith.constant 0 : i32
    return %c0_i32, %c0_i32_0, %c0_i32_1 : i32, i32, i32
  }
  func.func @transform_4(%arg0: i32) -> (i32, i32, i32) {
    %c0_i32 = arith.constant 0 : i32
    %c0_i32_0 = arith.constant 0 : i32
    %c0_i32_1 = arith.constant 0 : i32
    %c0_i32_2 = arith.constant 0 : i32
    return %c0_i32, %c0_i32_0, %c0_i32_1 : i32, i32, i32
  }
  func.func @transform_5(%arg0: i32) -> (i32, i32, i32) {
    %c0_i32 = arith.constant 0 : i32
    %c0_i32_0 = arith.constant 0 : i32
    %c0_i32_1 = arith.constant 0 : i32
    %c0_i32_2 = arith.constant 0 : i32
    return %c0_i32, %c0_i32_0, %c0_i32_1 : i32, i32, i32
  }
  func.func @transform_6(%arg0: i32) -> (i32, i32, i32) {
    %c0_i32 = arith.constant 0 : i32
    %c0_i32_0 = arith.constant 0 : i32
    %c0_i32_1 = arith.constant 0 : i32
    return %c0_i32, %arg0, %c0_i32_0 : i32, i32, i32
  }
}

module attributes {stable_mosaic.version = 14 : i64} {
  func.func @body(%arg0: i32, %arg1: i32, %arg2: memref<4x1000x128xf32, #tpu.memory_space<vmem>>, %arg3: memref<4x128x128xf32, #tpu.memory_space<vmem>>, %arg4: memref<2x1000x128xf32, #tpu.memory_space<vmem>>, %arg5: memref<1x1000x128xf32, #tpu.memory_space<vmem>>) attributes {dimension_semantics = [#tpu.dimension_semantics<arbitrary>, #tpu.dimension_semantics<arbitrary>], iteration_bounds = array<i64: 10, 2>, scalar_prefetch = 0 : i64, scratch_operands = 0 : i64, tpu.core_type = #tpu.core_type<tc>, window_params = [{transform_indices = @transform_0, window_bounds = array<i64: 4, 1000, 128>}, {transform_indices = @transform_1, window_bounds = array<i64: 4, 128, 128>}, {transform_indices = @transform_2, window_bounds = array<i64: 2, 1000, 128>}, {transform_indices = @transform_3, window_bounds = array<i64: 1, 1000, 128>}]} {
    %get3A = arith.constant 0 : index
    %get3A_0 = arith.constant 0 : index
    %get3A_1 = arith.constant 0 : index
    %get3A_2 = vector.load %arg2[%get3A, %get3A_0, %get3A_1] : memref<4x1000x128xf32, #tpu.memory_space<vmem>>, vector<1x1000x128xf32>
    %get3A_3 = vector.shape_cast %get3A_2 : vector<1x1000x128xf32> to vector<1000x128xf32>
    %get3A_4 = arith.constant 0 : index
    %get3A_5 = arith.constant 0 : index
    %get3A_6 = arith.constant 0 : index
    %get3A_7 = vector.load %arg3[%get3A_4, %get3A_5, %get3A_6] : memref<4x128x128xf32, #tpu.memory_space<vmem>>, vector<1x128x128xf32>
    %get3A_8 = vector.shape_cast %get3A_7 : vector<1x128x128xf32> to vector<128x128xf32>
    %dot_general3A = arith.constant dense<0.000000e+00> : vector<1000x128xf32>
    %dot_general3A_9 = tpu.matmul %get3A_3, %get3A_8, %dot_general3A {dimension_numbers = #tpu.dot_dimension_numbers<[1], [0], [0], [1], [0, 0, 1, 1], [], []>, transpose_lhs_hint = false} : vector<1000x128xf32>, vector<128x128xf32>, vector<1000x128xf32> -> vector<1000x128xf32>
    %get3A_10 = arith.constant 1 : index
    %get3A_11 = arith.constant 0 : index
    %get3A_12 = arith.constant 0 : index
    %get3A_13 = vector.load %arg2[%get3A_10, %get3A_11, %get3A_12] : memref<4x1000x128xf32, #tpu.memory_space<vmem>>, vector<1x1000x128xf32>
    %get3A_14 = vector.shape_cast %get3A_13 : vector<1x1000x128xf32> to vector<1000x128xf32>
    %get3A_15 = arith.constant 1 : index
    %get3A_16 = arith.constant 0 : index
    %get3A_17 = arith.constant 0 : index
    %get3A_18 = vector.load %arg3[%get3A_15, %get3A_16, %get3A_17] : memref<4x128x128xf32, #tpu.memory_space<vmem>>, vector<1x128x128xf32>
    %get3A_19 = vector.shape_cast %get3A_18 : vector<1x128x128xf32> to vector<128x128xf32>
    %dot_general3A_20 = arith.constant dense<0.000000e+00> : vector<1000x128xf32>
    %dot_general3A_21 = tpu.matmul %get3A_14, %get3A_19, %dot_general3A_20 {dimension_numbers = #tpu.dot_dimension_numbers<[1], [0], [0], [1], [0, 0, 1, 1], [], []>, transpose_lhs_hint = false} : vector<1000x128xf32>, vector<128x128xf32>, vector<1000x128xf32> -> vector<1000x128xf32>
    %add3A = arith.addf %dot_general3A_9, %dot_general3A_21 : vector<1000x128xf32>
    %get3A_22 = arith.constant 2 : index
    %get3A_23 = arith.constant 0 : index
    %get3A_24 = arith.constant 0 : index
    %get3A_25 = vector.load %arg2[%get3A_22, %get3A_23, %get3A_24] : memref<4x1000x128xf32, #tpu.memory_space<vmem>>, vector<1x1000x128xf32>
    %get3A_26 = vector.shape_cast %get3A_25 : vector<1x1000x128xf32> to vector<1000x128xf32>
    %get3A_27 = arith.constant 2 : index
    %get3A_28 = arith.constant 0 : index
    %get3A_29 = arith.constant 0 : index
    %get3A_30 = vector.load %arg3[%get3A_27, %get3A_28, %get3A_29] : memref<4x128x128xf32, #tpu.memory_space<vmem>>, vector<1x128x128xf32>
    %get3A_31 = vector.shape_cast %get3A_30 : vector<1x128x128xf32> to vector<128x128xf32>
    %dot_general3A_32 = arith.constant dense<0.000000e+00> : vector<1000x128xf32>
    %dot_general3A_33 = tpu.matmul %get3A_26, %get3A_31, %dot_general3A_32 {dimension_numbers = #tpu.dot_dimension_numbers<[1], [0], [0], [1], [0, 0, 1, 1], [], []>, transpose_lhs_hint = false} : vector<1000x128xf32>, vector<128x128xf32>, vector<1000x128xf32> -> vector<1000x128xf32>
    %add3A_34 = arith.addf %add3A, %dot_general3A_33 : vector<1000x128xf32>
    %get3A_35 = arith.constant 3 : index
    %get3A_36 = arith.constant 0 : index
    %get3A_37 = arith.constant 0 : index
    %get3A_38 = vector.load %arg2[%get3A_35, %get3A_36, %get3A_37] : memref<4x1000x128xf32, #tpu.memory_space<vmem>>, vector<1x1000x128xf32>
    %get3A_39 = vector.shape_cast %get3A_38 : vector<1x1000x128xf32> to vector<1000x128xf32>
    %get3A_40 = arith.constant 3 : index
    %get3A_41 = arith.constant 0 : index
    %get3A_42 = arith.constant 0 : index
    %get3A_43 = vector.load %arg3[%get3A_40, %get3A_41, %get3A_42] : memref<4x128x128xf32, #tpu.memory_space<vmem>>, vector<1x128x128xf32>
    %get3A_44 = vector.shape_cast %get3A_43 : vector<1x128x128xf32> to vector<128x128xf32>
    %dot_general3A_45 = arith.constant dense<0.000000e+00> : vector<1000x128xf32>
    %dot_general3A_46 = tpu.matmul %get3A_39, %get3A_44, %dot_general3A_45 {dimension_numbers = #tpu.dot_dimension_numbers<[1], [0], [0], [1], [0, 0, 1, 1], [], []>, transpose_lhs_hint = false} : vector<1000x128xf32>, vector<128x128xf32>, vector<1000x128xf32> -> vector<1000x128xf32>
    %add3A_47 = arith.addf %add3A_34, %dot_general3A_46 : vector<1000x128xf32>
    %get3A_48 = arith.constant 0 : index
    %get3A_49 = arith.constant 0 : index
    %get3A_50 = arith.constant 0 : index
    %get3A_51 = vector.load %arg4[%get3A_48, %get3A_49, %get3A_50] : memref<2x1000x128xf32, #tpu.memory_space<vmem>>, vector<1x1000x1xf32>
    %get3A_52 = vector.shape_cast %get3A_51 : vector<1x1000x1xf32> to vector<1000x1xf32>
    %get3A_53 = arith.constant 1 : index
    %get3A_54 = arith.constant 0 : index
    %get3A_55 = arith.constant 0 : index
    %get3A_56 = vector.load %arg4[%get3A_53, %get3A_54, %get3A_55] : memref<2x1000x128xf32, #tpu.memory_space<vmem>>, vector<1x1000x1xf32>
    %get3A_57 = vector.shape_cast %get3A_56 : vector<1x1000x1xf32> to vector<1000x1xf32>
    %add3A_58 = arith.addf %get3A_52, %get3A_57 : vector<1000x1xf32>
    %add3A_59 = arith.constant 1.000000e+00 : f32
    %add3A_60 = vector.broadcast %add3A_59 : f32 to vector<1000x1xf32>
    %add3A_61 = arith.addf %add3A_58, %add3A_60 : vector<1000x1xf32>
    %rsqrt3A = math.rsqrt %add3A_61 : vector<1000x1xf32>
    %mul3A = vector.broadcast %rsqrt3A : vector<1000x1xf32> to vector<1000x128xf32>
    %mul3A_62 = arith.mulf %add3A_47, %mul3A : vector<1000x128xf32>
    %swap3A = arith.constant 0 : index
    %swap3A_63 = arith.constant 0 : index
    %swap3A_64 = arith.constant 0 : index
    %swap3A_65 = vector.load %arg5[%swap3A, %swap3A_63, %swap3A_64] : memref<1x1000x128xf32, #tpu.memory_space<vmem>>, vector<1x1000x128xf32>
    %swap3A_66 = vector.shape_cast %swap3A_65 : vector<1x1000x128xf32> to vector<1000x128xf32>
    %swap3A_67 = vector.shape_cast %mul3A_62 : vector<1000x128xf32> to vector<1x1000x128xf32>
    tpu.vector_store %arg5[%swap3A, %swap3A_63, %swap3A_64], %swap3A_67 {strides = array<i32>} : memref<1x1000x128xf32, #tpu.memory_space<vmem>>, vector<1x1000x128xf32>,
    return
  }
  func.func @transform_0(%arg0: i32, %arg1: i32) -> (i32, i32, i32) {
    %c0_i32 = arith.constant 0 : i32
    %c0_i32_0 = arith.constant 0 : i32
    %c0_i32_1 = arith.constant 0 : i32
    return %c0_i32, %arg0, %c0_i32_0 : i32, i32, i32
  }
  func.func @transform_1(%arg0: i32, %arg1: i32) -> (i32, i32, i32) {
    %c0_i32 = arith.constant 0 : i32
    %c0_i32_0 = arith.constant 0 : i32
    %c0_i32_1 = arith.constant 0 : i32
    return %c0_i32, %c0_i32_0, %arg1 : i32, i32, i32
  }
  func.func @transform_2(%arg0: i32, %arg1: i32) -> (i32, i32, i32) {
    %c0_i32 = arith.constant 0 : i32
    %c0_i32_0 = arith.constant 0 : i32
    %c0_i32_1 = arith.constant 0 : i32
    return %c0_i32, %arg0, %c0_i32_0 : i32, i32, i32
  }
  func.func @transform_3(%arg0: i32, %arg1: i32) -> (i32, i32, i32) {
    %c0_i32 = arith.constant 0 : i32
    %c0_i32_0 = arith.constant 0 : i32
    return %arg1, %arg0, %c0_i32 : i32, i32, i32
  }
}

module attributes {stable_mosaic.version = 14 : i64} {
  func.func @body(%arg0: i32, %arg1: memref<2x1000x128xf32, #tpu.memory_space<vmem>>, %arg2: memref<2x1000x128xf32, #tpu.memory_space<vmem>>, %arg3: memref<2x1000x128xf32, #tpu.memory_space<vmem>>, %arg4: memref<2x1x128xf32, #tpu.memory_space<vmem>>, %arg5: memref<2x1x128xf32, #tpu.memory_space<vmem>>, %arg6: memref<2x1x128xf32, #tpu.memory_space<vmem>>, %arg7: memref<1000x256xf32, #tpu.memory_space<vmem>>) attributes {dimension_semantics = [#tpu.dimension_semantics<arbitrary>], iteration_bounds = array<i64: 10>, scalar_prefetch = 0 : i64, scratch_operands = 0 : i64, tpu.core_type = #tpu.core_type<tc>, window_params = [{transform_indices = @transform_0, window_bounds = array<i64: 2, 1000, 128>}, {transform_indices = @transform_1, window_bounds = array<i64: 2, 1000, 128>}, {transform_indices = @transform_2, window_bounds = array<i64: 2, 1000, 128>}, {pipeline_mode = #tpu.pipeline_mode<synchronous>, transform_indices = @transform_3, window_bounds = array<i64: 2, 1, 128>}, {pipeline_mode = #tpu.pipeline_mode<synchronous>, transform_indices = @transform_4, window_bounds = array<i64: 2, 1, 128>}, {pipeline_mode = #tpu.pipeline_mode<synchronous>, transform_indices = @transform_5, window_bounds = array<i64: 2, 1, 128>}, {transform_indices = @transform_6, window_bounds = array<i64: 1000, 256>}]} {
    %get3A = arith.constant 0 : index
    %get3A_0 = arith.constant 0 : index
    %get3A_1 = arith.constant 0 : index
    %get3A_2 = vector.load %arg3[%get3A, %get3A_0, %get3A_1] : memref<2x1000x128xf32, #tpu.memory_space<vmem>>, vector<1x1000x1xf32>
    %get3A_3 = vector.shape_cast %get3A_2 : vector<1x1000x1xf32> to vector<1000x1xf32>
    %get3A_4 = arith.constant 1 : index
    %get3A_5 = arith.constant 0 : index
    %get3A_6 = arith.constant 0 : index
    %get3A_7 = vector.load %arg3[%get3A_4, %get3A_5, %get3A_6] : memref<2x1000x128xf32, #tpu.memory_space<vmem>>, vector<1x1000x1xf32>
    %get3A_8 = vector.shape_cast %get3A_7 : vector<1x1000x1xf32> to vector<1000x1xf32>
    %add3A = arith.addf %get3A_3, %get3A_8 : vector<1000x1xf32>
    %add3A_9 = arith.constant 1.000000e+00 : f32
    %add3A_10 = vector.broadcast %add3A_9 : f32 to vector<1000x1xf32>
    %add3A_11 = arith.addf %add3A, %add3A_10 : vector<1000x1xf32>
    %rsqrt3A = math.rsqrt %add3A_11 : vector<1000x1xf32>
    %get3A_12 = arith.constant 0 : index
    %get3A_13 = arith.constant 0 : index
    %get3A_14 = arith.constant 0 : index
    %get3A_15 = vector.load %arg1[%get3A_12, %get3A_13, %get3A_14] : memref<2x1000x128xf32, #tpu.memory_space<vmem>>, vector<2x1000x128xf32>
    %get3A_16 = arith.constant 0 : index
    %get3A_17 = arith.constant 0 : index
    %get3A_18 = arith.constant 0 : index
    %get3A_19 = vector.load %arg2[%get3A_16, %get3A_17, %get3A_18] : memref<2x1000x128xf32, #tpu.memory_space<vmem>>, vector<2x1000x128xf32>
    %add3A_20 = arith.addf %get3A_15, %get3A_19 : vector<2x1000x128xf32>
    %broadcast_in_dim3A = vector.shape_cast %rsqrt3A : vector<1000x1xf32> to vector<1x1000x1xf32>
    %mul3A = vector.broadcast %broadcast_in_dim3A : vector<1x1000x1xf32> to vector<2x1000x128xf32>
    %mul3A_21 = arith.mulf %add3A_20, %mul3A : vector<2x1000x128xf32>
    %get3A_22 = arith.constant 0 : index
    %get3A_23 = arith.constant 0 : index
    %get3A_24 = arith.constant 0 : index
    %get3A_25 = vector.load %arg4[%get3A_22, %get3A_23, %get3A_24] : memref<2x1x128xf32, #tpu.memory_space<vmem>>, vector<2x1x128xf32>
    %add3A_26 = vector.broadcast %get3A_25 : vector<2x1x128xf32> to vector<2x1000x128xf32>
    %add3A_27 = arith.addf %mul3A_21, %add3A_26 : vector<2x1000x128xf32>
    %max3A = arith.constant 0.000000e+00 : f32
    %max3A_28 = vector.broadcast %max3A : f32 to vector<2x1000x128xf32>
    %max3A_29 = arith.maximumf %add3A_27, %max3A_28 : vector<2x1000x128xf32>
    %reduce_sum3A = arith.constant dense<0.000000e+00> : vector<1000xf32>
    %reduce_sum3A_30 = vector.multi_reduction <add>, %max3A_29, %reduce_sum3A [0, 2] : vector<2x1000x128xf32> to vector<1000xf32>
    %broadcast_in_dim3A_31 = vector.shape_cast %reduce_sum3A_30 : vector<1000xf32> to vector<1x1000x1xf32>
    %div3A = arith.constant 2.560000e+02 : f32
    %div3A_32 = vector.broadcast %div3A : f32 to vector<1x1000x1xf32>
    %div3A_33 = arith.divf %broadcast_in_dim3A_31, %div3A_32 : vector<1x1000x1xf32>
    %sub3A = vector.broadcast %div3A_33 : vector<1x1000x1xf32> to vector<2x1000x128xf32>
    %sub3A_34 = arith.subf %max3A_29, %sub3A : vector<2x1000x128xf32>
    %mul3A_35 = arith.mulf %sub3A_34, %sub3A_34 : vector<2x1000x128xf32>
    %reduce_sum3A_36 = arith.constant dense<0.000000e+00> : vector<1000xf32>
    %reduce_sum3A_37 = vector.multi_reduction <add>, %mul3A_35, %reduce_sum3A_36 [0, 2] : vector<2x1000x128xf32> to vector<1000xf32>
    %broadcast_in_dim3A_38 = vector.shape_cast %reduce_sum3A_37 : vector<1000xf32> to vector<1x1000x1xf32>
    %div3A_39 = arith.constant 2.560000e+02 : f32
    %div3A_40 = vector.broadcast %div3A_39 : f32 to vector<1x1000x1xf32>
    %div3A_41 = arith.divf %broadcast_in_dim3A_38, %div3A_40 : vector<1x1000x1xf32>
    %add3A_42 = arith.constant 9.99999974E-6 : f32
    %add3A_43 = vector.broadcast %add3A_42 : f32 to vector<1x1000x1xf32>
    %add3A_44 = arith.addf %div3A_41, %add3A_43 : vector<1x1000x1xf32>
    %rsqrt3A_45 = math.rsqrt %add3A_44 : vector<1x1000x1xf32>
    %mul3A_46 = vector.broadcast %rsqrt3A_45 : vector<1x1000x1xf32> to vector<2x1000x128xf32>
    %mul3A_47 = arith.mulf %sub3A_34, %mul3A_46 : vector<2x1000x128xf32>
    %get3A_48 = arith.constant 0 : index
    %get3A_49 = arith.constant 0 : index
    %get3A_50 = arith.constant 0 : index
    %get3A_51 = vector.load %arg5[%get3A_48, %get3A_49, %get3A_50] : memref<2x1x128xf32, #tpu.memory_space<vmem>>, vector<2x1x128xf32>
    %mul3A_52 = vector.broadcast %get3A_51 : vector<2x1x128xf32> to vector<2x1000x128xf32>
    %mul3A_53 = arith.mulf %mul3A_47, %mul3A_52 : vector<2x1000x128xf32>
    %get3A_54 = arith.constant 0 : index
    %get3A_55 = arith.constant 0 : index
    %get3A_56 = arith.constant 0 : index
    %get3A_57 = vector.load %arg6[%get3A_54, %get3A_55, %get3A_56] : memref<2x1x128xf32, #tpu.memory_space<vmem>>, vector<2x1x128xf32>
    %add3A_58 = vector.broadcast %get3A_57 : vector<2x1x128xf32> to vector<2x1000x128xf32>
    %add3A_59 = arith.addf %mul3A_53, %add3A_58 : vector<2x1000x128xf32>
    %slice3A = vector.extract_strided_slice %add3A_59 {offsets = [0, 0, 0], sizes = [1, 1000, 128], strides = [1, 1, 1]} : vector<2x1000x128xf32> to vector<1x1000x128xf32>
    %squeeze3A = vector.shape_cast %slice3A : vector<1x1000x128xf32> to vector<1000x128xf32>
    %slice3A_60 = vector.extract_strided_slice %add3A_59 {offsets = [1, 0, 0], sizes = [1, 1000, 128], strides = [1, 1, 1]} : vector<2x1000x128xf32> to vector<1x1000x128xf32>
    %squeeze3A_61 = vector.shape_cast %slice3A_60 : vector<1x1000x128xf32> to vector<1000x128xf32>
    %concatenate3A = tpu.concatenate %squeeze3A, %squeeze3A_61 in 1 : vector<1000x128xf32>, vector<1000x128xf32> -> vector<1000x256xf32>
    %swap3A = arith.constant 0 : index
    %swap3A_62 = arith.constant 0 : index
    %swap3A_63 = vector.load %arg7[%swap3A, %swap3A_62] : memref<1000x256xf32, #tpu.memory_space<vmem>>, vector<1000x256xf32>
    tpu.vector_store %arg7[%swap3A, %swap3A_62], %concatenate3A {strides = array<i32>} : memref<1000x256xf32, #tpu.memory_space<vmem>>, vector<1000x256xf32>,
    return
  }
  func.func @transform_0(%arg0: i32) -> (i32, i32, i32) {
    %c0_i32 = arith.constant 0 : i32
    %c0_i32_0 = arith.constant 0 : i32
    %c0_i32_1 = arith.constant 0 : i32
    return %c0_i32, %arg0, %c0_i32_0 : i32, i32, i32
  }
  func.func @transform_1(%arg0: i32) -> (i32, i32, i32) {
    %c0_i32 = arith.constant 0 : i32
    %c0_i32_0 = arith.constant 0 : i32
    %c0_i32_1 = arith.constant 0 : i32
    return %c0_i32, %arg0, %c0_i32_0 : i32, i32, i32
  }
  func.func @transform_2(%arg0: i32) -> (i32, i32, i32) {
    %c0_i32 = arith.constant 0 : i32
    %c0_i32_0 = arith.constant 0 : i32
    %c0_i32_1 = arith.constant 0 : i32
    return %c0_i32, %arg0, %c0_i32_0 : i32, i32, i32
  }
  func.func @transform_3(%arg0: i32) -> (i32, i32, i32) {
    %c0_i32 = arith.constant 0 : i32
    %c0_i32_0 = arith.constant 0 : i32
    %c0_i32_1 = arith.constant 0 : i32
    %c0_i32_2 = arith.constant 0 : i32
    return %c0_i32, %c0_i32_0, %c0_i32_1 : i32, i32, i32
  }
  func.func @transform_4(%arg0: i32) -> (i32, i32, i32) {
    %c0_i32 = arith.constant 0 : i32
    %c0_i32_0 = arith.constant 0 : i32
    %c0_i32_1 = arith.constant 0 : i32
    %c0_i32_2 = arith.constant 0 : i32
    return %c0_i32, %c0_i32_0, %c0_i32_1 : i32, i32, i32
  }
  func.func @transform_5(%arg0: i32) -> (i32, i32, i32) {
    %c0_i32 = arith.constant 0 : i32
    %c0_i32_0 = arith.constant 0 : i32
    %c0_i32_1 = arith.constant 0 : i32
    %c0_i32_2 = arith.constant 0 : i32
    return %c0_i32, %c0_i32_0, %c0_i32_1 : i32, i32, i32
  }
  func.func @transform_6(%arg0: i32) -> (i32, i32) {
    %c0_i32 = arith.constant 0 : i32
    %c0_i32_0 = arith.constant 0 : i32
    return %arg0, %c0_i32 : i32, i32
  }
}

</mosaic_0001>

<sc_bundles>
// kernel: kernel.12.cloned.1.call-start
scs
__scs_entry_jumppad:
0x0: {  	(pc) =	sbr.rel $0x88, $3  }
0x1: {  	(tag) =	ssettag $0x0;
	lr =	simm.s32 $0x1  }
0x2: {  	[smem:$0x3F97] =	sst lr;
	_ =	strace $0xD0000000  }
0x3: {  	_ = 	snop  }
0x4: {  	_ = 	snop  }
0x5: {  	_ = 	snop  }
0x6: {  	_ = 	snop  }
0x7: {  	_ = 	snop  }
__scs_overlays_trampoline_lowered:
0x8: {  	[smem:$0x3FA6] =	sst s0  }
0x9: {  	[smem:$0x3FA7] =	sst s1  }
0xa: {  	[smem:$0x3FA8] =	sst s2  }
0xb: {  	[smem:$0x3FA9] =	sst s3  }
0xc: {  	[smem:$0x3FAA] =	sst s4  }
0xd: {  	[smem:$0x3FAB] =	sst s5  }
0xe: {  	[smem:$0x3FAC] =	sst s6  }
0xf: {  	[smem:$0x3FAD] =	sst s7  }
0x10: {  	[smem:$0x3FAE] =	sst s8  }
0x11: {  	[smem:$0x3FAF] =	sst s9;
	s0 =	simm.s32 @!p0 $0x0  }
0x12: {  	s1 =	sld [smem:$0x3F95];
	s0 =	simm.s32 @p0 $0x1  }
0x13: {  	[smem:$0x3FB0] =	sst s0;
	s0 =	simm.s32 @!p1 $0x0  }
0x14: {  	s2 =	sld [smem:$0x3F94];
	s0 =	simm.s32 @p1 $0x1  }
0x15: {  	[smem:$0x3FB1] =	sst s0;
	s0 =	simm.s32 @!p2 $0x0  }
0x16: {  	s3 =	sld [smem:$0x3FDB];
	s0 =	simm.s32 @p2 $0x1  }
0x17: {  	s4 =	simm.s32 $0x1BF5;
	[smem:$0x3FB3] =	sst s0  }
0x18: {  	s0 =	sld [smem:$0x3F96];
	_ =	swait.ge [sflag:s4], $0x0  }
0x19: {  	s7 =	sld [smem:$0x3F97]  }
0x1a: {  	s8 =	sadd.s32 $0xFFFFE003, lr  }
0x1b: {  	s9 =	sadd.s32 $0xFFFFFEF7, lr;
	s5 =	simm.s32 $0xFFFFFFFF;
	p2 =	slt.u32 s8, $0xFFFFF086  }
0x1c: {  	p1 =	slt.u32 s9, $0xF7A;
	s5 =	simm.s32 @!p2 $0x0  }
0x1d: {  	s5 =	simm.s32 @p1 $0x1;
	p0 =	seq.s32 s7, s2  }
0x1e: {  	s7 =	smul.u32 @!p0 $0xF7A, s2;
	p2 =	seq.s32 @!p0 s5, $0x0  }
0x1f: {  	s9 =	smul.u32 $0xF7A, s1;
	s8 =	simm.s32 @!p0 $0x1BF5;
	p2 =	por !p2, p0  }
0x20: {  	[sflag:s8] =	ssyncset.s32 @!p0 $0xFFFFF086;
	s6 =	sadd.s32 @!p0 s3, s7;
	s7 =	simm.s32 @!p0 $0x108  }
0x21: {  	s3 =	sadd.s32 s3, s9;
	s6 =	sadd.s32 @!p0 $0x88, s6;
	s7 =	simm.s32 @p2 $0x1082  }
0x22: {  	[simem:s7], [sflag:s8] =	dma.local @!p0 [hbm:s6], $0xF7A  }
0x23: {  	s9 =	sor.u32 $0xD0000000, s2;
	s6 =	simm.s32 $0x108;
	_ =	swait.ge @!p0 [sflag:s8], $0x0  }
0x24: {  	s3 =	sadd.s32 $0x88, s3;
	s6 =	simm.s32 @!p1 $0x1082;
	[sflag:s4] =	ssyncset.s32 $0xFFFFF086  }
0x25: {  	[simem:s6], [sflag:s4] =	dma.local [hbm:s3], $0xF7A  }
0x26: {  	[smem:$0x3F97] =	sst s1;
	(tag) =	ssettag s2;
	_ =	strace s9  }
0x27: {  	s1 =	sld [smem:$0x3FA7]  }
0x28: {  	s2 =	sld [smem:$0x3FA8]  }
0x29: {  	s4 =	sld [smem:$0x3FAA]  }
0x2a: {  	p0 =	seq.s32 s5, $0x0;
	s5 =	sld [smem:$0x3FAB]  }
0x2b: {  	s6 =	sld [smem:$0x3FAC]  }
0x2c: {  	s7 =	sld [smem:$0x3FAD]  }
0x2d: {  	s3 =	simm.s32 $0x108;
	s8 =	sld [smem:$0x3FAE]  }
0x2e: {  	s3 =	simm.s32 @!p0 $0x1082;
	s9 =	sld [smem:$0x3FAF]  }
0x2f: {  	lr =	sadd.s32 s0, s3;
	s0 =	sld [smem:$0x3FA6]  }
0x30: {  	s3 =	sld [smem:$0x3FA9]  }
0x31: {  	[smem:$0x3FB2] =	sst s10  }
0x32: {  	s10 =	sld [smem:$0x3FB0];
	_ =	sdelay $0x3  }
0x33: {  	p0 =	seq.s32 s10, $0x1;
	s10 =	sld [smem:$0x3FB2];
	_ =	sdelay $0x3  }
0x34: {  	[smem:$0x3FB2] =	sst s10  }
0x35: {  	s10 =	sld [smem:$0x3FB1];
	_ =	sdelay $0x3  }
0x36: {  	p1 =	seq.s32 s10, $0x1;
	s10 =	sld [smem:$0x3FB2];
	_ =	sdelay $0x3  }
0x37: {  	[smem:$0x3FB2] =	sst s10  }
0x38: {  	s10 =	sld [smem:$0x3FB3]  }
0x39: {  	_ = 	snop;
	(pc) =	sbr.ind lr, $3  }
0x3a: {  	_ = 	snop  }
0x3b: {  	_ = 	snop  }
0x3c: {  	p2 =	seq.s32 s10, $0x1;
	s10 =	sld [smem:$0x3FB2]  }
0x3d: {  	_ =	shalt  }
0x3e: {  	_ =	shalt  }
0x3f: {  	_ =	shalt  }
0x40: {  	_ =	shalt  }
0x41: {  	_ =	shalt  }
0x42: {  	_ =	shalt  }
0x43: {  	_ =	shalt  }
0x44: {  	_ =	shalt  }
0x45: {  	_ =	shalt  }
0x46: {  	_ =	shalt  }
0x47: {  	_ =	shalt  }
0x48: {  	_ =	shalt  }
0x49: {  	_ =	shalt  }
0x4a: {  	_ =	shalt  }
0x4b: {  	_ =	shalt  }
0x4c: {  	_ =	shalt  }
0x4d: {  	_ =	shalt  }
0x4e: {  	_ =	shalt  }
0x4f: {  	_ =	shalt  }
0x50: {  	_ =	shalt  }
0x51: {  	_ =	shalt  }
0x52: {  	_ =	shalt  }
0x53: {  	_ =	shalt  }
0x54: {  	_ =	shalt  }
0x55: {  	_ =	shalt  }
0x56: {  	_ =	shalt  }
0x57: {  	_ =	shalt  }
0x58: {  	_ =	shalt  }
0x59: {  	_ =	shalt  }
0x5a: {  	_ =	shalt  }
0x5b: {  	_ =	shalt  }
0x5c: {  	_ =	shalt  }
0x5d: {  	_ =	shalt  }
0x5e: {  	_ =	shalt  }
0x5f: {  	_ =	shalt  }
0x60: {  	_ =	shalt  }
0x61: {  	_ =	shalt  }
0x62: {  	_ =	shalt  }
0x63: {  	_ =	shalt  }
0x64: {  	_ =	shalt  }
0x65: {  	_ =	shalt  }
0x66: {  	_ =	shalt  }
0x67: {  	_ =	shalt  }
0x68: {  	_ =	shalt  }
0x69: {  	_ =	shalt  }
0x6a: {  	_ =	shalt  }
0x6b: {  	_ =	shalt  }
0x6c: {  	_ =	shalt  }
0x6d: {  	_ =	shalt  }
0x6e: {  	_ =	shalt  }
0x6f: {  	_ =	shalt  }
0x70: {  	_ =	shalt  }
0x71: {  	_ =	shalt  }
0x72: {  	_ =	shalt  }
0x73: {  	_ =	shalt  }
0x74: {  	_ =	shalt  }
0x75: {  	_ =	shalt  }
0x76: {  	_ =	shalt  }
0x77: {  	_ =	shalt  }
0x78: {  	_ =	shalt  }
0x79: {  	_ =	shalt  }
0x7a: {  	_ =	shalt  }
0x7b: {  	_ =	shalt  }
0x7c: {  	_ =	shalt  }
0x7d: {  	_ =	shalt  }
0x7e: {  	_ =	shalt  }
0x7f: {  	_ =	shalt  }
0x80: {  	_ =	shalt  }
0x81: {  	_ =	shalt  }
0x82: {  	_ =	shalt  }
0x83: {  	_ =	shalt  }
0x84: {  	_ =	shalt  }
0x85: {  	_ =	shalt  }
0x86: {  	_ =	shalt  }
0x87: {  	_ =	shalt  }
.Lfunc_end0:
.L_simem_size_0:
called_computation.1_lowered:
.L_overlay_start_0:
0x88: {  	s2 =	sld [smem:$0x3FD9]  }
0x89: {  	s3 =	sld [smem:$0x3FFE];
	_ =	sdelay $0x1  }
0x8a: {  	s1 =	srdreg.scid  }
0x8b: {  	s0 =	sand.u32 $0x1, s1  }
0x8c: {  	s16 =	sshll.u32 s0, $0xA;
	s2 =	sadd.s32 s3, s2  }
0x8d: {  	s2 =	sadd.s32 s2, s16  }
0x8e: {  	[smem:$0x3FBE] =	sst s2  }
0x8f: {  	_ = 	snop  }
0x90: {  	(tm) =	ssettm $0x1  }
0x91: {  	s17 =	sld [smem:$0x3FFB];
	_ =	sdelay $0x3  }
0x92: {  	_ =	strace s17  }
0x93: {  	s2 =	sld [smem:$0x3FFC];
	_ =	sdelay $0x3  }
0x94: {  	_ =	strace s2  }
0x95: {  	s2 =	sld [smem:$0x3FFD];
	_ =	sdelay $0x3  }
0x96: {  	_ =	strace s2  }
0x97: {  	_ =	strace $0x8FFFFFFF  }
0x98: {  	s18 =	sld [smem:$0x3FDB];
	_ =	sdelay $0x1  }
0x99: {  	s19 =	simm.s32 $_scs_section_size  }
0x9a: {  	s4 =	simm.s32 $_size__tile_overlayer_lowered;
	s5 =	simm.s32 $_tile_overlayer_lowered  }
0x9b: {  	s22 =	simm.s32 $0x1BFF;
	s21 =	sshll.u32 s5, $0x1;
	s2 =	sadd.s32 s19, s18  }
0x9c: {  	s6 =	simm.s32 $0x0;
	s20 =	sshll.u32 s4, $0x1;
	s4 =	sadd.s32 s21, s2  }
0x9d: {  	[timem:s6], [sflag:s22] =	dma.local [hbm:s4], s20  }
0x9e: {  	_ =	swait.ge [sflag:s22], s20  }
0x9f: {  	s3 =	ssub.s32 $0x0, s20;
	[sflag:s22] =	ssyncset.done $0x0  }
0xa0: {  	[sflag:s22] =	ssyncadd.s32 s3;
	_ =	sdelay $0x1  }
0xa1: {  	s23 =	simm.s32 $0x1B8B  }
0xa2: {  	_ =	swait.ge [sflag:s23], $0x1  }
0xa3: {  	[sflag:s23] =	ssyncset.done $0x0  }
0xa4: {  	s25 =	simm.s32 $0x1B8E;
	s24 =	sld [smem:$0x3FFE];
	[sflag:s23] =	ssyncadd.s32 $0xFFFFFFFF  }
0xa5: {  	s26 =	simm.s32 $execute0_lowered;
	[smem:$0x3FD2] =	sst s25  }
0xa6: {  	s4 =	sshll.u32 s26, $0x1;
	_ =	strace $0x80000049;
	[dreg:$0x1] =	wrdreg $0xFFFFFFFF  }
0xa7: {  	s28 =	simm.s32 $_size_execute0_lowered;
	s2 =	sadd.s32 s2, s4;
	[dreg:$0x0] =	wrdreg $0x0  }
0xa8: {  	s4 =	sshll.u32 s28, $0x1;
	[dreg:$0x2] =	wrdreg s2  }
0xa9: {  	[dreg:$0x3] =	wrdreg s4  }
0xaa: {  	[dreg:$0x4] =	wrdreg $0xC0  }
0xab: {  	_ =	task [dreg:s6], $0x5FFFF  }
0xac: {  	[dreg:$0x1] =	wrdreg $0xFFFFFFFF  }
0xad: {  	[dreg:$0x0] =	wrdreg $0x60  }
0xae: {  	[dreg:$0x2] =	wrdreg s24  }
0xaf: {  	[dreg:$0x3] =	wrdreg $0x82000  }
0xb0: {  	[dreg:$0x4] =	wrdreg $0x9  }
0xb1: {  	_ =	task.clear_ibuf [dreg:s6], $0x5FFFF;
	_ =	strace $0x90000049  }
0xb2: {  	s29 =	simm.s32 $0x9;
	_ =	strace $0x8000004B  }
0xb3: {  	_ =	swait.ge [sflag:s29], $0x1  }
0xb4: {  	[sflag:s29] =	ssyncadd.s32 $0xFFFFFFFF  }
0xb5: {  	_ =	strace $0x9000004B  }
0xb6: {  	_ =	sfence  }
0xb7: {  	s30 =	sld [smem:$0x0];
	_ =	sdelay $0x2  }
0xb8: {  	s31 =	sshll.u32 s1, $0xD;
	s1 =	sshrl.u32 s1, $0x2  }
0xb9: {  	s3 =	sand.u32 $0x4000, s31;
	s1 =	sadd.s32 s1, s30  }
0xba: {  	s0 =	sor.u32 s3, s0;
	s1 =	sshll.u32 s1, $0x11  }
0xbb: {  	s0 =	sor.u32 s1, s0  }
0xbc: {  	s0 =	sadd.s32 $0x8F2B, s0  }
0xbd: {  	[sflag:s0] =	ssyncadd.remote.s32 $0x1  }
0xbe: {  	_ =	sfence.sel $0xFFFF  }
0xbf: {  	[dreg:$0x0] =	wrdreg $0xFFFFFFFF;
	(pc) =	sbr.abs _section_cstart, $3  }
0xc0: {  	[dreg:$0x1] =	wrdreg $0xFFFFFFFF  }
0xc1: {  	_ =	task.clear_ibuf [dreg:s6], $0x2FFFF;
	_ =	strace $0x9FFFFFFF  }
0xc2: {  	(tm) =	ssettm $0x7FFFFFFF  }
0xc3: {  	_ =	shalt  }
tec
execute0_lowered:
.L_overlay_start_1:
0x0: {  	(tag) =	ssettag $0x1  }
0x1: {  	s0 =	rddreg [dreg:$0x0]  }
0x2: {  	s1 =	rddreg [dreg:$0x1];
	s3 =	simm.s32 $0x0;
	s2 =	stileid.u32  }
0x3: {  	s6 =	srdreg.scid;
	s28 =	simm.s32 $0x200;
	s29 =	simm.s32 $0x4  }
0x4: {  	s30 =	simm.s32 $0x180;
	s31 =	simm.s32 $0x4200;
	s12 =	smul.u32 $0x2780, s2  }
0x5: {  	[smem:$0x7FF] =	sst s3;
	s4 =	sadd.s32 $0x81C00, s0;
	s19 =	smul.u32 $0x4F000, s2  }
0x6: {  	s5 =	sshll.u32 s2, $0x4;
	s14 =	sadd.s32 $0x11E000, s0;
	s9 =	smul.u32 $0x13C00, s2  }
0x7: {  	s13 =	sand.u32 $0x1, s6;
	s16 =	sadd.s32 $0x16A180, s0;
	s22 =	sadd.s32 $0x143080, s0  }
0x8: {  	s23 =	sadd.s32 $0x191280, s0;
	p1 =	seq.s32 s2, $0xF;
	p2 =	sgt.u32 s2, $0x1  }
0x9: {  	_ =	strace $0x8000004A;
	s10 =	sadd.s32 s5, s0;
	[dreg:$0x3] =	wrdreg s16  }
0xa: {  	s7 =	ssub.s32 $0x2, s13;
	[dreg:$0x5] =	wrdreg s22;
	s16 =	sadd.s32 $0xCFE00, s0  }
0xb: {  	[dreg:$0x7] =	wrdreg s23;
	s23 =	sor.u32 $0x20, s2;
	p0 =	sne.s32 s13, $0x0  }
0xc: {  	s20 =	sadd.s32 s12, s0;
	s8 =	sshrl.u32 s7, $0x1;
	s5 =	sshrl.u32 s19, $0x2  }
0xd: {  	s11 =	sshrl.u32 s9, $0x3;
	s9 =	sadd.s32 $0x2800, s10;
	s10 =	sadd.s32 $0x7800, s10  }
0xe: {  	s12 =	sadd.s32 s14, s12;
	s19 =	sadd.s32 $0xF6F00, s0;
	s15 =	ssub.s32 s7, s8  }
0xf: {  	s5 =	sadd.s32 s5, s1;
	s8 =	sadd.s32 $0x31880, s0;
	s17 =	sadd.s32 s14, s11  }
0x10: {  	s11 =	sadd.s32 $0xA8D00, s0;
	[dreg:$0x6] =	wrdreg s12;
	s0 =	sadd.s32 $0x1B8380, s0  }
0x11: {  	s6 =	sadd.s32 $0xC800, s20;
	s21 =	sadd.s32 $0x27100, s17;
	[dreg:$0x9] =	wrdreg s0  }
.Ltmp0:
0x12: {  	s24 =	sadd.s32 $0x4E200, s17;
	[dreg:$0x4] =	wrdreg s21;
	(pc) =	sbr.rel .LBB2_1-.Ltmp0, $4  }
0x13: {  	s7 =	sadd.s32 $0x128400, s1;
	s25 =	sadd.s32 $0x75300, s17;
	[dreg:$0x8] =	wrdreg s24  }
0x14: {  	s12 =	simm.s32 $0x2;
	s26 =	smax.u32 s15, $0x1;
	[dreg:$0xa] =	wrdreg s25  }
0x15: {  	s0 =	simm.s32 $0x1;
	s17 =	simm.s32 $0x0;
	[dreg:$0xb] =	wrdreg s26  }
0x16: {  	s24 =	simm.s32 $0x3;
	s25 =	simm.s32 $0x100;
	s26 =	simm.s32 $0x80  }
.LBB2_29:
0x17: {  	s13 =	sshrl.u32 s7, $0x3;
	s14 =	rddreg [dreg:$0x9];
	s15 =	simm.s32 $0x1FC3  }
0x18: {  	[hbm:s14], [sflag:s15] =	dma.local [spmem:s13], $0x2080  }
0x19: {  	_ =	swait.ge [sflag:s24], $0x2080  }
0x1a: {  	[sflag:s24] =	ssyncset.done $0x0  }
0x1b: {  	[sflag:s24] =	ssyncadd.s32 $0xFFFFDF80  }
.LBB2_30:
0x1c: {  	s17 =	sadd.s32 $0x1, s17;
	s13 =	rddreg [dreg:$0xb]  }
0x1d: {  	p3 =	sne.s32 s17, s13  }
.Ltmp1:
0x1e: {  	_ = 	snop;
	(pc) =	sbr.rel @!p3 .LBB2_31-.Ltmp1, $1  }
0x1f: {  	_ =	sdelay $0x3  }
.LBB2_1:
.Ltmp2:
0x20: {  	(pc) =	sbr.rel @p0 .LBB2_6-.Ltmp2, $3  }
0x21: {  	_ =	sdelay $0x1  }
0x22: {  	s14 =	sshll.u32 @!p1 s2, $0x6  }
0x23: {  	s15 =	sshrl.u32 @p1 s7, $0x3;
	s13 =	sshrl.u32 @!p1 s5, $0x3;
	s14 =	sor.u32 @!p1 $0x1C03, s14  }
0x24: {  	s20 =	simm.s32 @p1 $0x1FC3  }
0x25: {  	[spmem:s15], [sflag:s20] =	dma.local @p1 [hbm:s8], $0x2080  }
0x26: {  	s15 =	simm.s32 @p1 $0x3  }
0x27: {  	_ =	swait.ge @p1 [sflag:s15], $0x2080  }
0x28: {  	[sflag:s15] =	ssyncset.done @p1 $0x0  }
0x29: {  	[sflag:s15] =	ssyncadd.s32 @p1 $0xFFFFDF80  }
0x2a: {  	[spmem:s13], [sflag:s14] =	dma.local @!p1 [hbm:s6], $0x2780  }
0x2b: {  	s13 =	simm.s32 @!p1 $0x3  }
0x2c: {  	_ =	swait.ge @!p1 [sflag:s13], $0x2780  }
0x2d: {  	[sflag:s13] =	ssyncset.done @!p1 $0x0  }
0x2e: {  	[sflag:s13] =	ssyncadd.s32 @!p1 $0xFFFFD880  }
0x2f: {  	s20 =	simm.s32 $0x0;
	[bflag:$0x0] =	sbarrier.arrive $0xFFFF  }
0x30: {  	[tilespmem:s20], [sflag:$0x3] =	stream.linear.gather [hbm4b:s9+s20], $0x80, $0x38;
	[tilespmem:$0x1BA80] =	vst v63  }
0x31: {  	_ =	swait.ge [sflag:s24], $0x80  }
0x32: {  	[sflag:s24] =	ssyncset.done $0x0  }
0x33: {  	[sflag:s24] =	ssyncadd.s32 $0xFFFFFF80  }
0x34: {  	[tilespmem:s25], [sflag:$0x3] =	stream.linear.gather [hbm4b:s10+s20], $0x80, $0x38;
	[tilespmem:$0x1BA80] =	vst v63  }
0x35: {  	_ =	swait.ge [sflag:s24], $0x80  }
0x36: {  	[sflag:s24] =	ssyncset.done $0x0  }
0x37: {  	s21 =	sadd.s32 $0x0, s9;
	[sflag:s24] =	ssyncadd.s32 $0xFFFFFF80  }
0x38: {  	[tilespmem:s28], [sflag:$0x1] =	stream.indirect.gather [hbm4b:s4+s26], $0x80, s20, s26, $0xb8;
	[tilespmem:$0x1BA80] =	vst v63  }
0x39: {  	s13 =	sadd.s32 $0x100, s21  }
0x3a: {  	[tilespmem:s26], [sflag:$0x4] =	stream.linear.gather [hbm4b:s13+s3], $0x80, $0x38;
	[tilespmem:$0x1BA80] =	vst v63  }
0x3b: {  	_ =	swait.ge [sflag:s29], $0x80  }
0x3c: {  	s22 =	sadd.s32 $0x0, s10;
	[sflag:s29] =	ssyncset.done $0x0  }
0x3d: {  	s13 =	sadd.s32 $0x100, s22;
	[sflag:s29] =	ssyncadd.s32 $0xFFFFFF80  }
0x3e: {  	[tilespmem:s30], [sflag:$0x4] =	stream.linear.gather [hbm4b:s13+s3], $0x80, $0x38;
	[tilespmem:$0x1BA80] =	vst v63  }
0x3f: {  	_ =	swait.ge [sflag:s29], $0x80  }
0x40: {  	[sflag:s29] =	ssyncset.done $0x0  }
0x41: {  	[sflag:s29] =	ssyncadd.s32 $0xFFFFFF80  }
0x42: {  	[tilespmem:s31], [sflag:$0x2] =	stream.indirect.gather [hbm4b:s4+s26], $0x80, s26, s26, $0xb8;
	[tilespmem:$0x1BA80] =	vst v63  }
0x43: {  	_ =	swait.ge [sflag:s0], $0x4000  }
0x44: {  	[sflag:s0] =	ssyncset.done $0x0  }
0x45: {  	[sflag:s0] =	ssyncadd.s32 $0xFFFFC000  }
0x46: {  	[spmem:s1] =	stream.indirect.scatter.add.f32 [tilespmem:s28], [sflag:$0x4], $0x80, s25, s26, $0xb8;
	[tilespmem:$0x1BA80] =	vst v63  }
0x47: {  	p3 =	sgt.u32 s23, $0x4E1;
	_ =	swait.ge [sflag:s29], $0x4000  }
0x48: {  	s15 =	simm.s32 @!p3 $0x0;
	s13 =	sadd.s32 @!p3 $0x0, s9;
	[sflag:s29] =	ssyncset.done $0x0  }
0x49: {  	s14 =	simm.s32 @!p3 $0x4;
	s13 =	sadd.s32 @!p3 $0x200, s13;
	[sflag:s29] =	ssyncadd.s32 $0xFFFFC000  }
0x4a: {  	[tilespmem:s15], [sflag:$0x4] =	stream.linear.gather @!p3 [hbm4b:s13+s15], $0x80, $0x38;
	[tilespmem:$0x1BA80] =	vst v63  }
0x4b: {  	_ =	swait.ge @!p3 [sflag:s14], $0x80  }
0x4c: {  	s13 =	sadd.s32 @!p3 $0x0, s10;
	[sflag:s14] =	ssyncset.done @!p3 $0x0  }
0x4d: {  	s20 =	simm.s32 @!p3 $0x100;
	s13 =	sadd.s32 @!p3 $0x200, s13;
	[sflag:s14] =	ssyncadd.s32 @!p3 $0xFFFFFF80  }
0x4e: {  	[tilespmem:s20], [sflag:$0x4] =	stream.linear.gather @!p3 [hbm4b:s13+s15], $0x80, $0x38;
	[tilespmem:$0x1BA80] =	vst v63  }
0x4f: {  	_ =	swait.ge @!p3 [sflag:s14], $0x80  }
0x50: {  	[sflag:s14] =	ssyncset.done @!p3 $0x0  }
0x51: {  	s13 =	simm.s32 @!p3 $0x80;
	[sflag:s14] =	ssyncadd.s32 @!p3 $0xFFFFFF80;
	s14 =	simm.s32 @!p3 $0x200  }
0x52: {  	[tilespmem:s14], [sflag:$0x1] =	stream.indirect.gather @!p3 [hbm4b:s4+s13], $0x80, s15, s13, $0xb8;
	[tilespmem:$0x1BA80] =	vst v63  }
0x53: {  	_ =	swait.ge [sflag:s12], $0x4000  }
0x54: {  	[sflag:s12] =	ssyncset.done $0x0  }
0x55: {  	[sflag:s12] =	ssyncadd.s32 $0xFFFFC000  }
0x56: {  	[spmem:s1] =	stream.indirect.scatter.add.f32 [tilespmem:s31], [sflag:$0x3], $0x80, s30, s26, $0xb8;
	[tilespmem:$0x1BA80] =	vst v63  }
0x57: {  	s20 =	simm.s32 $0x200;
	s13 =	simm.s32 $0x400;
	_ =	swait.ge [sflag:s24], $0x4000  }
0x58: {  	s15 =	sadd.s32 $0x200, s9;
	s14 =	sadd.s32 $0x20, s23;
	[sflag:s24] =	ssyncset.done $0x0  }
.LBB2_3:
0x59: {  	s15 =	sadd.s32 $0x100, s15  }
0x5a: {  	[sflag:s24] =	ssyncadd.s32 $0xFFFFC000;
	s18 =	smov.u32 s13;
	s13 =	sadd.s32 $0x200, s13  }
0x5b: {  	[tilespmem:s26], [sflag:$0x4] =	stream.linear.gather [hbm4b:s15+s3], $0x80, $0x38;
	[tilespmem:$0x1BA80] =	vst v63  }
0x5c: {  	p4 =	sne.s32 s13, $0x4E00;
	_ =	swait.ge [sflag:s29], $0x80  }
0x5d: {  	s15 =	sadd.s32 s20, s10;
	[sflag:s29] =	ssyncset.done $0x0  }
0x5e: {  	s15 =	sadd.s32 $0x100, s15;
	[sflag:s29] =	ssyncadd.s32 $0xFFFFFF80  }
0x5f: {  	[tilespmem:s30], [sflag:$0x4] =	stream.linear.gather [hbm4b:s15+s3], $0x80, $0x38;
	[tilespmem:$0x1BA80] =	vst v63  }
0x60: {  	_ =	swait.ge [sflag:s29], $0x80  }
0x61: {  	[sflag:s29] =	ssyncset.done $0x0  }
0x62: {  	[sflag:s29] =	ssyncadd.s32 $0xFFFFFF80  }
0x63: {  	[tilespmem:s31], [sflag:$0x2] =	stream.indirect.gather [hbm4b:s4+s26], $0x80, s26, s26, $0xb8;
	[tilespmem:$0x1BA80] =	vst v63  }
0x64: {  	_ =	swait.ge [sflag:s0], $0x4000  }
0x65: {  	[sflag:s0] =	ssyncset.done $0x0  }
0x66: {  	[sflag:s0] =	ssyncadd.s32 $0xFFFFC000  }
0x67: {  	[spmem:s1] =	stream.indirect.scatter.add.f32 [tilespmem:s28], [sflag:$0x4], $0x80, s25, s26, $0xb8;
	[tilespmem:$0x1BA80] =	vst v63  }
0x68: {  	p5 =	sgt.u32 s14, $0x4E1;
	_ =	swait.ge [sflag:s29], $0x4000  }
0x69: {  	s21 =	simm.s32 @!p5 $0x4;
	s15 =	sadd.s32 @!p5 s20, s9;
	[sflag:s29] =	ssyncset.done $0x0  }
0x6a: {  	s22 =	simm.s32 @!p5 $0x0;
	s15 =	sadd.s32 @!p5 $0x200, s15;
	[sflag:s29] =	ssyncadd.s32 $0xFFFFC000  }
0x6b: {  	[tilespmem:s22], [sflag:$0x4] =	stream.linear.gather @!p5 [hbm4b:s15+s22], $0x80, $0x38;
	[tilespmem:$0x1BA80] =	vst v63  }
0x6c: {  	s15 =	sadd.s32 @!p5 s20, s10;
	s20 =	smov.u32 s18;
	_ =	swait.ge @!p5 [sflag:s21], $0x80  }
0x6d: {  	s15 =	sadd.s32 @!p5 $0x200, s15;
	[sflag:s21] =	ssyncset.done @!p5 $0x0  }
0x6e: {  	s18 =	simm.s32 @!p5 $0x100;
	[sflag:s21] =	ssyncadd.s32 @!p5 $0xFFFFFF80  }
0x6f: {  	[tilespmem:s18], [sflag:$0x4] =	stream.linear.gather @!p5 [hbm4b:s15+s22], $0x80, $0x38;
	[tilespmem:$0x1BA80] =	vst v63  }
0x70: {  	_ =	swait.ge @!p5 [sflag:s21], $0x80  }
0x71: {  	[sflag:s21] =	ssyncset.done @!p5 $0x0  }
0x72: {  	s15 =	simm.s32 @!p5 $0x80;
	s18 =	simm.s32 @!p5 $0x200;
	[sflag:s21] =	ssyncadd.s32 @!p5 $0xFFFFFF80  }
0x73: {  	[tilespmem:s18], [sflag:$0x1] =	stream.indirect.gather @!p5 [hbm4b:s4+s15], $0x80, s22, s15, $0xb8;
	[tilespmem:$0x1BA80] =	vst v63  }
0x74: {  	_ =	swait.ge [sflag:s12], $0x4000  }
.Ltmp3:
0x75: {  	[sflag:s12] =	ssyncset.done $0x0;
	(pc) =	sbr.rel @p4 .LBB2_3-.Ltmp3, $4  }
0x76: {  	[sflag:s12] =	ssyncadd.s32 $0xFFFFC000  }
0x77: {  	[spmem:s1] =	stream.indirect.scatter.add.f32 [tilespmem:s31], [sflag:$0x3], $0x80, s30, s26, $0xb8;
	[tilespmem:$0x1BA80] =	vst v63  }
0x78: {  	_ =	swait.ge [sflag:s24], $0x4000  }
0x79: {  	s14 =	sadd.s32 $0x20, s14;
	s15 =	sadd.s32 s20, s9;
	[sflag:s24] =	ssyncset.done $0x0  }
0x7a: {  	s13 =	sadd.s32 $0x100, s15;
	[sflag:s24] =	ssyncadd.s32 $0xFFFFC000  }
0x7b: {  	[tilespmem:s26], [sflag:$0x4] =	stream.linear.gather [hbm4b:s13+s3], $0x80, $0x38;
	[tilespmem:$0x1BA80] =	vst v63  }
0x7c: {  	_ =	swait.ge [sflag:s29], $0x80  }
0x7d: {  	s22 =	sadd.s32 s20, s10;
	[sflag:s29] =	ssyncset.done $0x0  }
0x7e: {  	s13 =	sadd.s32 $0x100, s22;
	[sflag:s29] =	ssyncadd.s32 $0xFFFFFF80  }
0x7f: {  	[tilespmem:s30], [sflag:$0x4] =	stream.linear.gather [hbm4b:s13+s3], $0x80, $0x38;
	[tilespmem:$0x1BA80] =	vst v63  }
0x80: {  	_ =	swait.ge [sflag:s29], $0x80  }
0x81: {  	[sflag:s29] =	ssyncset.done $0x0  }
0x82: {  	[sflag:s29] =	ssyncadd.s32 $0xFFFFFF80  }
0x83: {  	[tilespmem:s31], [sflag:$0x2] =	stream.indirect.gather [hbm4b:s4+s26], $0x80, s26, s26, $0xb8;
	[tilespmem:$0x1BA80] =	vst v63  }
0x84: {  	_ =	swait.ge [sflag:s0], $0x4000  }
0x85: {  	[sflag:s0] =	ssyncset.done $0x0  }
0x86: {  	[sflag:s0] =	ssyncadd.s32 $0xFFFFC000  }
0x87: {  	[spmem:s1] =	stream.indirect.scatter.add.f32 [tilespmem:s28], [sflag:$0x4], $0x80, s25, s26, $0xb8;
	[tilespmem:$0x1BA80] =	vst v63  }
0x88: {  	p4 =	sgt.u32 s14, $0x4E1;
	_ =	swait.ge [sflag:s29], $0x4000  }
0x89: {  	s14 =	simm.s32 @!p4 $0x4;
	s13 =	sadd.s32 @!p4 s20, s9;
	[sflag:s29] =	ssyncset.done $0x0  }
0x8a: {  	s15 =	simm.s32 @!p4 $0x0;
	s13 =	sadd.s32 @!p4 $0x200, s13;
	[sflag:s29] =	ssyncadd.s32 $0xFFFFC000  }
0x8b: {  	[tilespmem:s15], [sflag:$0x4] =	stream.linear.gather @!p4 [hbm4b:s13+s15], $0x80, $0x38;
	[tilespmem:$0x1BA80] =	vst v63  }
0x8c: {  	_ =	swait.ge @!p4 [sflag:s14], $0x80  }
0x8d: {  	s13 =	sadd.s32 @!p4 s20, s10;
	[sflag:s14] =	ssyncset.done @!p4 $0x0  }
0x8e: {  	s18 =	simm.s32 @!p4 $0x100;
	s13 =	sadd.s32 @!p4 $0x200, s13;
	[sflag:s14] =	ssyncadd.s32 @!p4 $0xFFFFFF80  }
0x8f: {  	[tilespmem:s18], [sflag:$0x4] =	stream.linear.gather @!p4 [hbm4b:s13+s15], $0x80, $0x38;
	[tilespmem:$0x1BA80] =	vst v63  }
0x90: {  	_ =	swait.ge @!p4 [sflag:s14], $0x80  }
0x91: {  	[sflag:s14] =	ssyncset.done @!p4 $0x0  }
0x92: {  	s13 =	simm.s32 @!p4 $0x80;
	[sflag:s14] =	ssyncadd.s32 @!p4 $0xFFFFFF80;
	s14 =	simm.s32 @!p4 $0x200  }
0x93: {  	[tilespmem:s14], [sflag:$0x1] =	stream.indirect.gather @!p4 [hbm4b:s4+s13], $0x80, s15, s13, $0xb8;
	[tilespmem:$0x1BA80] =	vst v63  }
0x94: {  	_ =	swait.ge [sflag:s12], $0x4000  }
0x95: {  	[sflag:s12] =	ssyncset.done $0x0  }
.Ltmp4:
0x96: {  	[sflag:s12] =	ssyncadd.s32 $0xFFFFC000;
	(pc) =	sbr.rel @p2 .LBB2_10-.Ltmp4, $4  }
0x97: {  	[spmem:s1] =	stream.indirect.scatter.add.f32 [tilespmem:s31], [sflag:$0x3], $0x80, s30, s26, $0xb8;
	[tilespmem:$0x1BA80] =	vst v63  }
0x98: {  	_ =	swait.ge [sflag:s24], $0x4000  }
0x99: {  	[sflag:s24] =	ssyncset.done $0x0  }
0x9a: {  	[sflag:s24] =	ssyncadd.s32 $0xFFFFC000  }
0x9b: {  	_ =	swait.ge [sflag:s0], $0x4000  }
0x9c: {  	[sflag:s0] =	ssyncset.done $0x0  }
0x9d: {  	[sflag:s0] =	ssyncadd.s32 $0xFFFFC000  }
0x9e: {  	[spmem:s1] =	stream.indirect.scatter.add.f32 [tilespmem:s28], [sflag:$0x3], $0x80, s25, s26, $0xb8;
	[tilespmem:$0x1BA80] =	vst v63  }
.Ltmp5:
0x9f: {  	_ =	swait.ge [sflag:s24], $0x4000;
	(pc) =	sbr.rel .LBB2_11-.Ltmp5, $3  }
0xa0: {  	[sflag:s24] =	ssyncset.done $0x0  }
0xa1: {  	[sflag:s24] =	ssyncadd.s32 $0xFFFFC000  }
0xa2: {  	[bflag:$0x0] =	sbarrier.arrive $0xFFFF;
	_ =	sdelay $0x1  }
.LBB2_6:
0xa3: {  	s18 =	simm.s32 @p1 $0x1FC3  }
0xa4: {  	[spmem:s15], [sflag:s18] =	dma.local @p1 [hbm:s8], $0x2080  }
0xa5: {  	s15 =	simm.s32 @p1 $0x3  }
0xa6: {  	_ =	swait.ge @p1 [sflag:s15], $0x2080  }
0xa7: {  	[sflag:s15] =	ssyncset.done @p1 $0x0  }
0xa8: {  	[sflag:s15] =	ssyncadd.s32 @p1 $0xFFFFDF80  }
0xa9: {  	[spmem:s13], [sflag:s14] =	dma.local @!p1 [hbm:s6], $0x2780  }
0xaa: {  	s13 =	simm.s32 @!p1 $0x3  }
0xab: {  	_ =	swait.ge @!p1 [sflag:s13], $0x2780  }
0xac: {  	[sflag:s13] =	ssyncset.done @!p1 $0x0  }
0xad: {  	[sflag:s13] =	ssyncadd.s32 @!p1 $0xFFFFD880  }
0xae: {  	s20 =	simm.s32 $0x0;
	[bflag:$0x0] =	sbarrier.arrive $0xFFFF  }
0xaf: {  	[tilespmem:s20], [sflag:$0x3] =	stream.linear.gather [hbm4b:s9+s20], $0x80, $0x38;
	[tilespmem:$0x1BA80] =	vst v63  }
0xb0: {  	_ =	swait.ge [sflag:s24], $0x80  }
0xb1: {  	[sflag:s24] =	ssyncset.done $0x0  }
0xb2: {  	[sflag:s24] =	ssyncadd.s32 $0xFFFFFF80  }
0xb3: {  	[tilespmem:s25], [sflag:$0x3] =	stream.linear.gather [hbm4b:s10+s20], $0x80, $0x38;
	[tilespmem:$0x1BA80] =	vst v63  }
0xb4: {  	_ =	swait.ge [sflag:s24], $0x80  }
0xb5: {  	[sflag:s24] =	ssyncset.done $0x0  }
0xb6: {  	s21 =	sadd.s32 $0x0, s9;
	[sflag:s24] =	ssyncadd.s32 $0xFFFFFF80  }
0xb7: {  	[tilespmem:s28], [sflag:$0x1] =	stream.indirect.gather [hbm4b:s11+s26], $0x80, s20, s26, $0xb8;
	[tilespmem:$0x1BA80] =	vst v63  }
0xb8: {  	s13 =	sadd.s32 $0x100, s21  }
0xb9: {  	[tilespmem:s26], [sflag:$0x4] =	stream.linear.gather [hbm4b:s13+s3], $0x80, $0x38;
	[tilespmem:$0x1BA80] =	vst v63  }
0xba: {  	_ =	swait.ge [sflag:s29], $0x80  }
0xbb: {  	s22 =	sadd.s32 $0x0, s10;
	[sflag:s29] =	ssyncset.done $0x0  }
0xbc: {  	s13 =	sadd.s32 $0x100, s22;
	[sflag:s29] =	ssyncadd.s32 $0xFFFFFF80  }
0xbd: {  	[tilespmem:s30], [sflag:$0x4] =	stream.linear.gather [hbm4b:s13+s3], $0x80, $0x38;
	[tilespmem:$0x1BA80] =	vst v63  }
0xbe: {  	_ =	swait.ge [sflag:s29], $0x80  }
0xbf: {  	[sflag:s29] =	ssyncset.done $0x0  }
0xc0: {  	[sflag:s29] =	ssyncadd.s32 $0xFFFFFF80  }
0xc1: {  	[tilespmem:s31], [sflag:$0x2] =	stream.indirect.gather [hbm4b:s11+s26], $0x80, s26, s26, $0xb8;
	[tilespmem:$0x1BA80] =	vst v63  }
0xc2: {  	_ =	swait.ge [sflag:s0], $0x4000  }
0xc3: {  	[sflag:s0] =	ssyncset.done $0x0  }
0xc4: {  	[sflag:s0] =	ssyncadd.s32 $0xFFFFC000  }
0xc5: {  	[spmem:s1] =	stream.indirect.scatter.add.f32 [tilespmem:s28], [sflag:$0x4], $0x80, s25, s26, $0xb8;
	[tilespmem:$0x1BA80] =	vst v63  }
0xc6: {  	p3 =	sgt.u32 s23, $0x4E1;
	_ =	swait.ge [sflag:s29], $0x4000  }
0xc7: {  	s15 =	simm.s32 @!p3 $0x0;
	s13 =	sadd.s32 @!p3 $0x0, s9;
	[sflag:s29] =	ssyncset.done $0x0  }
0xc8: {  	s14 =	simm.s32 @!p3 $0x4;
	s13 =	sadd.s32 @!p3 $0x200, s13;
	[sflag:s29] =	ssyncadd.s32 $0xFFFFC000  }
0xc9: {  	[tilespmem:s15], [sflag:$0x4] =	stream.linear.gather @!p3 [hbm4b:s13+s15], $0x80, $0x38;
	[tilespmem:$0x1BA80] =	vst v63  }
0xca: {  	_ =	swait.ge @!p3 [sflag:s14], $0x80  }
0xcb: {  	s13 =	sadd.s32 @!p3 $0x0, s10;
	[sflag:s14] =	ssyncset.done @!p3 $0x0  }
0xcc: {  	s18 =	simm.s32 @!p3 $0x100;
	s13 =	sadd.s32 @!p3 $0x200, s13;
	[sflag:s14] =	ssyncadd.s32 @!p3 $0xFFFFFF80  }
0xcd: {  	[tilespmem:s18], [sflag:$0x4] =	stream.linear.gather @!p3 [hbm4b:s13+s15], $0x80, $0x38;
	[tilespmem:$0x1BA80] =	vst v63  }
0xce: {  	_ =	swait.ge @!p3 [sflag:s14], $0x80  }
0xcf: {  	[sflag:s14] =	ssyncset.done @!p3 $0x0  }
0xd0: {  	s13 =	simm.s32 @!p3 $0x80;
	[sflag:s14] =	ssyncadd.s32 @!p3 $0xFFFFFF80;
	s14 =	simm.s32 @!p3 $0x200  }
0xd1: {  	[tilespmem:s14], [sflag:$0x1] =	stream.indirect.gather @!p3 [hbm4b:s11+s13], $0x80, s15, s13, $0xb8;
	[tilespmem:$0x1BA80] =	vst v63  }
0xd2: {  	_ =	swait.ge [sflag:s12], $0x4000  }
0xd3: {  	[sflag:s12] =	ssyncset.done $0x0  }
0xd4: {  	[sflag:s12] =	ssyncadd.s32 $0xFFFFC000  }
0xd5: {  	[spmem:s1] =	stream.indirect.scatter.add.f32 [tilespmem:s31], [sflag:$0x3], $0x80, s30, s26, $0xb8;
	[tilespmem:$0x1BA80] =	vst v63  }
0xd6: {  	s20 =	simm.s32 $0x200;
	s13 =	simm.s32 $0x400;
	_ =	swait.ge [sflag:s24], $0x4000  }
0xd7: {  	s15 =	sadd.s32 $0x200, s9;
	s14 =	sadd.s32 $0x20, s23;
	[sflag:s24] =	ssyncset.done $0x0  }
.LBB2_7:
0xd8: {  	s15 =	sadd.s32 $0x100, s15  }
0xd9: {  	[sflag:s24] =	ssyncadd.s32 $0xFFFFC000;
	s18 =	smov.u32 s13;
	s13 =	sadd.s32 $0x200, s13  }
0xda: {  	[tilespmem:s26], [sflag:$0x4] =	stream.linear.gather [hbm4b:s15+s3], $0x80, $0x38;
	[tilespmem:$0x1BA80] =	vst v63  }
0xdb: {  	p4 =	sne.s32 s13, $0x4E00;
	_ =	swait.ge [sflag:s29], $0x80  }
0xdc: {  	s15 =	sadd.s32 s20, s10;
	[sflag:s29] =	ssyncset.done $0x0  }
0xdd: {  	s15 =	sadd.s32 $0x100, s15;
	[sflag:s29] =	ssyncadd.s32 $0xFFFFFF80  }
0xde: {  	[tilespmem:s30], [sflag:$0x4] =	stream.linear.gather [hbm4b:s15+s3], $0x80, $0x38;
	[tilespmem:$0x1BA80] =	vst v63  }
0xdf: {  	_ =	swait.ge [sflag:s29], $0x80  }
0xe0: {  	[sflag:s29] =	ssyncset.done $0x0  }
0xe1: {  	[sflag:s29] =	ssyncadd.s32 $0xFFFFFF80  }
0xe2: {  	[tilespmem:s31], [sflag:$0x2] =	stream.indirect.gather [hbm4b:s11+s26], $0x80, s26, s26, $0xb8;
	[tilespmem:$0x1BA80] =	vst v63  }
0xe3: {  	_ =	swait.ge [sflag:s0], $0x4000  }
0xe4: {  	[sflag:s0] =	ssyncset.done $0x0  }
0xe5: {  	[sflag:s0] =	ssyncadd.s32 $0xFFFFC000  }
0xe6: {  	[spmem:s1] =	stream.indirect.scatter.add.f32 [tilespmem:s28], [sflag:$0x4], $0x80, s25, s26, $0xb8;
	[tilespmem:$0x1BA80] =	vst v63  }
0xe7: {  	p5 =	sgt.u32 s14, $0x4E1;
	_ =	swait.ge [sflag:s29], $0x4000  }
0xe8: {  	s21 =	simm.s32 @!p5 $0x4;
	s15 =	sadd.s32 @!p5 s20, s9;
	[sflag:s29] =	ssyncset.done $0x0  }
0xe9: {  	s22 =	simm.s32 @!p5 $0x0;
	s15 =	sadd.s32 @!p5 $0x200, s15;
	[sflag:s29] =	ssyncadd.s32 $0xFFFFC000  }
0xea: {  	[tilespmem:s22], [sflag:$0x4] =	stream.linear.gather @!p5 [hbm4b:s15+s22], $0x80, $0x38;
	[tilespmem:$0x1BA80] =	vst v63  }
0xeb: {  	s15 =	sadd.s32 @!p5 s20, s10;
	s20 =	smov.u32 s18;
	_ =	swait.ge @!p5 [sflag:s21], $0x80  }
0xec: {  	s15 =	sadd.s32 @!p5 $0x200, s15;
	[sflag:s21] =	ssyncset.done @!p5 $0x0  }
0xed: {  	s18 =	simm.s32 @!p5 $0x100;
	[sflag:s21] =	ssyncadd.s32 @!p5 $0xFFFFFF80  }
0xee: {  	[tilespmem:s18], [sflag:$0x4] =	stream.linear.gather @!p5 [hbm4b:s15+s22], $0x80, $0x38;
	[tilespmem:$0x1BA80] =	vst v63  }
0xef: {  	_ =	swait.ge @!p5 [sflag:s21], $0x80  }
0xf0: {  	[sflag:s21] =	ssyncset.done @!p5 $0x0  }
0xf1: {  	s15 =	simm.s32 @!p5 $0x80;
	s18 =	simm.s32 @!p5 $0x200;
	[sflag:s21] =	ssyncadd.s32 @!p5 $0xFFFFFF80  }
0xf2: {  	[tilespmem:s18], [sflag:$0x1] =	stream.indirect.gather @!p5 [hbm4b:s11+s15], $0x80, s22, s15, $0xb8;
	[tilespmem:$0x1BA80] =	vst v63  }
0xf3: {  	_ =	swait.ge [sflag:s12], $0x4000  }
.Ltmp6:
0xf4: {  	[sflag:s12] =	ssyncset.done $0x0;
	(pc) =	sbr.rel @p4 .LBB2_7-.Ltmp6, $4  }
0xf5: {  	[sflag:s12] =	ssyncadd.s32 $0xFFFFC000  }
0xf6: {  	[spmem:s1] =	stream.indirect.scatter.add.f32 [tilespmem:s31], [sflag:$0x3], $0x80, s30, s26, $0xb8;
	[tilespmem:$0x1BA80] =	vst v63  }
0xf7: {  	_ =	swait.ge [sflag:s24], $0x4000  }
0xf8: {  	s14 =	sadd.s32 $0x20, s14;
	s15 =	sadd.s32 s20, s9;
	[sflag:s24] =	ssyncset.done $0x0  }
0xf9: {  	s13 =	sadd.s32 $0x100, s15;
	[sflag:s24] =	ssyncadd.s32 $0xFFFFC000  }
0xfa: {  	[tilespmem:s26], [sflag:$0x4] =	stream.linear.gather [hbm4b:s13+s3], $0x80, $0x38;
	[tilespmem:$0x1BA80] =	vst v63  }
0xfb: {  	_ =	swait.ge [sflag:s29], $0x80  }
0xfc: {  	s22 =	sadd.s32 s20, s10;
	[sflag:s29] =	ssyncset.done $0x0  }
0xfd: {  	s13 =	sadd.s32 $0x100, s22;
	[sflag:s29] =	ssyncadd.s32 $0xFFFFFF80  }
0xfe: {  	[tilespmem:s30], [sflag:$0x4] =	stream.linear.gather [hbm4b:s13+s3], $0x80, $0x38;
	[tilespmem:$0x1BA80] =	vst v63  }
0xff: {  	_ =	swait.ge [sflag:s29], $0x80  }
0x100: {  	[sflag:s29] =	ssyncset.done $0x0  }
0x101: {  	[sflag:s29] =	ssyncadd.s32 $0xFFFFFF80  }
0x102: {  	[tilespmem:s31], [sflag:$0x2] =	stream.indirect.gather [hbm4b:s11+s26], $0x80, s26, s26, $0xb8;
	[tilespmem:$0x1BA80] =	vst v63  }
0x103: {  	_ =	swait.ge [sflag:s0], $0x4000  }
0x104: {  	[sflag:s0] =	ssyncset.done $0x0  }
0x105: {  	[sflag:s0] =	ssyncadd.s32 $0xFFFFC000  }
0x106: {  	[spmem:s1] =	stream.indirect.scatter.add.f32 [tilespmem:s28], [sflag:$0x4], $0x80, s25, s26, $0xb8;
	[tilespmem:$0x1BA80] =	vst v63  }
0x107: {  	p4 =	sgt.u32 s14, $0x4E1;
	_ =	swait.ge [sflag:s29], $0x4000  }
0x108: {  	s14 =	simm.s32 @!p4 $0x4;
	s13 =	sadd.s32 @!p4 s20, s9;
	[sflag:s29] =	ssyncset.done $0x0  }
0x109: {  	s15 =	simm.s32 @!p4 $0x0;
	s13 =	sadd.s32 @!p4 $0x200, s13;
	[sflag:s29] =	ssyncadd.s32 $0xFFFFC000  }
0x10a: {  	[tilespmem:s15], [sflag:$0x4] =	stream.linear.gather @!p4 [hbm4b:s13+s15], $0x80, $0x38;
	[tilespmem:$0x1BA80] =	vst v63  }
0x10b: {  	_ =	swait.ge @!p4 [sflag:s14], $0x80  }
0x10c: {  	s13 =	sadd.s32 @!p4 s20, s10;
	[sflag:s14] =	ssyncset.done @!p4 $0x0  }
0x10d: {  	s18 =	simm.s32 @!p4 $0x100;
	s13 =	sadd.s32 @!p4 $0x200, s13;
	[sflag:s14] =	ssyncadd.s32 @!p4 $0xFFFFFF80  }
0x10e: {  	[tilespmem:s18], [sflag:$0x4] =	stream.linear.gather @!p4 [hbm4b:s13+s15], $0x80, $0x38;
	[tilespmem:$0x1BA80] =	vst v63  }
0x10f: {  	_ =	swait.ge @!p4 [sflag:s14], $0x80  }
0x110: {  	[sflag:s14] =	ssyncset.done @!p4 $0x0  }
0x111: {  	s13 =	simm.s32 @!p4 $0x80;
	[sflag:s14] =	ssyncadd.s32 @!p4 $0xFFFFFF80;
	s14 =	simm.s32 @!p4 $0x200  }
0x112: {  	[tilespmem:s14], [sflag:$0x1] =	stream.indirect.gather @!p4 [hbm4b:s11+s13], $0x80, s15, s13, $0xb8;
	[tilespmem:$0x1BA80] =	vst v63  }
0x113: {  	_ =	swait.ge [sflag:s12], $0x4000  }
0x114: {  	[sflag:s12] =	ssyncset.done $0x0  }
.Ltmp7:
0x115: {  	[sflag:s12] =	ssyncadd.s32 $0xFFFFC000;
	(pc) =	sbr.rel @p2 .LBB2_20-.Ltmp7, $4  }
0x116: {  	[spmem:s1] =	stream.indirect.scatter.add.f32 [tilespmem:s31], [sflag:$0x3], $0x80, s30, s26, $0xb8;
	[tilespmem:$0x1BA80] =	vst v63  }
0x117: {  	_ =	swait.ge [sflag:s24], $0x4000  }
0x118: {  	[sflag:s24] =	ssyncset.done $0x0  }
0x119: {  	[sflag:s24] =	ssyncadd.s32 $0xFFFFC000  }
0x11a: {  	_ =	swait.ge [sflag:s0], $0x4000  }
0x11b: {  	[sflag:s0] =	ssyncset.done $0x0  }
0x11c: {  	[sflag:s0] =	ssyncadd.s32 $0xFFFFC000  }
0x11d: {  	[spmem:s1] =	stream.indirect.scatter.add.f32 [tilespmem:s28], [sflag:$0x3], $0x80, s25, s26, $0xb8;
	[tilespmem:$0x1BA80] =	vst v63  }
.Ltmp8:
0x11e: {  	_ =	swait.ge [sflag:s24], $0x4000;
	(pc) =	sbr.rel .LBB2_21-.Ltmp8, $3  }
0x11f: {  	[sflag:s24] =	ssyncset.done $0x0  }
0x120: {  	[sflag:s24] =	ssyncadd.s32 $0xFFFFC000  }
0x121: {  	[bflag:$0x0] =	sbarrier.arrive $0xFFFF;
	_ =	sdelay $0x1  }
.LBB2_10:
.Ltmp9:
0x122: {  	(pc) =	sbr.rel @!p1 .LBB2_11-.Ltmp9, $2  }
0x123: {  	_ =	sdelay $0x1  }
0x124: {  	[bflag:$0x0] =	sbarrier.arrive $0xFFFF;
	_ =	sdelay $0x1  }
0x125: {  	s13 =	sshrl.u32 s7, $0x3;
	s14 =	rddreg [dreg:$0x5];
	s15 =	simm.s32 $0x1FC3  }
0x126: {  	[hbm:s14], [sflag:s15] =	dma.local [spmem:s13], $0x2080  }
0x127: {  	_ =	swait.ge [sflag:s24], $0x2080  }
0x128: {  	[sflag:s24] =	ssyncset.done $0x0  }
.Ltmp10:
0x129: {  	[sflag:s24] =	ssyncadd.s32 $0xFFFFDF80;
	(pc) =	sbr.rel .LBB2_13-.Ltmp10, $4  }
0x12a: {  	[spmem:s13], [sflag:s15] =	dma.local [hbm:s8], $0x2080  }
0x12b: {  	_ =	swait.ge [sflag:s24], $0x2080  }
0x12c: {  	[sflag:s24] =	ssyncset.done $0x0  }
0x12d: {  	[sflag:s24] =	ssyncadd.s32 $0xFFFFDF80  }
.LBB2_11:
0x12e: {  	s13 =	sshll.u32 s2, $0x6  }
0x12f: {  	s14 =	sshrl.u32 s5, $0x3;
	s15 =	rddreg [dreg:$0x6];
	s13 =	sor.u32 $0x1C03, s13  }
0x130: {  	[hbm:s15], [sflag:s13] =	dma.local [spmem:s14], $0x2780  }
0x131: {  	_ =	swait.ge [sflag:s24], $0x2780  }
0x132: {  	[sflag:s24] =	ssyncset.done $0x0  }
0x133: {  	[sflag:s24] =	ssyncadd.s32 $0xFFFFD880  }
0x134: {  	[spmem:s14], [sflag:s13] =	dma.local [hbm:s6], $0x2780  }
0x135: {  	_ =	swait.ge [sflag:s24], $0x2780  }
0x136: {  	[sflag:s24] =	ssyncset.done $0x0  }
0x137: {  	[sflag:s24] =	ssyncadd.s32 $0xFFFFD880  }
.LBB2_13:
0x138: {  	[bflag:$0x0] =	sbarrier.arrive $0xFFFF;
	s13 =	simm.s32 $0x0  }
0x139: {  	[tilespmem:s13], [sflag:$0x3] =	stream.linear.gather [hbm4b:s9+s13], $0x80, $0x38;
	[tilespmem:$0x1BA80] =	vst v63  }
0x13a: {  	_ =	swait.ge [sflag:s24], $0x80  }
0x13b: {  	[sflag:s24] =	ssyncset.done $0x0  }
0x13c: {  	[sflag:s24] =	ssyncadd.s32 $0xFFFFFF80  }
0x13d: {  	[tilespmem:s25], [sflag:$0x3] =	stream.linear.gather [hbm4b:s10+s13], $0x80, $0x38;
	[tilespmem:$0x1BA80] =	vst v63  }
0x13e: {  	_ =	swait.ge [sflag:s24], $0x80  }
0x13f: {  	[sflag:s24] =	ssyncset.done $0x0  }
0x140: {  	s21 =	sadd.s32 $0x0, s9;
	[sflag:s24] =	ssyncadd.s32 $0xFFFFFF80  }
0x141: {  	[tilespmem:s28], [sflag:$0x1] =	stream.indirect.gather [hbm4b:s16+s26], $0x80, s13, s26, $0xb8;
	[tilespmem:$0x1BA80] =	vst v63  }
0x142: {  	s13 =	sadd.s32 $0x100, s21  }
0x143: {  	[tilespmem:s26], [sflag:$0x4] =	stream.linear.gather [hbm4b:s13+s3], $0x80, $0x38;
	[tilespmem:$0x1BA80] =	vst v63  }
0x144: {  	_ =	swait.ge [sflag:s29], $0x80  }
0x145: {  	s22 =	sadd.s32 $0x0, s10;
	[sflag:s29] =	ssyncset.done $0x0  }
0x146: {  	s13 =	sadd.s32 $0x100, s22;
	[sflag:s29] =	ssyncadd.s32 $0xFFFFFF80  }
0x147: {  	[tilespmem:s30], [sflag:$0x4] =	stream.linear.gather [hbm4b:s13+s3], $0x80, $0x38;
	[tilespmem:$0x1BA80] =	vst v63  }
0x148: {  	_ =	swait.ge [sflag:s29], $0x80  }
0x149: {  	[sflag:s29] =	ssyncset.done $0x0  }
0x14a: {  	[sflag:s29] =	ssyncadd.s32 $0xFFFFFF80  }
0x14b: {  	[tilespmem:s31], [sflag:$0x2] =	stream.indirect.gather [hbm4b:s16+s26], $0x80, s26, s26, $0xb8;
	[tilespmem:$0x1BA80] =	vst v63  }
0x14c: {  	_ =	swait.ge [sflag:s0], $0x4000  }
0x14d: {  	[sflag:s0] =	ssyncset.done $0x0  }
0x14e: {  	[sflag:s0] =	ssyncadd.s32 $0xFFFFC000  }
0x14f: {  	[spmem:s1] =	stream.indirect.scatter.add.f32 [tilespmem:s28], [sflag:$0x4], $0x80, s25, s26, $0xb8;
	[tilespmem:$0x1BA80] =	vst v63  }
0x150: {  	_ =	swait.ge [sflag:s29], $0x4000  }
0x151: {  	s14 =	simm.s32 @!p3 $0x4;
	s13 =	sadd.s32 @!p3 $0x0, s9;
	[sflag:s29] =	ssyncset.done $0x0  }
0x152: {  	s15 =	simm.s32 @!p3 $0x0;
	s13 =	sadd.s32 @!p3 $0x200, s13;
	[sflag:s29] =	ssyncadd.s32 $0xFFFFC000  }
0x153: {  	[tilespmem:s15], [sflag:$0x4] =	stream.linear.gather @!p3 [hbm4b:s13+s15], $0x80, $0x38;
	[tilespmem:$0x1BA80] =	vst v63  }
0x154: {  	_ =	swait.ge @!p3 [sflag:s14], $0x80  }
0x155: {  	s13 =	sadd.s32 @!p3 $0x0, s10;
	[sflag:s14] =	ssyncset.done @!p3 $0x0  }
0x156: {  	s18 =	simm.s32 @!p3 $0x100;
	s13 =	sadd.s32 @!p3 $0x200, s13;
	[sflag:s14] =	ssyncadd.s32 @!p3 $0xFFFFFF80  }
0x157: {  	[tilespmem:s18], [sflag:$0x4] =	stream.linear.gather @!p3 [hbm4b:s13+s15], $0x80, $0x38;
	[tilespmem:$0x1BA80] =	vst v63  }
0x158: {  	_ =	swait.ge @!p3 [sflag:s14], $0x80  }
0x159: {  	[sflag:s14] =	ssyncset.done @!p3 $0x0  }
0x15a: {  	s13 =	simm.s32 @!p3 $0x80;
	[sflag:s14] =	ssyncadd.s32 @!p3 $0xFFFFFF80;
	s14 =	simm.s32 @!p3 $0x200  }
0x15b: {  	[tilespmem:s14], [sflag:$0x1] =	stream.indirect.gather @!p3 [hbm4b:s16+s13], $0x80, s15, s13, $0xb8;
	[tilespmem:$0x1BA80] =	vst v63  }
0x15c: {  	_ =	swait.ge [sflag:s12], $0x4000  }
0x15d: {  	[sflag:s12] =	ssyncset.done $0x0  }
0x15e: {  	[sflag:s12] =	ssyncadd.s32 $0xFFFFC000  }
0x15f: {  	[spmem:s1] =	stream.indirect.scatter.add.f32 [tilespmem:s31], [sflag:$0x3], $0x80, s30, s26, $0xb8;
	[tilespmem:$0x1BA80] =	vst v63  }
0x160: {  	s20 =	simm.s32 $0x200;
	s13 =	simm.s32 $0x400;
	_ =	swait.ge [sflag:s24], $0x4000  }
0x161: {  	s15 =	sadd.s32 $0x200, s9;
	s14 =	sadd.s32 $0x20, s23;
	[sflag:s24] =	ssyncset.done $0x0  }
.LBB2_14:
0x162: {  	s15 =	sadd.s32 $0x100, s15  }
0x163: {  	[sflag:s24] =	ssyncadd.s32 $0xFFFFC000;
	s18 =	smov.u32 s13;
	s13 =	sadd.s32 $0x200, s13  }
0x164: {  	[tilespmem:s26], [sflag:$0x4] =	stream.linear.gather [hbm4b:s15+s3], $0x80, $0x38;
	[tilespmem:$0x1BA80] =	vst v63  }
0x165: {  	p3 =	sne.s32 s13, $0x4E00;
	_ =	swait.ge [sflag:s29], $0x80  }
0x166: {  	s15 =	sadd.s32 s20, s10;
	[sflag:s29] =	ssyncset.done $0x0  }
0x167: {  	s15 =	sadd.s32 $0x100, s15;
	[sflag:s29] =	ssyncadd.s32 $0xFFFFFF80  }
0x168: {  	[tilespmem:s30], [sflag:$0x4] =	stream.linear.gather [hbm4b:s15+s3], $0x80, $0x38;
	[tilespmem:$0x1BA80] =	vst v63  }
0x169: {  	_ =	swait.ge [sflag:s29], $0x80  }
0x16a: {  	[sflag:s29] =	ssyncset.done $0x0  }
0x16b: {  	[sflag:s29] =	ssyncadd.s32 $0xFFFFFF80  }
0x16c: {  	[tilespmem:s31], [sflag:$0x2] =	stream.indirect.gather [hbm4b:s16+s26], $0x80, s26, s26, $0xb8;
	[tilespmem:$0x1BA80] =	vst v63  }
0x16d: {  	_ =	swait.ge [sflag:s0], $0x4000  }
0x16e: {  	[sflag:s0] =	ssyncset.done $0x0  }
0x16f: {  	[sflag:s0] =	ssyncadd.s32 $0xFFFFC000  }
0x170: {  	[spmem:s1] =	stream.indirect.scatter.add.f32 [tilespmem:s28], [sflag:$0x4], $0x80, s25, s26, $0xb8;
	[tilespmem:$0x1BA80] =	vst v63  }
0x171: {  	p4 =	sgt.u32 s14, $0x4E1;
	_ =	swait.ge [sflag:s29], $0x4000  }
0x172: {  	s21 =	simm.s32 @!p4 $0x4;
	s15 =	sadd.s32 @!p4 s20, s9;
	[sflag:s29] =	ssyncset.done $0x0  }
0x173: {  	s22 =	simm.s32 @!p4 $0x0;
	s15 =	sadd.s32 @!p4 $0x200, s15;
	[sflag:s29] =	ssyncadd.s32 $0xFFFFC000  }
0x174: {  	[tilespmem:s22], [sflag:$0x4] =	stream.linear.gather @!p4 [hbm4b:s15+s22], $0x80, $0x38;
	[tilespmem:$0x1BA80] =	vst v63  }
0x175: {  	s15 =	sadd.s32 @!p4 s20, s10;
	s20 =	smov.u32 s18;
	_ =	swait.ge @!p4 [sflag:s21], $0x80  }
0x176: {  	s15 =	sadd.s32 @!p4 $0x200, s15;
	[sflag:s21] =	ssyncset.done @!p4 $0x0  }
0x177: {  	s18 =	simm.s32 @!p4 $0x100;
	[sflag:s21] =	ssyncadd.s32 @!p4 $0xFFFFFF80  }
0x178: {  	[tilespmem:s18], [sflag:$0x4] =	stream.linear.gather @!p4 [hbm4b:s15+s22], $0x80, $0x38;
	[tilespmem:$0x1BA80] =	vst v63  }
0x179: {  	_ =	swait.ge @!p4 [sflag:s21], $0x80  }
0x17a: {  	[sflag:s21] =	ssyncset.done @!p4 $0x0  }
0x17b: {  	s15 =	simm.s32 @!p4 $0x80;
	s18 =	simm.s32 @!p4 $0x200;
	[sflag:s21] =	ssyncadd.s32 @!p4 $0xFFFFFF80  }
0x17c: {  	[tilespmem:s18], [sflag:$0x1] =	stream.indirect.gather @!p4 [hbm4b:s16+s15], $0x80, s22, s15, $0xb8;
	[tilespmem:$0x1BA80] =	vst v63  }
0x17d: {  	_ =	swait.ge [sflag:s12], $0x4000  }
.Ltmp11:
0x17e: {  	[sflag:s12] =	ssyncset.done $0x0;
	(pc) =	sbr.rel @p3 .LBB2_14-.Ltmp11, $4  }
0x17f: {  	[sflag:s12] =	ssyncadd.s32 $0xFFFFC000  }
0x180: {  	[spmem:s1] =	stream.indirect.scatter.add.f32 [tilespmem:s31], [sflag:$0x3], $0x80, s30, s26, $0xb8;
	[tilespmem:$0x1BA80] =	vst v63  }
0x181: {  	_ =	swait.ge [sflag:s24], $0x4000  }
0x182: {  	s14 =	sadd.s32 $0x20, s14;
	s15 =	sadd.s32 s20, s9;
	[sflag:s24] =	ssyncset.done $0x0  }
0x183: {  	s13 =	sadd.s32 $0x100, s15;
	[sflag:s24] =	ssyncadd.s32 $0xFFFFC000  }
0x184: {  	[tilespmem:s26], [sflag:$0x4] =	stream.linear.gather [hbm4b:s13+s3], $0x80, $0x38;
	[tilespmem:$0x1BA80] =	vst v63  }
0x185: {  	_ =	swait.ge [sflag:s29], $0x80  }
0x186: {  	s22 =	sadd.s32 s20, s10;
	[sflag:s29] =	ssyncset.done $0x0  }
0x187: {  	s13 =	sadd.s32 $0x100, s22;
	[sflag:s29] =	ssyncadd.s32 $0xFFFFFF80  }
0x188: {  	[tilespmem:s30], [sflag:$0x4] =	stream.linear.gather [hbm4b:s13+s3], $0x80, $0x38;
	[tilespmem:$0x1BA80] =	vst v63  }
0x189: {  	_ =	swait.ge [sflag:s29], $0x80  }
0x18a: {  	[sflag:s29] =	ssyncset.done $0x0  }
0x18b: {  	[sflag:s29] =	ssyncadd.s32 $0xFFFFFF80  }
0x18c: {  	[tilespmem:s31], [sflag:$0x2] =	stream.indirect.gather [hbm4b:s16+s26], $0x80, s26, s26, $0xb8;
	[tilespmem:$0x1BA80] =	vst v63  }
0x18d: {  	_ =	swait.ge [sflag:s0], $0x4000  }
0x18e: {  	[sflag:s0] =	ssyncset.done $0x0  }
0x18f: {  	[sflag:s0] =	ssyncadd.s32 $0xFFFFC000  }
0x190: {  	[spmem:s1] =	stream.indirect.scatter.add.f32 [tilespmem:s28], [sflag:$0x4], $0x80, s25, s26, $0xb8;
	[tilespmem:$0x1BA80] =	vst v63  }
0x191: {  	p3 =	sgt.u32 s14, $0x4E1;
	_ =	swait.ge [sflag:s29], $0x4000  }
0x192: {  	s14 =	simm.s32 @!p3 $0x4;
	s13 =	sadd.s32 @!p3 s20, s9;
	[sflag:s29] =	ssyncset.done $0x0  }
0x193: {  	s15 =	simm.s32 @!p3 $0x0;
	s13 =	sadd.s32 @!p3 $0x200, s13;
	[sflag:s29] =	ssyncadd.s32 $0xFFFFC000  }
0x194: {  	[tilespmem:s15], [sflag:$0x4] =	stream.linear.gather @!p3 [hbm4b:s13+s15], $0x80, $0x38;
	[tilespmem:$0x1BA80] =	vst v63  }
0x195: {  	_ =	swait.ge @!p3 [sflag:s14], $0x80  }
0x196: {  	s13 =	sadd.s32 @!p3 s20, s10;
	[sflag:s14] =	ssyncset.done @!p3 $0x0  }
0x197: {  	s18 =	simm.s32 @!p3 $0x100;
	s13 =	sadd.s32 @!p3 $0x200, s13;
	[sflag:s14] =	ssyncadd.s32 @!p3 $0xFFFFFF80  }
0x198: {  	[tilespmem:s18], [sflag:$0x4] =	stream.linear.gather @!p3 [hbm4b:s13+s15], $0x80, $0x38;
	[tilespmem:$0x1BA80] =	vst v63  }
0x199: {  	_ =	swait.ge @!p3 [sflag:s14], $0x80  }
0x19a: {  	[sflag:s14] =	ssyncset.done @!p3 $0x0  }
0x19b: {  	s13 =	simm.s32 @!p3 $0x80;
	[sflag:s14] =	ssyncadd.s32 @!p3 $0xFFFFFF80;
	s14 =	simm.s32 @!p3 $0x200  }
0x19c: {  	[tilespmem:s14], [sflag:$0x1] =	stream.indirect.gather @!p3 [hbm4b:s16+s13], $0x80, s15, s13, $0xb8;
	[tilespmem:$0x1BA80] =	vst v63  }
0x19d: {  	_ =	swait.ge [sflag:s12], $0x4000  }
0x19e: {  	[sflag:s12] =	ssyncset.done $0x0  }
.Ltmp12:
0x19f: {  	[sflag:s12] =	ssyncadd.s32 $0xFFFFC000;
	(pc) =	sbr.rel @p2 .LBB2_17-.Ltmp12, $4  }
0x1a0: {  	[spmem:s1] =	stream.indirect.scatter.add.f32 [tilespmem:s31], [sflag:$0x3], $0x80, s30, s26, $0xb8;
	[tilespmem:$0x1BA80] =	vst v63  }
0x1a1: {  	_ =	swait.ge [sflag:s24], $0x4000  }
0x1a2: {  	[sflag:s24] =	ssyncset.done $0x0  }
0x1a3: {  	[sflag:s24] =	ssyncadd.s32 $0xFFFFC000  }
0x1a4: {  	_ =	swait.ge [sflag:s0], $0x4000  }
0x1a5: {  	[sflag:s0] =	ssyncset.done $0x0  }
0x1a6: {  	[sflag:s0] =	ssyncadd.s32 $0xFFFFC000  }
0x1a7: {  	[spmem:s1] =	stream.indirect.scatter.add.f32 [tilespmem:s28], [sflag:$0x3], $0x80, s25, s26, $0xb8;
	[tilespmem:$0x1BA80] =	vst v63  }
.Ltmp13:
0x1a8: {  	_ =	swait.ge [sflag:s24], $0x4000;
	(pc) =	sbr.rel .LBB2_18-.Ltmp13, $3  }
0x1a9: {  	[sflag:s24] =	ssyncset.done $0x0  }
0x1aa: {  	[sflag:s24] =	ssyncadd.s32 $0xFFFFC000  }
0x1ab: {  	[bflag:$0x0] =	sbarrier.arrive $0xFFFF;
	_ =	sdelay $0x1  }
.LBB2_20:
.Ltmp14:
0x1ac: {  	(pc) =	sbr.rel @!p1 .LBB2_21-.Ltmp14, $2  }
0x1ad: {  	_ =	sdelay $0x1  }
0x1ae: {  	[bflag:$0x0] =	sbarrier.arrive $0xFFFF;
	_ =	sdelay $0x1  }
0x1af: {  	s13 =	sshrl.u32 s7, $0x3;
	s14 =	rddreg [dreg:$0x3];
	s15 =	simm.s32 $0x1FC3  }
0x1b0: {  	[hbm:s14], [sflag:s15] =	dma.local [spmem:s13], $0x2080  }
0x1b1: {  	_ =	swait.ge [sflag:s24], $0x2080  }
0x1b2: {  	[sflag:s24] =	ssyncset.done $0x0  }
.Ltmp15:
0x1b3: {  	[sflag:s24] =	ssyncadd.s32 $0xFFFFDF80;
	(pc) =	sbr.rel .LBB2_23-.Ltmp15, $4  }
0x1b4: {  	[spmem:s13], [sflag:s15] =	dma.local [hbm:s8], $0x2080  }
0x1b5: {  	_ =	swait.ge [sflag:s24], $0x2080  }
0x1b6: {  	[sflag:s24] =	ssyncset.done $0x0  }
0x1b7: {  	[sflag:s24] =	ssyncadd.s32 $0xFFFFDF80  }
.LBB2_21:
0x1b8: {  	s13 =	sshll.u32 s2, $0x6  }
0x1b9: {  	s14 =	sshrl.u32 s5, $0x3;
	s15 =	rddreg [dreg:$0x4];
	s13 =	sor.u32 $0x1C03, s13  }
0x1ba: {  	[hbm:s15], [sflag:s13] =	dma.local [spmem:s14], $0x2780  }
0x1bb: {  	_ =	swait.ge [sflag:s24], $0x2780  }
0x1bc: {  	[sflag:s24] =	ssyncset.done $0x0  }
0x1bd: {  	[sflag:s24] =	ssyncadd.s32 $0xFFFFD880  }
0x1be: {  	[spmem:s14], [sflag:s13] =	dma.local [hbm:s6], $0x2780  }
0x1bf: {  	_ =	swait.ge [sflag:s24], $0x2780  }
0x1c0: {  	[sflag:s24] =	ssyncset.done $0x0  }
0x1c1: {  	[sflag:s24] =	ssyncadd.s32 $0xFFFFD880  }
.LBB2_23:
0x1c2: {  	[bflag:$0x0] =	sbarrier.arrive $0xFFFF;
	s13 =	simm.s32 $0x0  }
0x1c3: {  	[tilespmem:s13], [sflag:$0x3] =	stream.linear.gather [hbm4b:s9+s13], $0x80, $0x38;
	[tilespmem:$0x1BA80] =	vst v63  }
0x1c4: {  	_ =	swait.ge [sflag:s24], $0x80  }
0x1c5: {  	[sflag:s24] =	ssyncset.done $0x0  }
0x1c6: {  	[sflag:s24] =	ssyncadd.s32 $0xFFFFFF80  }
0x1c7: {  	[tilespmem:s25], [sflag:$0x3] =	stream.linear.gather [hbm4b:s10+s13], $0x80, $0x38;
	[tilespmem:$0x1BA80] =	vst v63  }
0x1c8: {  	_ =	swait.ge [sflag:s24], $0x80  }
0x1c9: {  	[sflag:s24] =	ssyncset.done $0x0  }
0x1ca: {  	s21 =	sadd.s32 $0x0, s9;
	[sflag:s24] =	ssyncadd.s32 $0xFFFFFF80  }
0x1cb: {  	[tilespmem:s28], [sflag:$0x1] =	stream.indirect.gather [hbm4b:s19+s26], $0x80, s13, s26, $0xb8;
	[tilespmem:$0x1BA80] =	vst v63  }
0x1cc: {  	s13 =	sadd.s32 $0x100, s21  }
0x1cd: {  	[tilespmem:s26], [sflag:$0x4] =	stream.linear.gather [hbm4b:s13+s3], $0x80, $0x38;
	[tilespmem:$0x1BA80] =	vst v63  }
0x1ce: {  	_ =	swait.ge [sflag:s29], $0x80  }
0x1cf: {  	s22 =	sadd.s32 $0x0, s10;
	[sflag:s29] =	ssyncset.done $0x0  }
0x1d0: {  	s13 =	sadd.s32 $0x100, s22;
	[sflag:s29] =	ssyncadd.s32 $0xFFFFFF80  }
0x1d1: {  	[tilespmem:s30], [sflag:$0x4] =	stream.linear.gather [hbm4b:s13+s3], $0x80, $0x38;
	[tilespmem:$0x1BA80] =	vst v63  }
0x1d2: {  	_ =	swait.ge [sflag:s29], $0x80  }
0x1d3: {  	[sflag:s29] =	ssyncset.done $0x0  }
0x1d4: {  	[sflag:s29] =	ssyncadd.s32 $0xFFFFFF80  }
0x1d5: {  	[tilespmem:s31], [sflag:$0x2] =	stream.indirect.gather [hbm4b:s19+s26], $0x80, s26, s26, $0xb8;
	[tilespmem:$0x1BA80] =	vst v63  }
0x1d6: {  	_ =	swait.ge [sflag:s0], $0x4000  }
0x1d7: {  	[sflag:s0] =	ssyncset.done $0x0  }
0x1d8: {  	[sflag:s0] =	ssyncadd.s32 $0xFFFFC000  }
0x1d9: {  	[spmem:s1] =	stream.indirect.scatter.add.f32 [tilespmem:s28], [sflag:$0x4], $0x80, s25, s26, $0xb8;
	[tilespmem:$0x1BA80] =	vst v63  }
0x1da: {  	_ =	swait.ge [sflag:s29], $0x4000  }
0x1db: {  	s14 =	simm.s32 @!p3 $0x4;
	s13 =	sadd.s32 @!p3 $0x0, s9;
	[sflag:s29] =	ssyncset.done $0x0  }
0x1dc: {  	s15 =	simm.s32 @!p3 $0x0;
	s13 =	sadd.s32 @!p3 $0x200, s13;
	[sflag:s29] =	ssyncadd.s32 $0xFFFFC000  }
0x1dd: {  	[tilespmem:s15], [sflag:$0x4] =	stream.linear.gather @!p3 [hbm4b:s13+s15], $0x80, $0x38;
	[tilespmem:$0x1BA80] =	vst v63  }
0x1de: {  	_ =	swait.ge @!p3 [sflag:s14], $0x80  }
0x1df: {  	s13 =	sadd.s32 @!p3 $0x0, s10;
	[sflag:s14] =	ssyncset.done @!p3 $0x0  }
0x1e0: {  	s18 =	simm.s32 @!p3 $0x100;
	s13 =	sadd.s32 @!p3 $0x200, s13;
	[sflag:s14] =	ssyncadd.s32 @!p3 $0xFFFFFF80  }
0x1e1: {  	[tilespmem:s18], [sflag:$0x4] =	stream.linear.gather @!p3 [hbm4b:s13+s15], $0x80, $0x38;
	[tilespmem:$0x1BA80] =	vst v63  }
0x1e2: {  	_ =	swait.ge @!p3 [sflag:s14], $0x80  }
0x1e3: {  	[sflag:s14] =	ssyncset.done @!p3 $0x0  }
0x1e4: {  	s13 =	simm.s32 @!p3 $0x80;
	[sflag:s14] =	ssyncadd.s32 @!p3 $0xFFFFFF80;
	s14 =	simm.s32 @!p3 $0x200  }
0x1e5: {  	[tilespmem:s14], [sflag:$0x1] =	stream.indirect.gather @!p3 [hbm4b:s19+s13], $0x80, s15, s13, $0xb8;
	[tilespmem:$0x1BA80] =	vst v63  }
0x1e6: {  	_ =	swait.ge [sflag:s12], $0x4000  }
0x1e7: {  	[sflag:s12] =	ssyncset.done $0x0  }
0x1e8: {  	[sflag:s12] =	ssyncadd.s32 $0xFFFFC000  }
0x1e9: {  	[spmem:s1] =	stream.indirect.scatter.add.f32 [tilespmem:s31], [sflag:$0x3], $0x80, s30, s26, $0xb8;
	[tilespmem:$0x1BA80] =	vst v63  }
0x1ea: {  	s20 =	simm.s32 $0x200;
	s13 =	simm.s32 $0x400;
	_ =	swait.ge [sflag:s24], $0x4000  }
0x1eb: {  	s15 =	sadd.s32 $0x200, s9;
	s14 =	sadd.s32 $0x20, s23;
	[sflag:s24] =	ssyncset.done $0x0  }
.LBB2_24:
0x1ec: {  	s15 =	sadd.s32 $0x100, s15  }
0x1ed: {  	[sflag:s24] =	ssyncadd.s32 $0xFFFFC000;
	s18 =	smov.u32 s13;
	s13 =	sadd.s32 $0x200, s13  }
0x1ee: {  	[tilespmem:s26], [sflag:$0x4] =	stream.linear.gather [hbm4b:s15+s3], $0x80, $0x38;
	[tilespmem:$0x1BA80] =	vst v63  }
0x1ef: {  	p3 =	sne.s32 s13, $0x4E00;
	_ =	swait.ge [sflag:s29], $0x80  }
0x1f0: {  	s15 =	sadd.s32 s20, s10;
	[sflag:s29] =	ssyncset.done $0x0  }
0x1f1: {  	s15 =	sadd.s32 $0x100, s15;
	[sflag:s29] =	ssyncadd.s32 $0xFFFFFF80  }
0x1f2: {  	[tilespmem:s30], [sflag:$0x4] =	stream.linear.gather [hbm4b:s15+s3], $0x80, $0x38;
	[tilespmem:$0x1BA80] =	vst v63  }
0x1f3: {  	_ =	swait.ge [sflag:s29], $0x80  }
0x1f4: {  	[sflag:s29] =	ssyncset.done $0x0  }
0x1f5: {  	[sflag:s29] =	ssyncadd.s32 $0xFFFFFF80  }
0x1f6: {  	[tilespmem:s31], [sflag:$0x2] =	stream.indirect.gather [hbm4b:s19+s26], $0x80, s26, s26, $0xb8;
	[tilespmem:$0x1BA80] =	vst v63  }
0x1f7: {  	_ =	swait.ge [sflag:s0], $0x4000  }
0x1f8: {  	[sflag:s0] =	ssyncset.done $0x0  }
0x1f9: {  	[sflag:s0] =	ssyncadd.s32 $0xFFFFC000  }
0x1fa: {  	[spmem:s1] =	stream.indirect.scatter.add.f32 [tilespmem:s28], [sflag:$0x4], $0x80, s25, s26, $0xb8;
	[tilespmem:$0x1BA80] =	vst v63  }
0x1fb: {  	p4 =	sgt.u32 s14, $0x4E1;
	_ =	swait.ge [sflag:s29], $0x4000  }
0x1fc: {  	s21 =	simm.s32 @!p4 $0x4;
	s15 =	sadd.s32 @!p4 s20, s9;
	[sflag:s29] =	ssyncset.done $0x0  }
0x1fd: {  	s22 =	simm.s32 @!p4 $0x0;
	s15 =	sadd.s32 @!p4 $0x200, s15;
	[sflag:s29] =	ssyncadd.s32 $0xFFFFC000  }
0x1fe: {  	[tilespmem:s22], [sflag:$0x4] =	stream.linear.gather @!p4 [hbm4b:s15+s22], $0x80, $0x38;
	[tilespmem:$0x1BA80] =	vst v63  }
0x1ff: {  	s15 =	sadd.s32 @!p4 s20, s10;
	s20 =	smov.u32 s18;
	_ =	swait.ge @!p4 [sflag:s21], $0x80  }
0x200: {  	s15 =	sadd.s32 @!p4 $0x200, s15;
	[sflag:s21] =	ssyncset.done @!p4 $0x0  }
0x201: {  	s18 =	simm.s32 @!p4 $0x100;
	[sflag:s21] =	ssyncadd.s32 @!p4 $0xFFFFFF80  }
0x202: {  	[tilespmem:s18], [sflag:$0x4] =	stream.linear.gather @!p4 [hbm4b:s15+s22], $0x80, $0x38;
	[tilespmem:$0x1BA80] =	vst v63  }
0x203: {  	_ =	swait.ge @!p4 [sflag:s21], $0x80  }
0x204: {  	[sflag:s21] =	ssyncset.done @!p4 $0x0  }
0x205: {  	s15 =	simm.s32 @!p4 $0x80;
	s18 =	simm.s32 @!p4 $0x200;
	[sflag:s21] =	ssyncadd.s32 @!p4 $0xFFFFFF80  }
0x206: {  	[tilespmem:s18], [sflag:$0x1] =	stream.indirect.gather @!p4 [hbm4b:s19+s15], $0x80, s22, s15, $0xb8;
	[tilespmem:$0x1BA80] =	vst v63  }
0x207: {  	_ =	swait.ge [sflag:s12], $0x4000  }
.Ltmp16:
0x208: {  	[sflag:s12] =	ssyncset.done $0x0;
	(pc) =	sbr.rel @p3 .LBB2_24-.Ltmp16, $4  }
0x209: {  	[sflag:s12] =	ssyncadd.s32 $0xFFFFC000  }
0x20a: {  	[spmem:s1] =	stream.indirect.scatter.add.f32 [tilespmem:s31], [sflag:$0x3], $0x80, s30, s26, $0xb8;
	[tilespmem:$0x1BA80] =	vst v63  }
0x20b: {  	_ =	swait.ge [sflag:s24], $0x4000  }
0x20c: {  	s14 =	sadd.s32 $0x20, s14;
	s15 =	sadd.s32 s20, s9;
	[sflag:s24] =	ssyncset.done $0x0  }
0x20d: {  	s13 =	sadd.s32 $0x100, s15;
	[sflag:s24] =	ssyncadd.s32 $0xFFFFC000  }
0x20e: {  	[tilespmem:s26], [sflag:$0x4] =	stream.linear.gather [hbm4b:s13+s3], $0x80, $0x38;
	[tilespmem:$0x1BA80] =	vst v63  }
0x20f: {  	_ =	swait.ge [sflag:s29], $0x80  }
0x210: {  	s22 =	sadd.s32 s20, s10;
	[sflag:s29] =	ssyncset.done $0x0  }
0x211: {  	s13 =	sadd.s32 $0x100, s22;
	[sflag:s29] =	ssyncadd.s32 $0xFFFFFF80  }
0x212: {  	[tilespmem:s30], [sflag:$0x4] =	stream.linear.gather [hbm4b:s13+s3], $0x80, $0x38;
	[tilespmem:$0x1BA80] =	vst v63  }
0x213: {  	_ =	swait.ge [sflag:s29], $0x80  }
0x214: {  	[sflag:s29] =	ssyncset.done $0x0  }
0x215: {  	[sflag:s29] =	ssyncadd.s32 $0xFFFFFF80  }
0x216: {  	[tilespmem:s31], [sflag:$0x2] =	stream.indirect.gather [hbm4b:s19+s26], $0x80, s26, s26, $0xb8;
	[tilespmem:$0x1BA80] =	vst v63  }
0x217: {  	_ =	swait.ge [sflag:s0], $0x4000  }
0x218: {  	[sflag:s0] =	ssyncset.done $0x0  }
0x219: {  	[sflag:s0] =	ssyncadd.s32 $0xFFFFC000  }
0x21a: {  	[spmem:s1] =	stream.indirect.scatter.add.f32 [tilespmem:s28], [sflag:$0x4], $0x80, s25, s26, $0xb8;
	[tilespmem:$0x1BA80] =	vst v63  }
0x21b: {  	p3 =	sgt.u32 s14, $0x4E1;
	_ =	swait.ge [sflag:s29], $0x4000  }
0x21c: {  	s14 =	simm.s32 @!p3 $0x4;
	s13 =	sadd.s32 @!p3 s20, s9;
	[sflag:s29] =	ssyncset.done $0x0  }
0x21d: {  	s15 =	simm.s32 @!p3 $0x0;
	s13 =	sadd.s32 @!p3 $0x200, s13;
	[sflag:s29] =	ssyncadd.s32 $0xFFFFC000  }
0x21e: {  	[tilespmem:s15], [sflag:$0x4] =	stream.linear.gather @!p3 [hbm4b:s13+s15], $0x80, $0x38;
	[tilespmem:$0x1BA80] =	vst v63  }
0x21f: {  	_ =	swait.ge @!p3 [sflag:s14], $0x80  }
0x220: {  	s13 =	sadd.s32 @!p3 s20, s10;
	[sflag:s14] =	ssyncset.done @!p3 $0x0  }
0x221: {  	s18 =	simm.s32 @!p3 $0x100;
	s13 =	sadd.s32 @!p3 $0x200, s13;
	[sflag:s14] =	ssyncadd.s32 @!p3 $0xFFFFFF80  }
0x222: {  	[tilespmem:s18], [sflag:$0x4] =	stream.linear.gather @!p3 [hbm4b:s13+s15], $0x80, $0x38;
	[tilespmem:$0x1BA80] =	vst v63  }
0x223: {  	_ =	swait.ge @!p3 [sflag:s14], $0x80  }
0x224: {  	[sflag:s14] =	ssyncset.done @!p3 $0x0  }
0x225: {  	s13 =	simm.s32 @!p3 $0x80;
	[sflag:s14] =	ssyncadd.s32 @!p3 $0xFFFFFF80;
	s14 =	simm.s32 @!p3 $0x200  }
0x226: {  	[tilespmem:s14], [sflag:$0x1] =	stream.indirect.gather @!p3 [hbm4b:s19+s13], $0x80, s15, s13, $0xb8;
	[tilespmem:$0x1BA80] =	vst v63  }
0x227: {  	_ =	swait.ge [sflag:s12], $0x4000  }
0x228: {  	[sflag:s12] =	ssyncset.done $0x0  }
.Ltmp17:
0x229: {  	[sflag:s12] =	ssyncadd.s32 $0xFFFFC000;
	(pc) =	sbr.rel @p2 .LBB2_27-.Ltmp17, $4  }
0x22a: {  	[spmem:s1] =	stream.indirect.scatter.add.f32 [tilespmem:s31], [sflag:$0x3], $0x80, s30, s26, $0xb8;
	[tilespmem:$0x1BA80] =	vst v63  }
0x22b: {  	_ =	swait.ge [sflag:s24], $0x4000  }
0x22c: {  	[sflag:s24] =	ssyncset.done $0x0  }
0x22d: {  	[sflag:s24] =	ssyncadd.s32 $0xFFFFC000  }
0x22e: {  	_ =	swait.ge [sflag:s0], $0x4000  }
0x22f: {  	[sflag:s0] =	ssyncset.done $0x0  }
0x230: {  	[sflag:s0] =	ssyncadd.s32 $0xFFFFC000  }
0x231: {  	[spmem:s1] =	stream.indirect.scatter.add.f32 [tilespmem:s28], [sflag:$0x3], $0x80, s25, s26, $0xb8;
	[tilespmem:$0x1BA80] =	vst v63  }
.Ltmp18:
0x232: {  	_ =	swait.ge [sflag:s24], $0x4000;
	(pc) =	sbr.rel .LBB2_28-.Ltmp18, $3  }
0x233: {  	[sflag:s24] =	ssyncset.done $0x0  }
0x234: {  	[sflag:s24] =	ssyncadd.s32 $0xFFFFC000  }
0x235: {  	[bflag:$0x0] =	sbarrier.arrive $0xFFFF;
	_ =	sdelay $0x1  }
.LBB2_17:
.Ltmp19:
0x236: {  	(pc) =	sbr.rel @!p1 .LBB2_18-.Ltmp19, $2  }
0x237: {  	_ =	sdelay $0x1  }
0x238: {  	[bflag:$0x0] =	sbarrier.arrive $0xFFFF;
	_ =	sdelay $0x1  }
0x239: {  	s13 =	sshrl.u32 s7, $0x3  }
.Ltmp20:
0x23a: {  	s14 =	rddreg [dreg:$0x7];
	s15 =	simm.s32 $0x1FC3;
	(pc) =	sbr.rel .LBB2_30-.Ltmp20, $4  }
0x23b: {  	[hbm:s14], [sflag:s15] =	dma.local [spmem:s13], $0x2080  }
0x23c: {  	_ =	swait.ge [sflag:s24], $0x2080  }
0x23d: {  	[sflag:s24] =	ssyncset.done $0x0  }
0x23e: {  	[sflag:s24] =	ssyncadd.s32 $0xFFFFDF80  }
.LBB2_18:
0x23f: {  	s13 =	sshll.u32 s2, $0x6;
	s14 =	sshrl.u32 s5, $0x3  }
.Ltmp21:
0x240: {  	s15 =	rddreg [dreg:$0x8];
	s13 =	sor.u32 $0x1C03, s13;
	(pc) =	sbr.rel .LBB2_30-.Ltmp21, $4  }
0x241: {  	[hbm:s15], [sflag:s13] =	dma.local [spmem:s14], $0x2780  }
0x242: {  	_ =	swait.ge [sflag:s24], $0x2780  }
0x243: {  	[sflag:s24] =	ssyncset.done $0x0  }
0x244: {  	[sflag:s24] =	ssyncadd.s32 $0xFFFFD880  }
.LBB2_27:
.Ltmp22:
0x245: {  	(pc) =	sbr.rel @p1 .LBB2_29-.Ltmp22, $2  }
0x246: {  	_ =	sdelay $0x1  }
0x247: {  	[bflag:$0x0] =	sbarrier.arrive $0xFFFF;
	_ =	sdelay $0x1  }
.LBB2_28:
0x248: {  	s13 =	sshll.u32 s2, $0x6;
	s14 =	sshrl.u32 s5, $0x3  }
.Ltmp23:
0x249: {  	s15 =	rddreg [dreg:$0xa];
	s13 =	sor.u32 $0x1C03, s13;
	(pc) =	sbr.rel .LBB2_30-.Ltmp23, $4  }
0x24a: {  	[hbm:s15], [sflag:s13] =	dma.local [spmem:s14], $0x2780  }
0x24b: {  	_ =	swait.ge [sflag:s24], $0x2780  }
0x24c: {  	[sflag:s24] =	ssyncset.done $0x0  }
0x24d: {  	[sflag:s24] =	ssyncadd.s32 $0xFFFFD880  }
.LBB2_31:
0x24e: {  	_ =	sfence.sel $0x180000  }
0x24f: {  	[bflag:$0x0] =	sbarrier.arrive $0xFFFF  }
0x250: {  	_ =	strace $0x9000004A  }
0x251: {  	[bflag:$0x2] =	sbarrier.arrive $0xFFFF  }
0x252: {  	p0 =	sne.s32 s2, $0x0;
	s0 =	rddreg [dreg:$0x2]  }
0x253: {  	s0 =	sadd.s32 @!p0 $0x100000, s0  }
0x254: {  	[sflag:s0] =	ssyncadd.tile.s32 @!p0 $0x1;
	_ =	shalt  }
.Lfunc_end2:
_tile_overlayer_lowered:
.L_overlay_start_2:
0x255: {  	(tag) =	ssettag $0x2  }
0x256: {  	s0 =	rddreg [dreg:$0x0];
	s2 =	stileid.u32  }
0x257: {  	s1 =	rddreg [dreg:$0x1];
	p0 =	sne.s32 s2, $0x0  }
0x258: {  	s3 =	rddreg [dreg:$0x2];
	[bflag:$0x3] =	sbarrier.arrive $0xFFFF;
	s2 =	simm.s32 @!p0 $0x1C03  }
0x259: {  	[timem:s3], [sflag:s2] =	dma.local @!p0 [hbm:s0], s1  }
0x25a: {  	s0 =	simm.s32 @!p0 $0x3  }
0x25b: {  	_ =	swait.ge @!p0 [sflag:s0], s1  }
0x25c: {  	s1 =	ssub.s32 @!p0 $0x0, s1;
	[sflag:s0] =	ssyncset.done @!p0 $0x0  }
0x25d: {  	[sflag:s0] =	ssyncadd.s32 @!p0 s1  }
0x25e: {  	[bflag:$0x3] =	sbarrier.arrive $0xFFFF  }
0x25f: {  	_ =	shalt  }

// kernel: kernel.15.cloned.1.call-start
scs
__scs_entry_jumppad:
0x0: {  	(pc) =	sbr.rel $0x88, $3  }
0x1: {  	(tag) =	ssettag $0x0;
	lr =	simm.s32 $0x1  }
0x2: {  	[smem:$0x3F97] =	sst lr;
	_ =	strace $0xD0000000  }
0x3: {  	_ = 	snop  }
0x4: {  	_ = 	snop  }
0x5: {  	_ = 	snop  }
0x6: {  	_ = 	snop  }
0x7: {  	_ = 	snop  }
__scs_overlays_trampoline_lowered:
0x8: {  	[smem:$0x3FA6] =	sst s0  }
0x9: {  	[smem:$0x3FA7] =	sst s1  }
0xa: {  	[smem:$0x3FA8] =	sst s2  }
0xb: {  	[smem:$0x3FA9] =	sst s3  }
0xc: {  	[smem:$0x3FAA] =	sst s4  }
0xd: {  	[smem:$0x3FAB] =	sst s5  }
0xe: {  	[smem:$0x3FAC] =	sst s6  }
0xf: {  	[smem:$0x3FAD] =	sst s7  }
0x10: {  	[smem:$0x3FAE] =	sst s8  }
0x11: {  	[smem:$0x3FAF] =	sst s9;
	s0 =	simm.s32 @!p0 $0x0  }
0x12: {  	s1 =	sld [smem:$0x3F95];
	s0 =	simm.s32 @p0 $0x1  }
0x13: {  	[smem:$0x3FB0] =	sst s0;
	s0 =	simm.s32 @!p1 $0x0  }
0x14: {  	s2 =	sld [smem:$0x3F94];
	s0 =	simm.s32 @p1 $0x1  }
0x15: {  	[smem:$0x3FB1] =	sst s0;
	s0 =	simm.s32 @!p2 $0x0  }
0x16: {  	s3 =	sld [smem:$0x3FDB];
	s0 =	simm.s32 @p2 $0x1  }
0x17: {  	s4 =	simm.s32 $0x1BF5;
	[smem:$0x3FB3] =	sst s0  }
0x18: {  	s0 =	sld [smem:$0x3F96];
	_ =	swait.ge [sflag:s4], $0x0  }
0x19: {  	s7 =	sld [smem:$0x3F97]  }
0x1a: {  	s8 =	sadd.s32 $0xFFFFE003, lr  }
0x1b: {  	s9 =	sadd.s32 $0xFFFFFEF7, lr;
	s5 =	simm.s32 $0xFFFFFFFF;
	p2 =	slt.u32 s8, $0xFFFFF086  }
0x1c: {  	p1 =	slt.u32 s9, $0xF7A;
	s5 =	simm.s32 @!p2 $0x0  }
0x1d: {  	s5 =	simm.s32 @p1 $0x1;
	p0 =	seq.s32 s7, s2  }
0x1e: {  	s7 =	smul.u32 @!p0 $0xF7A, s2;
	p2 =	seq.s32 @!p0 s5, $0x0  }
0x1f: {  	s9 =	smul.u32 $0xF7A, s1;
	s8 =	simm.s32 @!p0 $0x1BF5;
	p2 =	por !p2, p0  }
0x20: {  	[sflag:s8] =	ssyncset.s32 @!p0 $0xFFFFF086;
	s6 =	sadd.s32 @!p0 s3, s7;
	s7 =	simm.s32 @!p0 $0x108  }
0x21: {  	s3 =	sadd.s32 s3, s9;
	s6 =	sadd.s32 @!p0 $0x88, s6;
	s7 =	simm.s32 @p2 $0x1082  }
0x22: {  	[simem:s7], [sflag:s8] =	dma.local @!p0 [hbm:s6], $0xF7A  }
0x23: {  	s9 =	sor.u32 $0xD0000000, s2;
	s6 =	simm.s32 $0x108;
	_ =	swait.ge @!p0 [sflag:s8], $0x0  }
0x24: {  	s3 =	sadd.s32 $0x88, s3;
	s6 =	simm.s32 @!p1 $0x1082;
	[sflag:s4] =	ssyncset.s32 $0xFFFFF086  }
0x25: {  	[simem:s6], [sflag:s4] =	dma.local [hbm:s3], $0xF7A  }
0x26: {  	[smem:$0x3F97] =	sst s1;
	(tag) =	ssettag s2;
	_ =	strace s9  }
0x27: {  	s1 =	sld [smem:$0x3FA7]  }
0x28: {  	s2 =	sld [smem:$0x3FA8]  }
0x29: {  	s4 =	sld [smem:$0x3FAA]  }
0x2a: {  	p0 =	seq.s32 s5, $0x0;
	s5 =	sld [smem:$0x3FAB]  }
0x2b: {  	s6 =	sld [smem:$0x3FAC]  }
0x2c: {  	s7 =	sld [smem:$0x3FAD]  }
0x2d: {  	s3 =	simm.s32 $0x108;
	s8 =	sld [smem:$0x3FAE]  }
0x2e: {  	s3 =	simm.s32 @!p0 $0x1082;
	s9 =	sld [smem:$0x3FAF]  }
0x2f: {  	lr =	sadd.s32 s0, s3;
	s0 =	sld [smem:$0x3FA6]  }
0x30: {  	s3 =	sld [smem:$0x3FA9]  }
0x31: {  	[smem:$0x3FB2] =	sst s10  }
0x32: {  	s10 =	sld [smem:$0x3FB0];
	_ =	sdelay $0x3  }
0x33: {  	p0 =	seq.s32 s10, $0x1;
	s10 =	sld [smem:$0x3FB2];
	_ =	sdelay $0x3  }
0x34: {  	[smem:$0x3FB2] =	sst s10  }
0x35: {  	s10 =	sld [smem:$0x3FB1];
	_ =	sdelay $0x3  }
0x36: {  	p1 =	seq.s32 s10, $0x1;
	s10 =	sld [smem:$0x3FB2];
	_ =	sdelay $0x3  }
0x37: {  	[smem:$0x3FB2] =	sst s10  }
0x38: {  	s10 =	sld [smem:$0x3FB3]  }
0x39: {  	_ = 	snop;
	(pc) =	sbr.ind lr, $3  }
0x3a: {  	_ = 	snop  }
0x3b: {  	_ = 	snop  }
0x3c: {  	p2 =	seq.s32 s10, $0x1;
	s10 =	sld [smem:$0x3FB2]  }
0x3d: {  	_ =	shalt  }
0x3e: {  	_ =	shalt  }
0x3f: {  	_ =	shalt  }
0x40: {  	_ =	shalt  }
0x41: {  	_ =	shalt  }
0x42: {  	_ =	shalt  }
0x43: {  	_ =	shalt  }
0x44: {  	_ =	shalt  }
0x45: {  	_ =	shalt  }
0x46: {  	_ =	shalt  }
0x47: {  	_ =	shalt  }
0x48: {  	_ =	shalt  }
0x49: {  	_ =	shalt  }
0x4a: {  	_ =	shalt  }
0x4b: {  	_ =	shalt  }
0x4c: {  	_ =	shalt  }
0x4d: {  	_ =	shalt  }
0x4e: {  	_ =	shalt  }
0x4f: {  	_ =	shalt  }
0x50: {  	_ =	shalt  }
0x51: {  	_ =	shalt  }
0x52: {  	_ =	shalt  }
0x53: {  	_ =	shalt  }
0x54: {  	_ =	shalt  }
0x55: {  	_ =	shalt  }
0x56: {  	_ =	shalt  }
0x57: {  	_ =	shalt  }
0x58: {  	_ =	shalt  }
0x59: {  	_ =	shalt  }
0x5a: {  	_ =	shalt  }
0x5b: {  	_ =	shalt  }
0x5c: {  	_ =	shalt  }
0x5d: {  	_ =	shalt  }
0x5e: {  	_ =	shalt  }
0x5f: {  	_ =	shalt  }
0x60: {  	_ =	shalt  }
0x61: {  	_ =	shalt  }
0x62: {  	_ =	shalt  }
0x63: {  	_ =	shalt  }
0x64: {  	_ =	shalt  }
0x65: {  	_ =	shalt  }
0x66: {  	_ =	shalt  }
0x67: {  	_ =	shalt  }
0x68: {  	_ =	shalt  }
0x69: {  	_ =	shalt  }
0x6a: {  	_ =	shalt  }
0x6b: {  	_ =	shalt  }
0x6c: {  	_ =	shalt  }
0x6d: {  	_ =	shalt  }
0x6e: {  	_ =	shalt  }
0x6f: {  	_ =	shalt  }
0x70: {  	_ =	shalt  }
0x71: {  	_ =	shalt  }
0x72: {  	_ =	shalt  }
0x73: {  	_ =	shalt  }
0x74: {  	_ =	shalt  }
0x75: {  	_ =	shalt  }
0x76: {  	_ =	shalt  }
0x77: {  	_ =	shalt  }
0x78: {  	_ =	shalt  }
0x79: {  	_ =	shalt  }
0x7a: {  	_ =	shalt  }
0x7b: {  	_ =	shalt  }
0x7c: {  	_ =	shalt  }
0x7d: {  	_ =	shalt  }
0x7e: {  	_ =	shalt  }
0x7f: {  	_ =	shalt  }
0x80: {  	_ =	shalt  }
0x81: {  	_ =	shalt  }
0x82: {  	_ =	shalt  }
0x83: {  	_ =	shalt  }
0x84: {  	_ =	shalt  }
0x85: {  	_ =	shalt  }
0x86: {  	_ =	shalt  }
0x87: {  	_ =	shalt  }
.Lfunc_end0:
.L_simem_size_0:
called_computation.2_lowered:
.L_overlay_start_0:
0x88: {  	s2 =	sld [smem:$0x3FD9]  }
0x89: {  	s3 =	sld [smem:$0x3FFE];
	_ =	sdelay $0x1  }
0x8a: {  	s1 =	srdreg.scid  }
0x8b: {  	s0 =	sand.u32 $0x1, s1  }
0x8c: {  	s17 =	sshll.u32 s0, $0xA;
	s2 =	sadd.s32 s3, s2  }
0x8d: {  	s2 =	sadd.s32 s2, s17  }
0x8e: {  	[smem:$0x3FBE] =	sst s2  }
0x8f: {  	_ = 	snop  }
0x90: {  	s2 =	sld [smem:$0x3FD0];
	(tm) =	ssettm $0x1  }
0x91: {  	s18 =	sld [smem:$0x3FFB];
	_ =	sdelay $0x3  }
0x92: {  	_ =	strace s18  }
0x93: {  	s3 =	sld [smem:$0x3FFC];
	_ =	sdelay $0x3  }
0x94: {  	_ =	strace s3  }
0x95: {  	s3 =	sld [smem:$0x3FFD];
	_ =	sdelay $0x3  }
0x96: {  	_ =	strace s3  }
0x97: {  	_ =	strace $0x8FFFFFFF  }
0x98: {  	s19 =	sld [smem:$0x3FDB];
	_ =	sdelay $0x1  }
0x99: {  	s4 =	simm.s32 $_scs_section_size  }
0x9a: {  	s5 =	simm.s32 $_size__tile_overlayer_lowered;
	s6 =	simm.s32 $_tile_overlayer_lowered  }
0x9b: {  	s22 =	simm.s32 $0x1BFF;
	s21 =	sshll.u32 s6, $0x1;
	s3 =	sadd.s32 s4, s19  }
0x9c: {  	s7 =	simm.s32 $0x0;
	s20 =	sshll.u32 s5, $0x1;
	s5 =	sadd.s32 s21, s3  }
0x9d: {  	[timem:s7], [sflag:s22] =	dma.local [hbm:s5], s20  }
0x9e: {  	_ =	swait.ge [sflag:s22], s20  }
0x9f: {  	s4 =	ssub.s32 $0x0, s20;
	[sflag:s22] =	ssyncset.done $0x0  }
0xa0: {  	[sflag:s22] =	ssyncadd.s32 s4;
	_ =	sdelay $0x1  }
0xa1: {  	s23 =	simm.s32 $0x1B8B  }
0xa2: {  	_ =	swait.ge [sflag:s23], $0x1  }
0xa3: {  	[sflag:s23] =	ssyncset.done $0x0  }
0xa4: {  	s25 =	simm.s32 $0x1B8E;
	s24 =	sld [smem:$0x3FFE];
	[sflag:s23] =	ssyncadd.s32 $0xFFFFFFFF  }
0xa5: {  	s26 =	simm.s32 $execute0_lowered;
	[smem:$0x3FD2] =	sst s25  }
0xa6: {  	s5 =	sshll.u32 s26, $0x1;
	_ =	strace $0x8000004C;
	[dreg:$0x1] =	wrdreg $0xFFFFFFFF  }
0xa7: {  	s28 =	simm.s32 $_size_execute0_lowered;
	s3 =	sadd.s32 s3, s5;
	[dreg:$0x0] =	wrdreg $0x0  }
0xa8: {  	s5 =	sshll.u32 s28, $0x1;
	[dreg:$0x2] =	wrdreg s3  }
0xa9: {  	[dreg:$0x3] =	wrdreg s5  }
0xaa: {  	[dreg:$0x4] =	wrdreg $0xC0  }
0xab: {  	_ =	task [dreg:s7], $0x5FFFF  }
0xac: {  	[dreg:$0x1] =	wrdreg $0xFFFFFFFF  }
0xad: {  	[dreg:$0x0] =	wrdreg $0x60  }
0xae: {  	[dreg:$0x2] =	wrdreg s2  }
0xaf: {  	[dreg:$0x3] =	wrdreg s24  }
0xb0: {  	[dreg:$0x4] =	wrdreg $0x82000  }
0xb1: {  	[dreg:$0x5] =	wrdreg $0x9  }
0xb2: {  	_ =	task.clear_ibuf [dreg:s7], $0x6FFFF;
	_ =	strace $0x9000004C  }
0xb3: {  	s29 =	simm.s32 $0x9;
	_ =	strace $0x8000004E  }
0xb4: {  	_ =	swait.ge [sflag:s29], $0x1  }
0xb5: {  	[sflag:s29] =	ssyncadd.s32 $0xFFFFFFFF  }
0xb6: {  	_ =	strace $0x9000004E  }
0xb7: {  	_ =	sfence  }
0xb8: {  	s30 =	sld [smem:$0x0];
	_ =	sdelay $0x2  }
0xb9: {  	s31 =	sshll.u32 s1, $0xD;
	s1 =	sshrl.u32 s1, $0x2  }
0xba: {  	s3 =	sand.u32 $0x4000, s31;
	s1 =	sadd.s32 s1, s30  }
0xbb: {  	s0 =	sor.u32 s3, s0;
	s1 =	sshll.u32 s1, $0x11  }
0xbc: {  	s0 =	sor.u32 s1, s0  }
0xbd: {  	s0 =	sadd.s32 $0x8F2B, s0  }
0xbe: {  	[sflag:s0] =	ssyncadd.remote.s32 $0x1  }
0xbf: {  	_ =	sfence.sel $0xFFFF  }
0xc0: {  	[dreg:$0x0] =	wrdreg $0xFFFFFFFF;
	(pc) =	sbr.abs _section_cstart, $3  }
0xc1: {  	[dreg:$0x1] =	wrdreg $0xFFFFFFFF  }
0xc2: {  	_ =	task.clear_ibuf [dreg:s7], $0x2FFFF;
	_ =	strace $0x9FFFFFFF  }
0xc3: {  	(tm) =	ssettm $0x7FFFFFFF  }
tec
execute0_lowered:
.L_overlay_start_1:
0x0: {  	(tag) =	ssettag $0x1  }
0x1: {  	s1 =	rddreg [dreg:$0x0]  }
0x2: {  	s0 =	rddreg [dreg:$0x1]  }
0x3: {  	s2 =	rddreg [dreg:$0x2];
	s4 =	simm.s32 $0x0  }
0x4: {  	s3 =	stileid.u32;
	s5 =	srdreg.scid;
	s21 =	simm.s32 $0x3  }
0x5: {  	s22 =	simm.s32 $0x100;
	s28 =	simm.s32 $0x4200;
	s29 =	simm.s32 $0x1  }
0x6: {  	s30 =	simm.s32 $0x2;
	[smem:$0x7FF] =	sst s4;
	s7 =	smul.u32 $0x2780, s3  }
0x7: {  	s6 =	sshll.u32 s3, $0x4;
	s5 =	sand.u32 $0x1, s5;
	s8 =	smul.u32 $0x4F000, s3  }
0x8: {  	s11 =	sadd.s32 $0x81C00, s0;
	s25 =	smul.u32 $0x13C00, s3;
	s18 =	sadd.s32 $0x128400, s2  }
0x9: {  	s13 =	sadd.s32 $0xA6C80, s0;
	p1 =	seq.s32 s3, $0xF;
	s17 =	sor.u32 $0x20, s3  }
0xa: {  	p2 =	sgt.u32 s3, $0x1;
	_ =	strace $0x8000004D;
	s10 =	sadd.s32 s6, s0  }
0xb: {  	s23 =	ssub.s32 $0x2, s5;
	p0 =	seq.s32 s5, $0x1;
	[dreg:$0x5] =	wrdreg s13  }
0xc: {  	s13 =	sadd.s32 $0x27100, s1;
	[dreg:$0x4] =	wrdreg s18;
	s18 =	sshrl.u32 @p1 s18, $0x3  }
0xd: {  	s9 =	sadd.s32 s7, s0;
	s12 =	sshrl.u32 s23, $0x1;
	s24 =	sshrl.u32 s8, $0x2  }
0xe: {  	s8 =	sadd.s32 $0x31880, s0;
	s15 =	sshrl.u32 s25, $0x3;
	s7 =	sadd.s32 s11, s7  }
0xf: {  	s0 =	sadd.s32 $0xCDD80, s0;
	s25 =	simm.s32 $0x4;
	s14 =	ssub.s32 s23, s12  }
0x10: {  	s5 =	sadd.s32 s24, s2;
	s6 =	sadd.s32 $0xC800, s9;
	s9 =	sadd.s32 $0x2800, s10  }
.Ltmp0:
0x11: {  	s10 =	sadd.s32 $0x7800, s10;
	[dreg:$0x6] =	wrdreg s7;
	(pc) =	sbr.rel .LBB2_1-.Ltmp0, $4  }
0x12: {  	s26 =	sadd.s32 s11, s15;
	[dreg:$0x7] =	wrdreg s0;
	s0 =	sshll.u32 @!p1 s3, $0x6  }
0x13: {  	s23 =	simm.s32 $0x80;
	s24 =	simm.s32 $0x200;
	s31 =	sadd.s32 $0x27100, s26  }
0x14: {  	s16 =	smax.u32 s14, $0x1;
	s19 =	sor.u32 @!p1 $0x1C03, s0;
	s20 =	sshrl.u32 @!p1 s5, $0x3  }
0x15: {  	s26 =	simm.s32 $0x180;
	s0 =	simm.s32 $0x0;
	[dreg:$0x8] =	wrdreg s31  }
.LBB2_15:
0x16: {  	s3 =	rddreg [dreg:$0x4]  }
0x17: {  	s7 =	rddreg [dreg:$0x7];
	s11 =	simm.s32 $0x1FC3;
	s3 =	sshrl.u32 s3, $0x3  }
0x18: {  	[hbm:s7], [sflag:s11] =	dma.local [spmem:s3], $0x2080  }
0x19: {  	_ =	swait.ge [sflag:s21], $0x2080  }
0x1a: {  	[sflag:s21] =	ssyncset.done $0x0  }
0x1b: {  	[sflag:s21] =	ssyncadd.s32 $0xFFFFDF80  }
.LBB2_16:
0x1c: {  	s0 =	sadd.s32 $0x1, s0  }
0x1d: {  	p3 =	sne.s32 s0, s16  }
.Ltmp1:
0x1e: {  	_ = 	snop;
	(pc) =	sbr.rel @!p3 .LBB2_17-.Ltmp1, $1  }
0x1f: {  	_ =	sdelay $0x3  }
.LBB2_1:
.Ltmp2:
0x20: {  	(pc) =	sbr.rel @!p0 .LBB2_2-.Ltmp2, $1  }
0x21: {  	_ =	sdelay $0x3  }
0x22: {  	s3 =	simm.s32 @p1 $0x1FC3  }
0x23: {  	[spmem:s18], [sflag:s3] =	dma.local @p1 [hbm:s8], $0x2080  }
0x24: {  	s3 =	simm.s32 @p1 $0x3  }
0x25: {  	_ =	swait.ge @p1 [sflag:s3], $0x2080  }
0x26: {  	[sflag:s3] =	ssyncset.done @p1 $0x0  }
0x27: {  	[sflag:s3] =	ssyncadd.s32 @p1 $0xFFFFDF80;
	s3 =	simm.s32 @!p1 $0x3  }
0x28: {  	[spmem:s20], [sflag:s19] =	dma.local @!p1 [hbm:s6], $0x2780  }
0x29: {  	_ =	swait.ge @!p1 [sflag:s3], $0x2780  }
0x2a: {  	[sflag:s3] =	ssyncset.done @!p1 $0x0  }
0x2b: {  	[sflag:s3] =	ssyncadd.s32 @!p1 $0xFFFFD880  }
0x2c: {  	s12 =	simm.s32 $0x0;
	[bflag:$0x0] =	sbarrier.arrive $0xFFFF  }
0x2d: {  	[tilespmem:s12], [sflag:$0x3] =	stream.linear.gather [hbm4b:s9+s12], $0x80, $0x38;
	[tilespmem:$0x1BA80] =	vst v63  }
0x2e: {  	_ =	swait.ge [sflag:s21], $0x80  }
0x2f: {  	[sflag:s21] =	ssyncset.done $0x0  }
0x30: {  	[sflag:s21] =	ssyncadd.s32 $0xFFFFFF80  }
0x31: {  	[tilespmem:s22], [sflag:$0x3] =	stream.linear.gather [hbm4b:s10+s12], $0x80, $0x38;
	[tilespmem:$0x1BA80] =	vst v63  }
0x32: {  	_ =	swait.ge [sflag:s21], $0x80  }
0x33: {  	[sflag:s21] =	ssyncset.done $0x0  }
0x34: {  	s14 =	sadd.s32 $0x0, s9;
	[sflag:s21] =	ssyncadd.s32 $0xFFFFFF80  }
0x35: {  	[tilespmem:s24], [sflag:$0x1] =	stream.indirect.gather [hbm4b:s13+s23], $0x80, s12, s23, $0xb8;
	[tilespmem:$0x1BA80] =	vst v63  }
0x36: {  	s3 =	sadd.s32 $0x100, s14  }
0x37: {  	[tilespmem:s23], [sflag:$0x4] =	stream.linear.gather [hbm4b:s3+s4], $0x80, $0x38;
	[tilespmem:$0x1BA80] =	vst v63  }
0x38: {  	_ =	swait.ge [sflag:s25], $0x80  }
0x39: {  	s15 =	sadd.s32 $0x0, s10;
	[sflag:s25] =	ssyncset.done $0x0  }
0x3a: {  	s3 =	sadd.s32 $0x100, s15;
	[sflag:s25] =	ssyncadd.s32 $0xFFFFFF80  }
0x3b: {  	[tilespmem:s26], [sflag:$0x4] =	stream.linear.gather [hbm4b:s3+s4], $0x80, $0x38;
	[tilespmem:$0x1BA80] =	vst v63  }
0x3c: {  	_ =	swait.ge [sflag:s25], $0x80  }
0x3d: {  	[sflag:s25] =	ssyncset.done $0x0  }
0x3e: {  	[sflag:s25] =	ssyncadd.s32 $0xFFFFFF80  }
0x3f: {  	[tilespmem:s28], [sflag:$0x2] =	stream.indirect.gather [hbm4b:s13+s23], $0x80, s23, s23, $0xb8;
	[tilespmem:$0x1BA80] =	vst v63  }
0x40: {  	_ =	swait.ge [sflag:s29], $0x4000  }
0x41: {  	[sflag:s29] =	ssyncset.done $0x0  }
0x42: {  	[sflag:s29] =	ssyncadd.s32 $0xFFFFC000  }
0x43: {  	[spmem:s2] =	stream.indirect.scatter.add.f32 [tilespmem:s24], [sflag:$0x4], $0x80, s22, s23, $0xb8;
	[tilespmem:$0x1BA80] =	vst v63  }
0x44: {  	p3 =	sgt.u32 s17, $0x4E1;
	_ =	swait.ge [sflag:s25], $0x4000  }
0x45: {  	s7 =	simm.s32 @!p3 $0x4;
	s3 =	sadd.s32 @!p3 $0x0, s9;
	[sflag:s25] =	ssyncset.done $0x0  }
0x46: {  	s11 =	simm.s32 @!p3 $0x0;
	s3 =	sadd.s32 @!p3 $0x200, s3;
	[sflag:s25] =	ssyncadd.s32 $0xFFFFC000  }
0x47: {  	[tilespmem:s11], [sflag:$0x4] =	stream.linear.gather @!p3 [hbm4b:s3+s11], $0x80, $0x38;
	[tilespmem:$0x1BA80] =	vst v63  }
0x48: {  	_ =	swait.ge @!p3 [sflag:s7], $0x80  }
0x49: {  	s3 =	sadd.s32 @!p3 $0x0, s10;
	[sflag:s7] =	ssyncset.done @!p3 $0x0  }
0x4a: {  	s12 =	simm.s32 @!p3 $0x100;
	s3 =	sadd.s32 @!p3 $0x200, s3;
	[sflag:s7] =	ssyncadd.s32 @!p3 $0xFFFFFF80  }
0x4b: {  	[tilespmem:s12], [sflag:$0x4] =	stream.linear.gather @!p3 [hbm4b:s3+s11], $0x80, $0x38;
	[tilespmem:$0x1BA80] =	vst v63  }
0x4c: {  	_ =	swait.ge @!p3 [sflag:s7], $0x80  }
0x4d: {  	[sflag:s7] =	ssyncset.done @!p3 $0x0  }
0x4e: {  	s3 =	simm.s32 @!p3 $0x80;
	[sflag:s7] =	ssyncadd.s32 @!p3 $0xFFFFFF80;
	s7 =	simm.s32 @!p3 $0x200  }
0x4f: {  	[tilespmem:s7], [sflag:$0x1] =	stream.indirect.gather @!p3 [hbm4b:s13+s3], $0x80, s11, s3, $0xb8;
	[tilespmem:$0x1BA80] =	vst v63  }
0x50: {  	_ =	swait.ge [sflag:s30], $0x4000  }
0x51: {  	[sflag:s30] =	ssyncset.done $0x0  }
0x52: {  	[sflag:s30] =	ssyncadd.s32 $0xFFFFC000  }
0x53: {  	[spmem:s2] =	stream.indirect.scatter.add.f32 [tilespmem:s28], [sflag:$0x3], $0x80, s26, s23, $0xb8;
	[tilespmem:$0x1BA80] =	vst v63  }
0x54: {  	s31 =	simm.s32 $0x200;
	s14 =	simm.s32 $0x400;
	_ =	swait.ge [sflag:s21], $0x4000  }
0x55: {  	s7 =	sadd.s32 $0x200, s9;
	s11 =	sadd.s32 $0x20, s17;
	[sflag:s21] =	ssyncset.done $0x0  }
.LBB2_10:
0x56: {  	s3 =	sadd.s32 $0x100, s7  }
0x57: {  	[sflag:s21] =	ssyncadd.s32 $0xFFFFC000;
	s7 =	smov.u32 s14;
	s14 =	sadd.s32 $0x200, s14  }
0x58: {  	[tilespmem:s23], [sflag:$0x4] =	stream.linear.gather [hbm4b:s3+s4], $0x80, $0x38;
	[tilespmem:$0x1BA80] =	vst v63  }
0x59: {  	p3 =	sne.s32 s14, $0x4E00;
	_ =	swait.ge [sflag:s25], $0x80  }
0x5a: {  	s3 =	sadd.s32 s31, s10;
	[sflag:s25] =	ssyncset.done $0x0  }
0x5b: {  	s3 =	sadd.s32 $0x100, s3;
	[sflag:s25] =	ssyncadd.s32 $0xFFFFFF80  }
0x5c: {  	[tilespmem:s26], [sflag:$0x4] =	stream.linear.gather [hbm4b:s3+s4], $0x80, $0x38;
	[tilespmem:$0x1BA80] =	vst v63  }
0x5d: {  	_ =	swait.ge [sflag:s25], $0x80  }
0x5e: {  	[sflag:s25] =	ssyncset.done $0x0  }
0x5f: {  	[sflag:s25] =	ssyncadd.s32 $0xFFFFFF80  }
0x60: {  	[tilespmem:s28], [sflag:$0x2] =	stream.indirect.gather [hbm4b:s13+s23], $0x80, s23, s23, $0xb8;
	[tilespmem:$0x1BA80] =	vst v63  }
0x61: {  	_ =	swait.ge [sflag:s29], $0x4000  }
0x62: {  	[sflag:s29] =	ssyncset.done $0x0  }
0x63: {  	[sflag:s29] =	ssyncadd.s32 $0xFFFFC000  }
0x64: {  	[spmem:s2] =	stream.indirect.scatter.add.f32 [tilespmem:s24], [sflag:$0x4], $0x80, s22, s23, $0xb8;
	[tilespmem:$0x1BA80] =	vst v63  }
0x65: {  	p4 =	sgt.u32 s11, $0x4E1;
	_ =	swait.ge [sflag:s25], $0x4000  }
0x66: {  	s12 =	simm.s32 @!p4 $0x4;
	s3 =	sadd.s32 @!p4 s31, s9;
	[sflag:s25] =	ssyncset.done $0x0  }
0x67: {  	s15 =	simm.s32 @!p4 $0x0;
	s3 =	sadd.s32 @!p4 $0x200, s3;
	[sflag:s25] =	ssyncadd.s32 $0xFFFFC000  }
0x68: {  	[tilespmem:s15], [sflag:$0x4] =	stream.linear.gather @!p4 [hbm4b:s3+s15], $0x80, $0x38;
	[tilespmem:$0x1BA80] =	vst v63  }
0x69: {  	s3 =	sadd.s32 @!p4 s31, s10;
	s31 =	smov.u32 s7;
	_ =	swait.ge @!p4 [sflag:s12], $0x80  }
0x6a: {  	s3 =	sadd.s32 @!p4 $0x200, s3;
	[sflag:s12] =	ssyncset.done @!p4 $0x0  }
0x6b: {  	s7 =	simm.s32 @!p4 $0x100;
	[sflag:s12] =	ssyncadd.s32 @!p4 $0xFFFFFF80  }
0x6c: {  	[tilespmem:s7], [sflag:$0x4] =	stream.linear.gather @!p4 [hbm4b:s3+s15], $0x80, $0x38;
	[tilespmem:$0x1BA80] =	vst v63  }
0x6d: {  	_ =	swait.ge @!p4 [sflag:s12], $0x80  }
0x6e: {  	[sflag:s12] =	ssyncset.done @!p4 $0x0  }
0x6f: {  	s3 =	simm.s32 @!p4 $0x80;
	s7 =	simm.s32 @!p4 $0x200;
	[sflag:s12] =	ssyncadd.s32 @!p4 $0xFFFFFF80  }
0x70: {  	[tilespmem:s7], [sflag:$0x1] =	stream.indirect.gather @!p4 [hbm4b:s13+s3], $0x80, s15, s3, $0xb8;
	[tilespmem:$0x1BA80] =	vst v63  }
0x71: {  	_ =	swait.ge [sflag:s30], $0x4000  }
.Ltmp3:
0x72: {  	[sflag:s30] =	ssyncset.done $0x0;
	(pc) =	sbr.rel @p3 .LBB2_10-.Ltmp3, $4  }
0x73: {  	[sflag:s30] =	ssyncadd.s32 $0xFFFFC000  }
0x74: {  	[spmem:s2] =	stream.indirect.scatter.add.f32 [tilespmem:s28], [sflag:$0x3], $0x80, s26, s23, $0xb8;
	[tilespmem:$0x1BA80] =	vst v63  }
0x75: {  	_ =	swait.ge [sflag:s21], $0x4000  }
0x76: {  	s11 =	sadd.s32 $0x20, s11;
	s7 =	sadd.s32 s31, s9;
	[sflag:s21] =	ssyncset.done $0x0  }
0x77: {  	s3 =	sadd.s32 $0x100, s7;
	[sflag:s21] =	ssyncadd.s32 $0xFFFFC000  }
0x78: {  	[tilespmem:s23], [sflag:$0x4] =	stream.linear.gather [hbm4b:s3+s4], $0x80, $0x38;
	[tilespmem:$0x1BA80] =	vst v63  }
0x79: {  	_ =	swait.ge [sflag:s25], $0x80  }
0x7a: {  	s15 =	sadd.s32 s31, s10;
	[sflag:s25] =	ssyncset.done $0x0  }
0x7b: {  	s3 =	sadd.s32 $0x100, s15;
	[sflag:s25] =	ssyncadd.s32 $0xFFFFFF80  }
0x7c: {  	[tilespmem:s26], [sflag:$0x4] =	stream.linear.gather [hbm4b:s3+s4], $0x80, $0x38;
	[tilespmem:$0x1BA80] =	vst v63  }
0x7d: {  	_ =	swait.ge [sflag:s25], $0x80  }
0x7e: {  	[sflag:s25] =	ssyncset.done $0x0  }
0x7f: {  	[sflag:s25] =	ssyncadd.s32 $0xFFFFFF80  }
0x80: {  	[tilespmem:s28], [sflag:$0x2] =	stream.indirect.gather [hbm4b:s13+s23], $0x80, s23, s23, $0xb8;
	[tilespmem:$0x1BA80] =	vst v63  }
0x81: {  	_ =	swait.ge [sflag:s29], $0x4000  }
0x82: {  	[sflag:s29] =	ssyncset.done $0x0  }
0x83: {  	[sflag:s29] =	ssyncadd.s32 $0xFFFFC000  }
0x84: {  	[spmem:s2] =	stream.indirect.scatter.add.f32 [tilespmem:s24], [sflag:$0x4], $0x80, s22, s23, $0xb8;
	[tilespmem:$0x1BA80] =	vst v63  }
0x85: {  	p3 =	sgt.u32 s11, $0x4E1;
	_ =	swait.ge [sflag:s25], $0x4000  }
0x86: {  	s7 =	simm.s32 @!p3 $0x4;
	s3 =	sadd.s32 @!p3 s31, s9;
	[sflag:s25] =	ssyncset.done $0x0  }
0x87: {  	s11 =	simm.s32 @!p3 $0x0;
	s3 =	sadd.s32 @!p3 $0x200, s3;
	[sflag:s25] =	ssyncadd.s32 $0xFFFFC000  }
0x88: {  	[tilespmem:s11], [sflag:$0x4] =	stream.linear.gather @!p3 [hbm4b:s3+s11], $0x80, $0x38;
	[tilespmem:$0x1BA80] =	vst v63  }
0x89: {  	_ =	swait.ge @!p3 [sflag:s7], $0x80  }
0x8a: {  	s3 =	sadd.s32 @!p3 s31, s10;
	[sflag:s7] =	ssyncset.done @!p3 $0x0  }
0x8b: {  	s12 =	simm.s32 @!p3 $0x100;
	s3 =	sadd.s32 @!p3 $0x200, s3;
	[sflag:s7] =	ssyncadd.s32 @!p3 $0xFFFFFF80  }
0x8c: {  	[tilespmem:s12], [sflag:$0x4] =	stream.linear.gather @!p3 [hbm4b:s3+s11], $0x80, $0x38;
	[tilespmem:$0x1BA80] =	vst v63  }
0x8d: {  	_ =	swait.ge @!p3 [sflag:s7], $0x80  }
0x8e: {  	[sflag:s7] =	ssyncset.done @!p3 $0x0  }
0x8f: {  	s3 =	simm.s32 @!p3 $0x80;
	[sflag:s7] =	ssyncadd.s32 @!p3 $0xFFFFFF80;
	s7 =	simm.s32 @!p3 $0x200  }
0x90: {  	[tilespmem:s7], [sflag:$0x1] =	stream.indirect.gather @!p3 [hbm4b:s13+s3], $0x80, s11, s3, $0xb8;
	[tilespmem:$0x1BA80] =	vst v63  }
0x91: {  	_ =	swait.ge [sflag:s30], $0x4000  }
0x92: {  	[sflag:s30] =	ssyncset.done $0x0  }
.Ltmp4:
0x93: {  	[sflag:s30] =	ssyncadd.s32 $0xFFFFC000;
	(pc) =	sbr.rel @p2 .LBB2_13-.Ltmp4, $4  }
0x94: {  	[spmem:s2] =	stream.indirect.scatter.add.f32 [tilespmem:s28], [sflag:$0x3], $0x80, s26, s23, $0xb8;
	[tilespmem:$0x1BA80] =	vst v63  }
0x95: {  	_ =	swait.ge [sflag:s21], $0x4000  }
0x96: {  	[sflag:s21] =	ssyncset.done $0x0  }
0x97: {  	[sflag:s21] =	ssyncadd.s32 $0xFFFFC000  }
0x98: {  	_ =	swait.ge [sflag:s29], $0x4000  }
0x99: {  	[sflag:s29] =	ssyncset.done $0x0  }
0x9a: {  	[sflag:s29] =	ssyncadd.s32 $0xFFFFC000  }
0x9b: {  	[spmem:s2] =	stream.indirect.scatter.add.f32 [tilespmem:s24], [sflag:$0x3], $0x80, s22, s23, $0xb8;
	[tilespmem:$0x1BA80] =	vst v63  }
.Ltmp5:
0x9c: {  	_ =	swait.ge [sflag:s21], $0x4000;
	(pc) =	sbr.rel .LBB2_14-.Ltmp5, $3  }
0x9d: {  	[sflag:s21] =	ssyncset.done $0x0  }
0x9e: {  	[sflag:s21] =	ssyncadd.s32 $0xFFFFC000  }
0x9f: {  	[bflag:$0x0] =	sbarrier.arrive $0xFFFF;
	_ =	sdelay $0x1  }
.LBB2_2:
0xa0: {  	s7 =	simm.s32 @p1 $0x1FC3  }
0xa1: {  	[spmem:s18], [sflag:s7] =	dma.local @p1 [hbm:s8], $0x2080  }
0xa2: {  	s7 =	simm.s32 @p1 $0x3  }
0xa3: {  	_ =	swait.ge @p1 [sflag:s7], $0x2080  }
0xa4: {  	[sflag:s7] =	ssyncset.done @p1 $0x0  }
0xa5: {  	[sflag:s7] =	ssyncadd.s32 @p1 $0xFFFFDF80;
	s7 =	simm.s32 @!p1 $0x3  }
0xa6: {  	[spmem:s20], [sflag:s19] =	dma.local @!p1 [hbm:s6], $0x2780  }
0xa7: {  	_ =	swait.ge @!p1 [sflag:s7], $0x2780  }
0xa8: {  	[sflag:s7] =	ssyncset.done @!p1 $0x0  }
0xa9: {  	[sflag:s7] =	ssyncadd.s32 @!p1 $0xFFFFD880  }
0xaa: {  	s12 =	simm.s32 $0x0;
	[bflag:$0x0] =	sbarrier.arrive $0xFFFF  }
0xab: {  	[tilespmem:s12], [sflag:$0x3] =	stream.linear.gather [hbm4b:s9+s12], $0x80, $0x38;
	[tilespmem:$0x1BA80] =	vst v63  }
0xac: {  	_ =	swait.ge [sflag:s21], $0x80  }
0xad: {  	[sflag:s21] =	ssyncset.done $0x0  }
0xae: {  	[sflag:s21] =	ssyncadd.s32 $0xFFFFFF80  }
0xaf: {  	[tilespmem:s22], [sflag:$0x3] =	stream.linear.gather [hbm4b:s10+s12], $0x80, $0x38;
	[tilespmem:$0x1BA80] =	vst v63  }
0xb0: {  	_ =	swait.ge [sflag:s21], $0x80  }
0xb1: {  	[sflag:s21] =	ssyncset.done $0x0  }
0xb2: {  	s14 =	sadd.s32 $0x0, s9;
	[sflag:s21] =	ssyncadd.s32 $0xFFFFFF80  }
0xb3: {  	[tilespmem:s24], [sflag:$0x1] =	stream.indirect.gather [hbm4b:s1+s23], $0x80, s12, s23, $0xb8;
	[tilespmem:$0x1BA80] =	vst v63  }
0xb4: {  	s7 =	sadd.s32 $0x100, s14  }
0xb5: {  	[tilespmem:s23], [sflag:$0x4] =	stream.linear.gather [hbm4b:s7+s4], $0x80, $0x38;
	[tilespmem:$0x1BA80] =	vst v63  }
0xb6: {  	_ =	swait.ge [sflag:s25], $0x80  }
0xb7: {  	s15 =	sadd.s32 $0x0, s10;
	[sflag:s25] =	ssyncset.done $0x0  }
0xb8: {  	s7 =	sadd.s32 $0x100, s15;
	[sflag:s25] =	ssyncadd.s32 $0xFFFFFF80  }
0xb9: {  	[tilespmem:s26], [sflag:$0x4] =	stream.linear.gather [hbm4b:s7+s4], $0x80, $0x38;
	[tilespmem:$0x1BA80] =	vst v63  }
0xba: {  	_ =	swait.ge [sflag:s25], $0x80  }
0xbb: {  	[sflag:s25] =	ssyncset.done $0x0  }
0xbc: {  	[sflag:s25] =	ssyncadd.s32 $0xFFFFFF80  }
0xbd: {  	[tilespmem:s28], [sflag:$0x2] =	stream.indirect.gather [hbm4b:s1+s23], $0x80, s23, s23, $0xb8;
	[tilespmem:$0x1BA80] =	vst v63  }
0xbe: {  	_ =	swait.ge [sflag:s29], $0x4000  }
0xbf: {  	[sflag:s29] =	ssyncset.done $0x0  }
0xc0: {  	[sflag:s29] =	ssyncadd.s32 $0xFFFFC000  }
0xc1: {  	[spmem:s2] =	stream.indirect.scatter.add.f32 [tilespmem:s24], [sflag:$0x4], $0x80, s22, s23, $0xb8;
	[tilespmem:$0x1BA80] =	vst v63  }
0xc2: {  	p3 =	sgt.u32 s17, $0x4E1;
	_ =	swait.ge [sflag:s25], $0x4000  }
0xc3: {  	s11 =	simm.s32 @!p3 $0x4;
	s7 =	sadd.s32 @!p3 $0x0, s9;
	[sflag:s25] =	ssyncset.done $0x0  }
0xc4: {  	s14 =	simm.s32 @!p3 $0x0;
	s7 =	sadd.s32 @!p3 $0x200, s7;
	[sflag:s25] =	ssyncadd.s32 $0xFFFFC000  }
0xc5: {  	[tilespmem:s14], [sflag:$0x4] =	stream.linear.gather @!p3 [hbm4b:s7+s14], $0x80, $0x38;
	[tilespmem:$0x1BA80] =	vst v63  }
0xc6: {  	_ =	swait.ge @!p3 [sflag:s11], $0x80  }
0xc7: {  	s7 =	sadd.s32 @!p3 $0x0, s10;
	[sflag:s11] =	ssyncset.done @!p3 $0x0  }
0xc8: {  	s31 =	simm.s32 @!p3 $0x100;
	s7 =	sadd.s32 @!p3 $0x200, s7;
	[sflag:s11] =	ssyncadd.s32 @!p3 $0xFFFFFF80  }
0xc9: {  	[tilespmem:s31], [sflag:$0x4] =	stream.linear.gather @!p3 [hbm4b:s7+s14], $0x80, $0x38;
	[tilespmem:$0x1BA80] =	vst v63  }
0xca: {  	_ =	swait.ge @!p3 [sflag:s11], $0x80  }
0xcb: {  	[sflag:s11] =	ssyncset.done @!p3 $0x0  }
0xcc: {  	s7 =	simm.s32 @!p3 $0x80;
	[sflag:s11] =	ssyncadd.s32 @!p3 $0xFFFFFF80;
	s11 =	simm.s32 @!p3 $0x200  }
0xcd: {  	[tilespmem:s11], [sflag:$0x1] =	stream.indirect.gather @!p3 [hbm4b:s1+s7], $0x80, s14, s7, $0xb8;
	[tilespmem:$0x1BA80] =	vst v63  }
0xce: {  	_ =	swait.ge [sflag:s30], $0x4000  }
0xcf: {  	[sflag:s30] =	ssyncset.done $0x0  }
0xd0: {  	[sflag:s30] =	ssyncadd.s32 $0xFFFFC000  }
0xd1: {  	[spmem:s2] =	stream.indirect.scatter.add.f32 [tilespmem:s28], [sflag:$0x3], $0x80, s26, s23, $0xb8;
	[tilespmem:$0x1BA80] =	vst v63  }
0xd2: {  	s31 =	simm.s32 $0x200;
	s14 =	simm.s32 $0x400;
	_ =	swait.ge [sflag:s21], $0x4000  }
0xd3: {  	s7 =	sadd.s32 $0x200, s9;
	s11 =	sadd.s32 $0x20, s17;
	[sflag:s21] =	ssyncset.done $0x0  }
.LBB2_3:
0xd4: {  	s7 =	sadd.s32 $0x100, s7  }
0xd5: {  	[sflag:s21] =	ssyncadd.s32 $0xFFFFC000;
	s12 =	smov.u32 s14;
	s14 =	sadd.s32 $0x200, s14  }
0xd6: {  	[tilespmem:s23], [sflag:$0x4] =	stream.linear.gather [hbm4b:s7+s4], $0x80, $0x38;
	[tilespmem:$0x1BA80] =	vst v63  }
0xd7: {  	p3 =	sne.s32 s14, $0x4E00;
	_ =	swait.ge [sflag:s25], $0x80  }
0xd8: {  	s7 =	sadd.s32 s31, s10;
	[sflag:s25] =	ssyncset.done $0x0  }
0xd9: {  	s7 =	sadd.s32 $0x100, s7;
	[sflag:s25] =	ssyncadd.s32 $0xFFFFFF80  }
0xda: {  	[tilespmem:s26], [sflag:$0x4] =	stream.linear.gather [hbm4b:s7+s4], $0x80, $0x38;
	[tilespmem:$0x1BA80] =	vst v63  }
0xdb: {  	_ =	swait.ge [sflag:s25], $0x80  }
0xdc: {  	[sflag:s25] =	ssyncset.done $0x0  }
0xdd: {  	[sflag:s25] =	ssyncadd.s32 $0xFFFFFF80  }
0xde: {  	[tilespmem:s28], [sflag:$0x2] =	stream.indirect.gather [hbm4b:s1+s23], $0x80, s23, s23, $0xb8;
	[tilespmem:$0x1BA80] =	vst v63  }
0xdf: {  	_ =	swait.ge [sflag:s29], $0x4000  }
0xe0: {  	[sflag:s29] =	ssyncset.done $0x0  }
0xe1: {  	[sflag:s29] =	ssyncadd.s32 $0xFFFFC000  }
0xe2: {  	[spmem:s2] =	stream.indirect.scatter.add.f32 [tilespmem:s24], [sflag:$0x4], $0x80, s22, s23, $0xb8;
	[tilespmem:$0x1BA80] =	vst v63  }
0xe3: {  	p4 =	sgt.u32 s11, $0x4E1;
	_ =	swait.ge [sflag:s25], $0x4000  }
0xe4: {  	s15 =	simm.s32 @!p4 $0x4;
	s7 =	sadd.s32 @!p4 s31, s9;
	[sflag:s25] =	ssyncset.done $0x0  }
0xe5: {  	s3 =	simm.s32 @!p4 $0x0;
	s7 =	sadd.s32 @!p4 $0x200, s7;
	[sflag:s25] =	ssyncadd.s32 $0xFFFFC000  }
0xe6: {  	[tilespmem:s3], [sflag:$0x4] =	stream.linear.gather @!p4 [hbm4b:s7+s3], $0x80, $0x38;
	[tilespmem:$0x1BA80] =	vst v63  }
0xe7: {  	s7 =	sadd.s32 @!p4 s31, s10;
	s31 =	smov.u32 s12;
	_ =	swait.ge @!p4 [sflag:s15], $0x80  }
0xe8: {  	s7 =	sadd.s32 @!p4 $0x200, s7;
	[sflag:s15] =	ssyncset.done @!p4 $0x0  }
0xe9: {  	s12 =	simm.s32 @!p4 $0x100;
	[sflag:s15] =	ssyncadd.s32 @!p4 $0xFFFFFF80  }
0xea: {  	[tilespmem:s12], [sflag:$0x4] =	stream.linear.gather @!p4 [hbm4b:s7+s3], $0x80, $0x38;
	[tilespmem:$0x1BA80] =	vst v63  }
0xeb: {  	_ =	swait.ge @!p4 [sflag:s15], $0x80  }
0xec: {  	[sflag:s15] =	ssyncset.done @!p4 $0x0  }
0xed: {  	s7 =	simm.s32 @!p4 $0x80;
	s12 =	simm.s32 @!p4 $0x200;
	[sflag:s15] =	ssyncadd.s32 @!p4 $0xFFFFFF80  }
0xee: {  	[tilespmem:s12], [sflag:$0x1] =	stream.indirect.gather @!p4 [hbm4b:s1+s7], $0x80, s3, s7, $0xb8;
	[tilespmem:$0x1BA80] =	vst v63  }
0xef: {  	_ =	swait.ge [sflag:s30], $0x4000  }
.Ltmp6:
0xf0: {  	[sflag:s30] =	ssyncset.done $0x0;
	(pc) =	sbr.rel @p3 .LBB2_3-.Ltmp6, $4  }
0xf1: {  	[sflag:s30] =	ssyncadd.s32 $0xFFFFC000  }
0xf2: {  	[spmem:s2] =	stream.indirect.scatter.add.f32 [tilespmem:s28], [sflag:$0x3], $0x80, s26, s23, $0xb8;
	[tilespmem:$0x1BA80] =	vst v63  }
0xf3: {  	_ =	swait.ge [sflag:s21], $0x4000  }
0xf4: {  	s11 =	sadd.s32 $0x20, s11;
	s7 =	sadd.s32 s31, s9;
	[sflag:s21] =	ssyncset.done $0x0  }
0xf5: {  	s3 =	sadd.s32 $0x100, s7;
	[sflag:s21] =	ssyncadd.s32 $0xFFFFC000  }
0xf6: {  	[tilespmem:s23], [sflag:$0x4] =	stream.linear.gather [hbm4b:s3+s4], $0x80, $0x38;
	[tilespmem:$0x1BA80] =	vst v63  }
0xf7: {  	_ =	swait.ge [sflag:s25], $0x80  }
0xf8: {  	s15 =	sadd.s32 s31, s10;
	[sflag:s25] =	ssyncset.done $0x0  }
0xf9: {  	s3 =	sadd.s32 $0x100, s15;
	[sflag:s25] =	ssyncadd.s32 $0xFFFFFF80  }
0xfa: {  	[tilespmem:s26], [sflag:$0x4] =	stream.linear.gather [hbm4b:s3+s4], $0x80, $0x38;
	[tilespmem:$0x1BA80] =	vst v63  }
0xfb: {  	_ =	swait.ge [sflag:s25], $0x80  }
0xfc: {  	[sflag:s25] =	ssyncset.done $0x0  }
0xfd: {  	[sflag:s25] =	ssyncadd.s32 $0xFFFFFF80  }
0xfe: {  	[tilespmem:s28], [sflag:$0x2] =	stream.indirect.gather [hbm4b:s1+s23], $0x80, s23, s23, $0xb8;
	[tilespmem:$0x1BA80] =	vst v63  }
0xff: {  	_ =	swait.ge [sflag:s29], $0x4000  }
0x100: {  	[sflag:s29] =	ssyncset.done $0x0  }
0x101: {  	[sflag:s29] =	ssyncadd.s32 $0xFFFFC000  }
0x102: {  	[spmem:s2] =	stream.indirect.scatter.add.f32 [tilespmem:s24], [sflag:$0x4], $0x80, s22, s23, $0xb8;
	[tilespmem:$0x1BA80] =	vst v63  }
0x103: {  	p3 =	sgt.u32 s11, $0x4E1;
	_ =	swait.ge [sflag:s25], $0x4000  }
0x104: {  	s7 =	simm.s32 @!p3 $0x4;
	s3 =	sadd.s32 @!p3 s31, s9;
	[sflag:s25] =	ssyncset.done $0x0  }
0x105: {  	s11 =	simm.s32 @!p3 $0x0;
	s3 =	sadd.s32 @!p3 $0x200, s3;
	[sflag:s25] =	ssyncadd.s32 $0xFFFFC000  }
0x106: {  	[tilespmem:s11], [sflag:$0x4] =	stream.linear.gather @!p3 [hbm4b:s3+s11], $0x80, $0x38;
	[tilespmem:$0x1BA80] =	vst v63  }
0x107: {  	_ =	swait.ge @!p3 [sflag:s7], $0x80  }
0x108: {  	s3 =	sadd.s32 @!p3 s31, s10;
	[sflag:s7] =	ssyncset.done @!p3 $0x0  }
0x109: {  	s12 =	simm.s32 @!p3 $0x100;
	s3 =	sadd.s32 @!p3 $0x200, s3;
	[sflag:s7] =	ssyncadd.s32 @!p3 $0xFFFFFF80  }
0x10a: {  	[tilespmem:s12], [sflag:$0x4] =	stream.linear.gather @!p3 [hbm4b:s3+s11], $0x80, $0x38;
	[tilespmem:$0x1BA80] =	vst v63  }
0x10b: {  	_ =	swait.ge @!p3 [sflag:s7], $0x80  }
0x10c: {  	[sflag:s7] =	ssyncset.done @!p3 $0x0  }
0x10d: {  	s3 =	simm.s32 @!p3 $0x80;
	[sflag:s7] =	ssyncadd.s32 @!p3 $0xFFFFFF80;
	s7 =	simm.s32 @!p3 $0x200  }
0x10e: {  	[tilespmem:s7], [sflag:$0x1] =	stream.indirect.gather @!p3 [hbm4b:s1+s3], $0x80, s11, s3, $0xb8;
	[tilespmem:$0x1BA80] =	vst v63  }
0x10f: {  	_ =	swait.ge [sflag:s30], $0x4000  }
0x110: {  	[sflag:s30] =	ssyncset.done $0x0  }
.Ltmp7:
0x111: {  	[sflag:s30] =	ssyncadd.s32 $0xFFFFC000;
	(pc) =	sbr.rel @p2 .LBB2_6-.Ltmp7, $4  }
0x112: {  	[spmem:s2] =	stream.indirect.scatter.add.f32 [tilespmem:s28], [sflag:$0x3], $0x80, s26, s23, $0xb8;
	[tilespmem:$0x1BA80] =	vst v63  }
0x113: {  	_ =	swait.ge [sflag:s21], $0x4000  }
0x114: {  	[sflag:s21] =	ssyncset.done $0x0  }
0x115: {  	[sflag:s21] =	ssyncadd.s32 $0xFFFFC000  }
0x116: {  	_ =	swait.ge [sflag:s29], $0x4000  }
0x117: {  	[sflag:s29] =	ssyncset.done $0x0  }
0x118: {  	[sflag:s29] =	ssyncadd.s32 $0xFFFFC000  }
0x119: {  	[spmem:s2] =	stream.indirect.scatter.add.f32 [tilespmem:s24], [sflag:$0x3], $0x80, s22, s23, $0xb8;
	[tilespmem:$0x1BA80] =	vst v63  }
.Ltmp8:
0x11a: {  	_ =	swait.ge [sflag:s21], $0x4000;
	(pc) =	sbr.rel .LBB2_7-.Ltmp8, $3  }
0x11b: {  	[sflag:s21] =	ssyncset.done $0x0  }
0x11c: {  	[sflag:s21] =	ssyncadd.s32 $0xFFFFC000  }
0x11d: {  	[bflag:$0x0] =	sbarrier.arrive $0xFFFF;
	_ =	sdelay $0x1  }
.LBB2_13:
.Ltmp9:
0x11e: {  	(pc) =	sbr.rel @p1 .LBB2_15-.Ltmp9, $2  }
0x11f: {  	_ =	sdelay $0x1  }
0x120: {  	[bflag:$0x0] =	sbarrier.arrive $0xFFFF;
	_ =	sdelay $0x1  }
.LBB2_14:
0x121: {  	s3 =	stileid.u32  }
0x122: {  	s7 =	sshrl.u32 s5, $0x3;
	s3 =	sshll.u32 s3, $0x6  }
.Ltmp10:
0x123: {  	s11 =	rddreg [dreg:$0x8];
	s3 =	sor.u32 $0x1C03, s3;
	(pc) =	sbr.rel .LBB2_16-.Ltmp10, $4  }
0x124: {  	[hbm:s11], [sflag:s3] =	dma.local [spmem:s7], $0x2780  }
0x125: {  	_ =	swait.ge [sflag:s21], $0x2780  }
0x126: {  	[sflag:s21] =	ssyncset.done $0x0  }
0x127: {  	[sflag:s21] =	ssyncadd.s32 $0xFFFFD880  }
.LBB2_6:
.Ltmp11:
0x128: {  	(pc) =	sbr.rel @!p1 .LBB2_7-.Ltmp11, $2  }
0x129: {  	_ =	sdelay $0x1  }
0x12a: {  	[bflag:$0x0] =	sbarrier.arrive $0xFFFF;
	_ =	sdelay $0x1  }
0x12b: {  	s3 =	rddreg [dreg:$0x4]  }
0x12c: {  	s7 =	rddreg [dreg:$0x5]  }
.Ltmp12:
0x12d: {  	s11 =	simm.s32 $0x1FC3;
	s3 =	sshrl.u32 s3, $0x3;
	(pc) =	sbr.rel .LBB2_16-.Ltmp12, $4  }
0x12e: {  	[hbm:s7], [sflag:s11] =	dma.local [spmem:s3], $0x2080  }
0x12f: {  	_ =	swait.ge [sflag:s21], $0x2080  }
0x130: {  	[sflag:s21] =	ssyncset.done $0x0  }
0x131: {  	[sflag:s21] =	ssyncadd.s32 $0xFFFFDF80  }
.LBB2_7:
0x132: {  	s3 =	stileid.u32  }
0x133: {  	s7 =	sshrl.u32 s5, $0x3;
	s3 =	sshll.u32 s3, $0x6  }
.Ltmp13:
0x134: {  	s11 =	rddreg [dreg:$0x6];
	s3 =	sor.u32 $0x1C03, s3;
	(pc) =	sbr.rel .LBB2_16-.Ltmp13, $4  }
0x135: {  	[hbm:s11], [sflag:s3] =	dma.local [spmem:s7], $0x2780  }
0x136: {  	_ =	swait.ge [sflag:s21], $0x2780  }
0x137: {  	[sflag:s21] =	ssyncset.done $0x0  }
0x138: {  	[sflag:s21] =	ssyncadd.s32 $0xFFFFD880  }
.LBB2_17:
0x139: {  	_ =	sfence.sel $0x180000  }
0x13a: {  	[bflag:$0x0] =	sbarrier.arrive $0xFFFF  }
0x13b: {  	_ =	strace $0x9000004D  }
0x13c: {  	s0 =	stileid.u32;
	[bflag:$0x2] =	sbarrier.arrive $0xFFFF  }
0x13d: {  	p0 =	sne.s32 s0, $0x0;
	s0 =	rddreg [dreg:$0x3]  }
0x13e: {  	s0 =	sadd.s32 @!p0 $0x100000, s0  }
0x13f: {  	[sflag:s0] =	ssyncadd.tile.s32 @!p0 $0x1;
	_ =	shalt  }
.Lfunc_end2:
_tile_overlayer_lowered:
.L_overlay_start_2:
0x140: {  	(tag) =	ssettag $0x2  }
0x141: {  	s0 =	rddreg [dreg:$0x0];
	s2 =	stileid.u32  }
0x142: {  	s1 =	rddreg [dreg:$0x1];
	p0 =	sne.s32 s2, $0x0  }
0x143: {  	s3 =	rddreg [dreg:$0x2];
	[bflag:$0x3] =	sbarrier.arrive $0xFFFF;
	s2 =	simm.s32 @!p0 $0x1C03  }
0x144: {  	[timem:s3], [sflag:s2] =	dma.local @!p0 [hbm:s0], s1  }
0x145: {  	s0 =	simm.s32 @!p0 $0x3  }
0x146: {  	_ =	swait.ge @!p0 [sflag:s0], s1  }
0x147: {  	s1 =	ssub.s32 @!p0 $0x0, s1;
	[sflag:s0] =	ssyncset.done @!p0 $0x0  }
0x148: {  	[sflag:s0] =	ssyncadd.s32 @!p0 s1  }
0x149: {  	[bflag:$0x3] =	sbarrier.arrive $0xFFFF  }
0x14a: {  	_ =	shalt  }

// kernel: kernel.9.cloned.1.call-start
scs
__scs_entry_jumppad:
0x0: {  	(pc) =	sbr.rel $0x88, $3  }
0x1: {  	(tag) =	ssettag $0x0;
	lr =	simm.s32 $0x1  }
0x2: {  	[smem:$0x3F97] =	sst lr;
	_ =	strace $0xD0000000  }
0x3: {  	_ = 	snop  }
0x4: {  	_ = 	snop  }
0x5: {  	_ = 	snop  }
0x6: {  	_ = 	snop  }
0x7: {  	_ = 	snop  }
__scs_overlays_trampoline_lowered:
0x8: {  	[smem:$0x3FA6] =	sst s0  }
0x9: {  	[smem:$0x3FA7] =	sst s1  }
0xa: {  	[smem:$0x3FA8] =	sst s2  }
0xb: {  	[smem:$0x3FA9] =	sst s3  }
0xc: {  	[smem:$0x3FAA] =	sst s4  }
0xd: {  	[smem:$0x3FAB] =	sst s5  }
0xe: {  	[smem:$0x3FAC] =	sst s6  }
0xf: {  	[smem:$0x3FAD] =	sst s7  }
0x10: {  	[smem:$0x3FAE] =	sst s8  }
0x11: {  	[smem:$0x3FAF] =	sst s9;
	s0 =	simm.s32 @!p0 $0x0  }
0x12: {  	s1 =	sld [smem:$0x3F95];
	s0 =	simm.s32 @p0 $0x1  }
0x13: {  	[smem:$0x3FB0] =	sst s0;
	s0 =	simm.s32 @!p1 $0x0  }
0x14: {  	s2 =	sld [smem:$0x3F94];
	s0 =	simm.s32 @p1 $0x1  }
0x15: {  	[smem:$0x3FB1] =	sst s0;
	s0 =	simm.s32 @!p2 $0x0  }
0x16: {  	s3 =	sld [smem:$0x3FDB];
	s0 =	simm.s32 @p2 $0x1  }
0x17: {  	s4 =	simm.s32 $0x1BF5;
	[smem:$0x3FB3] =	sst s0  }
0x18: {  	s0 =	sld [smem:$0x3F96];
	_ =	swait.ge [sflag:s4], $0x0  }
0x19: {  	s7 =	sld [smem:$0x3F97]  }
0x1a: {  	s8 =	sadd.s32 $0xFFFFE003, lr  }
0x1b: {  	s9 =	sadd.s32 $0xFFFFFEF7, lr;
	s5 =	simm.s32 $0xFFFFFFFF;
	p2 =	slt.u32 s8, $0xFFFFF086  }
0x1c: {  	p1 =	slt.u32 s9, $0xF7A;
	s5 =	simm.s32 @!p2 $0x0  }
0x1d: {  	s5 =	simm.s32 @p1 $0x1;
	p0 =	seq.s32 s7, s2  }
0x1e: {  	s7 =	smul.u32 @!p0 $0xF7A, s2;
	p2 =	seq.s32 @!p0 s5, $0x0  }
0x1f: {  	s9 =	smul.u32 $0xF7A, s1;
	s8 =	simm.s32 @!p0 $0x1BF5;
	p2 =	por !p2, p0  }
0x20: {  	[sflag:s8] =	ssyncset.s32 @!p0 $0xFFFFF086;
	s6 =	sadd.s32 @!p0 s3, s7;
	s7 =	simm.s32 @!p0 $0x108  }
0x21: {  	s3 =	sadd.s32 s3, s9;
	s6 =	sadd.s32 @!p0 $0x88, s6;
	s7 =	simm.s32 @p2 $0x1082  }
0x22: {  	[simem:s7], [sflag:s8] =	dma.local @!p0 [hbm:s6], $0xF7A  }
0x23: {  	s9 =	sor.u32 $0xD0000000, s2;
	s6 =	simm.s32 $0x108;
	_ =	swait.ge @!p0 [sflag:s8], $0x0  }
0x24: {  	s3 =	sadd.s32 $0x88, s3;
	s6 =	simm.s32 @!p1 $0x1082;
	[sflag:s4] =	ssyncset.s32 $0xFFFFF086  }
0x25: {  	[simem:s6], [sflag:s4] =	dma.local [hbm:s3], $0xF7A  }
0x26: {  	[smem:$0x3F97] =	sst s1;
	(tag) =	ssettag s2;
	_ =	strace s9  }
0x27: {  	s1 =	sld [smem:$0x3FA7]  }
0x28: {  	s2 =	sld [smem:$0x3FA8]  }
0x29: {  	s4 =	sld [smem:$0x3FAA]  }
0x2a: {  	p0 =	seq.s32 s5, $0x0;
	s5 =	sld [smem:$0x3FAB]  }
0x2b: {  	s6 =	sld [smem:$0x3FAC]  }
0x2c: {  	s7 =	sld [smem:$0x3FAD]  }
0x2d: {  	s3 =	simm.s32 $0x108;
	s8 =	sld [smem:$0x3FAE]  }
0x2e: {  	s3 =	simm.s32 @!p0 $0x1082;
	s9 =	sld [smem:$0x3FAF]  }
0x2f: {  	lr =	sadd.s32 s0, s3;
	s0 =	sld [smem:$0x3FA6]  }
0x30: {  	s3 =	sld [smem:$0x3FA9]  }
0x31: {  	[smem:$0x3FB2] =	sst s10  }
0x32: {  	s10 =	sld [smem:$0x3FB0];
	_ =	sdelay $0x3  }
0x33: {  	p0 =	seq.s32 s10, $0x1;
	s10 =	sld [smem:$0x3FB2];
	_ =	sdelay $0x3  }
0x34: {  	[smem:$0x3FB2] =	sst s10  }
0x35: {  	s10 =	sld [smem:$0x3FB1];
	_ =	sdelay $0x3  }
0x36: {  	p1 =	seq.s32 s10, $0x1;
	s10 =	sld [smem:$0x3FB2];
	_ =	sdelay $0x3  }
0x37: {  	[smem:$0x3FB2] =	sst s10  }
0x38: {  	s10 =	sld [smem:$0x3FB3]  }
0x39: {  	_ = 	snop;
	(pc) =	sbr.ind lr, $3  }
0x3a: {  	_ = 	snop  }
0x3b: {  	_ = 	snop  }
0x3c: {  	p2 =	seq.s32 s10, $0x1;
	s10 =	sld [smem:$0x3FB2]  }
0x3d: {  	_ =	shalt  }
0x3e: {  	_ =	shalt  }
0x3f: {  	_ =	shalt  }
0x40: {  	_ =	shalt  }
0x41: {  	_ =	shalt  }
0x42: {  	_ =	shalt  }
0x43: {  	_ =	shalt  }
0x44: {  	_ =	shalt  }
0x45: {  	_ =	shalt  }
0x46: {  	_ =	shalt  }
0x47: {  	_ =	shalt  }
0x48: {  	_ =	shalt  }
0x49: {  	_ =	shalt  }
0x4a: {  	_ =	shalt  }
0x4b: {  	_ =	shalt  }
0x4c: {  	_ =	shalt  }
0x4d: {  	_ =	shalt  }
0x4e: {  	_ =	shalt  }
0x4f: {  	_ =	shalt  }
0x50: {  	_ =	shalt  }
0x51: {  	_ =	shalt  }
0x52: {  	_ =	shalt  }
0x53: {  	_ =	shalt  }
0x54: {  	_ =	shalt  }
0x55: {  	_ =	shalt  }
0x56: {  	_ =	shalt  }
0x57: {  	_ =	shalt  }
0x58: {  	_ =	shalt  }
0x59: {  	_ =	shalt  }
0x5a: {  	_ =	shalt  }
0x5b: {  	_ =	shalt  }
0x5c: {  	_ =	shalt  }
0x5d: {  	_ =	shalt  }
0x5e: {  	_ =	shalt  }
0x5f: {  	_ =	shalt  }
0x60: {  	_ =	shalt  }
0x61: {  	_ =	shalt  }
0x62: {  	_ =	shalt  }
0x63: {  	_ =	shalt  }
0x64: {  	_ =	shalt  }
0x65: {  	_ =	shalt  }
0x66: {  	_ =	shalt  }
0x67: {  	_ =	shalt  }
0x68: {  	_ =	shalt  }
0x69: {  	_ =	shalt  }
0x6a: {  	_ =	shalt  }
0x6b: {  	_ =	shalt  }
0x6c: {  	_ =	shalt  }
0x6d: {  	_ =	shalt  }
0x6e: {  	_ =	shalt  }
0x6f: {  	_ =	shalt  }
0x70: {  	_ =	shalt  }
0x71: {  	_ =	shalt  }
0x72: {  	_ =	shalt  }
0x73: {  	_ =	shalt  }
0x74: {  	_ =	shalt  }
0x75: {  	_ =	shalt  }
0x76: {  	_ =	shalt  }
0x77: {  	_ =	shalt  }
0x78: {  	_ =	shalt  }
0x79: {  	_ =	shalt  }
0x7a: {  	_ =	shalt  }
0x7b: {  	_ =	shalt  }
0x7c: {  	_ =	shalt  }
0x7d: {  	_ =	shalt  }
0x7e: {  	_ =	shalt  }
0x7f: {  	_ =	shalt  }
0x80: {  	_ =	shalt  }
0x81: {  	_ =	shalt  }
0x82: {  	_ =	shalt  }
0x83: {  	_ =	shalt  }
0x84: {  	_ =	shalt  }
0x85: {  	_ =	shalt  }
0x86: {  	_ =	shalt  }
0x87: {  	_ =	shalt  }
.Lfunc_end0:
.L_simem_size_0:
called_computation_lowered:
.L_overlay_start_0:
0x88: {  	s2 =	sld [smem:$0x3FD9]  }
0x89: {  	s3 =	sld [smem:$0x3FFE];
	_ =	sdelay $0x1  }
0x8a: {  	s1 =	srdreg.scid  }
0x8b: {  	s0 =	sand.u32 $0x1, s1  }
0x8c: {  	s17 =	sshll.u32 s0, $0xA;
	s2 =	sadd.s32 s3, s2  }
0x8d: {  	s2 =	sadd.s32 s2, s17  }
0x8e: {  	[smem:$0x3FBE] =	sst s2  }
0x8f: {  	_ = 	snop  }
0x90: {  	s2 =	sld [smem:$0x3FD0];
	(tm) =	ssettm $0x1  }
0x91: {  	s18 =	sld [smem:$0x3FFB];
	_ =	sdelay $0x3  }
0x92: {  	_ =	strace s18  }
0x93: {  	s3 =	sld [smem:$0x3FFC];
	_ =	sdelay $0x3  }
0x94: {  	_ =	strace s3  }
0x95: {  	s3 =	sld [smem:$0x3FFD];
	_ =	sdelay $0x3  }
0x96: {  	_ =	strace s3  }
0x97: {  	_ =	strace $0x8FFFFFFF  }
0x98: {  	s19 =	sld [smem:$0x3FDB];
	_ =	sdelay $0x1  }
0x99: {  	s4 =	simm.s32 $_scs_section_size  }
0x9a: {  	s5 =	simm.s32 $_size__tile_overlayer_lowered;
	s6 =	simm.s32 $_tile_overlayer_lowered  }
0x9b: {  	s22 =	simm.s32 $0x1BFF;
	s21 =	sshll.u32 s6, $0x1;
	s3 =	sadd.s32 s4, s19  }
0x9c: {  	s7 =	simm.s32 $0x0;
	s20 =	sshll.u32 s5, $0x1;
	s5 =	sadd.s32 s21, s3  }
0x9d: {  	[timem:s7], [sflag:s22] =	dma.local [hbm:s5], s20  }
0x9e: {  	_ =	swait.ge [sflag:s22], s20  }
0x9f: {  	s4 =	ssub.s32 $0x0, s20;
	[sflag:s22] =	ssyncset.done $0x0  }
0xa0: {  	[sflag:s22] =	ssyncadd.s32 s4;
	_ =	sdelay $0x1  }
0xa1: {  	s23 =	simm.s32 $0x1B8B  }
0xa2: {  	_ =	swait.ge [sflag:s23], $0x1  }
0xa3: {  	[sflag:s23] =	ssyncset.done $0x0  }
0xa4: {  	s25 =	simm.s32 $0x1B8E;
	s24 =	sld [smem:$0x3FFE];
	[sflag:s23] =	ssyncadd.s32 $0xFFFFFFFF  }
0xa5: {  	s26 =	simm.s32 $execute0_lowered;
	[smem:$0x3FD2] =	sst s25  }
0xa6: {  	s5 =	sshll.u32 s26, $0x1;
	_ =	strace $0x80000046;
	[dreg:$0x1] =	wrdreg $0xFFFFFFFF  }
0xa7: {  	s28 =	simm.s32 $_size_execute0_lowered;
	s3 =	sadd.s32 s3, s5;
	[dreg:$0x0] =	wrdreg $0x0  }
0xa8: {  	s5 =	sshll.u32 s28, $0x1;
	[dreg:$0x2] =	wrdreg s3  }
0xa9: {  	[dreg:$0x3] =	wrdreg s5  }
0xaa: {  	[dreg:$0x4] =	wrdreg $0xC0  }
0xab: {  	_ =	task [dreg:s7], $0x5FFFF  }
0xac: {  	[dreg:$0x1] =	wrdreg $0xFFFFFFFF  }
0xad: {  	[dreg:$0x0] =	wrdreg $0x60  }
0xae: {  	[dreg:$0x2] =	wrdreg s24  }
0xaf: {  	[dreg:$0x3] =	wrdreg s2  }
0xb0: {  	[dreg:$0x4] =	wrdreg $0x40800  }
0xb1: {  	[dreg:$0x5] =	wrdreg $0x9  }
0xb2: {  	_ =	task.clear_ibuf [dreg:s7], $0x6FFFF;
	_ =	strace $0x90000046  }
0xb3: {  	s29 =	simm.s32 $0x9;
	_ =	strace $0x80000048  }
0xb4: {  	_ =	swait.ge [sflag:s29], $0x1  }
0xb5: {  	[sflag:s29] =	ssyncadd.s32 $0xFFFFFFFF  }
0xb6: {  	_ =	strace $0x90000048  }
0xb7: {  	_ =	sfence  }
0xb8: {  	s30 =	sld [smem:$0x0];
	_ =	sdelay $0x2  }
0xb9: {  	s31 =	sshll.u32 s1, $0xD;
	s1 =	sshrl.u32 s1, $0x2  }
0xba: {  	s3 =	sand.u32 $0x4000, s31;
	s1 =	sadd.s32 s1, s30  }
0xbb: {  	s0 =	sor.u32 s3, s0;
	s1 =	sshll.u32 s1, $0x11  }
0xbc: {  	s0 =	sor.u32 s1, s0  }
0xbd: {  	s0 =	sadd.s32 $0x8F2B, s0  }
0xbe: {  	[sflag:s0] =	ssyncadd.remote.s32 $0x1  }
0xbf: {  	_ =	sfence.sel $0xFFFF  }
0xc0: {  	[dreg:$0x0] =	wrdreg $0xFFFFFFFF;
	(pc) =	sbr.abs _section_cstart, $3  }
0xc1: {  	[dreg:$0x1] =	wrdreg $0xFFFFFFFF  }
0xc2: {  	_ =	task.clear_ibuf [dreg:s7], $0x2FFFF;
	_ =	strace $0x9FFFFFFF  }
0xc3: {  	(tm) =	ssettm $0x7FFFFFFF  }
tec
execute0_lowered:
.L_overlay_start_1:
0x0: {  	(tag) =	ssettag $0x1  }
0x1: {  	s7 =	rddreg [dreg:$0x0]  }
0x2: {  	s2 =	rddreg [dreg:$0x1]  }
0x3: {  	s3 =	rddreg [dreg:$0x2]  }
0x4: {  	s0 =	rddreg [dreg:$0x3];
	s4 =	simm.s32 $0x0;
	s1 =	stileid.u32  }
0x5: {  	s26 =	srdreg.scid;
	s17 =	simm.s32 $0x0;
	[smem:$0x7FF] =	sst s4  }
0x6: {  	s5 =	sshll.u32 s1, $0x5;
	s6 =	smul.u32 $0x2780, s1;
	s9 =	sand.u32 $0x1, s26  }
0x7: {  	s28 =	smul.u32 $0x4F000, s1;
	s11 =	sadd.s32 $0x33A00, s7;
	s16 =	sadd.s32 $0x128400, s3  }
0x8: {  	s15 =	smul.u32 $0x13C00, s1;
	p0 =	seq.s32 s1, $0xF;
	_ =	strace $0x80000047  }
0x9: {  	s10 =	sadd.s32 s5, s7;
	s8 =	ssub.s32 $0x2, s9;
	s12 =	smul.u32 $0x138800, s9  }
0xa: {  	s5 =	sshll.u32 s1, $0x1;
	s30 =	sshll.u32 s9, $0x4;
	s6 =	sadd.s32 s6, s7  }
0xb: {  	s13 =	sshrl.u32 s8, $0x1;
	s14 =	sshrl.u32 s28, $0x2;
	s7 =	sadd.s32 $0x31880, s7  }
0xc: {  	s31 =	sadd.s32 s30, s10;
	s13 =	ssub.s32 s8, s13;
	s14 =	sadd.s32 s14, s3  }
0xd: {  	s6 =	sadd.s32 $0xC800, s6;
	s29 =	sadd.s32 s15, s12;
	s12 =	sshrl.u32 s12, $0x3  }
0xe: {  	s15 =	simm.s32 $0x80;
	s8 =	sshrl.u32 s29, $0x3;
	s10 =	smax.u32 s13, $0x1  }
0xf: {  	s13 =	sshll.u32 @!p0 s1, $0x6;
	s14 =	sshrl.u32 @!p0 s14, $0x3;
	s8 =	sadd.s32 s11, s8  }
0x10: {  	s11 =	sadd.s32 s11, s12;
	s12 =	sshrl.u32 @p0 s16, $0x3;
	s13 =	sor.u32 @!p0 $0x1C01, s13  }
0x11: {  	s16 =	simm.s32 $0x1;
	s9 =	sadd.s32 $0x25080, s11;
	s11 =	sadd.s32 $0x7800, s31  }
.LBB2_1:
0x12: {  	s18 =	simm.s32 @p0 $0x1FC1  }
0x13: {  	[spmem:s12], [sflag:s18] =	dma.local @p0 [hbm:s7], $0x2080  }
0x14: {  	s18 =	simm.s32 @p0 $0x1  }
0x15: {  	_ =	swait.ge @p0 [sflag:s18], $0x2080  }
0x16: {  	[sflag:s18] =	ssyncset.done @p0 $0x0  }
0x17: {  	[sflag:s18] =	ssyncadd.s32 @p0 $0xFFFFDF80;
	s18 =	simm.s32 @!p0 $0x1  }
0x18: {  	[spmem:s14], [sflag:s13] =	dma.local @!p0 [hbm:s6], $0x2780  }
0x19: {  	_ =	swait.ge @!p0 [sflag:s18], $0x2780  }
0x1a: {  	[sflag:s18] =	ssyncset.done @!p0 $0x0  }
0x1b: {  	[sflag:s18] =	ssyncadd.s32 @!p0 $0xFFFFD880  }
0x1c: {  	[tilespmem:s15], [sflag:$0x1] =	stream.linear.gather [hbm4b:s2+s4], $0x4000, $0x38;
	[tilespmem:$0x17900] =	vst v63  }
0x1d: {  	_ =	swait.ge [sflag:s16], $0x4000  }
0x1e: {  	s30 =	sadd.s32 $0x0, s5;
	[sflag:s16] =	ssyncset.done $0x0  }
0x1f: {  	p1 =	sgt.u32 s30, $0x4E1;
	[sflag:s16] =	ssyncadd.s32 $0xFFFFC000  }
0x20: {  	s19 =	simm.s32 @!p1 $0x0;
	s20 =	simm.s32 @!p1 $0x2;
	[bflag:$0x0] =	sbarrier.arrive $0xFFFF  }
0x21: {  	[tilespmem:s19], [sflag:$0x2] =	stream.linear.gather @!p1 [hbm4b:s11+s19], $0x80, $0x38;
	[tilespmem:$0x17900] =	vst v63  }
0x22: {  	_ =	swait.ge @!p1 [sflag:s20], $0x80  }
0x23: {  	s31 =	sadd.s32 $0x20, s5;
	[sflag:s20] =	ssyncset.done @!p1 $0x0  }
0x24: {  	s21 =	simm.s32 @!p1 $0x80;
	[sflag:s20] =	ssyncadd.s32 @!p1 $0xFFFFFF80;
	s20 =	simm.s32 @!p1 $0x1  }
0x25: {  	[spmem:s3] =	stream.indirect.scatter.add.f32 @!p1 [tilespmem:s21], [sflag:$0x1], $0x80, s19, s21, $0xb8;
	[tilespmem:$0x17900] =	vst v63  }
0x26: {  	p2 =	por p1, p1;
	s18 =	simm.s32 $0x40;
	_ =	swait.ge @!p1 [sflag:s20], $0x4000  }
0x27: {  	s19 =	sadd.s32 $0x200, s11;
	p1 =	sgt.u32 s31, $0x4E1;
	[sflag:s20] =	ssyncset.done @!p2 $0x0  }
.LBB2_2:
0x28: {  	s21 =	simm.s32 @!p1 $0x0;
	s22 =	simm.s32 @!p1 $0x2  }
0x29: {  	[sflag:s20] =	ssyncadd.s32 @!p2 $0xFFFFC000;
	s23 =	smov.u32 s18;
	s18 =	sadd.s32 $0x20, s18  }
0x2a: {  	[tilespmem:s21], [sflag:$0x2] =	stream.linear.gather @!p1 [hbm4b:s19+s21], $0x80, $0x38;
	[tilespmem:$0x17900] =	vst v63  }
0x2b: {  	p3 =	sne.s32 s18, $0x500;
	_ =	swait.ge @!p1 [sflag:s22], $0x80  }
.Ltmp0:
0x2c: {  	[sflag:s22] =	ssyncset.done @!p1 $0x0;
	(pc) =	sbr.rel @p3 .LBB2_2-.Ltmp0, $4  }
0x2d: {  	s20 =	simm.s32 @!p1 $0x1;
	[sflag:s22] =	ssyncadd.s32 @!p1 $0xFFFFFF80;
	s22 =	simm.s32 @!p1 $0x80  }
0x2e: {  	[spmem:s3] =	stream.indirect.scatter.add.f32 @!p1 [tilespmem:s22], [sflag:$0x1], $0x80, s21, s22, $0xb8;
	[tilespmem:$0x17900] =	vst v63  }
0x2f: {  	p2 =	por p1, p1;
	s21 =	sadd.s32 s23, s5;
	_ =	swait.ge @!p1 [sflag:s20], $0x4000  }
0x30: {  	s19 =	sadd.s32 $0x200, s19;
	p1 =	sgt.u32 s21, $0x4E1;
	[sflag:s20] =	ssyncset.done @!p2 $0x0  }
0x31: {  	s18 =	simm.s32 @!p1 $0x0;
	s21 =	simm.s32 @!p1 $0x2;
	[sflag:s20] =	ssyncadd.s32 @!p2 $0xFFFFC000  }
0x32: {  	[tilespmem:s18], [sflag:$0x2] =	stream.linear.gather @!p1 [hbm4b:s19+s18], $0x80, $0x38;
	[tilespmem:$0x17900] =	vst v63  }
0x33: {  	_ =	swait.ge @!p1 [sflag:s21], $0x80  }
0x34: {  	[sflag:s21] =	ssyncset.done @!p1 $0x0  }
0x35: {  	s20 =	simm.s32 @!p1 $0x1;
	s19 =	simm.s32 @!p1 $0x80;
	[sflag:s21] =	ssyncadd.s32 @!p1 $0xFFFFFF80  }
0x36: {  	[spmem:s3] =	stream.indirect.scatter.add.f32 @!p1 [tilespmem:s19], [sflag:$0x1], $0x80, s18, s19, $0xb8;
	[tilespmem:$0x17900] =	vst v63  }
0x37: {  	_ =	swait.ge @!p1 [sflag:s20], $0x4000;
	p1 =	por p1, p1  }
0x38: {  	[sflag:s20] =	ssyncset.done @!p1 $0x0  }
0x39: {  	[sflag:s20] =	ssyncadd.s32 @!p1 $0xFFFFC000  }
0x3a: {  	s18 =	simm.s32 @p0 $0x1FC1;
	[bflag:$0x0] =	sbarrier.arrive $0xFFFF  }
0x3b: {  	[hbm:s9], [sflag:s18] =	dma.local @p0 [spmem:s12], $0x2080  }
0x3c: {  	s18 =	simm.s32 @p0 $0x1  }
0x3d: {  	s17 =	sadd.s32 $0x1, s17;
	_ =	swait.ge @p0 [sflag:s18], $0x2080  }
0x3e: {  	p1 =	sne.s32 s17, s10;
	[sflag:s18] =	ssyncset.done @p0 $0x0  }
.Ltmp1:
0x3f: {  	[sflag:s18] =	ssyncadd.s32 @p0 $0xFFFFDF80;
	s18 =	simm.s32 @!p0 $0x1;
	(pc) =	sbr.rel @p1 .LBB2_1-.Ltmp1, $4  }
0x40: {  	[hbm:s8], [sflag:s13] =	dma.local @!p0 [spmem:s14], $0x2780  }
0x41: {  	_ =	swait.ge @!p0 [sflag:s18], $0x2780  }
0x42: {  	[sflag:s18] =	ssyncset.done @!p0 $0x0  }
0x43: {  	[sflag:s18] =	ssyncadd.s32 @!p0 $0xFFFFD880  }
0x44: {  	_ =	sfence.sel $0x180000  }
0x45: {  	[bflag:$0x0] =	sbarrier.arrive $0xFFFF  }
0x46: {  	p0 =	sne.s32 s1, $0x0;
	_ =	strace $0x90000047  }
0x47: {  	s0 =	sadd.s32 @!p0 $0x100000, s0;
	[bflag:$0x2] =	sbarrier.arrive $0xFFFF  }
0x48: {  	[sflag:s0] =	ssyncadd.tile.s32 @!p0 $0x1;
	_ =	shalt  }
.Lfunc_end2:
_tile_overlayer_lowered:
.L_overlay_start_2:
0x49: {  	(tag) =	ssettag $0x2  }
0x4a: {  	s0 =	rddreg [dreg:$0x0];
	s2 =	stileid.u32  }
0x4b: {  	s1 =	rddreg [dreg:$0x1];
	p0 =	sne.s32 s2, $0x0  }
0x4c: {  	s3 =	rddreg [dreg:$0x2];
	[bflag:$0x3] =	sbarrier.arrive $0xFFFF;
	s2 =	simm.s32 @!p0 $0x1C01  }
0x4d: {  	[timem:s3], [sflag:s2] =	dma.local @!p0 [hbm:s0], s1  }
0x4e: {  	s0 =	simm.s32 @!p0 $0x1  }
0x4f: {  	_ =	swait.ge @!p0 [sflag:s0], s1  }
0x50: {  	s1 =	ssub.s32 @!p0 $0x0, s1;
	[sflag:s0] =	ssyncset.done @!p0 $0x0  }
0x51: {  	[sflag:s0] =	ssyncadd.s32 @!p0 s1  }
0x52: {  	[bflag:$0x3] =	sbarrier.arrive $0xFFFF  }
0x53: {  	_ =	shalt  }

</sc_bundles>
